<compile_context>
chip_gen: v7x
topology: tpu7x:2x2x1
jax: 0.10.2.dev20260603
libtpu: 0.0.44.dev20260713+nightly
codegen_flags: <defaults>
</compile_context>

<pallas_src>
import jax
import jax.numpy as jnp
from jax import lax
from jax.experimental import pallas as pl
from jax.experimental.pallas import tpu as pltpu
from jax.experimental.pallas import tpu_sc as plsc

N = 10000
NP = 10240
E = 320000
NW = 32
K = 128
C = 80
EP = NW * C * K
R = 1024
NS = 16
ROWS_PER_SUB = NP // NS
ZB = 128


def _mesh():
    return plsc.VectorSubcoreMesh(core_axis_name="c", subcore_axis_name="s")


CW = 16


def _sc_cnt(srcc, dstc):
    return _sc_agg(jnp.ones((NP, CW), jnp.float32), srcc, dstc, CW)


def _agg_body(h_hbm, srcc, dstc, zros, out, idx_s, idx_d, gbuf, zbuf, out_sp,
              sem0, sem1):
    c = lax.axis_index("c")
    s = lax.axis_index("s")
    w = c * NS + s
    pltpu.sync_copy(srcc.at[w], idx_s)
    pltpu.sync_copy(dstc.at[w], idx_d)
    pltpu.sync_copy(zros, zbuf)
    for i in range(ROWS_PER_SUB // ZB):
        pltpu.sync_copy(zbuf, out_sp.at[pl.ds(s * ROWS_PER_SUB + i * ZB, ZB)])
    plsc.subcore_barrier()

    pltpu.async_copy(h_hbm.at[idx_s.at[0]], gbuf.at[0], sem0)

    def step(t, _):
        j0 = 2 * t
        j1 = j0 + 1
        d1 = pltpu.async_copy(h_hbm.at[idx_s.at[j1]], gbuf.at[1], sem1)
        pltpu.make_async_copy(h_hbm.at[idx_s.at[j0]], gbuf.at[0], sem0).wait()
        pltpu.sync_copy(gbuf.at[0], out_sp.at[idx_d.at[j0]], add=True)

        @pl.when(t + 1 < C // 2)
        def _():
            pltpu.async_copy(h_hbm.at[idx_s.at[j0 + 2]], gbuf.at[0], sem0)

        d1.wait()
        pltpu.sync_copy(gbuf.at[1], out_sp.at[idx_d.at[j1]], add=True)
        return 0

    lax.fori_loop(0, C // 2, step, 0)
    plsc.subcore_barrier()
    pltpu.sync_copy(out_sp.at[pl.ds(s * ROWS_PER_SUB, ROWS_PER_SUB)],
                    out.at[c, pl.ds(s * ROWS_PER_SUB, ROWS_PER_SUB)])


def _sc_agg(h, srcc, dstc, f):
    return pl.kernel(
        _agg_body,
        out_type=jax.ShapeDtypeStruct((2, NP, f), jnp.float32),
        mesh=_mesh(),
        compiler_params=pltpu.CompilerParams(use_tc_tiling_on_sc=False),
        scratch_types=[
            pltpu.VMEM((C, K), jnp.int32),
            pltpu.VMEM((C, K), jnp.int32),
            pltpu.VMEM((2, K, f), jnp.float32),
            pltpu.VMEM((ZB, f), jnp.float32),
            pltpu.VMEM_SHARED((NP, f), jnp.float32),
            pltpu.SemaphoreType.DMA,
            pltpu.SemaphoreType.DMA,
        ],
    )(h, srcc, dstc, jnp.zeros((ZB, f), jnp.float32))


def _grid_spec(in_blocks, out_blocks):
    return dict(
        grid=(NP // R,),
        in_specs=[pl.BlockSpec(b, ix) for b, ix in in_blocks],
        out_specs=[pl.BlockSpec(b, ix) for b, ix in out_blocks],
    )


def _row(i):
    return (i, 0)


def _full(i):
    return (0,)


def _pre_body(cntp_ref, x_ref, w_ref, h2_ref, disc_ref, disd_ref):
    cp = cntp_ref[...]
    cnt = cp[0, :, 0:1] + cp[1, :, 0:1]
    disc = jax.lax.rsqrt(cnt + 1.0)
    disd = jnp.where(cnt > 0.0,
                     jax.lax.rsqrt(jnp.maximum(cnt, 1e-12)), 0.0)
    disc_ref[...] = disc
    disd_ref[...] = disd
    h2_ref[...] = disc * jnp.dot(x_ref[...], w_ref[...],
                                 preferred_element_type=jnp.float32)


def _tc_pre(cntp, xp, w0):
    fi, fo = w0.shape
    spec = _grid_spec(
        [((2, R, CW), lambda i: (0, i, 0)), ((R, fi), _row),
         ((fi, fo), lambda i: (0, 0))],
        [((R, fo), _row), ((R, 1), _row), ((R, 1), _row)],
    )
    return pl.pallas_call(
        _pre_body,
        out_shape=[
            jax.ShapeDtypeStruct((NP, fo), jnp.float32),
            jax.ShapeDtypeStruct((NP, 1), jnp.float32),
            jax.ShapeDtypeStruct((NP, 1), jnp.float32),
        ],
        **spec,
    )(cntp, xp, w0)


def _mid_body(pp_ref, h2_ref, b_ref, disc_ref, w_ref, out_ref):
    disc = disc_ref[...]
    z = jnp.maximum(disc * (pp_ref[0] + pp_ref[1] + h2_ref[...]) + b_ref[...],
                    0.0)
    out_ref[...] = disc * jnp.dot(z, w_ref[...],
                                  preferred_element_type=jnp.float32)


def _tc_mid(pp, h2, b, disc, wn):
    fi, fo = wn.shape
    spec = _grid_spec(
        [((2, R, fi), lambda i: (0, i, 0)), ((R, fi), _row),
         ((fi,), _full), ((R, 1), _row), ((fi, fo), lambda i: (0, 0))],
        [((R, fo), _row)],
    )
    (out,) = pl.pallas_call(
        _mid_body,
        out_shape=[jax.ShapeDtypeStruct((NP, fo), jnp.float32)],
        **spec,
    )(pp, h2, b, disc, wn)
    return out


def _dec1_body(pp_ref, h2_ref, b_ref, disc_ref, disd_ref, w_ref,
               enc_ref, g_ref, g2_ref):
    disc = disc_ref[...]
    z = jnp.maximum(disc * (pp_ref[0] + pp_ref[1] + h2_ref[...]) + b_ref[...],
                    0.0)
    enc_ref[...] = z
    g = jnp.dot(z, w_ref[...], preferred_element_type=jnp.float32)
    g_ref[...] = g
    g2_ref[...] = disd_ref[...] * g


def _tc_dec1(pp, h2, b, disc, disd, wn):
    fi, fo = wn.shape
    spec = _grid_spec(
        [((2, R, fi), lambda i: (0, i, 0)), ((R, fi), _row),
         ((fi,), _full), ((R, 1), _row), ((R, 1), _row),
         ((fi, fo), lambda i: (0, 0))],
        [((R, fi), _row), ((R, fo), _row), ((R, fo), _row)],
    )
    return pl.pallas_call(
        _dec1_body,
        out_shape=[
            jax.ShapeDtypeStruct((NP, fi), jnp.float32),
            jax.ShapeDtypeStruct((NP, fo), jnp.float32),
            jax.ShapeDtypeStruct((NP, fo), jnp.float32),
        ],
        **spec,
    )(pp, h2, b, disc, disd, wn)


def _dec_body(qq_ref, g_ref, b_ref, disd_ref, w_ref, gn_ref, g2_ref):
    disd = disd_ref[...]
    h = jnp.maximum(2.0 * g_ref[...] - disd * (qq_ref[0] + qq_ref[1])
                    + b_ref[...], 0.0)
    gn = jnp.dot(h, w_ref[...], preferred_element_type=jnp.float32)
    gn_ref[...] = gn
    g2_ref[...] = disd * gn


def _tc_dec(qq, g, b, disd, wn):
    fi, fo = wn.shape
    spec = _grid_spec(
        [((2, R, fi), lambda i: (0, i, 0)), ((R, fi), _row),
         ((fi,), _full), ((R, 1), _row), ((fi, fo), lambda i: (0, 0))],
        [((R, fo), _row), ((R, fo), _row)],
    )
    return pl.pallas_call(
        _dec_body,
        out_shape=[
            jax.ShapeDtypeStruct((NP, fo), jnp.float32),
            jax.ShapeDtypeStruct((NP, fo), jnp.float32),
        ],
        **spec,
    )(qq, g, b, disd, wn)


def _dec_split_body(qq_ref, g_ref, b_ref, disd_ref, w_ref,
                    gn_ref, g2a_ref, g2b_ref):
    disd = disd_ref[...]
    h = jnp.maximum(2.0 * g_ref[...] - disd * (qq_ref[0] + qq_ref[1])
                    + b_ref[...], 0.0)
    gn = jnp.dot(h, w_ref[...], preferred_element_type=jnp.float32)
    gn_ref[...] = gn
    g2 = disd * gn
    g2a_ref[...] = g2[:, :64]
    g2b_ref[...] = g2[:, 64:]


def _tc_dec_split(qq, g, b, disd, wn):
    fi, fo = wn.shape
    spec = _grid_spec(
        [((2, R, fi), lambda i: (0, i, 0)), ((R, fi), _row),
         ((fi,), _full), ((R, 1), _row), ((fi, fo), lambda i: (0, 0))],
        [((R, fo), _row), ((R, fo // 2), _row), ((R, fo // 2), _row)],
    )
    return pl.pallas_call(
        _dec_split_body,
        out_shape=[
            jax.ShapeDtypeStruct((NP, fo), jnp.float32),
            jax.ShapeDtypeStruct((NP, fo // 2), jnp.float32),
            jax.ShapeDtypeStruct((NP, fo // 2), jnp.float32),
        ],
        **spec,
    )(qq, g, b, disd, wn)


def _fin_body(qqa_ref, qqb_ref, g_ref, b_ref, disd_ref, out_ref):
    disd = disd_ref[...]
    agg = jnp.concatenate(
        [qqa_ref[0] + qqa_ref[1], qqb_ref[0] + qqb_ref[1]], axis=1)
    out_ref[...] = 2.0 * g_ref[...] - disd * agg + b_ref[...]


def _tc_fin(qqa, qqb, g, b, disd):
    fo = g.shape[1]
    fh = fo // 2
    spec = _grid_spec(
        [((2, R, fh), lambda i: (0, i, 0)), ((2, R, fh), lambda i: (0, i, 0)),
         ((R, fo), _row), ((fo,), _full), ((R, 1), _row)],
        [((R, fo), _row)],
    )
    (out,) = pl.pallas_call(
        _fin_body,
        out_shape=[jax.ShapeDtypeStruct((NP, fo), jnp.float32)],
        **spec,
    )(qqa, qqb, g, b, disd)
    return out


def kernel(x, edge_index, We0, be0, We1, be1, We2, be2, Wd0, bd0, Wd1, bd1,
           Wd2, bd2):
    src, dst = edge_index[0], edge_index[1]
    pad_e = EP - E
    srcc = jnp.concatenate([src, jnp.zeros((pad_e,), jnp.int32)]).reshape(NW, C, K)
    dstc = jnp.concatenate([dst, jnp.full((pad_e,), N, jnp.int32)]).reshape(NW, C, K)
    xp = jnp.concatenate([x, jnp.zeros((NP - N, x.shape[1]), jnp.float32)])

    cntp = _sc_cnt(srcc, dstc)
    h2, disc, disd = _tc_pre(cntp, xp, We0)
    p = _sc_agg(h2, srcc, dstc, 96)
    h2 = _tc_mid(p, h2, be0, disc, We1)
    p = _sc_agg(h2, srcc, dstc, 64)
    h2 = _tc_mid(p, h2, be1, disc, We2)
    p = _sc_agg(h2, srcc, dstc, 32)
    enc, g, g2 = _tc_dec1(p, h2, be2, disc, disd, Wd0)
    q = _sc_agg(g2, srcc, dstc, 64)
    g, g2 = _tc_dec(q, g, bd0, disd, Wd1)
    q = _sc_agg(g2, srcc, dstc, 96)
    g, g2a, g2b = _tc_dec_split(q, g, bd1, disd, Wd2)
    qa = _sc_agg(g2a, srcc, dstc, 64)
    qb = _sc_agg(g2b, srcc, dstc, 64)
    x_hat = _tc_fin(qa, qb, g, bd2, disd)
    return (x_hat[:N], enc[:N])

# --- scband reference (transcript-rebuilt; emitter-appended) ---
"""Pipeline reference for scband-gala-65146063945780 (READ-ONLY COPY).

The authoritative reference and input builder live on the scoring server;
editing this copy changes nothing except your own understanding.
"""

import jax, jax.numpy as jnp
import numpy as np

N = 10000
E = 320000
D_IN = 128
ENC = [96, 64]
HID = 32


def _glorot(key, fi, fo):
    s = jnp.sqrt(2.0 / (fi + fo)).astype(jnp.float32)
    return jax.random.normal(key, (fi, fo), dtype=jnp.float32) * s


def setup_inputs(seed: int = 0) -> dict:
    key = jax.random.key(seed)
    ks = jax.random.split(key, 16)
    x = jax.random.normal(ks[0], (N, D_IN), dtype=jnp.float32)
    edge_index = jax.random.randint(ks[1], (2, E), 0, N, dtype=jnp.int32)
    # encoder: 128->96, 96->64, 64->32 ; decoder: 32->64, 64->96, 96->128
    enc_dims = [(D_IN, ENC[0]), (ENC[0], ENC[1]), (ENC[1], HID)]
    dec_dims = [(HID, ENC[1]), (ENC[1], ENC[0]), (ENC[0], D_IN)]
    inp = {"x": x, "edge_index": edge_index}
    for i, (fi, fo) in enumerate(enc_dims):
        inp[f"We{i}"] = _glorot(ks[2 + i], fi, fo)
        inp[f"be{i}"] = jnp.zeros((fo,), dtype=jnp.float32)
    for i, (fi, fo) in enumerate(dec_dims):
        inp[f"Wd{i}"] = _glorot(ks[8 + i], fi, fo)
        inp[f"bd{i}"] = jnp.zeros((fo,), dtype=jnp.float32)
    return inp


def _gcn_conv(x, src, dst, W, b, n):
    # Kipf GCN with self-loops: D^-1/2 (A+I) D^-1/2 X W + b
    h = x @ W
    loop = jnp.arange(n, dtype=src.dtype)
    s = jnp.concatenate([src, loop])
    d = jnp.concatenate([dst, loop])
    deg = jnp.zeros((n,), h.dtype).at[d].add(1.0)
    dis = jnp.where(deg > 0, jax.lax.rsqrt(jnp.maximum(deg, 1e-12)), 0.0)
    norm = dis[s] * dis[d]
    out = jnp.zeros_like(h).at[d].add(h[s] * norm[:, None])
    return out + b


def _gcn_deconv(x, src, dst, W, b, n):
    # GALA Laplacian sharpening: (2I - D^-1/2 A D^-1/2) X W + b
    h = x @ W
    deg = jnp.zeros((n,), h.dtype).at[dst].add(1.0)
    dis = jnp.where(deg > 0, jax.lax.rsqrt(jnp.maximum(deg, 1e-12)), 0.0)
    norm = dis[src] * dis[dst]
    agg = jnp.zeros_like(h).at[dst].add(h[src] * norm[:, None])
    return 2.0 * h - agg + b


def reference(x, edge_index, We0, be0, We1, be1, We2, be2, Wd0, bd0, Wd1, bd1, Wd2, bd2):
    n = x.shape[0]
    src, dst = edge_index[0], edge_index[1]
    z = x
    for W, b in ((We0, be0), (We1, be1), (We2, be2)):
        z = jax.nn.relu(_gcn_conv(z, src, dst, W, b, n))
    h = z
    for W, b in ((Wd0, bd0), (Wd1, bd1)):
        h = jax.nn.relu(_gcn_deconv(h, src, dst, W, b, n))
    x_hat = _gcn_deconv(h, src, dst, Wd2, bd2, n)
    return (x_hat, z)

if __name__ == "__main__":
    import jax
    _d = setup_inputs()
    print(jax.jit(kernel)(*tuple(_d.values())))

</pallas_src>

<mosaic_0001>
#map = affine_map<(d0, d1) -> (0, 0)>
#map1 = affine_map<(d0, d1) -> (0, 0, 0)>
module attributes {stable_mosaic.version = 14 : i64} {
  func.func @_agg_body(%arg0: i32, %arg1: i32, %arg2: memref<10240x64xf32, #tpu.memory_space<hbm>>, %arg3: memref<32x80x128xi32, #tpu.memory_space<hbm>>, %arg4: memref<32x80x128xi32, #tpu.memory_space<hbm>>, %arg5: memref<128x64xf32, #tpu.memory_space<hbm>>, %arg6: memref<2x10240x64xf32, #tpu.memory_space<hbm>>, %arg7: memref<80x128xi32, #tpu.memory_space<vmem>>, %arg8: memref<80x128xi32, #tpu.memory_space<vmem>>, %arg9: memref<2x128x64xf32, #tpu.memory_space<vmem>>, %arg10: memref<128x64xf32, #tpu.memory_space<vmem>>, %arg11: memref<10240x64xf32, #tpu.memory_space<vmem_shared>>, %arg12: memref<!tpu.dma_semaphore, #tpu.memory_space<semaphore_mem>>, %arg13: memref<!tpu.dma_semaphore, #tpu.memory_space<semaphore_mem>>) attributes {dimension_semantics = [#tpu.dimension_semantics<core_parallel>, #tpu.dimension_semantics<subcore_parallel>], iteration_bounds = array<i64: 2, 16>, scalar_prefetch = 0 : i64, scratch_operands = 7 : i64, tpu.core_type = #tpu.core_type<sc_vector_subcore>, window_params = [{transform_indices = #map}, {transform_indices = #map1}, {transform_indices = #map1}, {transform_indices = #map}, {transform_indices = #map1}]} {
    %mul3A = arith.constant 16 : i32
    %mul3A_0 = arith.muli %arg0, %mul3A : i32
    %add3A = arith.addi %mul3A_0, %arg1 : i32
    "tpu.region"() ({
      %run_scoped3A = tpu.sem_alloc : memref<!tpu.dma_semaphore, #tpu.memory_space<semaphore_mem>>
      %dma_start3A_43 = arith.constant 0 : i32
      %dma_start3A_44 = arith.constant 0 : i32
      %dma_start3A_45 = tpu.memref_slice %arg3[%add3A, %dma_start3A_43, %dma_start3A_44] : memref<32x80x128xi32, #tpu.memory_space<hbm>> -> memref<1x80x128xi32, #tpu.memory_space<hbm>>
      %dma_start3A_46 = tpu.memref_squeeze %dma_start3A_45 : memref<1x80x128xi32, #tpu.memory_space<hbm>> -> memref<80x128xi32, #tpu.memory_space<hbm>>
      %dma_start3A_47 = arith.constant 0 : i32
      %dma_start3A_48 = arith.constant 0 : i32
      %dma_start3A_49 = tpu.memref_slice %arg3[%add3A, %dma_start3A_47, %dma_start3A_48] : memref<32x80x128xi32, #tpu.memory_space<hbm>> -> memref<1x80x128xi32, #tpu.memory_space<hbm>>
      %dma_start3A_50 = tpu.memref_squeeze %dma_start3A_49 : memref<1x80x128xi32, #tpu.memory_space<hbm>> -> memref<80x128xi32, #tpu.memory_space<hbm>>
      tpu.enqueue_dma source(%dma_start3A_50 : memref<80x128xi32, #tpu.memory_space<hbm>>) target(%arg7 : memref<80x128xi32, #tpu.memory_space<vmem>>) target_semaphore(%run_scoped3A : memref<!tpu.dma_semaphore, #tpu.memory_space<semaphore_mem>>)
      %dma_wait3A = arith.constant 0 : i32
      %dma_wait3A_51 = arith.constant 0 : i32
      %dma_wait3A_52 = tpu.memref_slice %arg3[%add3A, %dma_wait3A, %dma_wait3A_51] : memref<32x80x128xi32, #tpu.memory_space<hbm>> -> memref<1x80x128xi32, #tpu.memory_space<hbm>>
      %dma_wait3A_53 = tpu.memref_squeeze %dma_wait3A_52 : memref<1x80x128xi32, #tpu.memory_space<hbm>> -> memref<80x128xi32, #tpu.memory_space<hbm>>
      %dma_wait3A_54 = arith.constant 0 : i32
      %dma_wait3A_55 = arith.constant 0 : i32
      %dma_wait3A_56 = tpu.memref_slice %arg3[%add3A, %dma_wait3A_54, %dma_wait3A_55] : memref<32x80x128xi32, #tpu.memory_space<hbm>> -> memref<1x80x128xi32, #tpu.memory_space<hbm>>
      %dma_wait3A_57 = tpu.memref_squeeze %dma_wait3A_56 : memref<1x80x128xi32, #tpu.memory_space<hbm>> -> memref<80x128xi32, #tpu.memory_space<hbm>>
      tpu.wait_dma2 semaphore(%run_scoped3A : memref<!tpu.dma_semaphore, #tpu.memory_space<semaphore_mem>>) src(%dma_wait3A_57 : memref<80x128xi32, #tpu.memory_space<hbm>>) dst(%arg7 : memref<80x128xi32, #tpu.memory_space<vmem>>)
      tpu.yield
    }) : () -> ()
    "tpu.region"() ({
      %run_scoped3A = tpu.sem_alloc : memref<!tpu.dma_semaphore, #tpu.memory_space<semaphore_mem>>
      %dma_start3A_43 = arith.constant 0 : i32
      %dma_start3A_44 = arith.constant 0 : i32
      %dma_start3A_45 = tpu.memref_slice %arg4[%add3A, %dma_start3A_43, %dma_start3A_44] : memref<32x80x128xi32, #tpu.memory_space<hbm>> -> memref<1x80x128xi32, #tpu.memory_space<hbm>>
      %dma_start3A_46 = tpu.memref_squeeze %dma_start3A_45 : memref<1x80x128xi32, #tpu.memory_space<hbm>> -> memref<80x128xi32, #tpu.memory_space<hbm>>
      %dma_start3A_47 = arith.constant 0 : i32
      %dma_start3A_48 = arith.constant 0 : i32
      %dma_start3A_49 = tpu.memref_slice %arg4[%add3A, %dma_start3A_47, %dma_start3A_48] : memref<32x80x128xi32, #tpu.memory_space<hbm>> -> memref<1x80x128xi32, #tpu.memory_space<hbm>>
      %dma_start3A_50 = tpu.memref_squeeze %dma_start3A_49 : memref<1x80x128xi32, #tpu.memory_space<hbm>> -> memref<80x128xi32, #tpu.memory_space<hbm>>
      tpu.enqueue_dma source(%dma_start3A_50 : memref<80x128xi32, #tpu.memory_space<hbm>>) target(%arg8 : memref<80x128xi32, #tpu.memory_space<vmem>>) target_semaphore(%run_scoped3A : memref<!tpu.dma_semaphore, #tpu.memory_space<semaphore_mem>>)
      %dma_wait3A = arith.constant 0 : i32
      %dma_wait3A_51 = arith.constant 0 : i32
      %dma_wait3A_52 = tpu.memref_slice %arg4[%add3A, %dma_wait3A, %dma_wait3A_51] : memref<32x80x128xi32, #tpu.memory_space<hbm>> -> memref<1x80x128xi32, #tpu.memory_space<hbm>>
      %dma_wait3A_53 = tpu.memref_squeeze %dma_wait3A_52 : memref<1x80x128xi32, #tpu.memory_space<hbm>> -> memref<80x128xi32, #tpu.memory_space<hbm>>
      %dma_wait3A_54 = arith.constant 0 : i32
      %dma_wait3A_55 = arith.constant 0 : i32
      %dma_wait3A_56 = tpu.memref_slice %arg4[%add3A, %dma_wait3A_54, %dma_wait3A_55] : memref<32x80x128xi32, #tpu.memory_space<hbm>> -> memref<1x80x128xi32, #tpu.memory_space<hbm>>
      %dma_wait3A_57 = tpu.memref_squeeze %dma_wait3A_56 : memref<1x80x128xi32, #tpu.memory_space<hbm>> -> memref<80x128xi32, #tpu.memory_space<hbm>>
      tpu.wait_dma2 semaphore(%run_scoped3A : memref<!tpu.dma_semaphore, #tpu.memory_space<semaphore_mem>>) src(%dma_wait3A_57 : memref<80x128xi32, #tpu.memory_space<hbm>>) dst(%arg8 : memref<80x128xi32, #tpu.memory_space<vmem>>)
      tpu.yield
    }) : () -> ()
    "tpu.region"() ({
      %run_scoped3A = tpu.sem_alloc : memref<!tpu.dma_semaphore, #tpu.memory_space<semaphore_mem>>
      tpu.enqueue_dma source(%arg5 : memref<128x64xf32, #tpu.memory_space<hbm>>) target(%arg10 : memref<128x64xf32, #tpu.memory_space<vmem>>) target_semaphore(%run_scoped3A : memref<!tpu.dma_semaphore, #tpu.memory_space<semaphore_mem>>)
      tpu.wait_dma2 semaphore(%run_scoped3A : memref<!tpu.dma_semaphore, #tpu.memory_space<semaphore_mem>>) src(%arg5 : memref<128x64xf32, #tpu.memory_space<hbm>>) dst(%arg10 : memref<128x64xf32, #tpu.memory_space<vmem>>)
      tpu.yield
    }) : () -> ()
    %mul3A_1 = arith.constant 640 : i32
    %mul3A_2 = arith.muli %arg1, %mul3A_1 : i32
    %add3A_3 = arith.constant 0 : i32
    %add3A_4 = arith.addi %mul3A_2, %add3A_3 : i32
    "tpu.region"() ({
      %run_scoped3A = tpu.sem_alloc : memref<!tpu.dma_semaphore, #tpu.memory_space<semaphore_mem>>
      %dma_start3A_43 = arith.constant 0 : i32
      %dma_start3A_44 = tpu.memref_slice %arg11[%add3A_4, %dma_start3A_43] : memref<10240x64xf32, #tpu.memory_space<vmem_shared>> -> memref<128x64xf32, #tpu.memory_space<vmem_shared>>
      %dma_start3A_45 = arith.constant 0 : i32
      %dma_start3A_46 = tpu.memref_slice %arg11[%add3A_4, %dma_start3A_45] : memref<10240x64xf32, #tpu.memory_space<vmem_shared>> -> memref<128x64xf32, #tpu.memory_space<vmem_shared>>
      tpu.enqueue_dma source(%arg10 : memref<128x64xf32, #tpu.memory_space<vmem>>) target(%dma_start3A_46 : memref<128x64xf32, #tpu.memory_space<vmem_shared>>) target_semaphore(%run_scoped3A : memref<!tpu.dma_semaphore, #tpu.memory_space<semaphore_mem>>)
      %dma_wait3A = arith.constant 0 : i32
      %dma_wait3A_47 = tpu.memref_slice %arg11[%add3A_4, %dma_wait3A] : memref<10240x64xf32, #tpu.memory_space<vmem_shared>> -> memref<128x64xf32, #tpu.memory_space<vmem_shared>>
      %dma_wait3A_48 = arith.constant 0 : i32
      %dma_wait3A_49 = tpu.memref_slice %arg11[%add3A_4, %dma_wait3A_48] : memref<10240x64xf32, #tpu.memory_space<vmem_shared>> -> memref<128x64xf32, #tpu.memory_space<vmem_shared>>
      tpu.wait_dma2 semaphore(%run_scoped3A : memref<!tpu.dma_semaphore, #tpu.memory_space<semaphore_mem>>) src(%arg10 : memref<128x64xf32, #tpu.memory_space<vmem>>) dst(%dma_wait3A_49 : memref<128x64xf32, #tpu.memory_space<vmem_shared>>)
      tpu.yield
    }) : () -> ()
    %mul3A_5 = arith.constant 640 : i32
    %mul3A_6 = arith.muli %arg1, %mul3A_5 : i32
    %add3A_7 = arith.constant 128 : i32
    %add3A_8 = arith.addi %mul3A_6, %add3A_7 : i32
    "tpu.region"() ({
      %run_scoped3A = tpu.sem_alloc : memref<!tpu.dma_semaphore, #tpu.memory_space<semaphore_mem>>
      %dma_start3A_43 = arith.constant 0 : i32
      %dma_start3A_44 = tpu.memref_slice %arg11[%add3A_8, %dma_start3A_43] : memref<10240x64xf32, #tpu.memory_space<vmem_shared>> -> memref<128x64xf32, #tpu.memory_space<vmem_shared>>
      %dma_start3A_45 = arith.constant 0 : i32
      %dma_start3A_46 = tpu.memref_slice %arg11[%add3A_8, %dma_start3A_45] : memref<10240x64xf32, #tpu.memory_space<vmem_shared>> -> memref<128x64xf32, #tpu.memory_space<vmem_shared>>
      tpu.enqueue_dma source(%arg10 : memref<128x64xf32, #tpu.memory_space<vmem>>) target(%dma_start3A_46 : memref<128x64xf32, #tpu.memory_space<vmem_shared>>) target_semaphore(%run_scoped3A : memref<!tpu.dma_semaphore, #tpu.memory_space<semaphore_mem>>)
      %dma_wait3A = arith.constant 0 : i32
      %dma_wait3A_47 = tpu.memref_slice %arg11[%add3A_8, %dma_wait3A] : memref<10240x64xf32, #tpu.memory_space<vmem_shared>> -> memref<128x64xf32, #tpu.memory_space<vmem_shared>>
      %dma_wait3A_48 = arith.constant 0 : i32
      %dma_wait3A_49 = tpu.memref_slice %arg11[%add3A_8, %dma_wait3A_48] : memref<10240x64xf32, #tpu.memory_space<vmem_shared>> -> memref<128x64xf32, #tpu.memory_space<vmem_shared>>
      tpu.wait_dma2 semaphore(%run_scoped3A : memref<!tpu.dma_semaphore, #tpu.memory_space<semaphore_mem>>) src(%arg10 : memref<128x64xf32, #tpu.memory_space<vmem>>) dst(%dma_wait3A_49 : memref<128x64xf32, #tpu.memory_space<vmem_shared>>)
      tpu.yield
    }) : () -> ()
    %mul3A_9 = arith.constant 640 : i32
    %mul3A_10 = arith.muli %arg1, %mul3A_9 : i32
    %add3A_11 = arith.constant 256 : i32
    %add3A_12 = arith.addi %mul3A_10, %add3A_11 : i32
    "tpu.region"() ({
      %run_scoped3A = tpu.sem_alloc : memref<!tpu.dma_semaphore, #tpu.memory_space<semaphore_mem>>
      %dma_start3A_43 = arith.constant 0 : i32
      %dma_start3A_44 = tpu.memref_slice %arg11[%add3A_12, %dma_start3A_43] : memref<10240x64xf32, #tpu.memory_space<vmem_shared>> -> memref<128x64xf32, #tpu.memory_space<vmem_shared>>
      %dma_start3A_45 = arith.constant 0 : i32
      %dma_start3A_46 = tpu.memref_slice %arg11[%add3A_12, %dma_start3A_45] : memref<10240x64xf32, #tpu.memory_space<vmem_shared>> -> memref<128x64xf32, #tpu.memory_space<vmem_shared>>
      tpu.enqueue_dma source(%arg10 : memref<128x64xf32, #tpu.memory_space<vmem>>) target(%dma_start3A_46 : memref<128x64xf32, #tpu.memory_space<vmem_shared>>) target_semaphore(%run_scoped3A : memref<!tpu.dma_semaphore, #tpu.memory_space<semaphore_mem>>)
      %dma_wait3A = arith.constant 0 : i32
      %dma_wait3A_47 = tpu.memref_slice %arg11[%add3A_12, %dma_wait3A] : memref<10240x64xf32, #tpu.memory_space<vmem_shared>> -> memref<128x64xf32, #tpu.memory_space<vmem_shared>>
      %dma_wait3A_48 = arith.constant 0 : i32
      %dma_wait3A_49 = tpu.memref_slice %arg11[%add3A_12, %dma_wait3A_48] : memref<10240x64xf32, #tpu.memory_space<vmem_shared>> -> memref<128x64xf32, #tpu.memory_space<vmem_shared>>
      tpu.wait_dma2 semaphore(%run_scoped3A : memref<!tpu.dma_semaphore, #tpu.memory_space<semaphore_mem>>) src(%arg10 : memref<128x64xf32, #tpu.memory_space<vmem>>) dst(%dma_wait3A_49 : memref<128x64xf32, #tpu.memory_space<vmem_shared>>)
      tpu.yield
    }) : () -> ()
    %mul3A_13 = arith.constant 640 : i32
    %mul3A_14 = arith.muli %arg1, %mul3A_13 : i32
    %add3A_15 = arith.constant 384 : i32
    %add3A_16 = arith.addi %mul3A_14, %add3A_15 : i32
    "tpu.region"() ({
      %run_scoped3A = tpu.sem_alloc : memref<!tpu.dma_semaphore, #tpu.memory_space<semaphore_mem>>
      %dma_start3A_43 = arith.constant 0 : i32
      %dma_start3A_44 = tpu.memref_slice %arg11[%add3A_16, %dma_start3A_43] : memref<10240x64xf32, #tpu.memory_space<vmem_shared>> -> memref<128x64xf32, #tpu.memory_space<vmem_shared>>
      %dma_start3A_45 = arith.constant 0 : i32
      %dma_start3A_46 = tpu.memref_slice %arg11[%add3A_16, %dma_start3A_45] : memref<10240x64xf32, #tpu.memory_space<vmem_shared>> -> memref<128x64xf32, #tpu.memory_space<vmem_shared>>
      tpu.enqueue_dma source(%arg10 : memref<128x64xf32, #tpu.memory_space<vmem>>) target(%dma_start3A_46 : memref<128x64xf32, #tpu.memory_space<vmem_shared>>) target_semaphore(%run_scoped3A : memref<!tpu.dma_semaphore, #tpu.memory_space<semaphore_mem>>)
      %dma_wait3A = arith.constant 0 : i32
      %dma_wait3A_47 = tpu.memref_slice %arg11[%add3A_16, %dma_wait3A] : memref<10240x64xf32, #tpu.memory_space<vmem_shared>> -> memref<128x64xf32, #tpu.memory_space<vmem_shared>>
      %dma_wait3A_48 = arith.constant 0 : i32
      %dma_wait3A_49 = tpu.memref_slice %arg11[%add3A_16, %dma_wait3A_48] : memref<10240x64xf32, #tpu.memory_space<vmem_shared>> -> memref<128x64xf32, #tpu.memory_space<vmem_shared>>
      tpu.wait_dma2 semaphore(%run_scoped3A : memref<!tpu.dma_semaphore, #tpu.memory_space<semaphore_mem>>) src(%arg10 : memref<128x64xf32, #tpu.memory_space<vmem>>) dst(%dma_wait3A_49 : memref<128x64xf32, #tpu.memory_space<vmem_shared>>)
      tpu.yield
    }) : () -> ()
    %mul3A_17 = arith.constant 640 : i32
    %mul3A_18 = arith.muli %arg1, %mul3A_17 : i32
    %add3A_19 = arith.constant 512 : i32
    %add3A_20 = arith.addi %mul3A_18, %add3A_19 : i32
    "tpu.region"() ({
      %run_scoped3A = tpu.sem_alloc : memref<!tpu.dma_semaphore, #tpu.memory_space<semaphore_mem>>
      %dma_start3A_43 = arith.constant 0 : i32
      %dma_start3A_44 = tpu.memref_slice %arg11[%add3A_20, %dma_start3A_43] : memref<10240x64xf32, #tpu.memory_space<vmem_shared>> -> memref<128x64xf32, #tpu.memory_space<vmem_shared>>
      %dma_start3A_45 = arith.constant 0 : i32
      %dma_start3A_46 = tpu.memref_slice %arg11[%add3A_20, %dma_start3A_45] : memref<10240x64xf32, #tpu.memory_space<vmem_shared>> -> memref<128x64xf32, #tpu.memory_space<vmem_shared>>
      tpu.enqueue_dma source(%arg10 : memref<128x64xf32, #tpu.memory_space<vmem>>) target(%dma_start3A_46 : memref<128x64xf32, #tpu.memory_space<vmem_shared>>) target_semaphore(%run_scoped3A : memref<!tpu.dma_semaphore, #tpu.memory_space<semaphore_mem>>)
      %dma_wait3A = arith.constant 0 : i32
      %dma_wait3A_47 = tpu.memref_slice %arg11[%add3A_20, %dma_wait3A] : memref<10240x64xf32, #tpu.memory_space<vmem_shared>> -> memref<128x64xf32, #tpu.memory_space<vmem_shared>>
      %dma_wait3A_48 = arith.constant 0 : i32
      %dma_wait3A_49 = tpu.memref_slice %arg11[%add3A_20, %dma_wait3A_48] : memref<10240x64xf32, #tpu.memory_space<vmem_shared>> -> memref<128x64xf32, #tpu.memory_space<vmem_shared>>
      tpu.wait_dma2 semaphore(%run_scoped3A : memref<!tpu.dma_semaphore, #tpu.memory_space<semaphore_mem>>) src(%arg10 : memref<128x64xf32, #tpu.memory_space<vmem>>) dst(%dma_wait3A_49 : memref<128x64xf32, #tpu.memory_space<vmem_shared>>)
      tpu.yield
    }) : () -> ()
    %barrier3A = arith.constant 0 : index
    tpu.barrier barrier_id(%barrier3A)
    %dma_start3A = arith.constant 0 : i32
    %dma_start3A_21 = arith.constant 0 : i32
    %dma_start3A_22 = arith.constant 0 : i32
    %dma_start3A_23 = arith.constant 0 : i32
    %dma_start3A_24 = tpu.memref_slice %arg9[%dma_start3A_21, %dma_start3A_22, %dma_start3A_23] : memref<2x128x64xf32, #tpu.memory_space<vmem>> -> memref<1x128x64xf32, #tpu.memory_space<vmem>>
    %dma_start3A_25 = tpu.memref_squeeze %dma_start3A_24 : memref<1x128x64xf32, #tpu.memory_space<vmem>> -> memref<128x64xf32, #tpu.memory_space<vmem>>
    %dma_start3A_26 = arith.constant 0 : i32
    %dma_start3A_27 = tpu.memref_slice %arg7[%dma_start3A, %dma_start3A_26] : memref<80x128xi32, #tpu.memory_space<vmem>> -> memref<1x128xi32, #tpu.memory_space<vmem>>
    %dma_start3A_28 = tpu.memref_squeeze %dma_start3A_27 : memref<1x128xi32, #tpu.memory_space<vmem>> -> memref<128xi32, #tpu.memory_space<vmem>>
    %dma_start3A_29 = arith.constant 0 : i32
    %dma_start3A_30 = arith.constant 0 : i32
    %dma_start3A_31 = tpu.memref_slice %arg2[%dma_start3A_29, %dma_start3A_30] : memref<10240x64xf32, #tpu.memory_space<hbm>> -> memref<10240x64xf32, #tpu.memory_space<hbm>>
    tpu.enqueue_indirect_dma source(%dma_start3A_31 : memref<10240x64xf32, #tpu.memory_space<hbm>>) target(%dma_start3A_25 : memref<128x64xf32, #tpu.memory_space<vmem>>) offsets(%dma_start3A_28 : memref<128xi32, #tpu.memory_space<vmem>>) semaphore(%arg12 : memref<!tpu.dma_semaphore, #tpu.memory_space<semaphore_mem>>)
    %scan3A = arith.constant 0 : i32
    %scan3A_32 = arith.constant 0 : i32
    %scan3A_33 = arith.constant 40 : i32
    %scan3A_34 = arith.addi %scan3A_32, %scan3A_33 : i32
    %scan3A_35 = arith.constant 1 : i32
    %scan3A_36 = scf.for %scan3A_43 = %scan3A_32 to %scan3A_34 step %scan3A_35 iter_args(%scan3A_44 = %scan3A) -> (i32)  : i32 {
      %mul3A_45 = arith.constant 2 : i32
      %mul3A_46 = arith.muli %mul3A_45, %scan3A_43 : i32
      %add3A_47 = arith.constant 1 : i32
      %add3A_48 = arith.addi %mul3A_46, %add3A_47 : i32
      %dma_start3A_49 = arith.constant 1 : i32
      %dma_start3A_50 = arith.constant 0 : i32
      %dma_start3A_51 = arith.constant 0 : i32
      %dma_start3A_52 = tpu.memref_slice %arg9[%dma_start3A_49, %dma_start3A_50, %dma_start3A_51] : memref<2x128x64xf32, #tpu.memory_space<vmem>> -> memref<1x128x64xf32, #tpu.memory_space<vmem>>
      %dma_start3A_53 = tpu.memref_squeeze %dma_start3A_52 : memref<1x128x64xf32, #tpu.memory_space<vmem>> -> memref<128x64xf32, #tpu.memory_space<vmem>>
      %dma_start3A_54 = arith.constant 0 : i32
      %dma_start3A_55 = tpu.memref_slice %arg7[%add3A_48, %dma_start3A_54] : memref<80x128xi32, #tpu.memory_space<vmem>> -> memref<1x128xi32, #tpu.memory_space<vmem>>
      %dma_start3A_56 = tpu.memref_squeeze %dma_start3A_55 : memref<1x128xi32, #tpu.memory_space<vmem>> -> memref<128xi32, #tpu.memory_space<vmem>>
      %dma_start3A_57 = arith.constant 0 : i32
      %dma_start3A_58 = arith.constant 0 : i32
      %dma_start3A_59 = tpu.memref_slice %arg2[%dma_start3A_57, %dma_start3A_58] : memref<10240x64xf32, #tpu.memory_space<hbm>> -> memref<10240x64xf32, #tpu.memory_space<hbm>>
      tpu.enqueue_indirect_dma source(%dma_start3A_59 : memref<10240x64xf32, #tpu.memory_space<hbm>>) target(%dma_start3A_53 : memref<128x64xf32, #tpu.memory_space<vmem>>) offsets(%dma_start3A_56 : memref<128xi32, #tpu.memory_space<vmem>>) semaphore(%arg13 : memref<!tpu.dma_semaphore, #tpu.memory_space<semaphore_mem>>)
      %dma_wait3A = arith.constant 0 : i32
      %dma_wait3A_60 = arith.constant 0 : i32
      %dma_wait3A_61 = arith.constant 0 : i32
      %dma_wait3A_62 = tpu.memref_slice %arg9[%dma_wait3A, %dma_wait3A_60, %dma_wait3A_61] : memref<2x128x64xf32, #tpu.memory_space<vmem>> -> memref<1x128x64xf32, #tpu.memory_space<vmem>>
      %dma_wait3A_63 = tpu.memref_squeeze %dma_wait3A_62 : memref<1x128x64xf32, #tpu.memory_space<vmem>> -> memref<128x64xf32, #tpu.memory_space<vmem>>
      %dma_wait3A_64 = arith.constant 0 : i32
      %dma_wait3A_65 = tpu.memref_slice %arg7[%mul3A_46, %dma_wait3A_64] : memref<80x128xi32, #tpu.memory_space<vmem>> -> memref<1x128xi32, #tpu.memory_space<vmem>>
      %dma_wait3A_66 = tpu.memref_squeeze %dma_wait3A_65 : memref<1x128xi32, #tpu.memory_space<vmem>> -> memref<128xi32, #tpu.memory_space<vmem>>
      %dma_wait3A_67 = arith.constant 0 : i32
      %dma_wait3A_68 = arith.constant 0 : i32
      %dma_wait3A_69 = tpu.memref_slice %arg2[%dma_wait3A_67, %dma_wait3A_68] : memref<10240x64xf32, #tpu.memory_space<hbm>> -> memref<10240x64xf32, #tpu.memory_space<hbm>>
      tpu.wait_indirect_dma semaphore(%arg12 : memref<!tpu.dma_semaphore, #tpu.memory_space<semaphore_mem>>) src(%dma_wait3A_69 : memref<10240x64xf32, #tpu.memory_space<hbm>>) dst(%dma_wait3A_63 : memref<128x64xf32, #tpu.memory_space<vmem>>)
      %run_scoped3A = arith.constant 0 : i32
      "tpu.region"() ({
        %run_scoped3A_87 = tpu.sem_alloc : memref<!tpu.dma_semaphore, #tpu.memory_space<semaphore_mem>>
        %dma_start3A_88 = arith.constant 0 : i32
        %dma_start3A_89 = arith.constant 0 : i32
        %dma_start3A_90 = tpu.memref_slice %arg9[%run_scoped3A, %dma_start3A_88, %dma_start3A_89] : memref<2x128x64xf32, #tpu.memory_space<vmem>> -> memref<1x128x64xf32, #tpu.memory_space<vmem>>
        %dma_start3A_91 = tpu.memref_squeeze %dma_start3A_90 : memref<1x128x64xf32, #tpu.memory_space<vmem>> -> memref<128x64xf32, #tpu.memory_space<vmem>>
        %dma_start3A_92 = arith.constant 0 : i32
        %dma_start3A_93 = tpu.memref_slice %arg8[%mul3A_46, %dma_start3A_92] : memref<80x128xi32, #tpu.memory_space<vmem>> -> memref<1x128xi32, #tpu.memory_space<vmem>>
        %dma_start3A_94 = tpu.memref_squeeze %dma_start3A_93 : memref<1x128xi32, #tpu.memory_space<vmem>> -> memref<128xi32, #tpu.memory_space<vmem>>
        %dma_start3A_95 = arith.constant 0 : i32
        %dma_start3A_96 = arith.constant 0 : i32
        %dma_start3A_97 = tpu.memref_slice %arg11[%dma_start3A_95, %dma_start3A_96] : memref<10240x64xf32, #tpu.memory_space<vmem_shared>> -> memref<10240x64xf32, #tpu.memory_space<vmem_shared>>
        tpu.enqueue_indirect_dma source(%dma_start3A_91 : memref<128x64xf32, #tpu.memory_space<vmem>>) target(%dma_start3A_97 : memref<10240x64xf32, #tpu.memory_space<vmem_shared>>) offsets(%dma_start3A_94 : memref<128xi32, #tpu.memory_space<vmem>>) semaphore(%run_scoped3A_87 : memref<!tpu.dma_semaphore, #tpu.memory_space<semaphore_mem>>) {add = true}
        %dma_wait3A_98 = arith.constant 0 : i32
        %dma_wait3A_99 = arith.constant 0 : i32
        %dma_wait3A_100 = tpu.memref_slice %arg9[%run_scoped3A, %dma_wait3A_98, %dma_wait3A_99] : memref<2x128x64xf32, #tpu.memory_space<vmem>> -> memref<1x128x64xf32, #tpu.memory_space<vmem>>
        %dma_wait3A_101 = tpu.memref_squeeze %dma_wait3A_100 : memref<1x128x64xf32, #tpu.memory_space<vmem>> -> memref<128x64xf32, #tpu.memory_space<vmem>>
        %dma_wait3A_102 = arith.constant 0 : i32
        %dma_wait3A_103 = tpu.memref_slice %arg8[%mul3A_46, %dma_wait3A_102] : memref<80x128xi32, #tpu.memory_space<vmem>> -> memref<1x128xi32, #tpu.memory_space<vmem>>
        %dma_wait3A_104 = tpu.memref_squeeze %dma_wait3A_103 : memref<1x128xi32, #tpu.memory_space<vmem>> -> memref<128xi32, #tpu.memory_space<vmem>>
        %dma_wait3A_105 = arith.constant 0 : i32
        %dma_wait3A_106 = arith.constant 0 : i32
        %dma_wait3A_107 = tpu.memref_slice %arg11[%dma_wait3A_105, %dma_wait3A_106] : memref<10240x64xf32, #tpu.memory_space<vmem_shared>> -> memref<10240x64xf32, #tpu.memory_space<vmem_shared>>
        tpu.wait_indirect_dma semaphore(%run_scoped3A_87 : memref<!tpu.dma_semaphore, #tpu.memory_space<semaphore_mem>>) src(%dma_wait3A_101 : memref<128x64xf32, #tpu.memory_space<vmem>>) dst(%dma_wait3A_107 : memref<10240x64xf32, #tpu.memory_space<vmem_shared>>)
        tpu.yield
      }) : () -> ()
      %add3A_70 = arith.constant 1 : i32
      %add3A_71 = arith.addi %scan3A_43, %add3A_70 : i32
      %lt3A = arith.constant 40 : i32
      %lt3A_72 = arith.cmpi slt, %add3A_71, %lt3A : i32
      %convert_element_type3A = arith.extui %lt3A_72 : i1 to i32
      %cond3A = arith.constant 0 : i32
      %cond3A_73 = arith.cmpi ne, %convert_element_type3A, %cond3A : i32
      scf.if %cond3A_73 {
        %add3A_87 = arith.constant 2 : i32
        %add3A_88 = arith.addi %mul3A_46, %add3A_87 : i32
        %dma_start3A_89 = arith.constant 0 : i32
        %dma_start3A_90 = arith.constant 0 : i32
        %dma_start3A_91 = arith.constant 0 : i32
        %dma_start3A_92 = tpu.memref_slice %arg9[%dma_start3A_89, %dma_start3A_90, %dma_start3A_91] : memref<2x128x64xf32, #tpu.memory_space<vmem>> -> memref<1x128x64xf32, #tpu.memory_space<vmem>>
        %dma_start3A_93 = tpu.memref_squeeze %dma_start3A_92 : memref<1x128x64xf32, #tpu.memory_space<vmem>> -> memref<128x64xf32, #tpu.memory_space<vmem>>
        %dma_start3A_94 = arith.constant 0 : i32
        %dma_start3A_95 = tpu.memref_slice %arg7[%add3A_88, %dma_start3A_94] : memref<80x128xi32, #tpu.memory_space<vmem>> -> memref<1x128xi32, #tpu.memory_space<vmem>>
        %dma_start3A_96 = tpu.memref_squeeze %dma_start3A_95 : memref<1x128xi32, #tpu.memory_space<vmem>> -> memref<128xi32, #tpu.memory_space<vmem>>
        %dma_start3A_97 = arith.constant 0 : i32
        %dma_start3A_98 = arith.constant 0 : i32
        %dma_start3A_99 = tpu.memref_slice %arg2[%dma_start3A_97, %dma_start3A_98] : memref<10240x64xf32, #tpu.memory_space<hbm>> -> memref<10240x64xf32, #tpu.memory_space<hbm>>
        tpu.enqueue_indirect_dma source(%dma_start3A_99 : memref<10240x64xf32, #tpu.memory_space<hbm>>) target(%dma_start3A_93 : memref<128x64xf32, #tpu.memory_space<vmem>>) offsets(%dma_start3A_96 : memref<128xi32, #tpu.memory_space<vmem>>) semaphore(%arg12 : memref<!tpu.dma_semaphore, #tpu.memory_space<semaphore_mem>>)
      } else {
      }
      %dma_wait3A_74 = arith.constant 1 : i32
      %dma_wait3A_75 = arith.constant 0 : i32
      %dma_wait3A_76 = arith.constant 0 : i32
      %dma_wait3A_77 = tpu.memref_slice %arg9[%dma_wait3A_74, %dma_wait3A_75, %dma_wait3A_76] : memref<2x128x64xf32, #tpu.memory_space<vmem>> -> memref<1x128x64xf32, #tpu.memory_space<vmem>>
      %dma_wait3A_78 = tpu.memref_squeeze %dma_wait3A_77 : memref<1x128x64xf32, #tpu.memory_space<vmem>> -> memref<128x64xf32, #tpu.memory_space<vmem>>
      %dma_wait3A_79 = arith.constant 0 : i32
      %dma_wait3A_80 = tpu.memref_slice %arg7[%add3A_48, %dma_wait3A_79] : memref<80x128xi32, #tpu.memory_space<vmem>> -> memref<1x128xi32, #tpu.memory_space<vmem>>
      %dma_wait3A_81 = tpu.memref_squeeze %dma_wait3A_80 : memref<1x128xi32, #tpu.memory_space<vmem>> -> memref<128xi32, #tpu.memory_space<vmem>>
      %dma_wait3A_82 = arith.constant 0 : i32
      %dma_wait3A_83 = arith.constant 0 : i32
      %dma_wait3A_84 = tpu.memref_slice %arg2[%dma_wait3A_82, %dma_wait3A_83] : memref<10240x64xf32, #tpu.memory_space<hbm>> -> memref<10240x64xf32, #tpu.memory_space<hbm>>
      tpu.wait_indirect_dma semaphore(%arg13 : memref<!tpu.dma_semaphore, #tpu.memory_space<semaphore_mem>>) src(%dma_wait3A_84 : memref<10240x64xf32, #tpu.memory_space<hbm>>) dst(%dma_wait3A_78 : memref<128x64xf32, #tpu.memory_space<vmem>>)
      %run_scoped3A_85 = arith.constant 1 : i32
      "tpu.region"() ({
        %run_scoped3A_87 = tpu.sem_alloc : memref<!tpu.dma_semaphore, #tpu.memory_space<semaphore_mem>>
        %dma_start3A_88 = arith.constant 0 : i32
        %dma_start3A_89 = arith.constant 0 : i32
        %dma_start3A_90 = tpu.memref_slice %arg9[%run_scoped3A_85, %dma_start3A_88, %dma_start3A_89] : memref<2x128x64xf32, #tpu.memory_space<vmem>> -> memref<1x128x64xf32, #tpu.memory_space<vmem>>
        %dma_start3A_91 = tpu.memref_squeeze %dma_start3A_90 : memref<1x128x64xf32, #tpu.memory_space<vmem>> -> memref<128x64xf32, #tpu.memory_space<vmem>>
        %dma_start3A_92 = arith.constant 0 : i32
        %dma_start3A_93 = tpu.memref_slice %arg8[%add3A_48, %dma_start3A_92] : memref<80x128xi32, #tpu.memory_space<vmem>> -> memref<1x128xi32, #tpu.memory_space<vmem>>
        %dma_start3A_94 = tpu.memref_squeeze %dma_start3A_93 : memref<1x128xi32, #tpu.memory_space<vmem>> -> memref<128xi32, #tpu.memory_space<vmem>>
        %dma_start3A_95 = arith.constant 0 : i32
        %dma_start3A_96 = arith.constant 0 : i32
        %dma_start3A_97 = tpu.memref_slice %arg11[%dma_start3A_95, %dma_start3A_96] : memref<10240x64xf32, #tpu.memory_space<vmem_shared>> -> memref<10240x64xf32, #tpu.memory_space<vmem_shared>>
        tpu.enqueue_indirect_dma source(%dma_start3A_91 : memref<128x64xf32, #tpu.memory_space<vmem>>) target(%dma_start3A_97 : memref<10240x64xf32, #tpu.memory_space<vmem_shared>>) offsets(%dma_start3A_94 : memref<128xi32, #tpu.memory_space<vmem>>) semaphore(%run_scoped3A_87 : memref<!tpu.dma_semaphore, #tpu.memory_space<semaphore_mem>>) {add = true}
        %dma_wait3A_98 = arith.constant 0 : i32
        %dma_wait3A_99 = arith.constant 0 : i32
        %dma_wait3A_100 = tpu.memref_slice %arg9[%run_scoped3A_85, %dma_wait3A_98, %dma_wait3A_99] : memref<2x128x64xf32, #tpu.memory_space<vmem>> -> memref<1x128x64xf32, #tpu.memory_space<vmem>>
        %dma_wait3A_101 = tpu.memref_squeeze %dma_wait3A_100 : memref<1x128x64xf32, #tpu.memory_space<vmem>> -> memref<128x64xf32, #tpu.memory_space<vmem>>
        %dma_wait3A_102 = arith.constant 0 : i32
        %dma_wait3A_103 = tpu.memref_slice %arg8[%add3A_48, %dma_wait3A_102] : memref<80x128xi32, #tpu.memory_space<vmem>> -> memref<1x128xi32, #tpu.memory_space<vmem>>
        %dma_wait3A_104 = tpu.memref_squeeze %dma_wait3A_103 : memref<1x128xi32, #tpu.memory_space<vmem>> -> memref<128xi32, #tpu.memory_space<vmem>>
        %dma_wait3A_105 = arith.constant 0 : i32
        %dma_wait3A_106 = arith.constant 0 : i32
        %dma_wait3A_107 = tpu.memref_slice %arg11[%dma_wait3A_105, %dma_wait3A_106] : memref<10240x64xf32, #tpu.memory_space<vmem_shared>> -> memref<10240x64xf32, #tpu.memory_space<vmem_shared>>
        tpu.wait_indirect_dma semaphore(%run_scoped3A_87 : memref<!tpu.dma_semaphore, #tpu.memory_space<semaphore_mem>>) src(%dma_wait3A_101 : memref<128x64xf32, #tpu.memory_space<vmem>>) dst(%dma_wait3A_107 : memref<10240x64xf32, #tpu.memory_space<vmem_shared>>)
        tpu.yield
      }) : () -> ()
      %scan3A_86 = arith.constant 0 : i32
      scf.yield %scan3A_86 : i32
    }
    %scan3A_37 = arith.constant 40 : i32
    %barrier3A_38 = arith.constant 0 : index
    tpu.barrier barrier_id(%barrier3A_38)
    %mul3A_39 = arith.constant 640 : i32
    %mul3A_40 = arith.muli %arg1, %mul3A_39 : i32
    %mul3A_41 = arith.constant 640 : i32
    %mul3A_42 = arith.muli %arg1, %mul3A_41 : i32
    "tpu.region"() ({
      %run_scoped3A = tpu.sem_alloc : memref<!tpu.dma_semaphore, #tpu.memory_space<semaphore_mem>>
      %dma_start3A_43 = arith.constant 0 : i32
      %dma_start3A_44 = tpu.memref_slice %arg6[%arg0, %mul3A_42, %dma_start3A_43] : memref<2x10240x64xf32, #tpu.memory_space<hbm>> -> memref<1x640x64xf32, #tpu.memory_space<hbm>>
      %dma_start3A_45 = tpu.memref_squeeze %dma_start3A_44 : memref<1x640x64xf32, #tpu.memory_space<hbm>> -> memref<640x64xf32, #tpu.memory_space<hbm>>
      %dma_start3A_46 = arith.constant 0 : i32
      %dma_start3A_47 = tpu.memref_slice %arg11[%mul3A_40, %dma_start3A_46] : memref<10240x64xf32, #tpu.memory_space<vmem_shared>> -> memref<640x64xf32, #tpu.memory_space<vmem_shared>>
      tpu.enqueue_dma source(%dma_start3A_47 : memref<640x64xf32, #tpu.memory_space<vmem_shared>>) target(%dma_start3A_45 : memref<640x64xf32, #tpu.memory_space<hbm>>) target_semaphore(%run_scoped3A : memref<!tpu.dma_semaphore, #tpu.memory_space<semaphore_mem>>)
      %dma_wait3A = arith.constant 0 : i32
      %dma_wait3A_48 = tpu.memref_slice %arg6[%arg0, %mul3A_42, %dma_wait3A] : memref<2x10240x64xf32, #tpu.memory_space<hbm>> -> memref<1x640x64xf32, #tpu.memory_space<hbm>>
      %dma_wait3A_49 = tpu.memref_squeeze %dma_wait3A_48 : memref<1x640x64xf32, #tpu.memory_space<hbm>> -> memref<640x64xf32, #tpu.memory_space<hbm>>
      %dma_wait3A_50 = arith.constant 0 : i32
      %dma_wait3A_51 = tpu.memref_slice %arg11[%mul3A_40, %dma_wait3A_50] : memref<10240x64xf32, #tpu.memory_space<vmem_shared>> -> memref<640x64xf32, #tpu.memory_space<vmem_shared>>
      tpu.wait_dma2 semaphore(%run_scoped3A : memref<!tpu.dma_semaphore, #tpu.memory_space<semaphore_mem>>) src(%dma_wait3A_51 : memref<640x64xf32, #tpu.memory_space<vmem_shared>>) dst(%dma_wait3A_49 : memref<640x64xf32, #tpu.memory_space<hbm>>)
      tpu.yield
    }) : () -> ()
    return
  }
}

#map = affine_map<(d0, d1) -> (0, 0)>
#map1 = affine_map<(d0, d1) -> (0, 0, 0)>
module attributes {stable_mosaic.version = 14 : i64} {
  func.func @_agg_body(%arg0: i32, %arg1: i32, %arg2: memref<10240x16xf32, #tpu.memory_space<hbm>>, %arg3: memref<32x80x128xi32, #tpu.memory_space<hbm>>, %arg4: memref<32x80x128xi32, #tpu.memory_space<hbm>>, %arg5: memref<128x16xf32, #tpu.memory_space<hbm>>, %arg6: memref<2x10240x16xf32, #tpu.memory_space<hbm>>, %arg7: memref<80x128xi32, #tpu.memory_space<vmem>>, %arg8: memref<80x128xi32, #tpu.memory_space<vmem>>, %arg9: memref<2x128x16xf32, #tpu.memory_space<vmem>>, %arg10: memref<128x16xf32, #tpu.memory_space<vmem>>, %arg11: memref<10240x16xf32, #tpu.memory_space<vmem_shared>>, %arg12: memref<!tpu.dma_semaphore, #tpu.memory_space<semaphore_mem>>, %arg13: memref<!tpu.dma_semaphore, #tpu.memory_space<semaphore_mem>>) attributes {dimension_semantics = [#tpu.dimension_semantics<core_parallel>, #tpu.dimension_semantics<subcore_parallel>], iteration_bounds = array<i64: 2, 16>, scalar_prefetch = 0 : i64, scratch_operands = 7 : i64, tpu.core_type = #tpu.core_type<sc_vector_subcore>, window_params = [{transform_indices = #map}, {transform_indices = #map1}, {transform_indices = #map1}, {transform_indices = #map}, {transform_indices = #map1}]} {
    %mul3A = arith.constant 16 : i32
    %mul3A_0 = arith.muli %arg0, %mul3A : i32
    %add3A = arith.addi %mul3A_0, %arg1 : i32
    "tpu.region"() ({
      %run_scoped3A = tpu.sem_alloc : memref<!tpu.dma_semaphore, #tpu.memory_space<semaphore_mem>>
      %dma_start3A_43 = arith.constant 0 : i32
      %dma_start3A_44 = arith.constant 0 : i32
      %dma_start3A_45 = tpu.memref_slice %arg3[%add3A, %dma_start3A_43, %dma_start3A_44] : memref<32x80x128xi32, #tpu.memory_space<hbm>> -> memref<1x80x128xi32, #tpu.memory_space<hbm>>
      %dma_start3A_46 = tpu.memref_squeeze %dma_start3A_45 : memref<1x80x128xi32, #tpu.memory_space<hbm>> -> memref<80x128xi32, #tpu.memory_space<hbm>>
      %dma_start3A_47 = arith.constant 0 : i32
      %dma_start3A_48 = arith.constant 0 : i32
      %dma_start3A_49 = tpu.memref_slice %arg3[%add3A, %dma_start3A_47, %dma_start3A_48] : memref<32x80x128xi32, #tpu.memory_space<hbm>> -> memref<1x80x128xi32, #tpu.memory_space<hbm>>
      %dma_start3A_50 = tpu.memref_squeeze %dma_start3A_49 : memref<1x80x128xi32, #tpu.memory_space<hbm>> -> memref<80x128xi32, #tpu.memory_space<hbm>>
      tpu.enqueue_dma source(%dma_start3A_50 : memref<80x128xi32, #tpu.memory_space<hbm>>) target(%arg7 : memref<80x128xi32, #tpu.memory_space<vmem>>) target_semaphore(%run_scoped3A : memref<!tpu.dma_semaphore, #tpu.memory_space<semaphore_mem>>)
      %dma_wait3A = arith.constant 0 : i32
      %dma_wait3A_51 = arith.constant 0 : i32
      %dma_wait3A_52 = tpu.memref_slice %arg3[%add3A, %dma_wait3A, %dma_wait3A_51] : memref<32x80x128xi32, #tpu.memory_space<hbm>> -> memref<1x80x128xi32, #tpu.memory_space<hbm>>
      %dma_wait3A_53 = tpu.memref_squeeze %dma_wait3A_52 : memref<1x80x128xi32, #tpu.memory_space<hbm>> -> memref<80x128xi32, #tpu.memory_space<hbm>>
      %dma_wait3A_54 = arith.constant 0 : i32
      %dma_wait3A_55 = arith.constant 0 : i32
      %dma_wait3A_56 = tpu.memref_slice %arg3[%add3A, %dma_wait3A_54, %dma_wait3A_55] : memref<32x80x128xi32, #tpu.memory_space<hbm>> -> memref<1x80x128xi32, #tpu.memory_space<hbm>>
      %dma_wait3A_57 = tpu.memref_squeeze %dma_wait3A_56 : memref<1x80x128xi32, #tpu.memory_space<hbm>> -> memref<80x128xi32, #tpu.memory_space<hbm>>
      tpu.wait_dma2 semaphore(%run_scoped3A : memref<!tpu.dma_semaphore, #tpu.memory_space<semaphore_mem>>) src(%dma_wait3A_57 : memref<80x128xi32, #tpu.memory_space<hbm>>) dst(%arg7 : memref<80x128xi32, #tpu.memory_space<vmem>>)
      tpu.yield
    }) : () -> ()
    "tpu.region"() ({
      %run_scoped3A = tpu.sem_alloc : memref<!tpu.dma_semaphore, #tpu.memory_space<semaphore_mem>>
      %dma_start3A_43 = arith.constant 0 : i32
      %dma_start3A_44 = arith.constant 0 : i32
      %dma_start3A_45 = tpu.memref_slice %arg4[%add3A, %dma_start3A_43, %dma_start3A_44] : memref<32x80x128xi32, #tpu.memory_space<hbm>> -> memref<1x80x128xi32, #tpu.memory_space<hbm>>
      %dma_start3A_46 = tpu.memref_squeeze %dma_start3A_45 : memref<1x80x128xi32, #tpu.memory_space<hbm>> -> memref<80x128xi32, #tpu.memory_space<hbm>>
      %dma_start3A_47 = arith.constant 0 : i32
      %dma_start3A_48 = arith.constant 0 : i32
      %dma_start3A_49 = tpu.memref_slice %arg4[%add3A, %dma_start3A_47, %dma_start3A_48] : memref<32x80x128xi32, #tpu.memory_space<hbm>> -> memref<1x80x128xi32, #tpu.memory_space<hbm>>
      %dma_start3A_50 = tpu.memref_squeeze %dma_start3A_49 : memref<1x80x128xi32, #tpu.memory_space<hbm>> -> memref<80x128xi32, #tpu.memory_space<hbm>>
      tpu.enqueue_dma source(%dma_start3A_50 : memref<80x128xi32, #tpu.memory_space<hbm>>) target(%arg8 : memref<80x128xi32, #tpu.memory_space<vmem>>) target_semaphore(%run_scoped3A : memref<!tpu.dma_semaphore, #tpu.memory_space<semaphore_mem>>)
      %dma_wait3A = arith.constant 0 : i32
      %dma_wait3A_51 = arith.constant 0 : i32
      %dma_wait3A_52 = tpu.memref_slice %arg4[%add3A, %dma_wait3A, %dma_wait3A_51] : memref<32x80x128xi32, #tpu.memory_space<hbm>> -> memref<1x80x128xi32, #tpu.memory_space<hbm>>
      %dma_wait3A_53 = tpu.memref_squeeze %dma_wait3A_52 : memref<1x80x128xi32, #tpu.memory_space<hbm>> -> memref<80x128xi32, #tpu.memory_space<hbm>>
      %dma_wait3A_54 = arith.constant 0 : i32
      %dma_wait3A_55 = arith.constant 0 : i32
      %dma_wait3A_56 = tpu.memref_slice %arg4[%add3A, %dma_wait3A_54, %dma_wait3A_55] : memref<32x80x128xi32, #tpu.memory_space<hbm>> -> memref<1x80x128xi32, #tpu.memory_space<hbm>>
      %dma_wait3A_57 = tpu.memref_squeeze %dma_wait3A_56 : memref<1x80x128xi32, #tpu.memory_space<hbm>> -> memref<80x128xi32, #tpu.memory_space<hbm>>
      tpu.wait_dma2 semaphore(%run_scoped3A : memref<!tpu.dma_semaphore, #tpu.memory_space<semaphore_mem>>) src(%dma_wait3A_57 : memref<80x128xi32, #tpu.memory_space<hbm>>) dst(%arg8 : memref<80x128xi32, #tpu.memory_space<vmem>>)
      tpu.yield
    }) : () -> ()
    "tpu.region"() ({
      %run_scoped3A = tpu.sem_alloc : memref<!tpu.dma_semaphore, #tpu.memory_space<semaphore_mem>>
      tpu.enqueue_dma source(%arg5 : memref<128x16xf32, #tpu.memory_space<hbm>>) target(%arg10 : memref<128x16xf32, #tpu.memory_space<vmem>>) target_semaphore(%run_scoped3A : memref<!tpu.dma_semaphore, #tpu.memory_space<semaphore_mem>>)
      tpu.wait_dma2 semaphore(%run_scoped3A : memref<!tpu.dma_semaphore, #tpu.memory_space<semaphore_mem>>) src(%arg5 : memref<128x16xf32, #tpu.memory_space<hbm>>) dst(%arg10 : memref<128x16xf32, #tpu.memory_space<vmem>>)
      tpu.yield
    }) : () -> ()
    %mul3A_1 = arith.constant 640 : i32
    %mul3A_2 = arith.muli %arg1, %mul3A_1 : i32
    %add3A_3 = arith.constant 0 : i32
    %add3A_4 = arith.addi %mul3A_2, %add3A_3 : i32
    "tpu.region"() ({
      %run_scoped3A = tpu.sem_alloc : memref<!tpu.dma_semaphore, #tpu.memory_space<semaphore_mem>>
      %dma_start3A_43 = arith.constant 0 : i32
      %dma_start3A_44 = tpu.memref_slice %arg11[%add3A_4, %dma_start3A_43] : memref<10240x16xf32, #tpu.memory_space<vmem_shared>> -> memref<128x16xf32, #tpu.memory_space<vmem_shared>>
      %dma_start3A_45 = arith.constant 0 : i32
      %dma_start3A_46 = tpu.memref_slice %arg11[%add3A_4, %dma_start3A_45] : memref<10240x16xf32, #tpu.memory_space<vmem_shared>> -> memref<128x16xf32, #tpu.memory_space<vmem_shared>>
      tpu.enqueue_dma source(%arg10 : memref<128x16xf32, #tpu.memory_space<vmem>>) target(%dma_start3A_46 : memref<128x16xf32, #tpu.memory_space<vmem_shared>>) target_semaphore(%run_scoped3A : memref<!tpu.dma_semaphore, #tpu.memory_space<semaphore_mem>>)
      %dma_wait3A = arith.constant 0 : i32
      %dma_wait3A_47 = tpu.memref_slice %arg11[%add3A_4, %dma_wait3A] : memref<10240x16xf32, #tpu.memory_space<vmem_shared>> -> memref<128x16xf32, #tpu.memory_space<vmem_shared>>
      %dma_wait3A_48 = arith.constant 0 : i32
      %dma_wait3A_49 = tpu.memref_slice %arg11[%add3A_4, %dma_wait3A_48] : memref<10240x16xf32, #tpu.memory_space<vmem_shared>> -> memref<128x16xf32, #tpu.memory_space<vmem_shared>>
      tpu.wait_dma2 semaphore(%run_scoped3A : memref<!tpu.dma_semaphore, #tpu.memory_space<semaphore_mem>>) src(%arg10 : memref<128x16xf32, #tpu.memory_space<vmem>>) dst(%dma_wait3A_49 : memref<128x16xf32, #tpu.memory_space<vmem_shared>>)
      tpu.yield
    }) : () -> ()
    %mul3A_5 = arith.constant 640 : i32
    %mul3A_6 = arith.muli %arg1, %mul3A_5 : i32
    %add3A_7 = arith.constant 128 : i32
    %add3A_8 = arith.addi %mul3A_6, %add3A_7 : i32
    "tpu.region"() ({
      %run_scoped3A = tpu.sem_alloc : memref<!tpu.dma_semaphore, #tpu.memory_space<semaphore_mem>>
      %dma_start3A_43 = arith.constant 0 : i32
      %dma_start3A_44 = tpu.memref_slice %arg11[%add3A_8, %dma_start3A_43] : memref<10240x16xf32, #tpu.memory_space<vmem_shared>> -> memref<128x16xf32, #tpu.memory_space<vmem_shared>>
      %dma_start3A_45 = arith.constant 0 : i32
      %dma_start3A_46 = tpu.memref_slice %arg11[%add3A_8, %dma_start3A_45] : memref<10240x16xf32, #tpu.memory_space<vmem_shared>> -> memref<128x16xf32, #tpu.memory_space<vmem_shared>>
      tpu.enqueue_dma source(%arg10 : memref<128x16xf32, #tpu.memory_space<vmem>>) target(%dma_start3A_46 : memref<128x16xf32, #tpu.memory_space<vmem_shared>>) target_semaphore(%run_scoped3A : memref<!tpu.dma_semaphore, #tpu.memory_space<semaphore_mem>>)
      %dma_wait3A = arith.constant 0 : i32
      %dma_wait3A_47 = tpu.memref_slice %arg11[%add3A_8, %dma_wait3A] : memref<10240x16xf32, #tpu.memory_space<vmem_shared>> -> memref<128x16xf32, #tpu.memory_space<vmem_shared>>
      %dma_wait3A_48 = arith.constant 0 : i32
      %dma_wait3A_49 = tpu.memref_slice %arg11[%add3A_8, %dma_wait3A_48] : memref<10240x16xf32, #tpu.memory_space<vmem_shared>> -> memref<128x16xf32, #tpu.memory_space<vmem_shared>>
      tpu.wait_dma2 semaphore(%run_scoped3A : memref<!tpu.dma_semaphore, #tpu.memory_space<semaphore_mem>>) src(%arg10 : memref<128x16xf32, #tpu.memory_space<vmem>>) dst(%dma_wait3A_49 : memref<128x16xf32, #tpu.memory_space<vmem_shared>>)
      tpu.yield
    }) : () -> ()
    %mul3A_9 = arith.constant 640 : i32
    %mul3A_10 = arith.muli %arg1, %mul3A_9 : i32
    %add3A_11 = arith.constant 256 : i32
    %add3A_12 = arith.addi %mul3A_10, %add3A_11 : i32
    "tpu.region"() ({
      %run_scoped3A = tpu.sem_alloc : memref<!tpu.dma_semaphore, #tpu.memory_space<semaphore_mem>>
      %dma_start3A_43 = arith.constant 0 : i32
      %dma_start3A_44 = tpu.memref_slice %arg11[%add3A_12, %dma_start3A_43] : memref<10240x16xf32, #tpu.memory_space<vmem_shared>> -> memref<128x16xf32, #tpu.memory_space<vmem_shared>>
      %dma_start3A_45 = arith.constant 0 : i32
      %dma_start3A_46 = tpu.memref_slice %arg11[%add3A_12, %dma_start3A_45] : memref<10240x16xf32, #tpu.memory_space<vmem_shared>> -> memref<128x16xf32, #tpu.memory_space<vmem_shared>>
      tpu.enqueue_dma source(%arg10 : memref<128x16xf32, #tpu.memory_space<vmem>>) target(%dma_start3A_46 : memref<128x16xf32, #tpu.memory_space<vmem_shared>>) target_semaphore(%run_scoped3A : memref<!tpu.dma_semaphore, #tpu.memory_space<semaphore_mem>>)
      %dma_wait3A = arith.constant 0 : i32
      %dma_wait3A_47 = tpu.memref_slice %arg11[%add3A_12, %dma_wait3A] : memref<10240x16xf32, #tpu.memory_space<vmem_shared>> -> memref<128x16xf32, #tpu.memory_space<vmem_shared>>
      %dma_wait3A_48 = arith.constant 0 : i32
      %dma_wait3A_49 = tpu.memref_slice %arg11[%add3A_12, %dma_wait3A_48] : memref<10240x16xf32, #tpu.memory_space<vmem_shared>> -> memref<128x16xf32, #tpu.memory_space<vmem_shared>>
      tpu.wait_dma2 semaphore(%run_scoped3A : memref<!tpu.dma_semaphore, #tpu.memory_space<semaphore_mem>>) src(%arg10 : memref<128x16xf32, #tpu.memory_space<vmem>>) dst(%dma_wait3A_49 : memref<128x16xf32, #tpu.memory_space<vmem_shared>>)
      tpu.yield
    }) : () -> ()
    %mul3A_13 = arith.constant 640 : i32
    %mul3A_14 = arith.muli %arg1, %mul3A_13 : i32
    %add3A_15 = arith.constant 384 : i32
    %add3A_16 = arith.addi %mul3A_14, %add3A_15 : i32
    "tpu.region"() ({
      %run_scoped3A = tpu.sem_alloc : memref<!tpu.dma_semaphore, #tpu.memory_space<semaphore_mem>>
      %dma_start3A_43 = arith.constant 0 : i32
      %dma_start3A_44 = tpu.memref_slice %arg11[%add3A_16, %dma_start3A_43] : memref<10240x16xf32, #tpu.memory_space<vmem_shared>> -> memref<128x16xf32, #tpu.memory_space<vmem_shared>>
      %dma_start3A_45 = arith.constant 0 : i32
      %dma_start3A_46 = tpu.memref_slice %arg11[%add3A_16, %dma_start3A_45] : memref<10240x16xf32, #tpu.memory_space<vmem_shared>> -> memref<128x16xf32, #tpu.memory_space<vmem_shared>>
      tpu.enqueue_dma source(%arg10 : memref<128x16xf32, #tpu.memory_space<vmem>>) target(%dma_start3A_46 : memref<128x16xf32, #tpu.memory_space<vmem_shared>>) target_semaphore(%run_scoped3A : memref<!tpu.dma_semaphore, #tpu.memory_space<semaphore_mem>>)
      %dma_wait3A = arith.constant 0 : i32
      %dma_wait3A_47 = tpu.memref_slice %arg11[%add3A_16, %dma_wait3A] : memref<10240x16xf32, #tpu.memory_space<vmem_shared>> -> memref<128x16xf32, #tpu.memory_space<vmem_shared>>
      %dma_wait3A_48 = arith.constant 0 : i32
      %dma_wait3A_49 = tpu.memref_slice %arg11[%add3A_16, %dma_wait3A_48] : memref<10240x16xf32, #tpu.memory_space<vmem_shared>> -> memref<128x16xf32, #tpu.memory_space<vmem_shared>>
      tpu.wait_dma2 semaphore(%run_scoped3A : memref<!tpu.dma_semaphore, #tpu.memory_space<semaphore_mem>>) src(%arg10 : memref<128x16xf32, #tpu.memory_space<vmem>>) dst(%dma_wait3A_49 : memref<128x16xf32, #tpu.memory_space<vmem_shared>>)
      tpu.yield
    }) : () -> ()
    %mul3A_17 = arith.constant 640 : i32
    %mul3A_18 = arith.muli %arg1, %mul3A_17 : i32
    %add3A_19 = arith.constant 512 : i32
    %add3A_20 = arith.addi %mul3A_18, %add3A_19 : i32
    "tpu.region"() ({
      %run_scoped3A = tpu.sem_alloc : memref<!tpu.dma_semaphore, #tpu.memory_space<semaphore_mem>>
      %dma_start3A_43 = arith.constant 0 : i32
      %dma_start3A_44 = tpu.memref_slice %arg11[%add3A_20, %dma_start3A_43] : memref<10240x16xf32, #tpu.memory_space<vmem_shared>> -> memref<128x16xf32, #tpu.memory_space<vmem_shared>>
      %dma_start3A_45 = arith.constant 0 : i32
      %dma_start3A_46 = tpu.memref_slice %arg11[%add3A_20, %dma_start3A_45] : memref<10240x16xf32, #tpu.memory_space<vmem_shared>> -> memref<128x16xf32, #tpu.memory_space<vmem_shared>>
      tpu.enqueue_dma source(%arg10 : memref<128x16xf32, #tpu.memory_space<vmem>>) target(%dma_start3A_46 : memref<128x16xf32, #tpu.memory_space<vmem_shared>>) target_semaphore(%run_scoped3A : memref<!tpu.dma_semaphore, #tpu.memory_space<semaphore_mem>>)
      %dma_wait3A = arith.constant 0 : i32
      %dma_wait3A_47 = tpu.memref_slice %arg11[%add3A_20, %dma_wait3A] : memref<10240x16xf32, #tpu.memory_space<vmem_shared>> -> memref<128x16xf32, #tpu.memory_space<vmem_shared>>
      %dma_wait3A_48 = arith.constant 0 : i32
      %dma_wait3A_49 = tpu.memref_slice %arg11[%add3A_20, %dma_wait3A_48] : memref<10240x16xf32, #tpu.memory_space<vmem_shared>> -> memref<128x16xf32, #tpu.memory_space<vmem_shared>>
      tpu.wait_dma2 semaphore(%run_scoped3A : memref<!tpu.dma_semaphore, #tpu.memory_space<semaphore_mem>>) src(%arg10 : memref<128x16xf32, #tpu.memory_space<vmem>>) dst(%dma_wait3A_49 : memref<128x16xf32, #tpu.memory_space<vmem_shared>>)
      tpu.yield
    }) : () -> ()
    %barrier3A = arith.constant 0 : index
    tpu.barrier barrier_id(%barrier3A)
    %dma_start3A = arith.constant 0 : i32
    %dma_start3A_21 = arith.constant 0 : i32
    %dma_start3A_22 = arith.constant 0 : i32
    %dma_start3A_23 = arith.constant 0 : i32
    %dma_start3A_24 = tpu.memref_slice %arg9[%dma_start3A_21, %dma_start3A_22, %dma_start3A_23] : memref<2x128x16xf32, #tpu.memory_space<vmem>> -> memref<1x128x16xf32, #tpu.memory_space<vmem>>
    %dma_start3A_25 = tpu.memref_squeeze %dma_start3A_24 : memref<1x128x16xf32, #tpu.memory_space<vmem>> -> memref<128x16xf32, #tpu.memory_space<vmem>>
    %dma_start3A_26 = arith.constant 0 : i32
    %dma_start3A_27 = tpu.memref_slice %arg7[%dma_start3A, %dma_start3A_26] : memref<80x128xi32, #tpu.memory_space<vmem>> -> memref<1x128xi32, #tpu.memory_space<vmem>>
    %dma_start3A_28 = tpu.memref_squeeze %dma_start3A_27 : memref<1x128xi32, #tpu.memory_space<vmem>> -> memref<128xi32, #tpu.memory_space<vmem>>
    %dma_start3A_29 = arith.constant 0 : i32
    %dma_start3A_30 = arith.constant 0 : i32
    %dma_start3A_31 = tpu.memref_slice %arg2[%dma_start3A_29, %dma_start3A_30] : memref<10240x16xf32, #tpu.memory_space<hbm>> -> memref<10240x16xf32, #tpu.memory_space<hbm>>
    tpu.enqueue_indirect_dma source(%dma_start3A_31 : memref<10240x16xf32, #tpu.memory_space<hbm>>) target(%dma_start3A_25 : memref<128x16xf32, #tpu.memory_space<vmem>>) offsets(%dma_start3A_28 : memref<128xi32, #tpu.memory_space<vmem>>) semaphore(%arg12 : memref<!tpu.dma_semaphore, #tpu.memory_space<semaphore_mem>>)
    %scan3A = arith.constant 0 : i32
    %scan3A_32 = arith.constant 0 : i32
    %scan3A_33 = arith.constant 40 : i32
    %scan3A_34 = arith.addi %scan3A_32, %scan3A_33 : i32
    %scan3A_35 = arith.constant 1 : i32
    %scan3A_36 = scf.for %scan3A_43 = %scan3A_32 to %scan3A_34 step %scan3A_35 iter_args(%scan3A_44 = %scan3A) -> (i32)  : i32 {
      %mul3A_45 = arith.constant 2 : i32
      %mul3A_46 = arith.muli %mul3A_45, %scan3A_43 : i32
      %add3A_47 = arith.constant 1 : i32
      %add3A_48 = arith.addi %mul3A_46, %add3A_47 : i32
      %dma_start3A_49 = arith.constant 1 : i32
      %dma_start3A_50 = arith.constant 0 : i32
      %dma_start3A_51 = arith.constant 0 : i32
      %dma_start3A_52 = tpu.memref_slice %arg9[%dma_start3A_49, %dma_start3A_50, %dma_start3A_51] : memref<2x128x16xf32, #tpu.memory_space<vmem>> -> memref<1x128x16xf32, #tpu.memory_space<vmem>>
      %dma_start3A_53 = tpu.memref_squeeze %dma_start3A_52 : memref<1x128x16xf32, #tpu.memory_space<vmem>> -> memref<128x16xf32, #tpu.memory_space<vmem>>
      %dma_start3A_54 = arith.constant 0 : i32
      %dma_start3A_55 = tpu.memref_slice %arg7[%add3A_48, %dma_start3A_54] : memref<80x128xi32, #tpu.memory_space<vmem>> -> memref<1x128xi32, #tpu.memory_space<vmem>>
      %dma_start3A_56 = tpu.memref_squeeze %dma_start3A_55 : memref<1x128xi32, #tpu.memory_space<vmem>> -> memref<128xi32, #tpu.memory_space<vmem>>
      %dma_start3A_57 = arith.constant 0 : i32
      %dma_start3A_58 = arith.constant 0 : i32
      %dma_start3A_59 = tpu.memref_slice %arg2[%dma_start3A_57, %dma_start3A_58] : memref<10240x16xf32, #tpu.memory_space<hbm>> -> memref<10240x16xf32, #tpu.memory_space<hbm>>
      tpu.enqueue_indirect_dma source(%dma_start3A_59 : memref<10240x16xf32, #tpu.memory_space<hbm>>) target(%dma_start3A_53 : memref<128x16xf32, #tpu.memory_space<vmem>>) offsets(%dma_start3A_56 : memref<128xi32, #tpu.memory_space<vmem>>) semaphore(%arg13 : memref<!tpu.dma_semaphore, #tpu.memory_space<semaphore_mem>>)
      %dma_wait3A = arith.constant 0 : i32
      %dma_wait3A_60 = arith.constant 0 : i32
      %dma_wait3A_61 = arith.constant 0 : i32
      %dma_wait3A_62 = tpu.memref_slice %arg9[%dma_wait3A, %dma_wait3A_60, %dma_wait3A_61] : memref<2x128x16xf32, #tpu.memory_space<vmem>> -> memref<1x128x16xf32, #tpu.memory_space<vmem>>
      %dma_wait3A_63 = tpu.memref_squeeze %dma_wait3A_62 : memref<1x128x16xf32, #tpu.memory_space<vmem>> -> memref<128x16xf32, #tpu.memory_space<vmem>>
      %dma_wait3A_64 = arith.constant 0 : i32
      %dma_wait3A_65 = tpu.memref_slice %arg7[%mul3A_46, %dma_wait3A_64] : memref<80x128xi32, #tpu.memory_space<vmem>> -> memref<1x128xi32, #tpu.memory_space<vmem>>
      %dma_wait3A_66 = tpu.memref_squeeze %dma_wait3A_65 : memref<1x128xi32, #tpu.memory_space<vmem>> -> memref<128xi32, #tpu.memory_space<vmem>>
      %dma_wait3A_67 = arith.constant 0 : i32
      %dma_wait3A_68 = arith.constant 0 : i32
      %dma_wait3A_69 = tpu.memref_slice %arg2[%dma_wait3A_67, %dma_wait3A_68] : memref<10240x16xf32, #tpu.memory_space<hbm>> -> memref<10240x16xf32, #tpu.memory_space<hbm>>
      tpu.wait_indirect_dma semaphore(%arg12 : memref<!tpu.dma_semaphore, #tpu.memory_space<semaphore_mem>>) src(%dma_wait3A_69 : memref<10240x16xf32, #tpu.memory_space<hbm>>) dst(%dma_wait3A_63 : memref<128x16xf32, #tpu.memory_space<vmem>>)
      %run_scoped3A = arith.constant 0 : i32
      "tpu.region"() ({
        %run_scoped3A_87 = tpu.sem_alloc : memref<!tpu.dma_semaphore, #tpu.memory_space<semaphore_mem>>
        %dma_start3A_88 = arith.constant 0 : i32
        %dma_start3A_89 = arith.constant 0 : i32
        %dma_start3A_90 = tpu.memref_slice %arg9[%run_scoped3A, %dma_start3A_88, %dma_start3A_89] : memref<2x128x16xf32, #tpu.memory_space<vmem>> -> memref<1x128x16xf32, #tpu.memory_space<vmem>>
        %dma_start3A_91 = tpu.memref_squeeze %dma_start3A_90 : memref<1x128x16xf32, #tpu.memory_space<vmem>> -> memref<128x16xf32, #tpu.memory_space<vmem>>
        %dma_start3A_92 = arith.constant 0 : i32
        %dma_start3A_93 = tpu.memref_slice %arg8[%mul3A_46, %dma_start3A_92] : memref<80x128xi32, #tpu.memory_space<vmem>> -> memref<1x128xi32, #tpu.memory_space<vmem>>
        %dma_start3A_94 = tpu.memref_squeeze %dma_start3A_93 : memref<1x128xi32, #tpu.memory_space<vmem>> -> memref<128xi32, #tpu.memory_space<vmem>>
        %dma_start3A_95 = arith.constant 0 : i32
        %dma_start3A_96 = arith.constant 0 : i32
        %dma_start3A_97 = tpu.memref_slice %arg11[%dma_start3A_95, %dma_start3A_96] : memref<10240x16xf32, #tpu.memory_space<vmem_shared>> -> memref<10240x16xf32, #tpu.memory_space<vmem_shared>>
        tpu.enqueue_indirect_dma source(%dma_start3A_91 : memref<128x16xf32, #tpu.memory_space<vmem>>) target(%dma_start3A_97 : memref<10240x16xf32, #tpu.memory_space<vmem_shared>>) offsets(%dma_start3A_94 : memref<128xi32, #tpu.memory_space<vmem>>) semaphore(%run_scoped3A_87 : memref<!tpu.dma_semaphore, #tpu.memory_space<semaphore_mem>>) {add = true}
        %dma_wait3A_98 = arith.constant 0 : i32
        %dma_wait3A_99 = arith.constant 0 : i32
        %dma_wait3A_100 = tpu.memref_slice %arg9[%run_scoped3A, %dma_wait3A_98, %dma_wait3A_99] : memref<2x128x16xf32, #tpu.memory_space<vmem>> -> memref<1x128x16xf32, #tpu.memory_space<vmem>>
        %dma_wait3A_101 = tpu.memref_squeeze %dma_wait3A_100 : memref<1x128x16xf32, #tpu.memory_space<vmem>> -> memref<128x16xf32, #tpu.memory_space<vmem>>
        %dma_wait3A_102 = arith.constant 0 : i32
        %dma_wait3A_103 = tpu.memref_slice %arg8[%mul3A_46, %dma_wait3A_102] : memref<80x128xi32, #tpu.memory_space<vmem>> -> memref<1x128xi32, #tpu.memory_space<vmem>>
        %dma_wait3A_104 = tpu.memref_squeeze %dma_wait3A_103 : memref<1x128xi32, #tpu.memory_space<vmem>> -> memref<128xi32, #tpu.memory_space<vmem>>
        %dma_wait3A_105 = arith.constant 0 : i32
        %dma_wait3A_106 = arith.constant 0 : i32
        %dma_wait3A_107 = tpu.memref_slice %arg11[%dma_wait3A_105, %dma_wait3A_106] : memref<10240x16xf32, #tpu.memory_space<vmem_shared>> -> memref<10240x16xf32, #tpu.memory_space<vmem_shared>>
        tpu.wait_indirect_dma semaphore(%run_scoped3A_87 : memref<!tpu.dma_semaphore, #tpu.memory_space<semaphore_mem>>) src(%dma_wait3A_101 : memref<128x16xf32, #tpu.memory_space<vmem>>) dst(%dma_wait3A_107 : memref<10240x16xf32, #tpu.memory_space<vmem_shared>>)
        tpu.yield
      }) : () -> ()
      %add3A_70 = arith.constant 1 : i32
      %add3A_71 = arith.addi %scan3A_43, %add3A_70 : i32
      %lt3A = arith.constant 40 : i32
      %lt3A_72 = arith.cmpi slt, %add3A_71, %lt3A : i32
      %convert_element_type3A = arith.extui %lt3A_72 : i1 to i32
      %cond3A = arith.constant 0 : i32
      %cond3A_73 = arith.cmpi ne, %convert_element_type3A, %cond3A : i32
      scf.if %cond3A_73 {
        %add3A_87 = arith.constant 2 : i32
        %add3A_88 = arith.addi %mul3A_46, %add3A_87 : i32
        %dma_start3A_89 = arith.constant 0 : i32
        %dma_start3A_90 = arith.constant 0 : i32
        %dma_start3A_91 = arith.constant 0 : i32
        %dma_start3A_92 = tpu.memref_slice %arg9[%dma_start3A_89, %dma_start3A_90, %dma_start3A_91] : memref<2x128x16xf32, #tpu.memory_space<vmem>> -> memref<1x128x16xf32, #tpu.memory_space<vmem>>
        %dma_start3A_93 = tpu.memref_squeeze %dma_start3A_92 : memref<1x128x16xf32, #tpu.memory_space<vmem>> -> memref<128x16xf32, #tpu.memory_space<vmem>>
        %dma_start3A_94 = arith.constant 0 : i32
        %dma_start3A_95 = tpu.memref_slice %arg7[%add3A_88, %dma_start3A_94] : memref<80x128xi32, #tpu.memory_space<vmem>> -> memref<1x128xi32, #tpu.memory_space<vmem>>
        %dma_start3A_96 = tpu.memref_squeeze %dma_start3A_95 : memref<1x128xi32, #tpu.memory_space<vmem>> -> memref<128xi32, #tpu.memory_space<vmem>>
        %dma_start3A_97 = arith.constant 0 : i32
        %dma_start3A_98 = arith.constant 0 : i32
        %dma_start3A_99 = tpu.memref_slice %arg2[%dma_start3A_97, %dma_start3A_98] : memref<10240x16xf32, #tpu.memory_space<hbm>> -> memref<10240x16xf32, #tpu.memory_space<hbm>>
        tpu.enqueue_indirect_dma source(%dma_start3A_99 : memref<10240x16xf32, #tpu.memory_space<hbm>>) target(%dma_start3A_93 : memref<128x16xf32, #tpu.memory_space<vmem>>) offsets(%dma_start3A_96 : memref<128xi32, #tpu.memory_space<vmem>>) semaphore(%arg12 : memref<!tpu.dma_semaphore, #tpu.memory_space<semaphore_mem>>)
      } else {
      }
      %dma_wait3A_74 = arith.constant 1 : i32
      %dma_wait3A_75 = arith.constant 0 : i32
      %dma_wait3A_76 = arith.constant 0 : i32
      %dma_wait3A_77 = tpu.memref_slice %arg9[%dma_wait3A_74, %dma_wait3A_75, %dma_wait3A_76] : memref<2x128x16xf32, #tpu.memory_space<vmem>> -> memref<1x128x16xf32, #tpu.memory_space<vmem>>
      %dma_wait3A_78 = tpu.memref_squeeze %dma_wait3A_77 : memref<1x128x16xf32, #tpu.memory_space<vmem>> -> memref<128x16xf32, #tpu.memory_space<vmem>>
      %dma_wait3A_79 = arith.constant 0 : i32
      %dma_wait3A_80 = tpu.memref_slice %arg7[%add3A_48, %dma_wait3A_79] : memref<80x128xi32, #tpu.memory_space<vmem>> -> memref<1x128xi32, #tpu.memory_space<vmem>>
      %dma_wait3A_81 = tpu.memref_squeeze %dma_wait3A_80 : memref<1x128xi32, #tpu.memory_space<vmem>> -> memref<128xi32, #tpu.memory_space<vmem>>
      %dma_wait3A_82 = arith.constant 0 : i32
      %dma_wait3A_83 = arith.constant 0 : i32
      %dma_wait3A_84 = tpu.memref_slice %arg2[%dma_wait3A_82, %dma_wait3A_83] : memref<10240x16xf32, #tpu.memory_space<hbm>> -> memref<10240x16xf32, #tpu.memory_space<hbm>>
      tpu.wait_indirect_dma semaphore(%arg13 : memref<!tpu.dma_semaphore, #tpu.memory_space<semaphore_mem>>) src(%dma_wait3A_84 : memref<10240x16xf32, #tpu.memory_space<hbm>>) dst(%dma_wait3A_78 : memref<128x16xf32, #tpu.memory_space<vmem>>)
      %run_scoped3A_85 = arith.constant 1 : i32
      "tpu.region"() ({
        %run_scoped3A_87 = tpu.sem_alloc : memref<!tpu.dma_semaphore, #tpu.memory_space<semaphore_mem>>
        %dma_start3A_88 = arith.constant 0 : i32
        %dma_start3A_89 = arith.constant 0 : i32
        %dma_start3A_90 = tpu.memref_slice %arg9[%run_scoped3A_85, %dma_start3A_88, %dma_start3A_89] : memref<2x128x16xf32, #tpu.memory_space<vmem>> -> memref<1x128x16xf32, #tpu.memory_space<vmem>>
        %dma_start3A_91 = tpu.memref_squeeze %dma_start3A_90 : memref<1x128x16xf32, #tpu.memory_space<vmem>> -> memref<128x16xf32, #tpu.memory_space<vmem>>
        %dma_start3A_92 = arith.constant 0 : i32
        %dma_start3A_93 = tpu.memref_slice %arg8[%add3A_48, %dma_start3A_92] : memref<80x128xi32, #tpu.memory_space<vmem>> -> memref<1x128xi32, #tpu.memory_space<vmem>>
        %dma_start3A_94 = tpu.memref_squeeze %dma_start3A_93 : memref<1x128xi32, #tpu.memory_space<vmem>> -> memref<128xi32, #tpu.memory_space<vmem>>
        %dma_start3A_95 = arith.constant 0 : i32
        %dma_start3A_96 = arith.constant 0 : i32
        %dma_start3A_97 = tpu.memref_slice %arg11[%dma_start3A_95, %dma_start3A_96] : memref<10240x16xf32, #tpu.memory_space<vmem_shared>> -> memref<10240x16xf32, #tpu.memory_space<vmem_shared>>
        tpu.enqueue_indirect_dma source(%dma_start3A_91 : memref<128x16xf32, #tpu.memory_space<vmem>>) target(%dma_start3A_97 : memref<10240x16xf32, #tpu.memory_space<vmem_shared>>) offsets(%dma_start3A_94 : memref<128xi32, #tpu.memory_space<vmem>>) semaphore(%run_scoped3A_87 : memref<!tpu.dma_semaphore, #tpu.memory_space<semaphore_mem>>) {add = true}
        %dma_wait3A_98 = arith.constant 0 : i32
        %dma_wait3A_99 = arith.constant 0 : i32
        %dma_wait3A_100 = tpu.memref_slice %arg9[%run_scoped3A_85, %dma_wait3A_98, %dma_wait3A_99] : memref<2x128x16xf32, #tpu.memory_space<vmem>> -> memref<1x128x16xf32, #tpu.memory_space<vmem>>
        %dma_wait3A_101 = tpu.memref_squeeze %dma_wait3A_100 : memref<1x128x16xf32, #tpu.memory_space<vmem>> -> memref<128x16xf32, #tpu.memory_space<vmem>>
        %dma_wait3A_102 = arith.constant 0 : i32
        %dma_wait3A_103 = tpu.memref_slice %arg8[%add3A_48, %dma_wait3A_102] : memref<80x128xi32, #tpu.memory_space<vmem>> -> memref<1x128xi32, #tpu.memory_space<vmem>>
        %dma_wait3A_104 = tpu.memref_squeeze %dma_wait3A_103 : memref<1x128xi32, #tpu.memory_space<vmem>> -> memref<128xi32, #tpu.memory_space<vmem>>
        %dma_wait3A_105 = arith.constant 0 : i32
        %dma_wait3A_106 = arith.constant 0 : i32
        %dma_wait3A_107 = tpu.memref_slice %arg11[%dma_wait3A_105, %dma_wait3A_106] : memref<10240x16xf32, #tpu.memory_space<vmem_shared>> -> memref<10240x16xf32, #tpu.memory_space<vmem_shared>>
        tpu.wait_indirect_dma semaphore(%run_scoped3A_87 : memref<!tpu.dma_semaphore, #tpu.memory_space<semaphore_mem>>) src(%dma_wait3A_101 : memref<128x16xf32, #tpu.memory_space<vmem>>) dst(%dma_wait3A_107 : memref<10240x16xf32, #tpu.memory_space<vmem_shared>>)
        tpu.yield
      }) : () -> ()
      %scan3A_86 = arith.constant 0 : i32
      scf.yield %scan3A_86 : i32
    }
    %scan3A_37 = arith.constant 40 : i32
    %barrier3A_38 = arith.constant 0 : index
    tpu.barrier barrier_id(%barrier3A_38)
    %mul3A_39 = arith.constant 640 : i32
    %mul3A_40 = arith.muli %arg1, %mul3A_39 : i32
    %mul3A_41 = arith.constant 640 : i32
    %mul3A_42 = arith.muli %arg1, %mul3A_41 : i32
    "tpu.region"() ({
      %run_scoped3A = tpu.sem_alloc : memref<!tpu.dma_semaphore, #tpu.memory_space<semaphore_mem>>
      %dma_start3A_43 = arith.constant 0 : i32
      %dma_start3A_44 = tpu.memref_slice %arg6[%arg0, %mul3A_42, %dma_start3A_43] : memref<2x10240x16xf32, #tpu.memory_space<hbm>> -> memref<1x640x16xf32, #tpu.memory_space<hbm>>
      %dma_start3A_45 = tpu.memref_squeeze %dma_start3A_44 : memref<1x640x16xf32, #tpu.memory_space<hbm>> -> memref<640x16xf32, #tpu.memory_space<hbm>>
      %dma_start3A_46 = arith.constant 0 : i32
      %dma_start3A_47 = tpu.memref_slice %arg11[%mul3A_40, %dma_start3A_46] : memref<10240x16xf32, #tpu.memory_space<vmem_shared>> -> memref<640x16xf32, #tpu.memory_space<vmem_shared>>
      tpu.enqueue_dma source(%dma_start3A_47 : memref<640x16xf32, #tpu.memory_space<vmem_shared>>) target(%dma_start3A_45 : memref<640x16xf32, #tpu.memory_space<hbm>>) target_semaphore(%run_scoped3A : memref<!tpu.dma_semaphore, #tpu.memory_space<semaphore_mem>>)
      %dma_wait3A = arith.constant 0 : i32
      %dma_wait3A_48 = tpu.memref_slice %arg6[%arg0, %mul3A_42, %dma_wait3A] : memref<2x10240x16xf32, #tpu.memory_space<hbm>> -> memref<1x640x16xf32, #tpu.memory_space<hbm>>
      %dma_wait3A_49 = tpu.memref_squeeze %dma_wait3A_48 : memref<1x640x16xf32, #tpu.memory_space<hbm>> -> memref<640x16xf32, #tpu.memory_space<hbm>>
      %dma_wait3A_50 = arith.constant 0 : i32
      %dma_wait3A_51 = tpu.memref_slice %arg11[%mul3A_40, %dma_wait3A_50] : memref<10240x16xf32, #tpu.memory_space<vmem_shared>> -> memref<640x16xf32, #tpu.memory_space<vmem_shared>>
      tpu.wait_dma2 semaphore(%run_scoped3A : memref<!tpu.dma_semaphore, #tpu.memory_space<semaphore_mem>>) src(%dma_wait3A_51 : memref<640x16xf32, #tpu.memory_space<vmem_shared>>) dst(%dma_wait3A_49 : memref<640x16xf32, #tpu.memory_space<hbm>>)
      tpu.yield
    }) : () -> ()
    return
  }
}

#map = affine_map<(d0, d1) -> (0, 0)>
#map1 = affine_map<(d0, d1) -> (0, 0, 0)>
module attributes {stable_mosaic.version = 14 : i64} {
  func.func @_agg_body(%arg0: i32, %arg1: i32, %arg2: memref<10240x32xf32, #tpu.memory_space<hbm>>, %arg3: memref<32x80x128xi32, #tpu.memory_space<hbm>>, %arg4: memref<32x80x128xi32, #tpu.memory_space<hbm>>, %arg5: memref<128x32xf32, #tpu.memory_space<hbm>>, %arg6: memref<2x10240x32xf32, #tpu.memory_space<hbm>>, %arg7: memref<80x128xi32, #tpu.memory_space<vmem>>, %arg8: memref<80x128xi32, #tpu.memory_space<vmem>>, %arg9: memref<2x128x32xf32, #tpu.memory_space<vmem>>, %arg10: memref<128x32xf32, #tpu.memory_space<vmem>>, %arg11: memref<10240x32xf32, #tpu.memory_space<vmem_shared>>, %arg12: memref<!tpu.dma_semaphore, #tpu.memory_space<semaphore_mem>>, %arg13: memref<!tpu.dma_semaphore, #tpu.memory_space<semaphore_mem>>) attributes {dimension_semantics = [#tpu.dimension_semantics<core_parallel>, #tpu.dimension_semantics<subcore_parallel>], iteration_bounds = array<i64: 2, 16>, scalar_prefetch = 0 : i64, scratch_operands = 7 : i64, tpu.core_type = #tpu.core_type<sc_vector_subcore>, window_params = [{transform_indices = #map}, {transform_indices = #map1}, {transform_indices = #map1}, {transform_indices = #map}, {transform_indices = #map1}]} {
    %mul3A = arith.constant 16 : i32
    %mul3A_0 = arith.muli %arg0, %mul3A : i32
    %add3A = arith.addi %mul3A_0, %arg1 : i32
    "tpu.region"() ({
      %run_scoped3A = tpu.sem_alloc : memref<!tpu.dma_semaphore, #tpu.memory_space<semaphore_mem>>
      %dma_start3A_43 = arith.constant 0 : i32
      %dma_start3A_44 = arith.constant 0 : i32
      %dma_start3A_45 = tpu.memref_slice %arg3[%add3A, %dma_start3A_43, %dma_start3A_44] : memref<32x80x128xi32, #tpu.memory_space<hbm>> -> memref<1x80x128xi32, #tpu.memory_space<hbm>>
      %dma_start3A_46 = tpu.memref_squeeze %dma_start3A_45 : memref<1x80x128xi32, #tpu.memory_space<hbm>> -> memref<80x128xi32, #tpu.memory_space<hbm>>
      %dma_start3A_47 = arith.constant 0 : i32
      %dma_start3A_48 = arith.constant 0 : i32
      %dma_start3A_49 = tpu.memref_slice %arg3[%add3A, %dma_start3A_47, %dma_start3A_48] : memref<32x80x128xi32, #tpu.memory_space<hbm>> -> memref<1x80x128xi32, #tpu.memory_space<hbm>>
      %dma_start3A_50 = tpu.memref_squeeze %dma_start3A_49 : memref<1x80x128xi32, #tpu.memory_space<hbm>> -> memref<80x128xi32, #tpu.memory_space<hbm>>
      tpu.enqueue_dma source(%dma_start3A_50 : memref<80x128xi32, #tpu.memory_space<hbm>>) target(%arg7 : memref<80x128xi32, #tpu.memory_space<vmem>>) target_semaphore(%run_scoped3A : memref<!tpu.dma_semaphore, #tpu.memory_space<semaphore_mem>>)
      %dma_wait3A = arith.constant 0 : i32
      %dma_wait3A_51 = arith.constant 0 : i32
      %dma_wait3A_52 = tpu.memref_slice %arg3[%add3A, %dma_wait3A, %dma_wait3A_51] : memref<32x80x128xi32, #tpu.memory_space<hbm>> -> memref<1x80x128xi32, #tpu.memory_space<hbm>>
      %dma_wait3A_53 = tpu.memref_squeeze %dma_wait3A_52 : memref<1x80x128xi32, #tpu.memory_space<hbm>> -> memref<80x128xi32, #tpu.memory_space<hbm>>
      %dma_wait3A_54 = arith.constant 0 : i32
      %dma_wait3A_55 = arith.constant 0 : i32
      %dma_wait3A_56 = tpu.memref_slice %arg3[%add3A, %dma_wait3A_54, %dma_wait3A_55] : memref<32x80x128xi32, #tpu.memory_space<hbm>> -> memref<1x80x128xi32, #tpu.memory_space<hbm>>
      %dma_wait3A_57 = tpu.memref_squeeze %dma_wait3A_56 : memref<1x80x128xi32, #tpu.memory_space<hbm>> -> memref<80x128xi32, #tpu.memory_space<hbm>>
      tpu.wait_dma2 semaphore(%run_scoped3A : memref<!tpu.dma_semaphore, #tpu.memory_space<semaphore_mem>>) src(%dma_wait3A_57 : memref<80x128xi32, #tpu.memory_space<hbm>>) dst(%arg7 : memref<80x128xi32, #tpu.memory_space<vmem>>)
      tpu.yield
    }) : () -> ()
    "tpu.region"() ({
      %run_scoped3A = tpu.sem_alloc : memref<!tpu.dma_semaphore, #tpu.memory_space<semaphore_mem>>
      %dma_start3A_43 = arith.constant 0 : i32
      %dma_start3A_44 = arith.constant 0 : i32
      %dma_start3A_45 = tpu.memref_slice %arg4[%add3A, %dma_start3A_43, %dma_start3A_44] : memref<32x80x128xi32, #tpu.memory_space<hbm>> -> memref<1x80x128xi32, #tpu.memory_space<hbm>>
      %dma_start3A_46 = tpu.memref_squeeze %dma_start3A_45 : memref<1x80x128xi32, #tpu.memory_space<hbm>> -> memref<80x128xi32, #tpu.memory_space<hbm>>
      %dma_start3A_47 = arith.constant 0 : i32
      %dma_start3A_48 = arith.constant 0 : i32
      %dma_start3A_49 = tpu.memref_slice %arg4[%add3A, %dma_start3A_47, %dma_start3A_48] : memref<32x80x128xi32, #tpu.memory_space<hbm>> -> memref<1x80x128xi32, #tpu.memory_space<hbm>>
      %dma_start3A_50 = tpu.memref_squeeze %dma_start3A_49 : memref<1x80x128xi32, #tpu.memory_space<hbm>> -> memref<80x128xi32, #tpu.memory_space<hbm>>
      tpu.enqueue_dma source(%dma_start3A_50 : memref<80x128xi32, #tpu.memory_space<hbm>>) target(%arg8 : memref<80x128xi32, #tpu.memory_space<vmem>>) target_semaphore(%run_scoped3A : memref<!tpu.dma_semaphore, #tpu.memory_space<semaphore_mem>>)
      %dma_wait3A = arith.constant 0 : i32
      %dma_wait3A_51 = arith.constant 0 : i32
      %dma_wait3A_52 = tpu.memref_slice %arg4[%add3A, %dma_wait3A, %dma_wait3A_51] : memref<32x80x128xi32, #tpu.memory_space<hbm>> -> memref<1x80x128xi32, #tpu.memory_space<hbm>>
      %dma_wait3A_53 = tpu.memref_squeeze %dma_wait3A_52 : memref<1x80x128xi32, #tpu.memory_space<hbm>> -> memref<80x128xi32, #tpu.memory_space<hbm>>
      %dma_wait3A_54 = arith.constant 0 : i32
      %dma_wait3A_55 = arith.constant 0 : i32
      %dma_wait3A_56 = tpu.memref_slice %arg4[%add3A, %dma_wait3A_54, %dma_wait3A_55] : memref<32x80x128xi32, #tpu.memory_space<hbm>> -> memref<1x80x128xi32, #tpu.memory_space<hbm>>
      %dma_wait3A_57 = tpu.memref_squeeze %dma_wait3A_56 : memref<1x80x128xi32, #tpu.memory_space<hbm>> -> memref<80x128xi32, #tpu.memory_space<hbm>>
      tpu.wait_dma2 semaphore(%run_scoped3A : memref<!tpu.dma_semaphore, #tpu.memory_space<semaphore_mem>>) src(%dma_wait3A_57 : memref<80x128xi32, #tpu.memory_space<hbm>>) dst(%arg8 : memref<80x128xi32, #tpu.memory_space<vmem>>)
      tpu.yield
    }) : () -> ()
    "tpu.region"() ({
      %run_scoped3A = tpu.sem_alloc : memref<!tpu.dma_semaphore, #tpu.memory_space<semaphore_mem>>
      tpu.enqueue_dma source(%arg5 : memref<128x32xf32, #tpu.memory_space<hbm>>) target(%arg10 : memref<128x32xf32, #tpu.memory_space<vmem>>) target_semaphore(%run_scoped3A : memref<!tpu.dma_semaphore, #tpu.memory_space<semaphore_mem>>)
      tpu.wait_dma2 semaphore(%run_scoped3A : memref<!tpu.dma_semaphore, #tpu.memory_space<semaphore_mem>>) src(%arg5 : memref<128x32xf32, #tpu.memory_space<hbm>>) dst(%arg10 : memref<128x32xf32, #tpu.memory_space<vmem>>)
      tpu.yield
    }) : () -> ()
    %mul3A_1 = arith.constant 640 : i32
    %mul3A_2 = arith.muli %arg1, %mul3A_1 : i32
    %add3A_3 = arith.constant 0 : i32
    %add3A_4 = arith.addi %mul3A_2, %add3A_3 : i32
    "tpu.region"() ({
      %run_scoped3A = tpu.sem_alloc : memref<!tpu.dma_semaphore, #tpu.memory_space<semaphore_mem>>
      %dma_start3A_43 = arith.constant 0 : i32
      %dma_start3A_44 = tpu.memref_slice %arg11[%add3A_4, %dma_start3A_43] : memref<10240x32xf32, #tpu.memory_space<vmem_shared>> -> memref<128x32xf32, #tpu.memory_space<vmem_shared>>
      %dma_start3A_45 = arith.constant 0 : i32
      %dma_start3A_46 = tpu.memref_slice %arg11[%add3A_4, %dma_start3A_45] : memref<10240x32xf32, #tpu.memory_space<vmem_shared>> -> memref<128x32xf32, #tpu.memory_space<vmem_shared>>
      tpu.enqueue_dma source(%arg10 : memref<128x32xf32, #tpu.memory_space<vmem>>) target(%dma_start3A_46 : memref<128x32xf32, #tpu.memory_space<vmem_shared>>) target_semaphore(%run_scoped3A : memref<!tpu.dma_semaphore, #tpu.memory_space<semaphore_mem>>)
      %dma_wait3A = arith.constant 0 : i32
      %dma_wait3A_47 = tpu.memref_slice %arg11[%add3A_4, %dma_wait3A] : memref<10240x32xf32, #tpu.memory_space<vmem_shared>> -> memref<128x32xf32, #tpu.memory_space<vmem_shared>>
      %dma_wait3A_48 = arith.constant 0 : i32
      %dma_wait3A_49 = tpu.memref_slice %arg11[%add3A_4, %dma_wait3A_48] : memref<10240x32xf32, #tpu.memory_space<vmem_shared>> -> memref<128x32xf32, #tpu.memory_space<vmem_shared>>
      tpu.wait_dma2 semaphore(%run_scoped3A : memref<!tpu.dma_semaphore, #tpu.memory_space<semaphore_mem>>) src(%arg10 : memref<128x32xf32, #tpu.memory_space<vmem>>) dst(%dma_wait3A_49 : memref<128x32xf32, #tpu.memory_space<vmem_shared>>)
      tpu.yield
    }) : () -> ()
    %mul3A_5 = arith.constant 640 : i32
    %mul3A_6 = arith.muli %arg1, %mul3A_5 : i32
    %add3A_7 = arith.constant 128 : i32
    %add3A_8 = arith.addi %mul3A_6, %add3A_7 : i32
    "tpu.region"() ({
      %run_scoped3A = tpu.sem_alloc : memref<!tpu.dma_semaphore, #tpu.memory_space<semaphore_mem>>
      %dma_start3A_43 = arith.constant 0 : i32
      %dma_start3A_44 = tpu.memref_slice %arg11[%add3A_8, %dma_start3A_43] : memref<10240x32xf32, #tpu.memory_space<vmem_shared>> -> memref<128x32xf32, #tpu.memory_space<vmem_shared>>
      %dma_start3A_45 = arith.constant 0 : i32
      %dma_start3A_46 = tpu.memref_slice %arg11[%add3A_8, %dma_start3A_45] : memref<10240x32xf32, #tpu.memory_space<vmem_shared>> -> memref<128x32xf32, #tpu.memory_space<vmem_shared>>
      tpu.enqueue_dma source(%arg10 : memref<128x32xf32, #tpu.memory_space<vmem>>) target(%dma_start3A_46 : memref<128x32xf32, #tpu.memory_space<vmem_shared>>) target_semaphore(%run_scoped3A : memref<!tpu.dma_semaphore, #tpu.memory_space<semaphore_mem>>)
      %dma_wait3A = arith.constant 0 : i32
      %dma_wait3A_47 = tpu.memref_slice %arg11[%add3A_8, %dma_wait3A] : memref<10240x32xf32, #tpu.memory_space<vmem_shared>> -> memref<128x32xf32, #tpu.memory_space<vmem_shared>>
      %dma_wait3A_48 = arith.constant 0 : i32
      %dma_wait3A_49 = tpu.memref_slice %arg11[%add3A_8, %dma_wait3A_48] : memref<10240x32xf32, #tpu.memory_space<vmem_shared>> -> memref<128x32xf32, #tpu.memory_space<vmem_shared>>
      tpu.wait_dma2 semaphore(%run_scoped3A : memref<!tpu.dma_semaphore, #tpu.memory_space<semaphore_mem>>) src(%arg10 : memref<128x32xf32, #tpu.memory_space<vmem>>) dst(%dma_wait3A_49 : memref<128x32xf32, #tpu.memory_space<vmem_shared>>)
      tpu.yield
    }) : () -> ()
    %mul3A_9 = arith.constant 640 : i32
    %mul3A_10 = arith.muli %arg1, %mul3A_9 : i32
    %add3A_11 = arith.constant 256 : i32
    %add3A_12 = arith.addi %mul3A_10, %add3A_11 : i32
    "tpu.region"() ({
      %run_scoped3A = tpu.sem_alloc : memref<!tpu.dma_semaphore, #tpu.memory_space<semaphore_mem>>
      %dma_start3A_43 = arith.constant 0 : i32
      %dma_start3A_44 = tpu.memref_slice %arg11[%add3A_12, %dma_start3A_43] : memref<10240x32xf32, #tpu.memory_space<vmem_shared>> -> memref<128x32xf32, #tpu.memory_space<vmem_shared>>
      %dma_start3A_45 = arith.constant 0 : i32
      %dma_start3A_46 = tpu.memref_slice %arg11[%add3A_12, %dma_start3A_45] : memref<10240x32xf32, #tpu.memory_space<vmem_shared>> -> memref<128x32xf32, #tpu.memory_space<vmem_shared>>
      tpu.enqueue_dma source(%arg10 : memref<128x32xf32, #tpu.memory_space<vmem>>) target(%dma_start3A_46 : memref<128x32xf32, #tpu.memory_space<vmem_shared>>) target_semaphore(%run_scoped3A : memref<!tpu.dma_semaphore, #tpu.memory_space<semaphore_mem>>)
      %dma_wait3A = arith.constant 0 : i32
      %dma_wait3A_47 = tpu.memref_slice %arg11[%add3A_12, %dma_wait3A] : memref<10240x32xf32, #tpu.memory_space<vmem_shared>> -> memref<128x32xf32, #tpu.memory_space<vmem_shared>>
      %dma_wait3A_48 = arith.constant 0 : i32
      %dma_wait3A_49 = tpu.memref_slice %arg11[%add3A_12, %dma_wait3A_48] : memref<10240x32xf32, #tpu.memory_space<vmem_shared>> -> memref<128x32xf32, #tpu.memory_space<vmem_shared>>
      tpu.wait_dma2 semaphore(%run_scoped3A : memref<!tpu.dma_semaphore, #tpu.memory_space<semaphore_mem>>) src(%arg10 : memref<128x32xf32, #tpu.memory_space<vmem>>) dst(%dma_wait3A_49 : memref<128x32xf32, #tpu.memory_space<vmem_shared>>)
      tpu.yield
    }) : () -> ()
    %mul3A_13 = arith.constant 640 : i32
    %mul3A_14 = arith.muli %arg1, %mul3A_13 : i32
    %add3A_15 = arith.constant 384 : i32
    %add3A_16 = arith.addi %mul3A_14, %add3A_15 : i32
    "tpu.region"() ({
      %run_scoped3A = tpu.sem_alloc : memref<!tpu.dma_semaphore, #tpu.memory_space<semaphore_mem>>
      %dma_start3A_43 = arith.constant 0 : i32
      %dma_start3A_44 = tpu.memref_slice %arg11[%add3A_16, %dma_start3A_43] : memref<10240x32xf32, #tpu.memory_space<vmem_shared>> -> memref<128x32xf32, #tpu.memory_space<vmem_shared>>
      %dma_start3A_45 = arith.constant 0 : i32
      %dma_start3A_46 = tpu.memref_slice %arg11[%add3A_16, %dma_start3A_45] : memref<10240x32xf32, #tpu.memory_space<vmem_shared>> -> memref<128x32xf32, #tpu.memory_space<vmem_shared>>
      tpu.enqueue_dma source(%arg10 : memref<128x32xf32, #tpu.memory_space<vmem>>) target(%dma_start3A_46 : memref<128x32xf32, #tpu.memory_space<vmem_shared>>) target_semaphore(%run_scoped3A : memref<!tpu.dma_semaphore, #tpu.memory_space<semaphore_mem>>)
      %dma_wait3A = arith.constant 0 : i32
      %dma_wait3A_47 = tpu.memref_slice %arg11[%add3A_16, %dma_wait3A] : memref<10240x32xf32, #tpu.memory_space<vmem_shared>> -> memref<128x32xf32, #tpu.memory_space<vmem_shared>>
      %dma_wait3A_48 = arith.constant 0 : i32
      %dma_wait3A_49 = tpu.memref_slice %arg11[%add3A_16, %dma_wait3A_48] : memref<10240x32xf32, #tpu.memory_space<vmem_shared>> -> memref<128x32xf32, #tpu.memory_space<vmem_shared>>
      tpu.wait_dma2 semaphore(%run_scoped3A : memref<!tpu.dma_semaphore, #tpu.memory_space<semaphore_mem>>) src(%arg10 : memref<128x32xf32, #tpu.memory_space<vmem>>) dst(%dma_wait3A_49 : memref<128x32xf32, #tpu.memory_space<vmem_shared>>)
      tpu.yield
    }) : () -> ()
    %mul3A_17 = arith.constant 640 : i32
    %mul3A_18 = arith.muli %arg1, %mul3A_17 : i32
    %add3A_19 = arith.constant 512 : i32
    %add3A_20 = arith.addi %mul3A_18, %add3A_19 : i32
    "tpu.region"() ({
      %run_scoped3A = tpu.sem_alloc : memref<!tpu.dma_semaphore, #tpu.memory_space<semaphore_mem>>
      %dma_start3A_43 = arith.constant 0 : i32
      %dma_start3A_44 = tpu.memref_slice %arg11[%add3A_20, %dma_start3A_43] : memref<10240x32xf32, #tpu.memory_space<vmem_shared>> -> memref<128x32xf32, #tpu.memory_space<vmem_shared>>
      %dma_start3A_45 = arith.constant 0 : i32
      %dma_start3A_46 = tpu.memref_slice %arg11[%add3A_20, %dma_start3A_45] : memref<10240x32xf32, #tpu.memory_space<vmem_shared>> -> memref<128x32xf32, #tpu.memory_space<vmem_shared>>
      tpu.enqueue_dma source(%arg10 : memref<128x32xf32, #tpu.memory_space<vmem>>) target(%dma_start3A_46 : memref<128x32xf32, #tpu.memory_space<vmem_shared>>) target_semaphore(%run_scoped3A : memref<!tpu.dma_semaphore, #tpu.memory_space<semaphore_mem>>)
      %dma_wait3A = arith.constant 0 : i32
      %dma_wait3A_47 = tpu.memref_slice %arg11[%add3A_20, %dma_wait3A] : memref<10240x32xf32, #tpu.memory_space<vmem_shared>> -> memref<128x32xf32, #tpu.memory_space<vmem_shared>>
      %dma_wait3A_48 = arith.constant 0 : i32
      %dma_wait3A_49 = tpu.memref_slice %arg11[%add3A_20, %dma_wait3A_48] : memref<10240x32xf32, #tpu.memory_space<vmem_shared>> -> memref<128x32xf32, #tpu.memory_space<vmem_shared>>
      tpu.wait_dma2 semaphore(%run_scoped3A : memref<!tpu.dma_semaphore, #tpu.memory_space<semaphore_mem>>) src(%arg10 : memref<128x32xf32, #tpu.memory_space<vmem>>) dst(%dma_wait3A_49 : memref<128x32xf32, #tpu.memory_space<vmem_shared>>)
      tpu.yield
    }) : () -> ()
    %barrier3A = arith.constant 0 : index
    tpu.barrier barrier_id(%barrier3A)
    %dma_start3A = arith.constant 0 : i32
    %dma_start3A_21 = arith.constant 0 : i32
    %dma_start3A_22 = arith.constant 0 : i32
    %dma_start3A_23 = arith.constant 0 : i32
    %dma_start3A_24 = tpu.memref_slice %arg9[%dma_start3A_21, %dma_start3A_22, %dma_start3A_23] : memref<2x128x32xf32, #tpu.memory_space<vmem>> -> memref<1x128x32xf32, #tpu.memory_space<vmem>>
    %dma_start3A_25 = tpu.memref_squeeze %dma_start3A_24 : memref<1x128x32xf32, #tpu.memory_space<vmem>> -> memref<128x32xf32, #tpu.memory_space<vmem>>
    %dma_start3A_26 = arith.constant 0 : i32
    %dma_start3A_27 = tpu.memref_slice %arg7[%dma_start3A, %dma_start3A_26] : memref<80x128xi32, #tpu.memory_space<vmem>> -> memref<1x128xi32, #tpu.memory_space<vmem>>
    %dma_start3A_28 = tpu.memref_squeeze %dma_start3A_27 : memref<1x128xi32, #tpu.memory_space<vmem>> -> memref<128xi32, #tpu.memory_space<vmem>>
    %dma_start3A_29 = arith.constant 0 : i32
    %dma_start3A_30 = arith.constant 0 : i32
    %dma_start3A_31 = tpu.memref_slice %arg2[%dma_start3A_29, %dma_start3A_30] : memref<10240x32xf32, #tpu.memory_space<hbm>> -> memref<10240x32xf32, #tpu.memory_space<hbm>>
    tpu.enqueue_indirect_dma source(%dma_start3A_31 : memref<10240x32xf32, #tpu.memory_space<hbm>>) target(%dma_start3A_25 : memref<128x32xf32, #tpu.memory_space<vmem>>) offsets(%dma_start3A_28 : memref<128xi32, #tpu.memory_space<vmem>>) semaphore(%arg12 : memref<!tpu.dma_semaphore, #tpu.memory_space<semaphore_mem>>)
    %scan3A = arith.constant 0 : i32
    %scan3A_32 = arith.constant 0 : i32
    %scan3A_33 = arith.constant 40 : i32
    %scan3A_34 = arith.addi %scan3A_32, %scan3A_33 : i32
    %scan3A_35 = arith.constant 1 : i32
    %scan3A_36 = scf.for %scan3A_43 = %scan3A_32 to %scan3A_34 step %scan3A_35 iter_args(%scan3A_44 = %scan3A) -> (i32)  : i32 {
      %mul3A_45 = arith.constant 2 : i32
      %mul3A_46 = arith.muli %mul3A_45, %scan3A_43 : i32
      %add3A_47 = arith.constant 1 : i32
      %add3A_48 = arith.addi %mul3A_46, %add3A_47 : i32
      %dma_start3A_49 = arith.constant 1 : i32
      %dma_start3A_50 = arith.constant 0 : i32
      %dma_start3A_51 = arith.constant 0 : i32
      %dma_start3A_52 = tpu.memref_slice %arg9[%dma_start3A_49, %dma_start3A_50, %dma_start3A_51] : memref<2x128x32xf32, #tpu.memory_space<vmem>> -> memref<1x128x32xf32, #tpu.memory_space<vmem>>
      %dma_start3A_53 = tpu.memref_squeeze %dma_start3A_52 : memref<1x128x32xf32, #tpu.memory_space<vmem>> -> memref<128x32xf32, #tpu.memory_space<vmem>>
      %dma_start3A_54 = arith.constant 0 : i32
      %dma_start3A_55 = tpu.memref_slice %arg7[%add3A_48, %dma_start3A_54] : memref<80x128xi32, #tpu.memory_space<vmem>> -> memref<1x128xi32, #tpu.memory_space<vmem>>
      %dma_start3A_56 = tpu.memref_squeeze %dma_start3A_55 : memref<1x128xi32, #tpu.memory_space<vmem>> -> memref<128xi32, #tpu.memory_space<vmem>>
      %dma_start3A_57 = arith.constant 0 : i32
      %dma_start3A_58 = arith.constant 0 : i32
      %dma_start3A_59 = tpu.memref_slice %arg2[%dma_start3A_57, %dma_start3A_58] : memref<10240x32xf32, #tpu.memory_space<hbm>> -> memref<10240x32xf32, #tpu.memory_space<hbm>>
      tpu.enqueue_indirect_dma source(%dma_start3A_59 : memref<10240x32xf32, #tpu.memory_space<hbm>>) target(%dma_start3A_53 : memref<128x32xf32, #tpu.memory_space<vmem>>) offsets(%dma_start3A_56 : memref<128xi32, #tpu.memory_space<vmem>>) semaphore(%arg13 : memref<!tpu.dma_semaphore, #tpu.memory_space<semaphore_mem>>)
      %dma_wait3A = arith.constant 0 : i32
      %dma_wait3A_60 = arith.constant 0 : i32
      %dma_wait3A_61 = arith.constant 0 : i32
      %dma_wait3A_62 = tpu.memref_slice %arg9[%dma_wait3A, %dma_wait3A_60, %dma_wait3A_61] : memref<2x128x32xf32, #tpu.memory_space<vmem>> -> memref<1x128x32xf32, #tpu.memory_space<vmem>>
      %dma_wait3A_63 = tpu.memref_squeeze %dma_wait3A_62 : memref<1x128x32xf32, #tpu.memory_space<vmem>> -> memref<128x32xf32, #tpu.memory_space<vmem>>
      %dma_wait3A_64 = arith.constant 0 : i32
      %dma_wait3A_65 = tpu.memref_slice %arg7[%mul3A_46, %dma_wait3A_64] : memref<80x128xi32, #tpu.memory_space<vmem>> -> memref<1x128xi32, #tpu.memory_space<vmem>>
      %dma_wait3A_66 = tpu.memref_squeeze %dma_wait3A_65 : memref<1x128xi32, #tpu.memory_space<vmem>> -> memref<128xi32, #tpu.memory_space<vmem>>
      %dma_wait3A_67 = arith.constant 0 : i32
      %dma_wait3A_68 = arith.constant 0 : i32
      %dma_wait3A_69 = tpu.memref_slice %arg2[%dma_wait3A_67, %dma_wait3A_68] : memref<10240x32xf32, #tpu.memory_space<hbm>> -> memref<10240x32xf32, #tpu.memory_space<hbm>>
      tpu.wait_indirect_dma semaphore(%arg12 : memref<!tpu.dma_semaphore, #tpu.memory_space<semaphore_mem>>) src(%dma_wait3A_69 : memref<10240x32xf32, #tpu.memory_space<hbm>>) dst(%dma_wait3A_63 : memref<128x32xf32, #tpu.memory_space<vmem>>)
      %run_scoped3A = arith.constant 0 : i32
      "tpu.region"() ({
        %run_scoped3A_87 = tpu.sem_alloc : memref<!tpu.dma_semaphore, #tpu.memory_space<semaphore_mem>>
        %dma_start3A_88 = arith.constant 0 : i32
        %dma_start3A_89 = arith.constant 0 : i32
        %dma_start3A_90 = tpu.memref_slice %arg9[%run_scoped3A, %dma_start3A_88, %dma_start3A_89] : memref<2x128x32xf32, #tpu.memory_space<vmem>> -> memref<1x128x32xf32, #tpu.memory_space<vmem>>
        %dma_start3A_91 = tpu.memref_squeeze %dma_start3A_90 : memref<1x128x32xf32, #tpu.memory_space<vmem>> -> memref<128x32xf32, #tpu.memory_space<vmem>>
        %dma_start3A_92 = arith.constant 0 : i32
        %dma_start3A_93 = tpu.memref_slice %arg8[%mul3A_46, %dma_start3A_92] : memref<80x128xi32, #tpu.memory_space<vmem>> -> memref<1x128xi32, #tpu.memory_space<vmem>>
        %dma_start3A_94 = tpu.memref_squeeze %dma_start3A_93 : memref<1x128xi32, #tpu.memory_space<vmem>> -> memref<128xi32, #tpu.memory_space<vmem>>
        %dma_start3A_95 = arith.constant 0 : i32
        %dma_start3A_96 = arith.constant 0 : i32
        %dma_start3A_97 = tpu.memref_slice %arg11[%dma_start3A_95, %dma_start3A_96] : memref<10240x32xf32, #tpu.memory_space<vmem_shared>> -> memref<10240x32xf32, #tpu.memory_space<vmem_shared>>
        tpu.enqueue_indirect_dma source(%dma_start3A_91 : memref<128x32xf32, #tpu.memory_space<vmem>>) target(%dma_start3A_97 : memref<10240x32xf32, #tpu.memory_space<vmem_shared>>) offsets(%dma_start3A_94 : memref<128xi32, #tpu.memory_space<vmem>>) semaphore(%run_scoped3A_87 : memref<!tpu.dma_semaphore, #tpu.memory_space<semaphore_mem>>) {add = true}
        %dma_wait3A_98 = arith.constant 0 : i32
        %dma_wait3A_99 = arith.constant 0 : i32
        %dma_wait3A_100 = tpu.memref_slice %arg9[%run_scoped3A, %dma_wait3A_98, %dma_wait3A_99] : memref<2x128x32xf32, #tpu.memory_space<vmem>> -> memref<1x128x32xf32, #tpu.memory_space<vmem>>
        %dma_wait3A_101 = tpu.memref_squeeze %dma_wait3A_100 : memref<1x128x32xf32, #tpu.memory_space<vmem>> -> memref<128x32xf32, #tpu.memory_space<vmem>>
        %dma_wait3A_102 = arith.constant 0 : i32
        %dma_wait3A_103 = tpu.memref_slice %arg8[%mul3A_46, %dma_wait3A_102] : memref<80x128xi32, #tpu.memory_space<vmem>> -> memref<1x128xi32, #tpu.memory_space<vmem>>
        %dma_wait3A_104 = tpu.memref_squeeze %dma_wait3A_103 : memref<1x128xi32, #tpu.memory_space<vmem>> -> memref<128xi32, #tpu.memory_space<vmem>>
        %dma_wait3A_105 = arith.constant 0 : i32
        %dma_wait3A_106 = arith.constant 0 : i32
        %dma_wait3A_107 = tpu.memref_slice %arg11[%dma_wait3A_105, %dma_wait3A_106] : memref<10240x32xf32, #tpu.memory_space<vmem_shared>> -> memref<10240x32xf32, #tpu.memory_space<vmem_shared>>
        tpu.wait_indirect_dma semaphore(%run_scoped3A_87 : memref<!tpu.dma_semaphore, #tpu.memory_space<semaphore_mem>>) src(%dma_wait3A_101 : memref<128x32xf32, #tpu.memory_space<vmem>>) dst(%dma_wait3A_107 : memref<10240x32xf32, #tpu.memory_space<vmem_shared>>)
        tpu.yield
      }) : () -> ()
      %add3A_70 = arith.constant 1 : i32
      %add3A_71 = arith.addi %scan3A_43, %add3A_70 : i32
      %lt3A = arith.constant 40 : i32
      %lt3A_72 = arith.cmpi slt, %add3A_71, %lt3A : i32
      %convert_element_type3A = arith.extui %lt3A_72 : i1 to i32
      %cond3A = arith.constant 0 : i32
      %cond3A_73 = arith.cmpi ne, %convert_element_type3A, %cond3A : i32
      scf.if %cond3A_73 {
        %add3A_87 = arith.constant 2 : i32
        %add3A_88 = arith.addi %mul3A_46, %add3A_87 : i32
        %dma_start3A_89 = arith.constant 0 : i32
        %dma_start3A_90 = arith.constant 0 : i32
        %dma_start3A_91 = arith.constant 0 : i32
        %dma_start3A_92 = tpu.memref_slice %arg9[%dma_start3A_89, %dma_start3A_90, %dma_start3A_91] : memref<2x128x32xf32, #tpu.memory_space<vmem>> -> memref<1x128x32xf32, #tpu.memory_space<vmem>>
        %dma_start3A_93 = tpu.memref_squeeze %dma_start3A_92 : memref<1x128x32xf32, #tpu.memory_space<vmem>> -> memref<128x32xf32, #tpu.memory_space<vmem>>
        %dma_start3A_94 = arith.constant 0 : i32
        %dma_start3A_95 = tpu.memref_slice %arg7[%add3A_88, %dma_start3A_94] : memref<80x128xi32, #tpu.memory_space<vmem>> -> memref<1x128xi32, #tpu.memory_space<vmem>>
        %dma_start3A_96 = tpu.memref_squeeze %dma_start3A_95 : memref<1x128xi32, #tpu.memory_space<vmem>> -> memref<128xi32, #tpu.memory_space<vmem>>
        %dma_start3A_97 = arith.constant 0 : i32
        %dma_start3A_98 = arith.constant 0 : i32
        %dma_start3A_99 = tpu.memref_slice %arg2[%dma_start3A_97, %dma_start3A_98] : memref<10240x32xf32, #tpu.memory_space<hbm>> -> memref<10240x32xf32, #tpu.memory_space<hbm>>
        tpu.enqueue_indirect_dma source(%dma_start3A_99 : memref<10240x32xf32, #tpu.memory_space<hbm>>) target(%dma_start3A_93 : memref<128x32xf32, #tpu.memory_space<vmem>>) offsets(%dma_start3A_96 : memref<128xi32, #tpu.memory_space<vmem>>) semaphore(%arg12 : memref<!tpu.dma_semaphore, #tpu.memory_space<semaphore_mem>>)
      } else {
      }
      %dma_wait3A_74 = arith.constant 1 : i32
      %dma_wait3A_75 = arith.constant 0 : i32
      %dma_wait3A_76 = arith.constant 0 : i32
      %dma_wait3A_77 = tpu.memref_slice %arg9[%dma_wait3A_74, %dma_wait3A_75, %dma_wait3A_76] : memref<2x128x32xf32, #tpu.memory_space<vmem>> -> memref<1x128x32xf32, #tpu.memory_space<vmem>>
      %dma_wait3A_78 = tpu.memref_squeeze %dma_wait3A_77 : memref<1x128x32xf32, #tpu.memory_space<vmem>> -> memref<128x32xf32, #tpu.memory_space<vmem>>
      %dma_wait3A_79 = arith.constant 0 : i32
      %dma_wait3A_80 = tpu.memref_slice %arg7[%add3A_48, %dma_wait3A_79] : memref<80x128xi32, #tpu.memory_space<vmem>> -> memref<1x128xi32, #tpu.memory_space<vmem>>
      %dma_wait3A_81 = tpu.memref_squeeze %dma_wait3A_80 : memref<1x128xi32, #tpu.memory_space<vmem>> -> memref<128xi32, #tpu.memory_space<vmem>>
      %dma_wait3A_82 = arith.constant 0 : i32
      %dma_wait3A_83 = arith.constant 0 : i32
      %dma_wait3A_84 = tpu.memref_slice %arg2[%dma_wait3A_82, %dma_wait3A_83] : memref<10240x32xf32, #tpu.memory_space<hbm>> -> memref<10240x32xf32, #tpu.memory_space<hbm>>
      tpu.wait_indirect_dma semaphore(%arg13 : memref<!tpu.dma_semaphore, #tpu.memory_space<semaphore_mem>>) src(%dma_wait3A_84 : memref<10240x32xf32, #tpu.memory_space<hbm>>) dst(%dma_wait3A_78 : memref<128x32xf32, #tpu.memory_space<vmem>>)
      %run_scoped3A_85 = arith.constant 1 : i32
      "tpu.region"() ({
        %run_scoped3A_87 = tpu.sem_alloc : memref<!tpu.dma_semaphore, #tpu.memory_space<semaphore_mem>>
        %dma_start3A_88 = arith.constant 0 : i32
        %dma_start3A_89 = arith.constant 0 : i32
        %dma_start3A_90 = tpu.memref_slice %arg9[%run_scoped3A_85, %dma_start3A_88, %dma_start3A_89] : memref<2x128x32xf32, #tpu.memory_space<vmem>> -> memref<1x128x32xf32, #tpu.memory_space<vmem>>
        %dma_start3A_91 = tpu.memref_squeeze %dma_start3A_90 : memref<1x128x32xf32, #tpu.memory_space<vmem>> -> memref<128x32xf32, #tpu.memory_space<vmem>>
        %dma_start3A_92 = arith.constant 0 : i32
        %dma_start3A_93 = tpu.memref_slice %arg8[%add3A_48, %dma_start3A_92] : memref<80x128xi32, #tpu.memory_space<vmem>> -> memref<1x128xi32, #tpu.memory_space<vmem>>
        %dma_start3A_94 = tpu.memref_squeeze %dma_start3A_93 : memref<1x128xi32, #tpu.memory_space<vmem>> -> memref<128xi32, #tpu.memory_space<vmem>>
        %dma_start3A_95 = arith.constant 0 : i32
        %dma_start3A_96 = arith.constant 0 : i32
        %dma_start3A_97 = tpu.memref_slice %arg11[%dma_start3A_95, %dma_start3A_96] : memref<10240x32xf32, #tpu.memory_space<vmem_shared>> -> memref<10240x32xf32, #tpu.memory_space<vmem_shared>>
        tpu.enqueue_indirect_dma source(%dma_start3A_91 : memref<128x32xf32, #tpu.memory_space<vmem>>) target(%dma_start3A_97 : memref<10240x32xf32, #tpu.memory_space<vmem_shared>>) offsets(%dma_start3A_94 : memref<128xi32, #tpu.memory_space<vmem>>) semaphore(%run_scoped3A_87 : memref<!tpu.dma_semaphore, #tpu.memory_space<semaphore_mem>>) {add = true}
        %dma_wait3A_98 = arith.constant 0 : i32
        %dma_wait3A_99 = arith.constant 0 : i32
        %dma_wait3A_100 = tpu.memref_slice %arg9[%run_scoped3A_85, %dma_wait3A_98, %dma_wait3A_99] : memref<2x128x32xf32, #tpu.memory_space<vmem>> -> memref<1x128x32xf32, #tpu.memory_space<vmem>>
        %dma_wait3A_101 = tpu.memref_squeeze %dma_wait3A_100 : memref<1x128x32xf32, #tpu.memory_space<vmem>> -> memref<128x32xf32, #tpu.memory_space<vmem>>
        %dma_wait3A_102 = arith.constant 0 : i32
        %dma_wait3A_103 = tpu.memref_slice %arg8[%add3A_48, %dma_wait3A_102] : memref<80x128xi32, #tpu.memory_space<vmem>> -> memref<1x128xi32, #tpu.memory_space<vmem>>
        %dma_wait3A_104 = tpu.memref_squeeze %dma_wait3A_103 : memref<1x128xi32, #tpu.memory_space<vmem>> -> memref<128xi32, #tpu.memory_space<vmem>>
        %dma_wait3A_105 = arith.constant 0 : i32
        %dma_wait3A_106 = arith.constant 0 : i32
        %dma_wait3A_107 = tpu.memref_slice %arg11[%dma_wait3A_105, %dma_wait3A_106] : memref<10240x32xf32, #tpu.memory_space<vmem_shared>> -> memref<10240x32xf32, #tpu.memory_space<vmem_shared>>
        tpu.wait_indirect_dma semaphore(%run_scoped3A_87 : memref<!tpu.dma_semaphore, #tpu.memory_space<semaphore_mem>>) src(%dma_wait3A_101 : memref<128x32xf32, #tpu.memory_space<vmem>>) dst(%dma_wait3A_107 : memref<10240x32xf32, #tpu.memory_space<vmem_shared>>)
        tpu.yield
      }) : () -> ()
      %scan3A_86 = arith.constant 0 : i32
      scf.yield %scan3A_86 : i32
    }
    %scan3A_37 = arith.constant 40 : i32
    %barrier3A_38 = arith.constant 0 : index
    tpu.barrier barrier_id(%barrier3A_38)
    %mul3A_39 = arith.constant 640 : i32
    %mul3A_40 = arith.muli %arg1, %mul3A_39 : i32
    %mul3A_41 = arith.constant 640 : i32
    %mul3A_42 = arith.muli %arg1, %mul3A_41 : i32
    "tpu.region"() ({
      %run_scoped3A = tpu.sem_alloc : memref<!tpu.dma_semaphore, #tpu.memory_space<semaphore_mem>>
      %dma_start3A_43 = arith.constant 0 : i32
      %dma_start3A_44 = tpu.memref_slice %arg6[%arg0, %mul3A_42, %dma_start3A_43] : memref<2x10240x32xf32, #tpu.memory_space<hbm>> -> memref<1x640x32xf32, #tpu.memory_space<hbm>>
      %dma_start3A_45 = tpu.memref_squeeze %dma_start3A_44 : memref<1x640x32xf32, #tpu.memory_space<hbm>> -> memref<640x32xf32, #tpu.memory_space<hbm>>
      %dma_start3A_46 = arith.constant 0 : i32
      %dma_start3A_47 = tpu.memref_slice %arg11[%mul3A_40, %dma_start3A_46] : memref<10240x32xf32, #tpu.memory_space<vmem_shared>> -> memref<640x32xf32, #tpu.memory_space<vmem_shared>>
      tpu.enqueue_dma source(%dma_start3A_47 : memref<640x32xf32, #tpu.memory_space<vmem_shared>>) target(%dma_start3A_45 : memref<640x32xf32, #tpu.memory_space<hbm>>) target_semaphore(%run_scoped3A : memref<!tpu.dma_semaphore, #tpu.memory_space<semaphore_mem>>)
      %dma_wait3A = arith.constant 0 : i32
      %dma_wait3A_48 = tpu.memref_slice %arg6[%arg0, %mul3A_42, %dma_wait3A] : memref<2x10240x32xf32, #tpu.memory_space<hbm>> -> memref<1x640x32xf32, #tpu.memory_space<hbm>>
      %dma_wait3A_49 = tpu.memref_squeeze %dma_wait3A_48 : memref<1x640x32xf32, #tpu.memory_space<hbm>> -> memref<640x32xf32, #tpu.memory_space<hbm>>
      %dma_wait3A_50 = arith.constant 0 : i32
      %dma_wait3A_51 = tpu.memref_slice %arg11[%mul3A_40, %dma_wait3A_50] : memref<10240x32xf32, #tpu.memory_space<vmem_shared>> -> memref<640x32xf32, #tpu.memory_space<vmem_shared>>
      tpu.wait_dma2 semaphore(%run_scoped3A : memref<!tpu.dma_semaphore, #tpu.memory_space<semaphore_mem>>) src(%dma_wait3A_51 : memref<640x32xf32, #tpu.memory_space<vmem_shared>>) dst(%dma_wait3A_49 : memref<640x32xf32, #tpu.memory_space<hbm>>)
      tpu.yield
    }) : () -> ()
    return
  }
}

#map = affine_map<(d0, d1) -> (0, 0)>
#map1 = affine_map<(d0, d1) -> (0, 0, 0)>
module attributes {stable_mosaic.version = 14 : i64} {
  func.func @_agg_body(%arg0: i32, %arg1: i32, %arg2: memref<10240x96xf32, #tpu.memory_space<hbm>>, %arg3: memref<32x80x128xi32, #tpu.memory_space<hbm>>, %arg4: memref<32x80x128xi32, #tpu.memory_space<hbm>>, %arg5: memref<128x96xf32, #tpu.memory_space<hbm>>, %arg6: memref<2x10240x96xf32, #tpu.memory_space<hbm>>, %arg7: memref<80x128xi32, #tpu.memory_space<vmem>>, %arg8: memref<80x128xi32, #tpu.memory_space<vmem>>, %arg9: memref<2x128x96xf32, #tpu.memory_space<vmem>>, %arg10: memref<128x96xf32, #tpu.memory_space<vmem>>, %arg11: memref<10240x96xf32, #tpu.memory_space<vmem_shared>>, %arg12: memref<!tpu.dma_semaphore, #tpu.memory_space<semaphore_mem>>, %arg13: memref<!tpu.dma_semaphore, #tpu.memory_space<semaphore_mem>>) attributes {dimension_semantics = [#tpu.dimension_semantics<core_parallel>, #tpu.dimension_semantics<subcore_parallel>], iteration_bounds = array<i64: 2, 16>, scalar_prefetch = 0 : i64, scratch_operands = 7 : i64, tpu.core_type = #tpu.core_type<sc_vector_subcore>, window_params = [{transform_indices = #map}, {transform_indices = #map1}, {transform_indices = #map1}, {transform_indices = #map}, {transform_indices = #map1}]} {
    %mul3A = arith.constant 16 : i32
    %mul3A_0 = arith.muli %arg0, %mul3A : i32
    %add3A = arith.addi %mul3A_0, %arg1 : i32
    "tpu.region"() ({
      %run_scoped3A = tpu.sem_alloc : memref<!tpu.dma_semaphore, #tpu.memory_space<semaphore_mem>>
      %dma_start3A_43 = arith.constant 0 : i32
      %dma_start3A_44 = arith.constant 0 : i32
      %dma_start3A_45 = tpu.memref_slice %arg3[%add3A, %dma_start3A_43, %dma_start3A_44] : memref<32x80x128xi32, #tpu.memory_space<hbm>> -> memref<1x80x128xi32, #tpu.memory_space<hbm>>
      %dma_start3A_46 = tpu.memref_squeeze %dma_start3A_45 : memref<1x80x128xi32, #tpu.memory_space<hbm>> -> memref<80x128xi32, #tpu.memory_space<hbm>>
      %dma_start3A_47 = arith.constant 0 : i32
      %dma_start3A_48 = arith.constant 0 : i32
      %dma_start3A_49 = tpu.memref_slice %arg3[%add3A, %dma_start3A_47, %dma_start3A_48] : memref<32x80x128xi32, #tpu.memory_space<hbm>> -> memref<1x80x128xi32, #tpu.memory_space<hbm>>
      %dma_start3A_50 = tpu.memref_squeeze %dma_start3A_49 : memref<1x80x128xi32, #tpu.memory_space<hbm>> -> memref<80x128xi32, #tpu.memory_space<hbm>>
      tpu.enqueue_dma source(%dma_start3A_50 : memref<80x128xi32, #tpu.memory_space<hbm>>) target(%arg7 : memref<80x128xi32, #tpu.memory_space<vmem>>) target_semaphore(%run_scoped3A : memref<!tpu.dma_semaphore, #tpu.memory_space<semaphore_mem>>)
      %dma_wait3A = arith.constant 0 : i32
      %dma_wait3A_51 = arith.constant 0 : i32
      %dma_wait3A_52 = tpu.memref_slice %arg3[%add3A, %dma_wait3A, %dma_wait3A_51] : memref<32x80x128xi32, #tpu.memory_space<hbm>> -> memref<1x80x128xi32, #tpu.memory_space<hbm>>
      %dma_wait3A_53 = tpu.memref_squeeze %dma_wait3A_52 : memref<1x80x128xi32, #tpu.memory_space<hbm>> -> memref<80x128xi32, #tpu.memory_space<hbm>>
      %dma_wait3A_54 = arith.constant 0 : i32
      %dma_wait3A_55 = arith.constant 0 : i32
      %dma_wait3A_56 = tpu.memref_slice %arg3[%add3A, %dma_wait3A_54, %dma_wait3A_55] : memref<32x80x128xi32, #tpu.memory_space<hbm>> -> memref<1x80x128xi32, #tpu.memory_space<hbm>>
      %dma_wait3A_57 = tpu.memref_squeeze %dma_wait3A_56 : memref<1x80x128xi32, #tpu.memory_space<hbm>> -> memref<80x128xi32, #tpu.memory_space<hbm>>
      tpu.wait_dma2 semaphore(%run_scoped3A : memref<!tpu.dma_semaphore, #tpu.memory_space<semaphore_mem>>) src(%dma_wait3A_57 : memref<80x128xi32, #tpu.memory_space<hbm>>) dst(%arg7 : memref<80x128xi32, #tpu.memory_space<vmem>>)
      tpu.yield
    }) : () -> ()
    "tpu.region"() ({
      %run_scoped3A = tpu.sem_alloc : memref<!tpu.dma_semaphore, #tpu.memory_space<semaphore_mem>>
      %dma_start3A_43 = arith.constant 0 : i32
      %dma_start3A_44 = arith.constant 0 : i32
      %dma_start3A_45 = tpu.memref_slice %arg4[%add3A, %dma_start3A_43, %dma_start3A_44] : memref<32x80x128xi32, #tpu.memory_space<hbm>> -> memref<1x80x128xi32, #tpu.memory_space<hbm>>
      %dma_start3A_46 = tpu.memref_squeeze %dma_start3A_45 : memref<1x80x128xi32, #tpu.memory_space<hbm>> -> memref<80x128xi32, #tpu.memory_space<hbm>>
      %dma_start3A_47 = arith.constant 0 : i32
      %dma_start3A_48 = arith.constant 0 : i32
      %dma_start3A_49 = tpu.memref_slice %arg4[%add3A, %dma_start3A_47, %dma_start3A_48] : memref<32x80x128xi32, #tpu.memory_space<hbm>> -> memref<1x80x128xi32, #tpu.memory_space<hbm>>
      %dma_start3A_50 = tpu.memref_squeeze %dma_start3A_49 : memref<1x80x128xi32, #tpu.memory_space<hbm>> -> memref<80x128xi32, #tpu.memory_space<hbm>>
      tpu.enqueue_dma source(%dma_start3A_50 : memref<80x128xi32, #tpu.memory_space<hbm>>) target(%arg8 : memref<80x128xi32, #tpu.memory_space<vmem>>) target_semaphore(%run_scoped3A : memref<!tpu.dma_semaphore, #tpu.memory_space<semaphore_mem>>)
      %dma_wait3A = arith.constant 0 : i32
      %dma_wait3A_51 = arith.constant 0 : i32
      %dma_wait3A_52 = tpu.memref_slice %arg4[%add3A, %dma_wait3A, %dma_wait3A_51] : memref<32x80x128xi32, #tpu.memory_space<hbm>> -> memref<1x80x128xi32, #tpu.memory_space<hbm>>
      %dma_wait3A_53 = tpu.memref_squeeze %dma_wait3A_52 : memref<1x80x128xi32, #tpu.memory_space<hbm>> -> memref<80x128xi32, #tpu.memory_space<hbm>>
      %dma_wait3A_54 = arith.constant 0 : i32
      %dma_wait3A_55 = arith.constant 0 : i32
      %dma_wait3A_56 = tpu.memref_slice %arg4[%add3A, %dma_wait3A_54, %dma_wait3A_55] : memref<32x80x128xi32, #tpu.memory_space<hbm>> -> memref<1x80x128xi32, #tpu.memory_space<hbm>>
      %dma_wait3A_57 = tpu.memref_squeeze %dma_wait3A_56 : memref<1x80x128xi32, #tpu.memory_space<hbm>> -> memref<80x128xi32, #tpu.memory_space<hbm>>
      tpu.wait_dma2 semaphore(%run_scoped3A : memref<!tpu.dma_semaphore, #tpu.memory_space<semaphore_mem>>) src(%dma_wait3A_57 : memref<80x128xi32, #tpu.memory_space<hbm>>) dst(%arg8 : memref<80x128xi32, #tpu.memory_space<vmem>>)
      tpu.yield
    }) : () -> ()
    "tpu.region"() ({
      %run_scoped3A = tpu.sem_alloc : memref<!tpu.dma_semaphore, #tpu.memory_space<semaphore_mem>>
      tpu.enqueue_dma source(%arg5 : memref<128x96xf32, #tpu.memory_space<hbm>>) target(%arg10 : memref<128x96xf32, #tpu.memory_space<vmem>>) target_semaphore(%run_scoped3A : memref<!tpu.dma_semaphore, #tpu.memory_space<semaphore_mem>>)
      tpu.wait_dma2 semaphore(%run_scoped3A : memref<!tpu.dma_semaphore, #tpu.memory_space<semaphore_mem>>) src(%arg5 : memref<128x96xf32, #tpu.memory_space<hbm>>) dst(%arg10 : memref<128x96xf32, #tpu.memory_space<vmem>>)
      tpu.yield
    }) : () -> ()
    %mul3A_1 = arith.constant 640 : i32
    %mul3A_2 = arith.muli %arg1, %mul3A_1 : i32
    %add3A_3 = arith.constant 0 : i32
    %add3A_4 = arith.addi %mul3A_2, %add3A_3 : i32
    "tpu.region"() ({
      %run_scoped3A = tpu.sem_alloc : memref<!tpu.dma_semaphore, #tpu.memory_space<semaphore_mem>>
      %dma_start3A_43 = arith.constant 0 : i32
      %dma_start3A_44 = tpu.memref_slice %arg11[%add3A_4, %dma_start3A_43] : memref<10240x96xf32, #tpu.memory_space<vmem_shared>> -> memref<128x96xf32, #tpu.memory_space<vmem_shared>>
      %dma_start3A_45 = arith.constant 0 : i32
      %dma_start3A_46 = tpu.memref_slice %arg11[%add3A_4, %dma_start3A_45] : memref<10240x96xf32, #tpu.memory_space<vmem_shared>> -> memref<128x96xf32, #tpu.memory_space<vmem_shared>>
      tpu.enqueue_dma source(%arg10 : memref<128x96xf32, #tpu.memory_space<vmem>>) target(%dma_start3A_46 : memref<128x96xf32, #tpu.memory_space<vmem_shared>>) target_semaphore(%run_scoped3A : memref<!tpu.dma_semaphore, #tpu.memory_space<semaphore_mem>>)
      %dma_wait3A = arith.constant 0 : i32
      %dma_wait3A_47 = tpu.memref_slice %arg11[%add3A_4, %dma_wait3A] : memref<10240x96xf32, #tpu.memory_space<vmem_shared>> -> memref<128x96xf32, #tpu.memory_space<vmem_shared>>
      %dma_wait3A_48 = arith.constant 0 : i32
      %dma_wait3A_49 = tpu.memref_slice %arg11[%add3A_4, %dma_wait3A_48] : memref<10240x96xf32, #tpu.memory_space<vmem_shared>> -> memref<128x96xf32, #tpu.memory_space<vmem_shared>>
      tpu.wait_dma2 semaphore(%run_scoped3A : memref<!tpu.dma_semaphore, #tpu.memory_space<semaphore_mem>>) src(%arg10 : memref<128x96xf32, #tpu.memory_space<vmem>>) dst(%dma_wait3A_49 : memref<128x96xf32, #tpu.memory_space<vmem_shared>>)
      tpu.yield
    }) : () -> ()
    %mul3A_5 = arith.constant 640 : i32
    %mul3A_6 = arith.muli %arg1, %mul3A_5 : i32
    %add3A_7 = arith.constant 128 : i32
    %add3A_8 = arith.addi %mul3A_6, %add3A_7 : i32
    "tpu.region"() ({
      %run_scoped3A = tpu.sem_alloc : memref<!tpu.dma_semaphore, #tpu.memory_space<semaphore_mem>>
      %dma_start3A_43 = arith.constant 0 : i32
      %dma_start3A_44 = tpu.memref_slice %arg11[%add3A_8, %dma_start3A_43] : memref<10240x96xf32, #tpu.memory_space<vmem_shared>> -> memref<128x96xf32, #tpu.memory_space<vmem_shared>>
      %dma_start3A_45 = arith.constant 0 : i32
      %dma_start3A_46 = tpu.memref_slice %arg11[%add3A_8, %dma_start3A_45] : memref<10240x96xf32, #tpu.memory_space<vmem_shared>> -> memref<128x96xf32, #tpu.memory_space<vmem_shared>>
      tpu.enqueue_dma source(%arg10 : memref<128x96xf32, #tpu.memory_space<vmem>>) target(%dma_start3A_46 : memref<128x96xf32, #tpu.memory_space<vmem_shared>>) target_semaphore(%run_scoped3A : memref<!tpu.dma_semaphore, #tpu.memory_space<semaphore_mem>>)
      %dma_wait3A = arith.constant 0 : i32
      %dma_wait3A_47 = tpu.memref_slice %arg11[%add3A_8, %dma_wait3A] : memref<10240x96xf32, #tpu.memory_space<vmem_shared>> -> memref<128x96xf32, #tpu.memory_space<vmem_shared>>
      %dma_wait3A_48 = arith.constant 0 : i32
      %dma_wait3A_49 = tpu.memref_slice %arg11[%add3A_8, %dma_wait3A_48] : memref<10240x96xf32, #tpu.memory_space<vmem_shared>> -> memref<128x96xf32, #tpu.memory_space<vmem_shared>>
      tpu.wait_dma2 semaphore(%run_scoped3A : memref<!tpu.dma_semaphore, #tpu.memory_space<semaphore_mem>>) src(%arg10 : memref<128x96xf32, #tpu.memory_space<vmem>>) dst(%dma_wait3A_49 : memref<128x96xf32, #tpu.memory_space<vmem_shared>>)
      tpu.yield
    }) : () -> ()
    %mul3A_9 = arith.constant 640 : i32
    %mul3A_10 = arith.muli %arg1, %mul3A_9 : i32
    %add3A_11 = arith.constant 256 : i32
    %add3A_12 = arith.addi %mul3A_10, %add3A_11 : i32
    "tpu.region"() ({
      %run_scoped3A = tpu.sem_alloc : memref<!tpu.dma_semaphore, #tpu.memory_space<semaphore_mem>>
      %dma_start3A_43 = arith.constant 0 : i32
      %dma_start3A_44 = tpu.memref_slice %arg11[%add3A_12, %dma_start3A_43] : memref<10240x96xf32, #tpu.memory_space<vmem_shared>> -> memref<128x96xf32, #tpu.memory_space<vmem_shared>>
      %dma_start3A_45 = arith.constant 0 : i32
      %dma_start3A_46 = tpu.memref_slice %arg11[%add3A_12, %dma_start3A_45] : memref<10240x96xf32, #tpu.memory_space<vmem_shared>> -> memref<128x96xf32, #tpu.memory_space<vmem_shared>>
      tpu.enqueue_dma source(%arg10 : memref<128x96xf32, #tpu.memory_space<vmem>>) target(%dma_start3A_46 : memref<128x96xf32, #tpu.memory_space<vmem_shared>>) target_semaphore(%run_scoped3A : memref<!tpu.dma_semaphore, #tpu.memory_space<semaphore_mem>>)
      %dma_wait3A = arith.constant 0 : i32
      %dma_wait3A_47 = tpu.memref_slice %arg11[%add3A_12, %dma_wait3A] : memref<10240x96xf32, #tpu.memory_space<vmem_shared>> -> memref<128x96xf32, #tpu.memory_space<vmem_shared>>
      %dma_wait3A_48 = arith.constant 0 : i32
      %dma_wait3A_49 = tpu.memref_slice %arg11[%add3A_12, %dma_wait3A_48] : memref<10240x96xf32, #tpu.memory_space<vmem_shared>> -> memref<128x96xf32, #tpu.memory_space<vmem_shared>>
      tpu.wait_dma2 semaphore(%run_scoped3A : memref<!tpu.dma_semaphore, #tpu.memory_space<semaphore_mem>>) src(%arg10 : memref<128x96xf32, #tpu.memory_space<vmem>>) dst(%dma_wait3A_49 : memref<128x96xf32, #tpu.memory_space<vmem_shared>>)
      tpu.yield
    }) : () -> ()
    %mul3A_13 = arith.constant 640 : i32
    %mul3A_14 = arith.muli %arg1, %mul3A_13 : i32
    %add3A_15 = arith.constant 384 : i32
    %add3A_16 = arith.addi %mul3A_14, %add3A_15 : i32
    "tpu.region"() ({
      %run_scoped3A = tpu.sem_alloc : memref<!tpu.dma_semaphore, #tpu.memory_space<semaphore_mem>>
      %dma_start3A_43 = arith.constant 0 : i32
      %dma_start3A_44 = tpu.memref_slice %arg11[%add3A_16, %dma_start3A_43] : memref<10240x96xf32, #tpu.memory_space<vmem_shared>> -> memref<128x96xf32, #tpu.memory_space<vmem_shared>>
      %dma_start3A_45 = arith.constant 0 : i32
      %dma_start3A_46 = tpu.memref_slice %arg11[%add3A_16, %dma_start3A_45] : memref<10240x96xf32, #tpu.memory_space<vmem_shared>> -> memref<128x96xf32, #tpu.memory_space<vmem_shared>>
      tpu.enqueue_dma source(%arg10 : memref<128x96xf32, #tpu.memory_space<vmem>>) target(%dma_start3A_46 : memref<128x96xf32, #tpu.memory_space<vmem_shared>>) target_semaphore(%run_scoped3A : memref<!tpu.dma_semaphore, #tpu.memory_space<semaphore_mem>>)
      %dma_wait3A = arith.constant 0 : i32
      %dma_wait3A_47 = tpu.memref_slice %arg11[%add3A_16, %dma_wait3A] : memref<10240x96xf32, #tpu.memory_space<vmem_shared>> -> memref<128x96xf32, #tpu.memory_space<vmem_shared>>
      %dma_wait3A_48 = arith.constant 0 : i32
      %dma_wait3A_49 = tpu.memref_slice %arg11[%add3A_16, %dma_wait3A_48] : memref<10240x96xf32, #tpu.memory_space<vmem_shared>> -> memref<128x96xf32, #tpu.memory_space<vmem_shared>>
      tpu.wait_dma2 semaphore(%run_scoped3A : memref<!tpu.dma_semaphore, #tpu.memory_space<semaphore_mem>>) src(%arg10 : memref<128x96xf32, #tpu.memory_space<vmem>>) dst(%dma_wait3A_49 : memref<128x96xf32, #tpu.memory_space<vmem_shared>>)
      tpu.yield
    }) : () -> ()
    %mul3A_17 = arith.constant 640 : i32
    %mul3A_18 = arith.muli %arg1, %mul3A_17 : i32
    %add3A_19 = arith.constant 512 : i32
    %add3A_20 = arith.addi %mul3A_18, %add3A_19 : i32
    "tpu.region"() ({
      %run_scoped3A = tpu.sem_alloc : memref<!tpu.dma_semaphore, #tpu.memory_space<semaphore_mem>>
      %dma_start3A_43 = arith.constant 0 : i32
      %dma_start3A_44 = tpu.memref_slice %arg11[%add3A_20, %dma_start3A_43] : memref<10240x96xf32, #tpu.memory_space<vmem_shared>> -> memref<128x96xf32, #tpu.memory_space<vmem_shared>>
      %dma_start3A_45 = arith.constant 0 : i32
      %dma_start3A_46 = tpu.memref_slice %arg11[%add3A_20, %dma_start3A_45] : memref<10240x96xf32, #tpu.memory_space<vmem_shared>> -> memref<128x96xf32, #tpu.memory_space<vmem_shared>>
      tpu.enqueue_dma source(%arg10 : memref<128x96xf32, #tpu.memory_space<vmem>>) target(%dma_start3A_46 : memref<128x96xf32, #tpu.memory_space<vmem_shared>>) target_semaphore(%run_scoped3A : memref<!tpu.dma_semaphore, #tpu.memory_space<semaphore_mem>>)
      %dma_wait3A = arith.constant 0 : i32
      %dma_wait3A_47 = tpu.memref_slice %arg11[%add3A_20, %dma_wait3A] : memref<10240x96xf32, #tpu.memory_space<vmem_shared>> -> memref<128x96xf32, #tpu.memory_space<vmem_shared>>
      %dma_wait3A_48 = arith.constant 0 : i32
      %dma_wait3A_49 = tpu.memref_slice %arg11[%add3A_20, %dma_wait3A_48] : memref<10240x96xf32, #tpu.memory_space<vmem_shared>> -> memref<128x96xf32, #tpu.memory_space<vmem_shared>>
      tpu.wait_dma2 semaphore(%run_scoped3A : memref<!tpu.dma_semaphore, #tpu.memory_space<semaphore_mem>>) src(%arg10 : memref<128x96xf32, #tpu.memory_space<vmem>>) dst(%dma_wait3A_49 : memref<128x96xf32, #tpu.memory_space<vmem_shared>>)
      tpu.yield
    }) : () -> ()
    %barrier3A = arith.constant 0 : index
    tpu.barrier barrier_id(%barrier3A)
    %dma_start3A = arith.constant 0 : i32
    %dma_start3A_21 = arith.constant 0 : i32
    %dma_start3A_22 = arith.constant 0 : i32
    %dma_start3A_23 = arith.constant 0 : i32
    %dma_start3A_24 = tpu.memref_slice %arg9[%dma_start3A_21, %dma_start3A_22, %dma_start3A_23] : memref<2x128x96xf32, #tpu.memory_space<vmem>> -> memref<1x128x96xf32, #tpu.memory_space<vmem>>
    %dma_start3A_25 = tpu.memref_squeeze %dma_start3A_24 : memref<1x128x96xf32, #tpu.memory_space<vmem>> -> memref<128x96xf32, #tpu.memory_space<vmem>>
    %dma_start3A_26 = arith.constant 0 : i32
    %dma_start3A_27 = tpu.memref_slice %arg7[%dma_start3A, %dma_start3A_26] : memref<80x128xi32, #tpu.memory_space<vmem>> -> memref<1x128xi32, #tpu.memory_space<vmem>>
    %dma_start3A_28 = tpu.memref_squeeze %dma_start3A_27 : memref<1x128xi32, #tpu.memory_space<vmem>> -> memref<128xi32, #tpu.memory_space<vmem>>
    %dma_start3A_29 = arith.constant 0 : i32
    %dma_start3A_30 = arith.constant 0 : i32
    %dma_start3A_31 = tpu.memref_slice %arg2[%dma_start3A_29, %dma_start3A_30] : memref<10240x96xf32, #tpu.memory_space<hbm>> -> memref<10240x96xf32, #tpu.memory_space<hbm>>
    tpu.enqueue_indirect_dma source(%dma_start3A_31 : memref<10240x96xf32, #tpu.memory_space<hbm>>) target(%dma_start3A_25 : memref<128x96xf32, #tpu.memory_space<vmem>>) offsets(%dma_start3A_28 : memref<128xi32, #tpu.memory_space<vmem>>) semaphore(%arg12 : memref<!tpu.dma_semaphore, #tpu.memory_space<semaphore_mem>>)
    %scan3A = arith.constant 0 : i32
    %scan3A_32 = arith.constant 0 : i32
    %scan3A_33 = arith.constant 40 : i32
    %scan3A_34 = arith.addi %scan3A_32, %scan3A_33 : i32
    %scan3A_35 = arith.constant 1 : i32
    %scan3A_36 = scf.for %scan3A_43 = %scan3A_32 to %scan3A_34 step %scan3A_35 iter_args(%scan3A_44 = %scan3A) -> (i32)  : i32 {
      %mul3A_45 = arith.constant 2 : i32
      %mul3A_46 = arith.muli %mul3A_45, %scan3A_43 : i32
      %add3A_47 = arith.constant 1 : i32
      %add3A_48 = arith.addi %mul3A_46, %add3A_47 : i32
      %dma_start3A_49 = arith.constant 1 : i32
      %dma_start3A_50 = arith.constant 0 : i32
      %dma_start3A_51 = arith.constant 0 : i32
      %dma_start3A_52 = tpu.memref_slice %arg9[%dma_start3A_49, %dma_start3A_50, %dma_start3A_51] : memref<2x128x96xf32, #tpu.memory_space<vmem>> -> memref<1x128x96xf32, #tpu.memory_space<vmem>>
      %dma_start3A_53 = tpu.memref_squeeze %dma_start3A_52 : memref<1x128x96xf32, #tpu.memory_space<vmem>> -> memref<128x96xf32, #tpu.memory_space<vmem>>
      %dma_start3A_54 = arith.constant 0 : i32
      %dma_start3A_55 = tpu.memref_slice %arg7[%add3A_48, %dma_start3A_54] : memref<80x128xi32, #tpu.memory_space<vmem>> -> memref<1x128xi32, #tpu.memory_space<vmem>>
      %dma_start3A_56 = tpu.memref_squeeze %dma_start3A_55 : memref<1x128xi32, #tpu.memory_space<vmem>> -> memref<128xi32, #tpu.memory_space<vmem>>
      %dma_start3A_57 = arith.constant 0 : i32
      %dma_start3A_58 = arith.constant 0 : i32
      %dma_start3A_59 = tpu.memref_slice %arg2[%dma_start3A_57, %dma_start3A_58] : memref<10240x96xf32, #tpu.memory_space<hbm>> -> memref<10240x96xf32, #tpu.memory_space<hbm>>
      tpu.enqueue_indirect_dma source(%dma_start3A_59 : memref<10240x96xf32, #tpu.memory_space<hbm>>) target(%dma_start3A_53 : memref<128x96xf32, #tpu.memory_space<vmem>>) offsets(%dma_start3A_56 : memref<128xi32, #tpu.memory_space<vmem>>) semaphore(%arg13 : memref<!tpu.dma_semaphore, #tpu.memory_space<semaphore_mem>>)
      %dma_wait3A = arith.constant 0 : i32
      %dma_wait3A_60 = arith.constant 0 : i32
      %dma_wait3A_61 = arith.constant 0 : i32
      %dma_wait3A_62 = tpu.memref_slice %arg9[%dma_wait3A, %dma_wait3A_60, %dma_wait3A_61] : memref<2x128x96xf32, #tpu.memory_space<vmem>> -> memref<1x128x96xf32, #tpu.memory_space<vmem>>
      %dma_wait3A_63 = tpu.memref_squeeze %dma_wait3A_62 : memref<1x128x96xf32, #tpu.memory_space<vmem>> -> memref<128x96xf32, #tpu.memory_space<vmem>>
      %dma_wait3A_64 = arith.constant 0 : i32
      %dma_wait3A_65 = tpu.memref_slice %arg7[%mul3A_46, %dma_wait3A_64] : memref<80x128xi32, #tpu.memory_space<vmem>> -> memref<1x128xi32, #tpu.memory_space<vmem>>
      %dma_wait3A_66 = tpu.memref_squeeze %dma_wait3A_65 : memref<1x128xi32, #tpu.memory_space<vmem>> -> memref<128xi32, #tpu.memory_space<vmem>>
      %dma_wait3A_67 = arith.constant 0 : i32
      %dma_wait3A_68 = arith.constant 0 : i32
      %dma_wait3A_69 = tpu.memref_slice %arg2[%dma_wait3A_67, %dma_wait3A_68] : memref<10240x96xf32, #tpu.memory_space<hbm>> -> memref<10240x96xf32, #tpu.memory_space<hbm>>
      tpu.wait_indirect_dma semaphore(%arg12 : memref<!tpu.dma_semaphore, #tpu.memory_space<semaphore_mem>>) src(%dma_wait3A_69 : memref<10240x96xf32, #tpu.memory_space<hbm>>) dst(%dma_wait3A_63 : memref<128x96xf32, #tpu.memory_space<vmem>>)
      %run_scoped3A = arith.constant 0 : i32
      "tpu.region"() ({
        %run_scoped3A_87 = tpu.sem_alloc : memref<!tpu.dma_semaphore, #tpu.memory_space<semaphore_mem>>
        %dma_start3A_88 = arith.constant 0 : i32
        %dma_start3A_89 = arith.constant 0 : i32
        %dma_start3A_90 = tpu.memref_slice %arg9[%run_scoped3A, %dma_start3A_88, %dma_start3A_89] : memref<2x128x96xf32, #tpu.memory_space<vmem>> -> memref<1x128x96xf32, #tpu.memory_space<vmem>>
        %dma_start3A_91 = tpu.memref_squeeze %dma_start3A_90 : memref<1x128x96xf32, #tpu.memory_space<vmem>> -> memref<128x96xf32, #tpu.memory_space<vmem>>
        %dma_start3A_92 = arith.constant 0 : i32
        %dma_start3A_93 = tpu.memref_slice %arg8[%mul3A_46, %dma_start3A_92] : memref<80x128xi32, #tpu.memory_space<vmem>> -> memref<1x128xi32, #tpu.memory_space<vmem>>
        %dma_start3A_94 = tpu.memref_squeeze %dma_start3A_93 : memref<1x128xi32, #tpu.memory_space<vmem>> -> memref<128xi32, #tpu.memory_space<vmem>>
        %dma_start3A_95 = arith.constant 0 : i32
        %dma_start3A_96 = arith.constant 0 : i32
        %dma_start3A_97 = tpu.memref_slice %arg11[%dma_start3A_95, %dma_start3A_96] : memref<10240x96xf32, #tpu.memory_space<vmem_shared>> -> memref<10240x96xf32, #tpu.memory_space<vmem_shared>>
        tpu.enqueue_indirect_dma source(%dma_start3A_91 : memref<128x96xf32, #tpu.memory_space<vmem>>) target(%dma_start3A_97 : memref<10240x96xf32, #tpu.memory_space<vmem_shared>>) offsets(%dma_start3A_94 : memref<128xi32, #tpu.memory_space<vmem>>) semaphore(%run_scoped3A_87 : memref<!tpu.dma_semaphore, #tpu.memory_space<semaphore_mem>>) {add = true}
        %dma_wait3A_98 = arith.constant 0 : i32
        %dma_wait3A_99 = arith.constant 0 : i32
        %dma_wait3A_100 = tpu.memref_slice %arg9[%run_scoped3A, %dma_wait3A_98, %dma_wait3A_99] : memref<2x128x96xf32, #tpu.memory_space<vmem>> -> memref<1x128x96xf32, #tpu.memory_space<vmem>>
        %dma_wait3A_101 = tpu.memref_squeeze %dma_wait3A_100 : memref<1x128x96xf32, #tpu.memory_space<vmem>> -> memref<128x96xf32, #tpu.memory_space<vmem>>
        %dma_wait3A_102 = arith.constant 0 : i32
        %dma_wait3A_103 = tpu.memref_slice %arg8[%mul3A_46, %dma_wait3A_102] : memref<80x128xi32, #tpu.memory_space<vmem>> -> memref<1x128xi32, #tpu.memory_space<vmem>>
        %dma_wait3A_104 = tpu.memref_squeeze %dma_wait3A_103 : memref<1x128xi32, #tpu.memory_space<vmem>> -> memref<128xi32, #tpu.memory_space<vmem>>
        %dma_wait3A_105 = arith.constant 0 : i32
        %dma_wait3A_106 = arith.constant 0 : i32
        %dma_wait3A_107 = tpu.memref_slice %arg11[%dma_wait3A_105, %dma_wait3A_106] : memref<10240x96xf32, #tpu.memory_space<vmem_shared>> -> memref<10240x96xf32, #tpu.memory_space<vmem_shared>>
        tpu.wait_indirect_dma semaphore(%run_scoped3A_87 : memref<!tpu.dma_semaphore, #tpu.memory_space<semaphore_mem>>) src(%dma_wait3A_101 : memref<128x96xf32, #tpu.memory_space<vmem>>) dst(%dma_wait3A_107 : memref<10240x96xf32, #tpu.memory_space<vmem_shared>>)
        tpu.yield
      }) : () -> ()
      %add3A_70 = arith.constant 1 : i32
      %add3A_71 = arith.addi %scan3A_43, %add3A_70 : i32
      %lt3A = arith.constant 40 : i32
      %lt3A_72 = arith.cmpi slt, %add3A_71, %lt3A : i32
      %convert_element_type3A = arith.extui %lt3A_72 : i1 to i32
      %cond3A = arith.constant 0 : i32
      %cond3A_73 = arith.cmpi ne, %convert_element_type3A, %cond3A : i32
      scf.if %cond3A_73 {
        %add3A_87 = arith.constant 2 : i32
        %add3A_88 = arith.addi %mul3A_46, %add3A_87 : i32
        %dma_start3A_89 = arith.constant 0 : i32
        %dma_start3A_90 = arith.constant 0 : i32
        %dma_start3A_91 = arith.constant 0 : i32
        %dma_start3A_92 = tpu.memref_slice %arg9[%dma_start3A_89, %dma_start3A_90, %dma_start3A_91] : memref<2x128x96xf32, #tpu.memory_space<vmem>> -> memref<1x128x96xf32, #tpu.memory_space<vmem>>
        %dma_start3A_93 = tpu.memref_squeeze %dma_start3A_92 : memref<1x128x96xf32, #tpu.memory_space<vmem>> -> memref<128x96xf32, #tpu.memory_space<vmem>>
        %dma_start3A_94 = arith.constant 0 : i32
        %dma_start3A_95 = tpu.memref_slice %arg7[%add3A_88, %dma_start3A_94] : memref<80x128xi32, #tpu.memory_space<vmem>> -> memref<1x128xi32, #tpu.memory_space<vmem>>
        %dma_start3A_96 = tpu.memref_squeeze %dma_start3A_95 : memref<1x128xi32, #tpu.memory_space<vmem>> -> memref<128xi32, #tpu.memory_space<vmem>>
        %dma_start3A_97 = arith.constant 0 : i32
        %dma_start3A_98 = arith.constant 0 : i32
        %dma_start3A_99 = tpu.memref_slice %arg2[%dma_start3A_97, %dma_start3A_98] : memref<10240x96xf32, #tpu.memory_space<hbm>> -> memref<10240x96xf32, #tpu.memory_space<hbm>>
        tpu.enqueue_indirect_dma source(%dma_start3A_99 : memref<10240x96xf32, #tpu.memory_space<hbm>>) target(%dma_start3A_93 : memref<128x96xf32, #tpu.memory_space<vmem>>) offsets(%dma_start3A_96 : memref<128xi32, #tpu.memory_space<vmem>>) semaphore(%arg12 : memref<!tpu.dma_semaphore, #tpu.memory_space<semaphore_mem>>)
      } else {
      }
      %dma_wait3A_74 = arith.constant 1 : i32
      %dma_wait3A_75 = arith.constant 0 : i32
      %dma_wait3A_76 = arith.constant 0 : i32
      %dma_wait3A_77 = tpu.memref_slice %arg9[%dma_wait3A_74, %dma_wait3A_75, %dma_wait3A_76] : memref<2x128x96xf32, #tpu.memory_space<vmem>> -> memref<1x128x96xf32, #tpu.memory_space<vmem>>
      %dma_wait3A_78 = tpu.memref_squeeze %dma_wait3A_77 : memref<1x128x96xf32, #tpu.memory_space<vmem>> -> memref<128x96xf32, #tpu.memory_space<vmem>>
      %dma_wait3A_79 = arith.constant 0 : i32
      %dma_wait3A_80 = tpu.memref_slice %arg7[%add3A_48, %dma_wait3A_79] : memref<80x128xi32, #tpu.memory_space<vmem>> -> memref<1x128xi32, #tpu.memory_space<vmem>>
      %dma_wait3A_81 = tpu.memref_squeeze %dma_wait3A_80 : memref<1x128xi32, #tpu.memory_space<vmem>> -> memref<128xi32, #tpu.memory_space<vmem>>
      %dma_wait3A_82 = arith.constant 0 : i32
      %dma_wait3A_83 = arith.constant 0 : i32
      %dma_wait3A_84 = tpu.memref_slice %arg2[%dma_wait3A_82, %dma_wait3A_83] : memref<10240x96xf32, #tpu.memory_space<hbm>> -> memref<10240x96xf32, #tpu.memory_space<hbm>>
      tpu.wait_indirect_dma semaphore(%arg13 : memref<!tpu.dma_semaphore, #tpu.memory_space<semaphore_mem>>) src(%dma_wait3A_84 : memref<10240x96xf32, #tpu.memory_space<hbm>>) dst(%dma_wait3A_78 : memref<128x96xf32, #tpu.memory_space<vmem>>)
      %run_scoped3A_85 = arith.constant 1 : i32
      "tpu.region"() ({
        %run_scoped3A_87 = tpu.sem_alloc : memref<!tpu.dma_semaphore, #tpu.memory_space<semaphore_mem>>
        %dma_start3A_88 = arith.constant 0 : i32
        %dma_start3A_89 = arith.constant 0 : i32
        %dma_start3A_90 = tpu.memref_slice %arg9[%run_scoped3A_85, %dma_start3A_88, %dma_start3A_89] : memref<2x128x96xf32, #tpu.memory_space<vmem>> -> memref<1x128x96xf32, #tpu.memory_space<vmem>>
        %dma_start3A_91 = tpu.memref_squeeze %dma_start3A_90 : memref<1x128x96xf32, #tpu.memory_space<vmem>> -> memref<128x96xf32, #tpu.memory_space<vmem>>
        %dma_start3A_92 = arith.constant 0 : i32
        %dma_start3A_93 = tpu.memref_slice %arg8[%add3A_48, %dma_start3A_92] : memref<80x128xi32, #tpu.memory_space<vmem>> -> memref<1x128xi32, #tpu.memory_space<vmem>>
        %dma_start3A_94 = tpu.memref_squeeze %dma_start3A_93 : memref<1x128xi32, #tpu.memory_space<vmem>> -> memref<128xi32, #tpu.memory_space<vmem>>
        %dma_start3A_95 = arith.constant 0 : i32
        %dma_start3A_96 = arith.constant 0 : i32
        %dma_start3A_97 = tpu.memref_slice %arg11[%dma_start3A_95, %dma_start3A_96] : memref<10240x96xf32, #tpu.memory_space<vmem_shared>> -> memref<10240x96xf32, #tpu.memory_space<vmem_shared>>
        tpu.enqueue_indirect_dma source(%dma_start3A_91 : memref<128x96xf32, #tpu.memory_space<vmem>>) target(%dma_start3A_97 : memref<10240x96xf32, #tpu.memory_space<vmem_shared>>) offsets(%dma_start3A_94 : memref<128xi32, #tpu.memory_space<vmem>>) semaphore(%run_scoped3A_87 : memref<!tpu.dma_semaphore, #tpu.memory_space<semaphore_mem>>) {add = true}
        %dma_wait3A_98 = arith.constant 0 : i32
        %dma_wait3A_99 = arith.constant 0 : i32
        %dma_wait3A_100 = tpu.memref_slice %arg9[%run_scoped3A_85, %dma_wait3A_98, %dma_wait3A_99] : memref<2x128x96xf32, #tpu.memory_space<vmem>> -> memref<1x128x96xf32, #tpu.memory_space<vmem>>
        %dma_wait3A_101 = tpu.memref_squeeze %dma_wait3A_100 : memref<1x128x96xf32, #tpu.memory_space<vmem>> -> memref<128x96xf32, #tpu.memory_space<vmem>>
        %dma_wait3A_102 = arith.constant 0 : i32
        %dma_wait3A_103 = tpu.memref_slice %arg8[%add3A_48, %dma_wait3A_102] : memref<80x128xi32, #tpu.memory_space<vmem>> -> memref<1x128xi32, #tpu.memory_space<vmem>>
        %dma_wait3A_104 = tpu.memref_squeeze %dma_wait3A_103 : memref<1x128xi32, #tpu.memory_space<vmem>> -> memref<128xi32, #tpu.memory_space<vmem>>
        %dma_wait3A_105 = arith.constant 0 : i32
        %dma_wait3A_106 = arith.constant 0 : i32
        %dma_wait3A_107 = tpu.memref_slice %arg11[%dma_wait3A_105, %dma_wait3A_106] : memref<10240x96xf32, #tpu.memory_space<vmem_shared>> -> memref<10240x96xf32, #tpu.memory_space<vmem_shared>>
        tpu.wait_indirect_dma semaphore(%run_scoped3A_87 : memref<!tpu.dma_semaphore, #tpu.memory_space<semaphore_mem>>) src(%dma_wait3A_101 : memref<128x96xf32, #tpu.memory_space<vmem>>) dst(%dma_wait3A_107 : memref<10240x96xf32, #tpu.memory_space<vmem_shared>>)
        tpu.yield
      }) : () -> ()
      %scan3A_86 = arith.constant 0 : i32
      scf.yield %scan3A_86 : i32
    }
    %scan3A_37 = arith.constant 40 : i32
    %barrier3A_38 = arith.constant 0 : index
    tpu.barrier barrier_id(%barrier3A_38)
    %mul3A_39 = arith.constant 640 : i32
    %mul3A_40 = arith.muli %arg1, %mul3A_39 : i32
    %mul3A_41 = arith.constant 640 : i32
    %mul3A_42 = arith.muli %arg1, %mul3A_41 : i32
    "tpu.region"() ({
      %run_scoped3A = tpu.sem_alloc : memref<!tpu.dma_semaphore, #tpu.memory_space<semaphore_mem>>
      %dma_start3A_43 = arith.constant 0 : i32
      %dma_start3A_44 = tpu.memref_slice %arg6[%arg0, %mul3A_42, %dma_start3A_43] : memref<2x10240x96xf32, #tpu.memory_space<hbm>> -> memref<1x640x96xf32, #tpu.memory_space<hbm>>
      %dma_start3A_45 = tpu.memref_squeeze %dma_start3A_44 : memref<1x640x96xf32, #tpu.memory_space<hbm>> -> memref<640x96xf32, #tpu.memory_space<hbm>>
      %dma_start3A_46 = arith.constant 0 : i32
      %dma_start3A_47 = tpu.memref_slice %arg11[%mul3A_40, %dma_start3A_46] : memref<10240x96xf32, #tpu.memory_space<vmem_shared>> -> memref<640x96xf32, #tpu.memory_space<vmem_shared>>
      tpu.enqueue_dma source(%dma_start3A_47 : memref<640x96xf32, #tpu.memory_space<vmem_shared>>) target(%dma_start3A_45 : memref<640x96xf32, #tpu.memory_space<hbm>>) target_semaphore(%run_scoped3A : memref<!tpu.dma_semaphore, #tpu.memory_space<semaphore_mem>>)
      %dma_wait3A = arith.constant 0 : i32
      %dma_wait3A_48 = tpu.memref_slice %arg6[%arg0, %mul3A_42, %dma_wait3A] : memref<2x10240x96xf32, #tpu.memory_space<hbm>> -> memref<1x640x96xf32, #tpu.memory_space<hbm>>
      %dma_wait3A_49 = tpu.memref_squeeze %dma_wait3A_48 : memref<1x640x96xf32, #tpu.memory_space<hbm>> -> memref<640x96xf32, #tpu.memory_space<hbm>>
      %dma_wait3A_50 = arith.constant 0 : i32
      %dma_wait3A_51 = tpu.memref_slice %arg11[%mul3A_40, %dma_wait3A_50] : memref<10240x96xf32, #tpu.memory_space<vmem_shared>> -> memref<640x96xf32, #tpu.memory_space<vmem_shared>>
      tpu.wait_dma2 semaphore(%run_scoped3A : memref<!tpu.dma_semaphore, #tpu.memory_space<semaphore_mem>>) src(%dma_wait3A_51 : memref<640x96xf32, #tpu.memory_space<vmem_shared>>) dst(%dma_wait3A_49 : memref<640x96xf32, #tpu.memory_space<hbm>>)
      tpu.yield
    }) : () -> ()
    return
  }
}

#map = affine_map<(d0, d1) -> (0, 0)>
#map1 = affine_map<(d0, d1) -> (0, 0, 0)>
module attributes {stable_mosaic.version = 14 : i64} {
  func.func @_agg_body(%arg0: i32, %arg1: i32, %arg2: memref<10240x64xf32, #tpu.memory_space<hbm>>, %arg3: memref<32x80x128xi32, #tpu.memory_space<hbm>>, %arg4: memref<32x80x128xi32, #tpu.memory_space<hbm>>, %arg5: memref<128x64xf32, #tpu.memory_space<hbm>>, %arg6: memref<2x10240x64xf32, #tpu.memory_space<hbm>>, %arg7: memref<80x128xi32, #tpu.memory_space<vmem>>, %arg8: memref<80x128xi32, #tpu.memory_space<vmem>>, %arg9: memref<2x128x64xf32, #tpu.memory_space<vmem>>, %arg10: memref<128x64xf32, #tpu.memory_space<vmem>>, %arg11: memref<10240x64xf32, #tpu.memory_space<vmem_shared>>, %arg12: memref<!tpu.dma_semaphore, #tpu.memory_space<semaphore_mem>>, %arg13: memref<!tpu.dma_semaphore, #tpu.memory_space<semaphore_mem>>) attributes {dimension_semantics = [#tpu.dimension_semantics<core_parallel>, #tpu.dimension_semantics<subcore_parallel>], iteration_bounds = array<i64: 2, 16>, scalar_prefetch = 0 : i64, scratch_operands = 7 : i64, tpu.core_type = #tpu.core_type<sc_vector_subcore>, window_params = [{transform_indices = #map}, {transform_indices = #map1}, {transform_indices = #map1}, {transform_indices = #map}, {transform_indices = #map1}]} {
    %mul3A = arith.constant 16 : i32
    %mul3A_0 = arith.muli %arg0, %mul3A : i32
    %add3A = arith.addi %mul3A_0, %arg1 : i32
    "tpu.region"() ({
      %run_scoped3A = tpu.sem_alloc : memref<!tpu.dma_semaphore, #tpu.memory_space<semaphore_mem>>
      %dma_start3A_43 = arith.constant 0 : i32
      %dma_start3A_44 = arith.constant 0 : i32
      %dma_start3A_45 = tpu.memref_slice %arg3[%add3A, %dma_start3A_43, %dma_start3A_44] : memref<32x80x128xi32, #tpu.memory_space<hbm>> -> memref<1x80x128xi32, #tpu.memory_space<hbm>>
      %dma_start3A_46 = tpu.memref_squeeze %dma_start3A_45 : memref<1x80x128xi32, #tpu.memory_space<hbm>> -> memref<80x128xi32, #tpu.memory_space<hbm>>
      %dma_start3A_47 = arith.constant 0 : i32
      %dma_start3A_48 = arith.constant 0 : i32
      %dma_start3A_49 = tpu.memref_slice %arg3[%add3A, %dma_start3A_47, %dma_start3A_48] : memref<32x80x128xi32, #tpu.memory_space<hbm>> -> memref<1x80x128xi32, #tpu.memory_space<hbm>>
      %dma_start3A_50 = tpu.memref_squeeze %dma_start3A_49 : memref<1x80x128xi32, #tpu.memory_space<hbm>> -> memref<80x128xi32, #tpu.memory_space<hbm>>
      tpu.enqueue_dma source(%dma_start3A_50 : memref<80x128xi32, #tpu.memory_space<hbm>>) target(%arg7 : memref<80x128xi32, #tpu.memory_space<vmem>>) target_semaphore(%run_scoped3A : memref<!tpu.dma_semaphore, #tpu.memory_space<semaphore_mem>>)
      %dma_wait3A = arith.constant 0 : i32
      %dma_wait3A_51 = arith.constant 0 : i32
      %dma_wait3A_52 = tpu.memref_slice %arg3[%add3A, %dma_wait3A, %dma_wait3A_51] : memref<32x80x128xi32, #tpu.memory_space<hbm>> -> memref<1x80x128xi32, #tpu.memory_space<hbm>>
      %dma_wait3A_53 = tpu.memref_squeeze %dma_wait3A_52 : memref<1x80x128xi32, #tpu.memory_space<hbm>> -> memref<80x128xi32, #tpu.memory_space<hbm>>
      %dma_wait3A_54 = arith.constant 0 : i32
      %dma_wait3A_55 = arith.constant 0 : i32
      %dma_wait3A_56 = tpu.memref_slice %arg3[%add3A, %dma_wait3A_54, %dma_wait3A_55] : memref<32x80x128xi32, #tpu.memory_space<hbm>> -> memref<1x80x128xi32, #tpu.memory_space<hbm>>
      %dma_wait3A_57 = tpu.memref_squeeze %dma_wait3A_56 : memref<1x80x128xi32, #tpu.memory_space<hbm>> -> memref<80x128xi32, #tpu.memory_space<hbm>>
      tpu.wait_dma2 semaphore(%run_scoped3A : memref<!tpu.dma_semaphore, #tpu.memory_space<semaphore_mem>>) src(%dma_wait3A_57 : memref<80x128xi32, #tpu.memory_space<hbm>>) dst(%arg7 : memref<80x128xi32, #tpu.memory_space<vmem>>)
      tpu.yield
    }) : () -> ()
    "tpu.region"() ({
      %run_scoped3A = tpu.sem_alloc : memref<!tpu.dma_semaphore, #tpu.memory_space<semaphore_mem>>
      %dma_start3A_43 = arith.constant 0 : i32
      %dma_start3A_44 = arith.constant 0 : i32
      %dma_start3A_45 = tpu.memref_slice %arg4[%add3A, %dma_start3A_43, %dma_start3A_44] : memref<32x80x128xi32, #tpu.memory_space<hbm>> -> memref<1x80x128xi32, #tpu.memory_space<hbm>>
      %dma_start3A_46 = tpu.memref_squeeze %dma_start3A_45 : memref<1x80x128xi32, #tpu.memory_space<hbm>> -> memref<80x128xi32, #tpu.memory_space<hbm>>
      %dma_start3A_47 = arith.constant 0 : i32
      %dma_start3A_48 = arith.constant 0 : i32
      %dma_start3A_49 = tpu.memref_slice %arg4[%add3A, %dma_start3A_47, %dma_start3A_48] : memref<32x80x128xi32, #tpu.memory_space<hbm>> -> memref<1x80x128xi32, #tpu.memory_space<hbm>>
      %dma_start3A_50 = tpu.memref_squeeze %dma_start3A_49 : memref<1x80x128xi32, #tpu.memory_space<hbm>> -> memref<80x128xi32, #tpu.memory_space<hbm>>
      tpu.enqueue_dma source(%dma_start3A_50 : memref<80x128xi32, #tpu.memory_space<hbm>>) target(%arg8 : memref<80x128xi32, #tpu.memory_space<vmem>>) target_semaphore(%run_scoped3A : memref<!tpu.dma_semaphore, #tpu.memory_space<semaphore_mem>>)
      %dma_wait3A = arith.constant 0 : i32
      %dma_wait3A_51 = arith.constant 0 : i32
      %dma_wait3A_52 = tpu.memref_slice %arg4[%add3A, %dma_wait3A, %dma_wait3A_51] : memref<32x80x128xi32, #tpu.memory_space<hbm>> -> memref<1x80x128xi32, #tpu.memory_space<hbm>>
      %dma_wait3A_53 = tpu.memref_squeeze %dma_wait3A_52 : memref<1x80x128xi32, #tpu.memory_space<hbm>> -> memref<80x128xi32, #tpu.memory_space<hbm>>
      %dma_wait3A_54 = arith.constant 0 : i32
      %dma_wait3A_55 = arith.constant 0 : i32
      %dma_wait3A_56 = tpu.memref_slice %arg4[%add3A, %dma_wait3A_54, %dma_wait3A_55] : memref<32x80x128xi32, #tpu.memory_space<hbm>> -> memref<1x80x128xi32, #tpu.memory_space<hbm>>
      %dma_wait3A_57 = tpu.memref_squeeze %dma_wait3A_56 : memref<1x80x128xi32, #tpu.memory_space<hbm>> -> memref<80x128xi32, #tpu.memory_space<hbm>>
      tpu.wait_dma2 semaphore(%run_scoped3A : memref<!tpu.dma_semaphore, #tpu.memory_space<semaphore_mem>>) src(%dma_wait3A_57 : memref<80x128xi32, #tpu.memory_space<hbm>>) dst(%arg8 : memref<80x128xi32, #tpu.memory_space<vmem>>)
      tpu.yield
    }) : () -> ()
    "tpu.region"() ({
      %run_scoped3A = tpu.sem_alloc : memref<!tpu.dma_semaphore, #tpu.memory_space<semaphore_mem>>
      tpu.enqueue_dma source(%arg5 : memref<128x64xf32, #tpu.memory_space<hbm>>) target(%arg10 : memref<128x64xf32, #tpu.memory_space<vmem>>) target_semaphore(%run_scoped3A : memref<!tpu.dma_semaphore, #tpu.memory_space<semaphore_mem>>)
      tpu.wait_dma2 semaphore(%run_scoped3A : memref<!tpu.dma_semaphore, #tpu.memory_space<semaphore_mem>>) src(%arg5 : memref<128x64xf32, #tpu.memory_space<hbm>>) dst(%arg10 : memref<128x64xf32, #tpu.memory_space<vmem>>)
      tpu.yield
    }) : () -> ()
    %mul3A_1 = arith.constant 640 : i32
    %mul3A_2 = arith.muli %arg1, %mul3A_1 : i32
    %add3A_3 = arith.constant 0 : i32
    %add3A_4 = arith.addi %mul3A_2, %add3A_3 : i32
    "tpu.region"() ({
      %run_scoped3A = tpu.sem_alloc : memref<!tpu.dma_semaphore, #tpu.memory_space<semaphore_mem>>
      %dma_start3A_43 = arith.constant 0 : i32
      %dma_start3A_44 = tpu.memref_slice %arg11[%add3A_4, %dma_start3A_43] : memref<10240x64xf32, #tpu.memory_space<vmem_shared>> -> memref<128x64xf32, #tpu.memory_space<vmem_shared>>
      %dma_start3A_45 = arith.constant 0 : i32
      %dma_start3A_46 = tpu.memref_slice %arg11[%add3A_4, %dma_start3A_45] : memref<10240x64xf32, #tpu.memory_space<vmem_shared>> -> memref<128x64xf32, #tpu.memory_space<vmem_shared>>
      tpu.enqueue_dma source(%arg10 : memref<128x64xf32, #tpu.memory_space<vmem>>) target(%dma_start3A_46 : memref<128x64xf32, #tpu.memory_space<vmem_shared>>) target_semaphore(%run_scoped3A : memref<!tpu.dma_semaphore, #tpu.memory_space<semaphore_mem>>)
      %dma_wait3A = arith.constant 0 : i32
      %dma_wait3A_47 = tpu.memref_slice %arg11[%add3A_4, %dma_wait3A] : memref<10240x64xf32, #tpu.memory_space<vmem_shared>> -> memref<128x64xf32, #tpu.memory_space<vmem_shared>>
      %dma_wait3A_48 = arith.constant 0 : i32
      %dma_wait3A_49 = tpu.memref_slice %arg11[%add3A_4, %dma_wait3A_48] : memref<10240x64xf32, #tpu.memory_space<vmem_shared>> -> memref<128x64xf32, #tpu.memory_space<vmem_shared>>
      tpu.wait_dma2 semaphore(%run_scoped3A : memref<!tpu.dma_semaphore, #tpu.memory_space<semaphore_mem>>) src(%arg10 : memref<128x64xf32, #tpu.memory_space<vmem>>) dst(%dma_wait3A_49 : memref<128x64xf32, #tpu.memory_space<vmem_shared>>)
      tpu.yield
    }) : () -> ()
    %mul3A_5 = arith.constant 640 : i32
    %mul3A_6 = arith.muli %arg1, %mul3A_5 : i32
    %add3A_7 = arith.constant 128 : i32
    %add3A_8 = arith.addi %mul3A_6, %add3A_7 : i32
    "tpu.region"() ({
      %run_scoped3A = tpu.sem_alloc : memref<!tpu.dma_semaphore, #tpu.memory_space<semaphore_mem>>
      %dma_start3A_43 = arith.constant 0 : i32
      %dma_start3A_44 = tpu.memref_slice %arg11[%add3A_8, %dma_start3A_43] : memref<10240x64xf32, #tpu.memory_space<vmem_shared>> -> memref<128x64xf32, #tpu.memory_space<vmem_shared>>
      %dma_start3A_45 = arith.constant 0 : i32
      %dma_start3A_46 = tpu.memref_slice %arg11[%add3A_8, %dma_start3A_45] : memref<10240x64xf32, #tpu.memory_space<vmem_shared>> -> memref<128x64xf32, #tpu.memory_space<vmem_shared>>
      tpu.enqueue_dma source(%arg10 : memref<128x64xf32, #tpu.memory_space<vmem>>) target(%dma_start3A_46 : memref<128x64xf32, #tpu.memory_space<vmem_shared>>) target_semaphore(%run_scoped3A : memref<!tpu.dma_semaphore, #tpu.memory_space<semaphore_mem>>)
      %dma_wait3A = arith.constant 0 : i32
      %dma_wait3A_47 = tpu.memref_slice %arg11[%add3A_8, %dma_wait3A] : memref<10240x64xf32, #tpu.memory_space<vmem_shared>> -> memref<128x64xf32, #tpu.memory_space<vmem_shared>>
      %dma_wait3A_48 = arith.constant 0 : i32
      %dma_wait3A_49 = tpu.memref_slice %arg11[%add3A_8, %dma_wait3A_48] : memref<10240x64xf32, #tpu.memory_space<vmem_shared>> -> memref<128x64xf32, #tpu.memory_space<vmem_shared>>
      tpu.wait_dma2 semaphore(%run_scoped3A : memref<!tpu.dma_semaphore, #tpu.memory_space<semaphore_mem>>) src(%arg10 : memref<128x64xf32, #tpu.memory_space<vmem>>) dst(%dma_wait3A_49 : memref<128x64xf32, #tpu.memory_space<vmem_shared>>)
      tpu.yield
    }) : () -> ()
    %mul3A_9 = arith.constant 640 : i32
    %mul3A_10 = arith.muli %arg1, %mul3A_9 : i32
    %add3A_11 = arith.constant 256 : i32
    %add3A_12 = arith.addi %mul3A_10, %add3A_11 : i32
    "tpu.region"() ({
      %run_scoped3A = tpu.sem_alloc : memref<!tpu.dma_semaphore, #tpu.memory_space<semaphore_mem>>
      %dma_start3A_43 = arith.constant 0 : i32
      %dma_start3A_44 = tpu.memref_slice %arg11[%add3A_12, %dma_start3A_43] : memref<10240x64xf32, #tpu.memory_space<vmem_shared>> -> memref<128x64xf32, #tpu.memory_space<vmem_shared>>
      %dma_start3A_45 = arith.constant 0 : i32
      %dma_start3A_46 = tpu.memref_slice %arg11[%add3A_12, %dma_start3A_45] : memref<10240x64xf32, #tpu.memory_space<vmem_shared>> -> memref<128x64xf32, #tpu.memory_space<vmem_shared>>
      tpu.enqueue_dma source(%arg10 : memref<128x64xf32, #tpu.memory_space<vmem>>) target(%dma_start3A_46 : memref<128x64xf32, #tpu.memory_space<vmem_shared>>) target_semaphore(%run_scoped3A : memref<!tpu.dma_semaphore, #tpu.memory_space<semaphore_mem>>)
      %dma_wait3A = arith.constant 0 : i32
      %dma_wait3A_47 = tpu.memref_slice %arg11[%add3A_12, %dma_wait3A] : memref<10240x64xf32, #tpu.memory_space<vmem_shared>> -> memref<128x64xf32, #tpu.memory_space<vmem_shared>>
      %dma_wait3A_48 = arith.constant 0 : i32
      %dma_wait3A_49 = tpu.memref_slice %arg11[%add3A_12, %dma_wait3A_48] : memref<10240x64xf32, #tpu.memory_space<vmem_shared>> -> memref<128x64xf32, #tpu.memory_space<vmem_shared>>
      tpu.wait_dma2 semaphore(%run_scoped3A : memref<!tpu.dma_semaphore, #tpu.memory_space<semaphore_mem>>) src(%arg10 : memref<128x64xf32, #tpu.memory_space<vmem>>) dst(%dma_wait3A_49 : memref<128x64xf32, #tpu.memory_space<vmem_shared>>)
      tpu.yield
    }) : () -> ()
    %mul3A_13 = arith.constant 640 : i32
    %mul3A_14 = arith.muli %arg1, %mul3A_13 : i32
    %add3A_15 = arith.constant 384 : i32
    %add3A_16 = arith.addi %mul3A_14, %add3A_15 : i32
    "tpu.region"() ({
      %run_scoped3A = tpu.sem_alloc : memref<!tpu.dma_semaphore, #tpu.memory_space<semaphore_mem>>
      %dma_start3A_43 = arith.constant 0 : i32
      %dma_start3A_44 = tpu.memref_slice %arg11[%add3A_16, %dma_start3A_43] : memref<10240x64xf32, #tpu.memory_space<vmem_shared>> -> memref<128x64xf32, #tpu.memory_space<vmem_shared>>
      %dma_start3A_45 = arith.constant 0 : i32
      %dma_start3A_46 = tpu.memref_slice %arg11[%add3A_16, %dma_start3A_45] : memref<10240x64xf32, #tpu.memory_space<vmem_shared>> -> memref<128x64xf32, #tpu.memory_space<vmem_shared>>
      tpu.enqueue_dma source(%arg10 : memref<128x64xf32, #tpu.memory_space<vmem>>) target(%dma_start3A_46 : memref<128x64xf32, #tpu.memory_space<vmem_shared>>) target_semaphore(%run_scoped3A : memref<!tpu.dma_semaphore, #tpu.memory_space<semaphore_mem>>)
      %dma_wait3A = arith.constant 0 : i32
      %dma_wait3A_47 = tpu.memref_slice %arg11[%add3A_16, %dma_wait3A] : memref<10240x64xf32, #tpu.memory_space<vmem_shared>> -> memref<128x64xf32, #tpu.memory_space<vmem_shared>>
      %dma_wait3A_48 = arith.constant 0 : i32
      %dma_wait3A_49 = tpu.memref_slice %arg11[%add3A_16, %dma_wait3A_48] : memref<10240x64xf32, #tpu.memory_space<vmem_shared>> -> memref<128x64xf32, #tpu.memory_space<vmem_shared>>
      tpu.wait_dma2 semaphore(%run_scoped3A : memref<!tpu.dma_semaphore, #tpu.memory_space<semaphore_mem>>) src(%arg10 : memref<128x64xf32, #tpu.memory_space<vmem>>) dst(%dma_wait3A_49 : memref<128x64xf32, #tpu.memory_space<vmem_shared>>)
      tpu.yield
    }) : () -> ()
    %mul3A_17 = arith.constant 640 : i32
    %mul3A_18 = arith.muli %arg1, %mul3A_17 : i32
    %add3A_19 = arith.constant 512 : i32
    %add3A_20 = arith.addi %mul3A_18, %add3A_19 : i32
    "tpu.region"() ({
      %run_scoped3A = tpu.sem_alloc : memref<!tpu.dma_semaphore, #tpu.memory_space<semaphore_mem>>
      %dma_start3A_43 = arith.constant 0 : i32
      %dma_start3A_44 = tpu.memref_slice %arg11[%add3A_20, %dma_start3A_43] : memref<10240x64xf32, #tpu.memory_space<vmem_shared>> -> memref<128x64xf32, #tpu.memory_space<vmem_shared>>
      %dma_start3A_45 = arith.constant 0 : i32
      %dma_start3A_46 = tpu.memref_slice %arg11[%add3A_20, %dma_start3A_45] : memref<10240x64xf32, #tpu.memory_space<vmem_shared>> -> memref<128x64xf32, #tpu.memory_space<vmem_shared>>
      tpu.enqueue_dma source(%arg10 : memref<128x64xf32, #tpu.memory_space<vmem>>) target(%dma_start3A_46 : memref<128x64xf32, #tpu.memory_space<vmem_shared>>) target_semaphore(%run_scoped3A : memref<!tpu.dma_semaphore, #tpu.memory_space<semaphore_mem>>)
      %dma_wait3A = arith.constant 0 : i32
      %dma_wait3A_47 = tpu.memref_slice %arg11[%add3A_20, %dma_wait3A] : memref<10240x64xf32, #tpu.memory_space<vmem_shared>> -> memref<128x64xf32, #tpu.memory_space<vmem_shared>>
      %dma_wait3A_48 = arith.constant 0 : i32
      %dma_wait3A_49 = tpu.memref_slice %arg11[%add3A_20, %dma_wait3A_48] : memref<10240x64xf32, #tpu.memory_space<vmem_shared>> -> memref<128x64xf32, #tpu.memory_space<vmem_shared>>
      tpu.wait_dma2 semaphore(%run_scoped3A : memref<!tpu.dma_semaphore, #tpu.memory_space<semaphore_mem>>) src(%arg10 : memref<128x64xf32, #tpu.memory_space<vmem>>) dst(%dma_wait3A_49 : memref<128x64xf32, #tpu.memory_space<vmem_shared>>)
      tpu.yield
    }) : () -> ()
    %barrier3A = arith.constant 0 : index
    tpu.barrier barrier_id(%barrier3A)
    %dma_start3A = arith.constant 0 : i32
    %dma_start3A_21 = arith.constant 0 : i32
    %dma_start3A_22 = arith.constant 0 : i32
    %dma_start3A_23 = arith.constant 0 : i32
    %dma_start3A_24 = tpu.memref_slice %arg9[%dma_start3A_21, %dma_start3A_22, %dma_start3A_23] : memref<2x128x64xf32, #tpu.memory_space<vmem>> -> memref<1x128x64xf32, #tpu.memory_space<vmem>>
    %dma_start3A_25 = tpu.memref_squeeze %dma_start3A_24 : memref<1x128x64xf32, #tpu.memory_space<vmem>> -> memref<128x64xf32, #tpu.memory_space<vmem>>
    %dma_start3A_26 = arith.constant 0 : i32
    %dma_start3A_27 = tpu.memref_slice %arg7[%dma_start3A, %dma_start3A_26] : memref<80x128xi32, #tpu.memory_space<vmem>> -> memref<1x128xi32, #tpu.memory_space<vmem>>
    %dma_start3A_28 = tpu.memref_squeeze %dma_start3A_27 : memref<1x128xi32, #tpu.memory_space<vmem>> -> memref<128xi32, #tpu.memory_space<vmem>>
    %dma_start3A_29 = arith.constant 0 : i32
    %dma_start3A_30 = arith.constant 0 : i32
    %dma_start3A_31 = tpu.memref_slice %arg2[%dma_start3A_29, %dma_start3A_30] : memref<10240x64xf32, #tpu.memory_space<hbm>> -> memref<10240x64xf32, #tpu.memory_space<hbm>>
    tpu.enqueue_indirect_dma source(%dma_start3A_31 : memref<10240x64xf32, #tpu.memory_space<hbm>>) target(%dma_start3A_25 : memref<128x64xf32, #tpu.memory_space<vmem>>) offsets(%dma_start3A_28 : memref<128xi32, #tpu.memory_space<vmem>>) semaphore(%arg12 : memref<!tpu.dma_semaphore, #tpu.memory_space<semaphore_mem>>)
    %scan3A = arith.constant 0 : i32
    %scan3A_32 = arith.constant 0 : i32
    %scan3A_33 = arith.constant 40 : i32
    %scan3A_34 = arith.addi %scan3A_32, %scan3A_33 : i32
    %scan3A_35 = arith.constant 1 : i32
    %scan3A_36 = scf.for %scan3A_43 = %scan3A_32 to %scan3A_34 step %scan3A_35 iter_args(%scan3A_44 = %scan3A) -> (i32)  : i32 {
      %mul3A_45 = arith.constant 2 : i32
      %mul3A_46 = arith.muli %mul3A_45, %scan3A_43 : i32
      %add3A_47 = arith.constant 1 : i32
      %add3A_48 = arith.addi %mul3A_46, %add3A_47 : i32
      %dma_start3A_49 = arith.constant 1 : i32
      %dma_start3A_50 = arith.constant 0 : i32
      %dma_start3A_51 = arith.constant 0 : i32
      %dma_start3A_52 = tpu.memref_slice %arg9[%dma_start3A_49, %dma_start3A_50, %dma_start3A_51] : memref<2x128x64xf32, #tpu.memory_space<vmem>> -> memref<1x128x64xf32, #tpu.memory_space<vmem>>
      %dma_start3A_53 = tpu.memref_squeeze %dma_start3A_52 : memref<1x128x64xf32, #tpu.memory_space<vmem>> -> memref<128x64xf32, #tpu.memory_space<vmem>>
      %dma_start3A_54 = arith.constant 0 : i32
      %dma_start3A_55 = tpu.memref_slice %arg7[%add3A_48, %dma_start3A_54] : memref<80x128xi32, #tpu.memory_space<vmem>> -> memref<1x128xi32, #tpu.memory_space<vmem>>
      %dma_start3A_56 = tpu.memref_squeeze %dma_start3A_55 : memref<1x128xi32, #tpu.memory_space<vmem>> -> memref<128xi32, #tpu.memory_space<vmem>>
      %dma_start3A_57 = arith.constant 0 : i32
      %dma_start3A_58 = arith.constant 0 : i32
      %dma_start3A_59 = tpu.memref_slice %arg2[%dma_start3A_57, %dma_start3A_58] : memref<10240x64xf32, #tpu.memory_space<hbm>> -> memref<10240x64xf32, #tpu.memory_space<hbm>>
      tpu.enqueue_indirect_dma source(%dma_start3A_59 : memref<10240x64xf32, #tpu.memory_space<hbm>>) target(%dma_start3A_53 : memref<128x64xf32, #tpu.memory_space<vmem>>) offsets(%dma_start3A_56 : memref<128xi32, #tpu.memory_space<vmem>>) semaphore(%arg13 : memref<!tpu.dma_semaphore, #tpu.memory_space<semaphore_mem>>)
      %dma_wait3A = arith.constant 0 : i32
      %dma_wait3A_60 = arith.constant 0 : i32
      %dma_wait3A_61 = arith.constant 0 : i32
      %dma_wait3A_62 = tpu.memref_slice %arg9[%dma_wait3A, %dma_wait3A_60, %dma_wait3A_61] : memref<2x128x64xf32, #tpu.memory_space<vmem>> -> memref<1x128x64xf32, #tpu.memory_space<vmem>>
      %dma_wait3A_63 = tpu.memref_squeeze %dma_wait3A_62 : memref<1x128x64xf32, #tpu.memory_space<vmem>> -> memref<128x64xf32, #tpu.memory_space<vmem>>
      %dma_wait3A_64 = arith.constant 0 : i32
      %dma_wait3A_65 = tpu.memref_slice %arg7[%mul3A_46, %dma_wait3A_64] : memref<80x128xi32, #tpu.memory_space<vmem>> -> memref<1x128xi32, #tpu.memory_space<vmem>>
      %dma_wait3A_66 = tpu.memref_squeeze %dma_wait3A_65 : memref<1x128xi32, #tpu.memory_space<vmem>> -> memref<128xi32, #tpu.memory_space<vmem>>
      %dma_wait3A_67 = arith.constant 0 : i32
      %dma_wait3A_68 = arith.constant 0 : i32
      %dma_wait3A_69 = tpu.memref_slice %arg2[%dma_wait3A_67, %dma_wait3A_68] : memref<10240x64xf32, #tpu.memory_space<hbm>> -> memref<10240x64xf32, #tpu.memory_space<hbm>>
      tpu.wait_indirect_dma semaphore(%arg12 : memref<!tpu.dma_semaphore, #tpu.memory_space<semaphore_mem>>) src(%dma_wait3A_69 : memref<10240x64xf32, #tpu.memory_space<hbm>>) dst(%dma_wait3A_63 : memref<128x64xf32, #tpu.memory_space<vmem>>)
      %run_scoped3A = arith.constant 0 : i32
      "tpu.region"() ({
        %run_scoped3A_87 = tpu.sem_alloc : memref<!tpu.dma_semaphore, #tpu.memory_space<semaphore_mem>>
        %dma_start3A_88 = arith.constant 0 : i32
        %dma_start3A_89 = arith.constant 0 : i32
        %dma_start3A_90 = tpu.memref_slice %arg9[%run_scoped3A, %dma_start3A_88, %dma_start3A_89] : memref<2x128x64xf32, #tpu.memory_space<vmem>> -> memref<1x128x64xf32, #tpu.memory_space<vmem>>
        %dma_start3A_91 = tpu.memref_squeeze %dma_start3A_90 : memref<1x128x64xf32, #tpu.memory_space<vmem>> -> memref<128x64xf32, #tpu.memory_space<vmem>>
        %dma_start3A_92 = arith.constant 0 : i32
        %dma_start3A_93 = tpu.memref_slice %arg8[%mul3A_46, %dma_start3A_92] : memref<80x128xi32, #tpu.memory_space<vmem>> -> memref<1x128xi32, #tpu.memory_space<vmem>>
        %dma_start3A_94 = tpu.memref_squeeze %dma_start3A_93 : memref<1x128xi32, #tpu.memory_space<vmem>> -> memref<128xi32, #tpu.memory_space<vmem>>
        %dma_start3A_95 = arith.constant 0 : i32
        %dma_start3A_96 = arith.constant 0 : i32
        %dma_start3A_97 = tpu.memref_slice %arg11[%dma_start3A_95, %dma_start3A_96] : memref<10240x64xf32, #tpu.memory_space<vmem_shared>> -> memref<10240x64xf32, #tpu.memory_space<vmem_shared>>
        tpu.enqueue_indirect_dma source(%dma_start3A_91 : memref<128x64xf32, #tpu.memory_space<vmem>>) target(%dma_start3A_97 : memref<10240x64xf32, #tpu.memory_space<vmem_shared>>) offsets(%dma_start3A_94 : memref<128xi32, #tpu.memory_space<vmem>>) semaphore(%run_scoped3A_87 : memref<!tpu.dma_semaphore, #tpu.memory_space<semaphore_mem>>) {add = true}
        %dma_wait3A_98 = arith.constant 0 : i32
        %dma_wait3A_99 = arith.constant 0 : i32
        %dma_wait3A_100 = tpu.memref_slice %arg9[%run_scoped3A, %dma_wait3A_98, %dma_wait3A_99] : memref<2x128x64xf32, #tpu.memory_space<vmem>> -> memref<1x128x64xf32, #tpu.memory_space<vmem>>
        %dma_wait3A_101 = tpu.memref_squeeze %dma_wait3A_100 : memref<1x128x64xf32, #tpu.memory_space<vmem>> -> memref<128x64xf32, #tpu.memory_space<vmem>>
        %dma_wait3A_102 = arith.constant 0 : i32
        %dma_wait3A_103 = tpu.memref_slice %arg8[%mul3A_46, %dma_wait3A_102] : memref<80x128xi32, #tpu.memory_space<vmem>> -> memref<1x128xi32, #tpu.memory_space<vmem>>
        %dma_wait3A_104 = tpu.memref_squeeze %dma_wait3A_103 : memref<1x128xi32, #tpu.memory_space<vmem>> -> memref<128xi32, #tpu.memory_space<vmem>>
        %dma_wait3A_105 = arith.constant 0 : i32
        %dma_wait3A_106 = arith.constant 0 : i32
        %dma_wait3A_107 = tpu.memref_slice %arg11[%dma_wait3A_105, %dma_wait3A_106] : memref<10240x64xf32, #tpu.memory_space<vmem_shared>> -> memref<10240x64xf32, #tpu.memory_space<vmem_shared>>
        tpu.wait_indirect_dma semaphore(%run_scoped3A_87 : memref<!tpu.dma_semaphore, #tpu.memory_space<semaphore_mem>>) src(%dma_wait3A_101 : memref<128x64xf32, #tpu.memory_space<vmem>>) dst(%dma_wait3A_107 : memref<10240x64xf32, #tpu.memory_space<vmem_shared>>)
        tpu.yield
      }) : () -> ()
      %add3A_70 = arith.constant 1 : i32
      %add3A_71 = arith.addi %scan3A_43, %add3A_70 : i32
      %lt3A = arith.constant 40 : i32
      %lt3A_72 = arith.cmpi slt, %add3A_71, %lt3A : i32
      %convert_element_type3A = arith.extui %lt3A_72 : i1 to i32
      %cond3A = arith.constant 0 : i32
      %cond3A_73 = arith.cmpi ne, %convert_element_type3A, %cond3A : i32
      scf.if %cond3A_73 {
        %add3A_87 = arith.constant 2 : i32
        %add3A_88 = arith.addi %mul3A_46, %add3A_87 : i32
        %dma_start3A_89 = arith.constant 0 : i32
        %dma_start3A_90 = arith.constant 0 : i32
        %dma_start3A_91 = arith.constant 0 : i32
        %dma_start3A_92 = tpu.memref_slice %arg9[%dma_start3A_89, %dma_start3A_90, %dma_start3A_91] : memref<2x128x64xf32, #tpu.memory_space<vmem>> -> memref<1x128x64xf32, #tpu.memory_space<vmem>>
        %dma_start3A_93 = tpu.memref_squeeze %dma_start3A_92 : memref<1x128x64xf32, #tpu.memory_space<vmem>> -> memref<128x64xf32, #tpu.memory_space<vmem>>
        %dma_start3A_94 = arith.constant 0 : i32
        %dma_start3A_95 = tpu.memref_slice %arg7[%add3A_88, %dma_start3A_94] : memref<80x128xi32, #tpu.memory_space<vmem>> -> memref<1x128xi32, #tpu.memory_space<vmem>>
        %dma_start3A_96 = tpu.memref_squeeze %dma_start3A_95 : memref<1x128xi32, #tpu.memory_space<vmem>> -> memref<128xi32, #tpu.memory_space<vmem>>
        %dma_start3A_97 = arith.constant 0 : i32
        %dma_start3A_98 = arith.constant 0 : i32
        %dma_start3A_99 = tpu.memref_slice %arg2[%dma_start3A_97, %dma_start3A_98] : memref<10240x64xf32, #tpu.memory_space<hbm>> -> memref<10240x64xf32, #tpu.memory_space<hbm>>
        tpu.enqueue_indirect_dma source(%dma_start3A_99 : memref<10240x64xf32, #tpu.memory_space<hbm>>) target(%dma_start3A_93 : memref<128x64xf32, #tpu.memory_space<vmem>>) offsets(%dma_start3A_96 : memref<128xi32, #tpu.memory_space<vmem>>) semaphore(%arg12 : memref<!tpu.dma_semaphore, #tpu.memory_space<semaphore_mem>>)
      } else {
      }
      %dma_wait3A_74 = arith.constant 1 : i32
      %dma_wait3A_75 = arith.constant 0 : i32
      %dma_wait3A_76 = arith.constant 0 : i32
      %dma_wait3A_77 = tpu.memref_slice %arg9[%dma_wait3A_74, %dma_wait3A_75, %dma_wait3A_76] : memref<2x128x64xf32, #tpu.memory_space<vmem>> -> memref<1x128x64xf32, #tpu.memory_space<vmem>>
      %dma_wait3A_78 = tpu.memref_squeeze %dma_wait3A_77 : memref<1x128x64xf32, #tpu.memory_space<vmem>> -> memref<128x64xf32, #tpu.memory_space<vmem>>
      %dma_wait3A_79 = arith.constant 0 : i32
      %dma_wait3A_80 = tpu.memref_slice %arg7[%add3A_48, %dma_wait3A_79] : memref<80x128xi32, #tpu.memory_space<vmem>> -> memref<1x128xi32, #tpu.memory_space<vmem>>
      %dma_wait3A_81 = tpu.memref_squeeze %dma_wait3A_80 : memref<1x128xi32, #tpu.memory_space<vmem>> -> memref<128xi32, #tpu.memory_space<vmem>>
      %dma_wait3A_82 = arith.constant 0 : i32
      %dma_wait3A_83 = arith.constant 0 : i32
      %dma_wait3A_84 = tpu.memref_slice %arg2[%dma_wait3A_82, %dma_wait3A_83] : memref<10240x64xf32, #tpu.memory_space<hbm>> -> memref<10240x64xf32, #tpu.memory_space<hbm>>
      tpu.wait_indirect_dma semaphore(%arg13 : memref<!tpu.dma_semaphore, #tpu.memory_space<semaphore_mem>>) src(%dma_wait3A_84 : memref<10240x64xf32, #tpu.memory_space<hbm>>) dst(%dma_wait3A_78 : memref<128x64xf32, #tpu.memory_space<vmem>>)
      %run_scoped3A_85 = arith.constant 1 : i32
      "tpu.region"() ({
        %run_scoped3A_87 = tpu.sem_alloc : memref<!tpu.dma_semaphore, #tpu.memory_space<semaphore_mem>>
        %dma_start3A_88 = arith.constant 0 : i32
        %dma_start3A_89 = arith.constant 0 : i32
        %dma_start3A_90 = tpu.memref_slice %arg9[%run_scoped3A_85, %dma_start3A_88, %dma_start3A_89] : memref<2x128x64xf32, #tpu.memory_space<vmem>> -> memref<1x128x64xf32, #tpu.memory_space<vmem>>
        %dma_start3A_91 = tpu.memref_squeeze %dma_start3A_90 : memref<1x128x64xf32, #tpu.memory_space<vmem>> -> memref<128x64xf32, #tpu.memory_space<vmem>>
        %dma_start3A_92 = arith.constant 0 : i32
        %dma_start3A_93 = tpu.memref_slice %arg8[%add3A_48, %dma_start3A_92] : memref<80x128xi32, #tpu.memory_space<vmem>> -> memref<1x128xi32, #tpu.memory_space<vmem>>
        %dma_start3A_94 = tpu.memref_squeeze %dma_start3A_93 : memref<1x128xi32, #tpu.memory_space<vmem>> -> memref<128xi32, #tpu.memory_space<vmem>>
        %dma_start3A_95 = arith.constant 0 : i32
        %dma_start3A_96 = arith.constant 0 : i32
        %dma_start3A_97 = tpu.memref_slice %arg11[%dma_start3A_95, %dma_start3A_96] : memref<10240x64xf32, #tpu.memory_space<vmem_shared>> -> memref<10240x64xf32, #tpu.memory_space<vmem_shared>>
        tpu.enqueue_indirect_dma source(%dma_start3A_91 : memref<128x64xf32, #tpu.memory_space<vmem>>) target(%dma_start3A_97 : memref<10240x64xf32, #tpu.memory_space<vmem_shared>>) offsets(%dma_start3A_94 : memref<128xi32, #tpu.memory_space<vmem>>) semaphore(%run_scoped3A_87 : memref<!tpu.dma_semaphore, #tpu.memory_space<semaphore_mem>>) {add = true}
        %dma_wait3A_98 = arith.constant 0 : i32
        %dma_wait3A_99 = arith.constant 0 : i32
        %dma_wait3A_100 = tpu.memref_slice %arg9[%run_scoped3A_85, %dma_wait3A_98, %dma_wait3A_99] : memref<2x128x64xf32, #tpu.memory_space<vmem>> -> memref<1x128x64xf32, #tpu.memory_space<vmem>>
        %dma_wait3A_101 = tpu.memref_squeeze %dma_wait3A_100 : memref<1x128x64xf32, #tpu.memory_space<vmem>> -> memref<128x64xf32, #tpu.memory_space<vmem>>
        %dma_wait3A_102 = arith.constant 0 : i32
        %dma_wait3A_103 = tpu.memref_slice %arg8[%add3A_48, %dma_wait3A_102] : memref<80x128xi32, #tpu.memory_space<vmem>> -> memref<1x128xi32, #tpu.memory_space<vmem>>
        %dma_wait3A_104 = tpu.memref_squeeze %dma_wait3A_103 : memref<1x128xi32, #tpu.memory_space<vmem>> -> memref<128xi32, #tpu.memory_space<vmem>>
        %dma_wait3A_105 = arith.constant 0 : i32
        %dma_wait3A_106 = arith.constant 0 : i32
        %dma_wait3A_107 = tpu.memref_slice %arg11[%dma_wait3A_105, %dma_wait3A_106] : memref<10240x64xf32, #tpu.memory_space<vmem_shared>> -> memref<10240x64xf32, #tpu.memory_space<vmem_shared>>
        tpu.wait_indirect_dma semaphore(%run_scoped3A_87 : memref<!tpu.dma_semaphore, #tpu.memory_space<semaphore_mem>>) src(%dma_wait3A_101 : memref<128x64xf32, #tpu.memory_space<vmem>>) dst(%dma_wait3A_107 : memref<10240x64xf32, #tpu.memory_space<vmem_shared>>)
        tpu.yield
      }) : () -> ()
      %scan3A_86 = arith.constant 0 : i32
      scf.yield %scan3A_86 : i32
    }
    %scan3A_37 = arith.constant 40 : i32
    %barrier3A_38 = arith.constant 0 : index
    tpu.barrier barrier_id(%barrier3A_38)
    %mul3A_39 = arith.constant 640 : i32
    %mul3A_40 = arith.muli %arg1, %mul3A_39 : i32
    %mul3A_41 = arith.constant 640 : i32
    %mul3A_42 = arith.muli %arg1, %mul3A_41 : i32
    "tpu.region"() ({
      %run_scoped3A = tpu.sem_alloc : memref<!tpu.dma_semaphore, #tpu.memory_space<semaphore_mem>>
      %dma_start3A_43 = arith.constant 0 : i32
      %dma_start3A_44 = tpu.memref_slice %arg6[%arg0, %mul3A_42, %dma_start3A_43] : memref<2x10240x64xf32, #tpu.memory_space<hbm>> -> memref<1x640x64xf32, #tpu.memory_space<hbm>>
      %dma_start3A_45 = tpu.memref_squeeze %dma_start3A_44 : memref<1x640x64xf32, #tpu.memory_space<hbm>> -> memref<640x64xf32, #tpu.memory_space<hbm>>
      %dma_start3A_46 = arith.constant 0 : i32
      %dma_start3A_47 = tpu.memref_slice %arg11[%mul3A_40, %dma_start3A_46] : memref<10240x64xf32, #tpu.memory_space<vmem_shared>> -> memref<640x64xf32, #tpu.memory_space<vmem_shared>>
      tpu.enqueue_dma source(%dma_start3A_47 : memref<640x64xf32, #tpu.memory_space<vmem_shared>>) target(%dma_start3A_45 : memref<640x64xf32, #tpu.memory_space<hbm>>) target_semaphore(%run_scoped3A : memref<!tpu.dma_semaphore, #tpu.memory_space<semaphore_mem>>)
      %dma_wait3A = arith.constant 0 : i32
      %dma_wait3A_48 = tpu.memref_slice %arg6[%arg0, %mul3A_42, %dma_wait3A] : memref<2x10240x64xf32, #tpu.memory_space<hbm>> -> memref<1x640x64xf32, #tpu.memory_space<hbm>>
      %dma_wait3A_49 = tpu.memref_squeeze %dma_wait3A_48 : memref<1x640x64xf32, #tpu.memory_space<hbm>> -> memref<640x64xf32, #tpu.memory_space<hbm>>
      %dma_wait3A_50 = arith.constant 0 : i32
      %dma_wait3A_51 = tpu.memref_slice %arg11[%mul3A_40, %dma_wait3A_50] : memref<10240x64xf32, #tpu.memory_space<vmem_shared>> -> memref<640x64xf32, #tpu.memory_space<vmem_shared>>
      tpu.wait_dma2 semaphore(%run_scoped3A : memref<!tpu.dma_semaphore, #tpu.memory_space<semaphore_mem>>) src(%dma_wait3A_51 : memref<640x64xf32, #tpu.memory_space<vmem_shared>>) dst(%dma_wait3A_49 : memref<640x64xf32, #tpu.memory_space<hbm>>)
      tpu.yield
    }) : () -> ()
    return
  }
}

#map = affine_map<(d0, d1) -> (0, 0)>
#map1 = affine_map<(d0, d1) -> (0, 0, 0)>
module attributes {stable_mosaic.version = 14 : i64} {
  func.func @_agg_body(%arg0: i32, %arg1: i32, %arg2: memref<10240x96xf32, #tpu.memory_space<hbm>>, %arg3: memref<32x80x128xi32, #tpu.memory_space<hbm>>, %arg4: memref<32x80x128xi32, #tpu.memory_space<hbm>>, %arg5: memref<128x96xf32, #tpu.memory_space<hbm>>, %arg6: memref<2x10240x96xf32, #tpu.memory_space<hbm>>, %arg7: memref<80x128xi32, #tpu.memory_space<vmem>>, %arg8: memref<80x128xi32, #tpu.memory_space<vmem>>, %arg9: memref<2x128x96xf32, #tpu.memory_space<vmem>>, %arg10: memref<128x96xf32, #tpu.memory_space<vmem>>, %arg11: memref<10240x96xf32, #tpu.memory_space<vmem_shared>>, %arg12: memref<!tpu.dma_semaphore, #tpu.memory_space<semaphore_mem>>, %arg13: memref<!tpu.dma_semaphore, #tpu.memory_space<semaphore_mem>>) attributes {dimension_semantics = [#tpu.dimension_semantics<core_parallel>, #tpu.dimension_semantics<subcore_parallel>], iteration_bounds = array<i64: 2, 16>, scalar_prefetch = 0 : i64, scratch_operands = 7 : i64, tpu.core_type = #tpu.core_type<sc_vector_subcore>, window_params = [{transform_indices = #map}, {transform_indices = #map1}, {transform_indices = #map1}, {transform_indices = #map}, {transform_indices = #map1}]} {
    %mul3A = arith.constant 16 : i32
    %mul3A_0 = arith.muli %arg0, %mul3A : i32
    %add3A = arith.addi %mul3A_0, %arg1 : i32
    "tpu.region"() ({
      %run_scoped3A = tpu.sem_alloc : memref<!tpu.dma_semaphore, #tpu.memory_space<semaphore_mem>>
      %dma_start3A_43 = arith.constant 0 : i32
      %dma_start3A_44 = arith.constant 0 : i32
      %dma_start3A_45 = tpu.memref_slice %arg3[%add3A, %dma_start3A_43, %dma_start3A_44] : memref<32x80x128xi32, #tpu.memory_space<hbm>> -> memref<1x80x128xi32, #tpu.memory_space<hbm>>
      %dma_start3A_46 = tpu.memref_squeeze %dma_start3A_45 : memref<1x80x128xi32, #tpu.memory_space<hbm>> -> memref<80x128xi32, #tpu.memory_space<hbm>>
      %dma_start3A_47 = arith.constant 0 : i32
      %dma_start3A_48 = arith.constant 0 : i32
      %dma_start3A_49 = tpu.memref_slice %arg3[%add3A, %dma_start3A_47, %dma_start3A_48] : memref<32x80x128xi32, #tpu.memory_space<hbm>> -> memref<1x80x128xi32, #tpu.memory_space<hbm>>
      %dma_start3A_50 = tpu.memref_squeeze %dma_start3A_49 : memref<1x80x128xi32, #tpu.memory_space<hbm>> -> memref<80x128xi32, #tpu.memory_space<hbm>>
      tpu.enqueue_dma source(%dma_start3A_50 : memref<80x128xi32, #tpu.memory_space<hbm>>) target(%arg7 : memref<80x128xi32, #tpu.memory_space<vmem>>) target_semaphore(%run_scoped3A : memref<!tpu.dma_semaphore, #tpu.memory_space<semaphore_mem>>)
      %dma_wait3A = arith.constant 0 : i32
      %dma_wait3A_51 = arith.constant 0 : i32
      %dma_wait3A_52 = tpu.memref_slice %arg3[%add3A, %dma_wait3A, %dma_wait3A_51] : memref<32x80x128xi32, #tpu.memory_space<hbm>> -> memref<1x80x128xi32, #tpu.memory_space<hbm>>
      %dma_wait3A_53 = tpu.memref_squeeze %dma_wait3A_52 : memref<1x80x128xi32, #tpu.memory_space<hbm>> -> memref<80x128xi32, #tpu.memory_space<hbm>>
      %dma_wait3A_54 = arith.constant 0 : i32
      %dma_wait3A_55 = arith.constant 0 : i32
      %dma_wait3A_56 = tpu.memref_slice %arg3[%add3A, %dma_wait3A_54, %dma_wait3A_55] : memref<32x80x128xi32, #tpu.memory_space<hbm>> -> memref<1x80x128xi32, #tpu.memory_space<hbm>>
      %dma_wait3A_57 = tpu.memref_squeeze %dma_wait3A_56 : memref<1x80x128xi32, #tpu.memory_space<hbm>> -> memref<80x128xi32, #tpu.memory_space<hbm>>
      tpu.wait_dma2 semaphore(%run_scoped3A : memref<!tpu.dma_semaphore, #tpu.memory_space<semaphore_mem>>) src(%dma_wait3A_57 : memref<80x128xi32, #tpu.memory_space<hbm>>) dst(%arg7 : memref<80x128xi32, #tpu.memory_space<vmem>>)
      tpu.yield
    }) : () -> ()
    "tpu.region"() ({
      %run_scoped3A = tpu.sem_alloc : memref<!tpu.dma_semaphore, #tpu.memory_space<semaphore_mem>>
      %dma_start3A_43 = arith.constant 0 : i32
      %dma_start3A_44 = arith.constant 0 : i32
      %dma_start3A_45 = tpu.memref_slice %arg4[%add3A, %dma_start3A_43, %dma_start3A_44] : memref<32x80x128xi32, #tpu.memory_space<hbm>> -> memref<1x80x128xi32, #tpu.memory_space<hbm>>
      %dma_start3A_46 = tpu.memref_squeeze %dma_start3A_45 : memref<1x80x128xi32, #tpu.memory_space<hbm>> -> memref<80x128xi32, #tpu.memory_space<hbm>>
      %dma_start3A_47 = arith.constant 0 : i32
      %dma_start3A_48 = arith.constant 0 : i32
      %dma_start3A_49 = tpu.memref_slice %arg4[%add3A, %dma_start3A_47, %dma_start3A_48] : memref<32x80x128xi32, #tpu.memory_space<hbm>> -> memref<1x80x128xi32, #tpu.memory_space<hbm>>
      %dma_start3A_50 = tpu.memref_squeeze %dma_start3A_49 : memref<1x80x128xi32, #tpu.memory_space<hbm>> -> memref<80x128xi32, #tpu.memory_space<hbm>>
      tpu.enqueue_dma source(%dma_start3A_50 : memref<80x128xi32, #tpu.memory_space<hbm>>) target(%arg8 : memref<80x128xi32, #tpu.memory_space<vmem>>) target_semaphore(%run_scoped3A : memref<!tpu.dma_semaphore, #tpu.memory_space<semaphore_mem>>)
      %dma_wait3A = arith.constant 0 : i32
      %dma_wait3A_51 = arith.constant 0 : i32
      %dma_wait3A_52 = tpu.memref_slice %arg4[%add3A, %dma_wait3A, %dma_wait3A_51] : memref<32x80x128xi32, #tpu.memory_space<hbm>> -> memref<1x80x128xi32, #tpu.memory_space<hbm>>
      %dma_wait3A_53 = tpu.memref_squeeze %dma_wait3A_52 : memref<1x80x128xi32, #tpu.memory_space<hbm>> -> memref<80x128xi32, #tpu.memory_space<hbm>>
      %dma_wait3A_54 = arith.constant 0 : i32
      %dma_wait3A_55 = arith.constant 0 : i32
      %dma_wait3A_56 = tpu.memref_slice %arg4[%add3A, %dma_wait3A_54, %dma_wait3A_55] : memref<32x80x128xi32, #tpu.memory_space<hbm>> -> memref<1x80x128xi32, #tpu.memory_space<hbm>>
      %dma_wait3A_57 = tpu.memref_squeeze %dma_wait3A_56 : memref<1x80x128xi32, #tpu.memory_space<hbm>> -> memref<80x128xi32, #tpu.memory_space<hbm>>
      tpu.wait_dma2 semaphore(%run_scoped3A : memref<!tpu.dma_semaphore, #tpu.memory_space<semaphore_mem>>) src(%dma_wait3A_57 : memref<80x128xi32, #tpu.memory_space<hbm>>) dst(%arg8 : memref<80x128xi32, #tpu.memory_space<vmem>>)
      tpu.yield
    }) : () -> ()
    "tpu.region"() ({
      %run_scoped3A = tpu.sem_alloc : memref<!tpu.dma_semaphore, #tpu.memory_space<semaphore_mem>>
      tpu.enqueue_dma source(%arg5 : memref<128x96xf32, #tpu.memory_space<hbm>>) target(%arg10 : memref<128x96xf32, #tpu.memory_space<vmem>>) target_semaphore(%run_scoped3A : memref<!tpu.dma_semaphore, #tpu.memory_space<semaphore_mem>>)
      tpu.wait_dma2 semaphore(%run_scoped3A : memref<!tpu.dma_semaphore, #tpu.memory_space<semaphore_mem>>) src(%arg5 : memref<128x96xf32, #tpu.memory_space<hbm>>) dst(%arg10 : memref<128x96xf32, #tpu.memory_space<vmem>>)
      tpu.yield
    }) : () -> ()
    %mul3A_1 = arith.constant 640 : i32
    %mul3A_2 = arith.muli %arg1, %mul3A_1 : i32
    %add3A_3 = arith.constant 0 : i32
    %add3A_4 = arith.addi %mul3A_2, %add3A_3 : i32
    "tpu.region"() ({
      %run_scoped3A = tpu.sem_alloc : memref<!tpu.dma_semaphore, #tpu.memory_space<semaphore_mem>>
      %dma_start3A_43 = arith.constant 0 : i32
      %dma_start3A_44 = tpu.memref_slice %arg11[%add3A_4, %dma_start3A_43] : memref<10240x96xf32, #tpu.memory_space<vmem_shared>> -> memref<128x96xf32, #tpu.memory_space<vmem_shared>>
      %dma_start3A_45 = arith.constant 0 : i32
      %dma_start3A_46 = tpu.memref_slice %arg11[%add3A_4, %dma_start3A_45] : memref<10240x96xf32, #tpu.memory_space<vmem_shared>> -> memref<128x96xf32, #tpu.memory_space<vmem_shared>>
      tpu.enqueue_dma source(%arg10 : memref<128x96xf32, #tpu.memory_space<vmem>>) target(%dma_start3A_46 : memref<128x96xf32, #tpu.memory_space<vmem_shared>>) target_semaphore(%run_scoped3A : memref<!tpu.dma_semaphore, #tpu.memory_space<semaphore_mem>>)
      %dma_wait3A = arith.constant 0 : i32
      %dma_wait3A_47 = tpu.memref_slice %arg11[%add3A_4, %dma_wait3A] : memref<10240x96xf32, #tpu.memory_space<vmem_shared>> -> memref<128x96xf32, #tpu.memory_space<vmem_shared>>
      %dma_wait3A_48 = arith.constant 0 : i32
      %dma_wait3A_49 = tpu.memref_slice %arg11[%add3A_4, %dma_wait3A_48] : memref<10240x96xf32, #tpu.memory_space<vmem_shared>> -> memref<128x96xf32, #tpu.memory_space<vmem_shared>>
      tpu.wait_dma2 semaphore(%run_scoped3A : memref<!tpu.dma_semaphore, #tpu.memory_space<semaphore_mem>>) src(%arg10 : memref<128x96xf32, #tpu.memory_space<vmem>>) dst(%dma_wait3A_49 : memref<128x96xf32, #tpu.memory_space<vmem_shared>>)
      tpu.yield
    }) : () -> ()
    %mul3A_5 = arith.constant 640 : i32
    %mul3A_6 = arith.muli %arg1, %mul3A_5 : i32
    %add3A_7 = arith.constant 128 : i32
    %add3A_8 = arith.addi %mul3A_6, %add3A_7 : i32
    "tpu.region"() ({
      %run_scoped3A = tpu.sem_alloc : memref<!tpu.dma_semaphore, #tpu.memory_space<semaphore_mem>>
      %dma_start3A_43 = arith.constant 0 : i32
      %dma_start3A_44 = tpu.memref_slice %arg11[%add3A_8, %dma_start3A_43] : memref<10240x96xf32, #tpu.memory_space<vmem_shared>> -> memref<128x96xf32, #tpu.memory_space<vmem_shared>>
      %dma_start3A_45 = arith.constant 0 : i32
      %dma_start3A_46 = tpu.memref_slice %arg11[%add3A_8, %dma_start3A_45] : memref<10240x96xf32, #tpu.memory_space<vmem_shared>> -> memref<128x96xf32, #tpu.memory_space<vmem_shared>>
      tpu.enqueue_dma source(%arg10 : memref<128x96xf32, #tpu.memory_space<vmem>>) target(%dma_start3A_46 : memref<128x96xf32, #tpu.memory_space<vmem_shared>>) target_semaphore(%run_scoped3A : memref<!tpu.dma_semaphore, #tpu.memory_space<semaphore_mem>>)
      %dma_wait3A = arith.constant 0 : i32
      %dma_wait3A_47 = tpu.memref_slice %arg11[%add3A_8, %dma_wait3A] : memref<10240x96xf32, #tpu.memory_space<vmem_shared>> -> memref<128x96xf32, #tpu.memory_space<vmem_shared>>
      %dma_wait3A_48 = arith.constant 0 : i32
      %dma_wait3A_49 = tpu.memref_slice %arg11[%add3A_8, %dma_wait3A_48] : memref<10240x96xf32, #tpu.memory_space<vmem_shared>> -> memref<128x96xf32, #tpu.memory_space<vmem_shared>>
      tpu.wait_dma2 semaphore(%run_scoped3A : memref<!tpu.dma_semaphore, #tpu.memory_space<semaphore_mem>>) src(%arg10 : memref<128x96xf32, #tpu.memory_space<vmem>>) dst(%dma_wait3A_49 : memref<128x96xf32, #tpu.memory_space<vmem_shared>>)
      tpu.yield
    }) : () -> ()
    %mul3A_9 = arith.constant 640 : i32
    %mul3A_10 = arith.muli %arg1, %mul3A_9 : i32
    %add3A_11 = arith.constant 256 : i32
    %add3A_12 = arith.addi %mul3A_10, %add3A_11 : i32
    "tpu.region"() ({
      %run_scoped3A = tpu.sem_alloc : memref<!tpu.dma_semaphore, #tpu.memory_space<semaphore_mem>>
      %dma_start3A_43 = arith.constant 0 : i32
      %dma_start3A_44 = tpu.memref_slice %arg11[%add3A_12, %dma_start3A_43] : memref<10240x96xf32, #tpu.memory_space<vmem_shared>> -> memref<128x96xf32, #tpu.memory_space<vmem_shared>>
      %dma_start3A_45 = arith.constant 0 : i32
      %dma_start3A_46 = tpu.memref_slice %arg11[%add3A_12, %dma_start3A_45] : memref<10240x96xf32, #tpu.memory_space<vmem_shared>> -> memref<128x96xf32, #tpu.memory_space<vmem_shared>>
      tpu.enqueue_dma source(%arg10 : memref<128x96xf32, #tpu.memory_space<vmem>>) target(%dma_start3A_46 : memref<128x96xf32, #tpu.memory_space<vmem_shared>>) target_semaphore(%run_scoped3A : memref<!tpu.dma_semaphore, #tpu.memory_space<semaphore_mem>>)
      %dma_wait3A = arith.constant 0 : i32
      %dma_wait3A_47 = tpu.memref_slice %arg11[%add3A_12, %dma_wait3A] : memref<10240x96xf32, #tpu.memory_space<vmem_shared>> -> memref<128x96xf32, #tpu.memory_space<vmem_shared>>
      %dma_wait3A_48 = arith.constant 0 : i32
      %dma_wait3A_49 = tpu.memref_slice %arg11[%add3A_12, %dma_wait3A_48] : memref<10240x96xf32, #tpu.memory_space<vmem_shared>> -> memref<128x96xf32, #tpu.memory_space<vmem_shared>>
      tpu.wait_dma2 semaphore(%run_scoped3A : memref<!tpu.dma_semaphore, #tpu.memory_space<semaphore_mem>>) src(%arg10 : memref<128x96xf32, #tpu.memory_space<vmem>>) dst(%dma_wait3A_49 : memref<128x96xf32, #tpu.memory_space<vmem_shared>>)
      tpu.yield
    }) : () -> ()
    %mul3A_13 = arith.constant 640 : i32
    %mul3A_14 = arith.muli %arg1, %mul3A_13 : i32
    %add3A_15 = arith.constant 384 : i32
    %add3A_16 = arith.addi %mul3A_14, %add3A_15 : i32
    "tpu.region"() ({
      %run_scoped3A = tpu.sem_alloc : memref<!tpu.dma_semaphore, #tpu.memory_space<semaphore_mem>>
      %dma_start3A_43 = arith.constant 0 : i32
      %dma_start3A_44 = tpu.memref_slice %arg11[%add3A_16, %dma_start3A_43] : memref<10240x96xf32, #tpu.memory_space<vmem_shared>> -> memref<128x96xf32, #tpu.memory_space<vmem_shared>>
      %dma_start3A_45 = arith.constant 0 : i32
      %dma_start3A_46 = tpu.memref_slice %arg11[%add3A_16, %dma_start3A_45] : memref<10240x96xf32, #tpu.memory_space<vmem_shared>> -> memref<128x96xf32, #tpu.memory_space<vmem_shared>>
      tpu.enqueue_dma source(%arg10 : memref<128x96xf32, #tpu.memory_space<vmem>>) target(%dma_start3A_46 : memref<128x96xf32, #tpu.memory_space<vmem_shared>>) target_semaphore(%run_scoped3A : memref<!tpu.dma_semaphore, #tpu.memory_space<semaphore_mem>>)
      %dma_wait3A = arith.constant 0 : i32
      %dma_wait3A_47 = tpu.memref_slice %arg11[%add3A_16, %dma_wait3A] : memref<10240x96xf32, #tpu.memory_space<vmem_shared>> -> memref<128x96xf32, #tpu.memory_space<vmem_shared>>
      %dma_wait3A_48 = arith.constant 0 : i32
      %dma_wait3A_49 = tpu.memref_slice %arg11[%add3A_16, %dma_wait3A_48] : memref<10240x96xf32, #tpu.memory_space<vmem_shared>> -> memref<128x96xf32, #tpu.memory_space<vmem_shared>>
      tpu.wait_dma2 semaphore(%run_scoped3A : memref<!tpu.dma_semaphore, #tpu.memory_space<semaphore_mem>>) src(%arg10 : memref<128x96xf32, #tpu.memory_space<vmem>>) dst(%dma_wait3A_49 : memref<128x96xf32, #tpu.memory_space<vmem_shared>>)
      tpu.yield
    }) : () -> ()
    %mul3A_17 = arith.constant 640 : i32
    %mul3A_18 = arith.muli %arg1, %mul3A_17 : i32
    %add3A_19 = arith.constant 512 : i32
    %add3A_20 = arith.addi %mul3A_18, %add3A_19 : i32
    "tpu.region"() ({
      %run_scoped3A = tpu.sem_alloc : memref<!tpu.dma_semaphore, #tpu.memory_space<semaphore_mem>>
      %dma_start3A_43 = arith.constant 0 : i32
      %dma_start3A_44 = tpu.memref_slice %arg11[%add3A_20, %dma_start3A_43] : memref<10240x96xf32, #tpu.memory_space<vmem_shared>> -> memref<128x96xf32, #tpu.memory_space<vmem_shared>>
      %dma_start3A_45 = arith.constant 0 : i32
      %dma_start3A_46 = tpu.memref_slice %arg11[%add3A_20, %dma_start3A_45] : memref<10240x96xf32, #tpu.memory_space<vmem_shared>> -> memref<128x96xf32, #tpu.memory_space<vmem_shared>>
      tpu.enqueue_dma source(%arg10 : memref<128x96xf32, #tpu.memory_space<vmem>>) target(%dma_start3A_46 : memref<128x96xf32, #tpu.memory_space<vmem_shared>>) target_semaphore(%run_scoped3A : memref<!tpu.dma_semaphore, #tpu.memory_space<semaphore_mem>>)
      %dma_wait3A = arith.constant 0 : i32
      %dma_wait3A_47 = tpu.memref_slice %arg11[%add3A_20, %dma_wait3A] : memref<10240x96xf32, #tpu.memory_space<vmem_shared>> -> memref<128x96xf32, #tpu.memory_space<vmem_shared>>
      %dma_wait3A_48 = arith.constant 0 : i32
      %dma_wait3A_49 = tpu.memref_slice %arg11[%add3A_20, %dma_wait3A_48] : memref<10240x96xf32, #tpu.memory_space<vmem_shared>> -> memref<128x96xf32, #tpu.memory_space<vmem_shared>>
      tpu.wait_dma2 semaphore(%run_scoped3A : memref<!tpu.dma_semaphore, #tpu.memory_space<semaphore_mem>>) src(%arg10 : memref<128x96xf32, #tpu.memory_space<vmem>>) dst(%dma_wait3A_49 : memref<128x96xf32, #tpu.memory_space<vmem_shared>>)
      tpu.yield
    }) : () -> ()
    %barrier3A = arith.constant 0 : index
    tpu.barrier barrier_id(%barrier3A)
    %dma_start3A = arith.constant 0 : i32
    %dma_start3A_21 = arith.constant 0 : i32
    %dma_start3A_22 = arith.constant 0 : i32
    %dma_start3A_23 = arith.constant 0 : i32
    %dma_start3A_24 = tpu.memref_slice %arg9[%dma_start3A_21, %dma_start3A_22, %dma_start3A_23] : memref<2x128x96xf32, #tpu.memory_space<vmem>> -> memref<1x128x96xf32, #tpu.memory_space<vmem>>
    %dma_start3A_25 = tpu.memref_squeeze %dma_start3A_24 : memref<1x128x96xf32, #tpu.memory_space<vmem>> -> memref<128x96xf32, #tpu.memory_space<vmem>>
    %dma_start3A_26 = arith.constant 0 : i32
    %dma_start3A_27 = tpu.memref_slice %arg7[%dma_start3A, %dma_start3A_26] : memref<80x128xi32, #tpu.memory_space<vmem>> -> memref<1x128xi32, #tpu.memory_space<vmem>>
    %dma_start3A_28 = tpu.memref_squeeze %dma_start3A_27 : memref<1x128xi32, #tpu.memory_space<vmem>> -> memref<128xi32, #tpu.memory_space<vmem>>
    %dma_start3A_29 = arith.constant 0 : i32
    %dma_start3A_30 = arith.constant 0 : i32
    %dma_start3A_31 = tpu.memref_slice %arg2[%dma_start3A_29, %dma_start3A_30] : memref<10240x96xf32, #tpu.memory_space<hbm>> -> memref<10240x96xf32, #tpu.memory_space<hbm>>
    tpu.enqueue_indirect_dma source(%dma_start3A_31 : memref<10240x96xf32, #tpu.memory_space<hbm>>) target(%dma_start3A_25 : memref<128x96xf32, #tpu.memory_space<vmem>>) offsets(%dma_start3A_28 : memref<128xi32, #tpu.memory_space<vmem>>) semaphore(%arg12 : memref<!tpu.dma_semaphore, #tpu.memory_space<semaphore_mem>>)
    %scan3A = arith.constant 0 : i32
    %scan3A_32 = arith.constant 0 : i32
    %scan3A_33 = arith.constant 40 : i32
    %scan3A_34 = arith.addi %scan3A_32, %scan3A_33 : i32
    %scan3A_35 = arith.constant 1 : i32
    %scan3A_36 = scf.for %scan3A_43 = %scan3A_32 to %scan3A_34 step %scan3A_35 iter_args(%scan3A_44 = %scan3A) -> (i32)  : i32 {
      %mul3A_45 = arith.constant 2 : i32
      %mul3A_46 = arith.muli %mul3A_45, %scan3A_43 : i32
      %add3A_47 = arith.constant 1 : i32
      %add3A_48 = arith.addi %mul3A_46, %add3A_47 : i32
      %dma_start3A_49 = arith.constant 1 : i32
      %dma_start3A_50 = arith.constant 0 : i32
      %dma_start3A_51 = arith.constant 0 : i32
      %dma_start3A_52 = tpu.memref_slice %arg9[%dma_start3A_49, %dma_start3A_50, %dma_start3A_51] : memref<2x128x96xf32, #tpu.memory_space<vmem>> -> memref<1x128x96xf32, #tpu.memory_space<vmem>>
      %dma_start3A_53 = tpu.memref_squeeze %dma_start3A_52 : memref<1x128x96xf32, #tpu.memory_space<vmem>> -> memref<128x96xf32, #tpu.memory_space<vmem>>
      %dma_start3A_54 = arith.constant 0 : i32
      %dma_start3A_55 = tpu.memref_slice %arg7[%add3A_48, %dma_start3A_54] : memref<80x128xi32, #tpu.memory_space<vmem>> -> memref<1x128xi32, #tpu.memory_space<vmem>>
      %dma_start3A_56 = tpu.memref_squeeze %dma_start3A_55 : memref<1x128xi32, #tpu.memory_space<vmem>> -> memref<128xi32, #tpu.memory_space<vmem>>
      %dma_start3A_57 = arith.constant 0 : i32
      %dma_start3A_58 = arith.constant 0 : i32
      %dma_start3A_59 = tpu.memref_slice %arg2[%dma_start3A_57, %dma_start3A_58] : memref<10240x96xf32, #tpu.memory_space<hbm>> -> memref<10240x96xf32, #tpu.memory_space<hbm>>
      tpu.enqueue_indirect_dma source(%dma_start3A_59 : memref<10240x96xf32, #tpu.memory_space<hbm>>) target(%dma_start3A_53 : memref<128x96xf32, #tpu.memory_space<vmem>>) offsets(%dma_start3A_56 : memref<128xi32, #tpu.memory_space<vmem>>) semaphore(%arg13 : memref<!tpu.dma_semaphore, #tpu.memory_space<semaphore_mem>>)
      %dma_wait3A = arith.constant 0 : i32
      %dma_wait3A_60 = arith.constant 0 : i32
      %dma_wait3A_61 = arith.constant 0 : i32
      %dma_wait3A_62 = tpu.memref_slice %arg9[%dma_wait3A, %dma_wait3A_60, %dma_wait3A_61] : memref<2x128x96xf32, #tpu.memory_space<vmem>> -> memref<1x128x96xf32, #tpu.memory_space<vmem>>
      %dma_wait3A_63 = tpu.memref_squeeze %dma_wait3A_62 : memref<1x128x96xf32, #tpu.memory_space<vmem>> -> memref<128x96xf32, #tpu.memory_space<vmem>>
      %dma_wait3A_64 = arith.constant 0 : i32
      %dma_wait3A_65 = tpu.memref_slice %arg7[%mul3A_46, %dma_wait3A_64] : memref<80x128xi32, #tpu.memory_space<vmem>> -> memref<1x128xi32, #tpu.memory_space<vmem>>
      %dma_wait3A_66 = tpu.memref_squeeze %dma_wait3A_65 : memref<1x128xi32, #tpu.memory_space<vmem>> -> memref<128xi32, #tpu.memory_space<vmem>>
      %dma_wait3A_67 = arith.constant 0 : i32
      %dma_wait3A_68 = arith.constant 0 : i32
      %dma_wait3A_69 = tpu.memref_slice %arg2[%dma_wait3A_67, %dma_wait3A_68] : memref<10240x96xf32, #tpu.memory_space<hbm>> -> memref<10240x96xf32, #tpu.memory_space<hbm>>
      tpu.wait_indirect_dma semaphore(%arg12 : memref<!tpu.dma_semaphore, #tpu.memory_space<semaphore_mem>>) src(%dma_wait3A_69 : memref<10240x96xf32, #tpu.memory_space<hbm>>) dst(%dma_wait3A_63 : memref<128x96xf32, #tpu.memory_space<vmem>>)
      %run_scoped3A = arith.constant 0 : i32
      "tpu.region"() ({
        %run_scoped3A_87 = tpu.sem_alloc : memref<!tpu.dma_semaphore, #tpu.memory_space<semaphore_mem>>
        %dma_start3A_88 = arith.constant 0 : i32
        %dma_start3A_89 = arith.constant 0 : i32
        %dma_start3A_90 = tpu.memref_slice %arg9[%run_scoped3A, %dma_start3A_88, %dma_start3A_89] : memref<2x128x96xf32, #tpu.memory_space<vmem>> -> memref<1x128x96xf32, #tpu.memory_space<vmem>>
        %dma_start3A_91 = tpu.memref_squeeze %dma_start3A_90 : memref<1x128x96xf32, #tpu.memory_space<vmem>> -> memref<128x96xf32, #tpu.memory_space<vmem>>
        %dma_start3A_92 = arith.constant 0 : i32
        %dma_start3A_93 = tpu.memref_slice %arg8[%mul3A_46, %dma_start3A_92] : memref<80x128xi32, #tpu.memory_space<vmem>> -> memref<1x128xi32, #tpu.memory_space<vmem>>
        %dma_start3A_94 = tpu.memref_squeeze %dma_start3A_93 : memref<1x128xi32, #tpu.memory_space<vmem>> -> memref<128xi32, #tpu.memory_space<vmem>>
        %dma_start3A_95 = arith.constant 0 : i32
        %dma_start3A_96 = arith.constant 0 : i32
        %dma_start3A_97 = tpu.memref_slice %arg11[%dma_start3A_95, %dma_start3A_96] : memref<10240x96xf32, #tpu.memory_space<vmem_shared>> -> memref<10240x96xf32, #tpu.memory_space<vmem_shared>>
        tpu.enqueue_indirect_dma source(%dma_start3A_91 : memref<128x96xf32, #tpu.memory_space<vmem>>) target(%dma_start3A_97 : memref<10240x96xf32, #tpu.memory_space<vmem_shared>>) offsets(%dma_start3A_94 : memref<128xi32, #tpu.memory_space<vmem>>) semaphore(%run_scoped3A_87 : memref<!tpu.dma_semaphore, #tpu.memory_space<semaphore_mem>>) {add = true}
        %dma_wait3A_98 = arith.constant 0 : i32
        %dma_wait3A_99 = arith.constant 0 : i32
        %dma_wait3A_100 = tpu.memref_slice %arg9[%run_scoped3A, %dma_wait3A_98, %dma_wait3A_99] : memref<2x128x96xf32, #tpu.memory_space<vmem>> -> memref<1x128x96xf32, #tpu.memory_space<vmem>>
        %dma_wait3A_101 = tpu.memref_squeeze %dma_wait3A_100 : memref<1x128x96xf32, #tpu.memory_space<vmem>> -> memref<128x96xf32, #tpu.memory_space<vmem>>
        %dma_wait3A_102 = arith.constant 0 : i32
        %dma_wait3A_103 = tpu.memref_slice %arg8[%mul3A_46, %dma_wait3A_102] : memref<80x128xi32, #tpu.memory_space<vmem>> -> memref<1x128xi32, #tpu.memory_space<vmem>>
        %dma_wait3A_104 = tpu.memref_squeeze %dma_wait3A_103 : memref<1x128xi32, #tpu.memory_space<vmem>> -> memref<128xi32, #tpu.memory_space<vmem>>
        %dma_wait3A_105 = arith.constant 0 : i32
        %dma_wait3A_106 = arith.constant 0 : i32
        %dma_wait3A_107 = tpu.memref_slice %arg11[%dma_wait3A_105, %dma_wait3A_106] : memref<10240x96xf32, #tpu.memory_space<vmem_shared>> -> memref<10240x96xf32, #tpu.memory_space<vmem_shared>>
        tpu.wait_indirect_dma semaphore(%run_scoped3A_87 : memref<!tpu.dma_semaphore, #tpu.memory_space<semaphore_mem>>) src(%dma_wait3A_101 : memref<128x96xf32, #tpu.memory_space<vmem>>) dst(%dma_wait3A_107 : memref<10240x96xf32, #tpu.memory_space<vmem_shared>>)
        tpu.yield
      }) : () -> ()
      %add3A_70 = arith.constant 1 : i32
      %add3A_71 = arith.addi %scan3A_43, %add3A_70 : i32
      %lt3A = arith.constant 40 : i32
      %lt3A_72 = arith.cmpi slt, %add3A_71, %lt3A : i32
      %convert_element_type3A = arith.extui %lt3A_72 : i1 to i32
      %cond3A = arith.constant 0 : i32
      %cond3A_73 = arith.cmpi ne, %convert_element_type3A, %cond3A : i32
      scf.if %cond3A_73 {
        %add3A_87 = arith.constant 2 : i32
        %add3A_88 = arith.addi %mul3A_46, %add3A_87 : i32
        %dma_start3A_89 = arith.constant 0 : i32
        %dma_start3A_90 = arith.constant 0 : i32
        %dma_start3A_91 = arith.constant 0 : i32
        %dma_start3A_92 = tpu.memref_slice %arg9[%dma_start3A_89, %dma_start3A_90, %dma_start3A_91] : memref<2x128x96xf32, #tpu.memory_space<vmem>> -> memref<1x128x96xf32, #tpu.memory_space<vmem>>
        %dma_start3A_93 = tpu.memref_squeeze %dma_start3A_92 : memref<1x128x96xf32, #tpu.memory_space<vmem>> -> memref<128x96xf32, #tpu.memory_space<vmem>>
        %dma_start3A_94 = arith.constant 0 : i32
        %dma_start3A_95 = tpu.memref_slice %arg7[%add3A_88, %dma_start3A_94] : memref<80x128xi32, #tpu.memory_space<vmem>> -> memref<1x128xi32, #tpu.memory_space<vmem>>
        %dma_start3A_96 = tpu.memref_squeeze %dma_start3A_95 : memref<1x128xi32, #tpu.memory_space<vmem>> -> memref<128xi32, #tpu.memory_space<vmem>>
        %dma_start3A_97 = arith.constant 0 : i32
        %dma_start3A_98 = arith.constant 0 : i32
        %dma_start3A_99 = tpu.memref_slice %arg2[%dma_start3A_97, %dma_start3A_98] : memref<10240x96xf32, #tpu.memory_space<hbm>> -> memref<10240x96xf32, #tpu.memory_space<hbm>>
        tpu.enqueue_indirect_dma source(%dma_start3A_99 : memref<10240x96xf32, #tpu.memory_space<hbm>>) target(%dma_start3A_93 : memref<128x96xf32, #tpu.memory_space<vmem>>) offsets(%dma_start3A_96 : memref<128xi32, #tpu.memory_space<vmem>>) semaphore(%arg12 : memref<!tpu.dma_semaphore, #tpu.memory_space<semaphore_mem>>)
      } else {
      }
      %dma_wait3A_74 = arith.constant 1 : i32
      %dma_wait3A_75 = arith.constant 0 : i32
      %dma_wait3A_76 = arith.constant 0 : i32
      %dma_wait3A_77 = tpu.memref_slice %arg9[%dma_wait3A_74, %dma_wait3A_75, %dma_wait3A_76] : memref<2x128x96xf32, #tpu.memory_space<vmem>> -> memref<1x128x96xf32, #tpu.memory_space<vmem>>
      %dma_wait3A_78 = tpu.memref_squeeze %dma_wait3A_77 : memref<1x128x96xf32, #tpu.memory_space<vmem>> -> memref<128x96xf32, #tpu.memory_space<vmem>>
      %dma_wait3A_79 = arith.constant 0 : i32
      %dma_wait3A_80 = tpu.memref_slice %arg7[%add3A_48, %dma_wait3A_79] : memref<80x128xi32, #tpu.memory_space<vmem>> -> memref<1x128xi32, #tpu.memory_space<vmem>>
      %dma_wait3A_81 = tpu.memref_squeeze %dma_wait3A_80 : memref<1x128xi32, #tpu.memory_space<vmem>> -> memref<128xi32, #tpu.memory_space<vmem>>
      %dma_wait3A_82 = arith.constant 0 : i32
      %dma_wait3A_83 = arith.constant 0 : i32
      %dma_wait3A_84 = tpu.memref_slice %arg2[%dma_wait3A_82, %dma_wait3A_83] : memref<10240x96xf32, #tpu.memory_space<hbm>> -> memref<10240x96xf32, #tpu.memory_space<hbm>>
      tpu.wait_indirect_dma semaphore(%arg13 : memref<!tpu.dma_semaphore, #tpu.memory_space<semaphore_mem>>) src(%dma_wait3A_84 : memref<10240x96xf32, #tpu.memory_space<hbm>>) dst(%dma_wait3A_78 : memref<128x96xf32, #tpu.memory_space<vmem>>)
      %run_scoped3A_85 = arith.constant 1 : i32
      "tpu.region"() ({
        %run_scoped3A_87 = tpu.sem_alloc : memref<!tpu.dma_semaphore, #tpu.memory_space<semaphore_mem>>
        %dma_start3A_88 = arith.constant 0 : i32
        %dma_start3A_89 = arith.constant 0 : i32
        %dma_start3A_90 = tpu.memref_slice %arg9[%run_scoped3A_85, %dma_start3A_88, %dma_start3A_89] : memref<2x128x96xf32, #tpu.memory_space<vmem>> -> memref<1x128x96xf32, #tpu.memory_space<vmem>>
        %dma_start3A_91 = tpu.memref_squeeze %dma_start3A_90 : memref<1x128x96xf32, #tpu.memory_space<vmem>> -> memref<128x96xf32, #tpu.memory_space<vmem>>
        %dma_start3A_92 = arith.constant 0 : i32
        %dma_start3A_93 = tpu.memref_slice %arg8[%add3A_48, %dma_start3A_92] : memref<80x128xi32, #tpu.memory_space<vmem>> -> memref<1x128xi32, #tpu.memory_space<vmem>>
        %dma_start3A_94 = tpu.memref_squeeze %dma_start3A_93 : memref<1x128xi32, #tpu.memory_space<vmem>> -> memref<128xi32, #tpu.memory_space<vmem>>
        %dma_start3A_95 = arith.constant 0 : i32
        %dma_start3A_96 = arith.constant 0 : i32
        %dma_start3A_97 = tpu.memref_slice %arg11[%dma_start3A_95, %dma_start3A_96] : memref<10240x96xf32, #tpu.memory_space<vmem_shared>> -> memref<10240x96xf32, #tpu.memory_space<vmem_shared>>
        tpu.enqueue_indirect_dma source(%dma_start3A_91 : memref<128x96xf32, #tpu.memory_space<vmem>>) target(%dma_start3A_97 : memref<10240x96xf32, #tpu.memory_space<vmem_shared>>) offsets(%dma_start3A_94 : memref<128xi32, #tpu.memory_space<vmem>>) semaphore(%run_scoped3A_87 : memref<!tpu.dma_semaphore, #tpu.memory_space<semaphore_mem>>) {add = true}
        %dma_wait3A_98 = arith.constant 0 : i32
        %dma_wait3A_99 = arith.constant 0 : i32
        %dma_wait3A_100 = tpu.memref_slice %arg9[%run_scoped3A_85, %dma_wait3A_98, %dma_wait3A_99] : memref<2x128x96xf32, #tpu.memory_space<vmem>> -> memref<1x128x96xf32, #tpu.memory_space<vmem>>
        %dma_wait3A_101 = tpu.memref_squeeze %dma_wait3A_100 : memref<1x128x96xf32, #tpu.memory_space<vmem>> -> memref<128x96xf32, #tpu.memory_space<vmem>>
        %dma_wait3A_102 = arith.constant 0 : i32
        %dma_wait3A_103 = tpu.memref_slice %arg8[%add3A_48, %dma_wait3A_102] : memref<80x128xi32, #tpu.memory_space<vmem>> -> memref<1x128xi32, #tpu.memory_space<vmem>>
        %dma_wait3A_104 = tpu.memref_squeeze %dma_wait3A_103 : memref<1x128xi32, #tpu.memory_space<vmem>> -> memref<128xi32, #tpu.memory_space<vmem>>
        %dma_wait3A_105 = arith.constant 0 : i32
        %dma_wait3A_106 = arith.constant 0 : i32
        %dma_wait3A_107 = tpu.memref_slice %arg11[%dma_wait3A_105, %dma_wait3A_106] : memref<10240x96xf32, #tpu.memory_space<vmem_shared>> -> memref<10240x96xf32, #tpu.memory_space<vmem_shared>>
        tpu.wait_indirect_dma semaphore(%run_scoped3A_87 : memref<!tpu.dma_semaphore, #tpu.memory_space<semaphore_mem>>) src(%dma_wait3A_101 : memref<128x96xf32, #tpu.memory_space<vmem>>) dst(%dma_wait3A_107 : memref<10240x96xf32, #tpu.memory_space<vmem_shared>>)
        tpu.yield
      }) : () -> ()
      %scan3A_86 = arith.constant 0 : i32
      scf.yield %scan3A_86 : i32
    }
    %scan3A_37 = arith.constant 40 : i32
    %barrier3A_38 = arith.constant 0 : index
    tpu.barrier barrier_id(%barrier3A_38)
    %mul3A_39 = arith.constant 640 : i32
    %mul3A_40 = arith.muli %arg1, %mul3A_39 : i32
    %mul3A_41 = arith.constant 640 : i32
    %mul3A_42 = arith.muli %arg1, %mul3A_41 : i32
    "tpu.region"() ({
      %run_scoped3A = tpu.sem_alloc : memref<!tpu.dma_semaphore, #tpu.memory_space<semaphore_mem>>
      %dma_start3A_43 = arith.constant 0 : i32
      %dma_start3A_44 = tpu.memref_slice %arg6[%arg0, %mul3A_42, %dma_start3A_43] : memref<2x10240x96xf32, #tpu.memory_space<hbm>> -> memref<1x640x96xf32, #tpu.memory_space<hbm>>
      %dma_start3A_45 = tpu.memref_squeeze %dma_start3A_44 : memref<1x640x96xf32, #tpu.memory_space<hbm>> -> memref<640x96xf32, #tpu.memory_space<hbm>>
      %dma_start3A_46 = arith.constant 0 : i32
      %dma_start3A_47 = tpu.memref_slice %arg11[%mul3A_40, %dma_start3A_46] : memref<10240x96xf32, #tpu.memory_space<vmem_shared>> -> memref<640x96xf32, #tpu.memory_space<vmem_shared>>
      tpu.enqueue_dma source(%dma_start3A_47 : memref<640x96xf32, #tpu.memory_space<vmem_shared>>) target(%dma_start3A_45 : memref<640x96xf32, #tpu.memory_space<hbm>>) target_semaphore(%run_scoped3A : memref<!tpu.dma_semaphore, #tpu.memory_space<semaphore_mem>>)
      %dma_wait3A = arith.constant 0 : i32
      %dma_wait3A_48 = tpu.memref_slice %arg6[%arg0, %mul3A_42, %dma_wait3A] : memref<2x10240x96xf32, #tpu.memory_space<hbm>> -> memref<1x640x96xf32, #tpu.memory_space<hbm>>
      %dma_wait3A_49 = tpu.memref_squeeze %dma_wait3A_48 : memref<1x640x96xf32, #tpu.memory_space<hbm>> -> memref<640x96xf32, #tpu.memory_space<hbm>>
      %dma_wait3A_50 = arith.constant 0 : i32
      %dma_wait3A_51 = tpu.memref_slice %arg11[%mul3A_40, %dma_wait3A_50] : memref<10240x96xf32, #tpu.memory_space<vmem_shared>> -> memref<640x96xf32, #tpu.memory_space<vmem_shared>>
      tpu.wait_dma2 semaphore(%run_scoped3A : memref<!tpu.dma_semaphore, #tpu.memory_space<semaphore_mem>>) src(%dma_wait3A_51 : memref<640x96xf32, #tpu.memory_space<vmem_shared>>) dst(%dma_wait3A_49 : memref<640x96xf32, #tpu.memory_space<hbm>>)
      tpu.yield
    }) : () -> ()
    return
  }
}

#map = affine_map<(d0, d1) -> (0, 0)>
#map1 = affine_map<(d0, d1) -> (0, 0, 0)>
module attributes {stable_mosaic.version = 14 : i64} {
  func.func @_agg_body(%arg0: i32, %arg1: i32, %arg2: memref<10240x64xf32, #tpu.memory_space<hbm>>, %arg3: memref<32x80x128xi32, #tpu.memory_space<hbm>>, %arg4: memref<32x80x128xi32, #tpu.memory_space<hbm>>, %arg5: memref<128x64xf32, #tpu.memory_space<hbm>>, %arg6: memref<2x10240x64xf32, #tpu.memory_space<hbm>>, %arg7: memref<80x128xi32, #tpu.memory_space<vmem>>, %arg8: memref<80x128xi32, #tpu.memory_space<vmem>>, %arg9: memref<2x128x64xf32, #tpu.memory_space<vmem>>, %arg10: memref<128x64xf32, #tpu.memory_space<vmem>>, %arg11: memref<10240x64xf32, #tpu.memory_space<vmem_shared>>, %arg12: memref<!tpu.dma_semaphore, #tpu.memory_space<semaphore_mem>>, %arg13: memref<!tpu.dma_semaphore, #tpu.memory_space<semaphore_mem>>) attributes {dimension_semantics = [#tpu.dimension_semantics<core_parallel>, #tpu.dimension_semantics<subcore_parallel>], iteration_bounds = array<i64: 2, 16>, scalar_prefetch = 0 : i64, scratch_operands = 7 : i64, tpu.core_type = #tpu.core_type<sc_vector_subcore>, window_params = [{transform_indices = #map}, {transform_indices = #map1}, {transform_indices = #map1}, {transform_indices = #map}, {transform_indices = #map1}]} {
    %mul3A = arith.constant 16 : i32
    %mul3A_0 = arith.muli %arg0, %mul3A : i32
    %add3A = arith.addi %mul3A_0, %arg1 : i32
    "tpu.region"() ({
      %run_scoped3A = tpu.sem_alloc : memref<!tpu.dma_semaphore, #tpu.memory_space<semaphore_mem>>
      %dma_start3A_43 = arith.constant 0 : i32
      %dma_start3A_44 = arith.constant 0 : i32
      %dma_start3A_45 = tpu.memref_slice %arg3[%add3A, %dma_start3A_43, %dma_start3A_44] : memref<32x80x128xi32, #tpu.memory_space<hbm>> -> memref<1x80x128xi32, #tpu.memory_space<hbm>>
      %dma_start3A_46 = tpu.memref_squeeze %dma_start3A_45 : memref<1x80x128xi32, #tpu.memory_space<hbm>> -> memref<80x128xi32, #tpu.memory_space<hbm>>
      %dma_start3A_47 = arith.constant 0 : i32
      %dma_start3A_48 = arith.constant 0 : i32
      %dma_start3A_49 = tpu.memref_slice %arg3[%add3A, %dma_start3A_47, %dma_start3A_48] : memref<32x80x128xi32, #tpu.memory_space<hbm>> -> memref<1x80x128xi32, #tpu.memory_space<hbm>>
      %dma_start3A_50 = tpu.memref_squeeze %dma_start3A_49 : memref<1x80x128xi32, #tpu.memory_space<hbm>> -> memref<80x128xi32, #tpu.memory_space<hbm>>
      tpu.enqueue_dma source(%dma_start3A_50 : memref<80x128xi32, #tpu.memory_space<hbm>>) target(%arg7 : memref<80x128xi32, #tpu.memory_space<vmem>>) target_semaphore(%run_scoped3A : memref<!tpu.dma_semaphore, #tpu.memory_space<semaphore_mem>>)
      %dma_wait3A = arith.constant 0 : i32
      %dma_wait3A_51 = arith.constant 0 : i32
      %dma_wait3A_52 = tpu.memref_slice %arg3[%add3A, %dma_wait3A, %dma_wait3A_51] : memref<32x80x128xi32, #tpu.memory_space<hbm>> -> memref<1x80x128xi32, #tpu.memory_space<hbm>>
      %dma_wait3A_53 = tpu.memref_squeeze %dma_wait3A_52 : memref<1x80x128xi32, #tpu.memory_space<hbm>> -> memref<80x128xi32, #tpu.memory_space<hbm>>
      %dma_wait3A_54 = arith.constant 0 : i32
      %dma_wait3A_55 = arith.constant 0 : i32
      %dma_wait3A_56 = tpu.memref_slice %arg3[%add3A, %dma_wait3A_54, %dma_wait3A_55] : memref<32x80x128xi32, #tpu.memory_space<hbm>> -> memref<1x80x128xi32, #tpu.memory_space<hbm>>
      %dma_wait3A_57 = tpu.memref_squeeze %dma_wait3A_56 : memref<1x80x128xi32, #tpu.memory_space<hbm>> -> memref<80x128xi32, #tpu.memory_space<hbm>>
      tpu.wait_dma2 semaphore(%run_scoped3A : memref<!tpu.dma_semaphore, #tpu.memory_space<semaphore_mem>>) src(%dma_wait3A_57 : memref<80x128xi32, #tpu.memory_space<hbm>>) dst(%arg7 : memref<80x128xi32, #tpu.memory_space<vmem>>)
      tpu.yield
    }) : () -> ()
    "tpu.region"() ({
      %run_scoped3A = tpu.sem_alloc : memref<!tpu.dma_semaphore, #tpu.memory_space<semaphore_mem>>
      %dma_start3A_43 = arith.constant 0 : i32
      %dma_start3A_44 = arith.constant 0 : i32
      %dma_start3A_45 = tpu.memref_slice %arg4[%add3A, %dma_start3A_43, %dma_start3A_44] : memref<32x80x128xi32, #tpu.memory_space<hbm>> -> memref<1x80x128xi32, #tpu.memory_space<hbm>>
      %dma_start3A_46 = tpu.memref_squeeze %dma_start3A_45 : memref<1x80x128xi32, #tpu.memory_space<hbm>> -> memref<80x128xi32, #tpu.memory_space<hbm>>
      %dma_start3A_47 = arith.constant 0 : i32
      %dma_start3A_48 = arith.constant 0 : i32
      %dma_start3A_49 = tpu.memref_slice %arg4[%add3A, %dma_start3A_47, %dma_start3A_48] : memref<32x80x128xi32, #tpu.memory_space<hbm>> -> memref<1x80x128xi32, #tpu.memory_space<hbm>>
      %dma_start3A_50 = tpu.memref_squeeze %dma_start3A_49 : memref<1x80x128xi32, #tpu.memory_space<hbm>> -> memref<80x128xi32, #tpu.memory_space<hbm>>
      tpu.enqueue_dma source(%dma_start3A_50 : memref<80x128xi32, #tpu.memory_space<hbm>>) target(%arg8 : memref<80x128xi32, #tpu.memory_space<vmem>>) target_semaphore(%run_scoped3A : memref<!tpu.dma_semaphore, #tpu.memory_space<semaphore_mem>>)
      %dma_wait3A = arith.constant 0 : i32
      %dma_wait3A_51 = arith.constant 0 : i32
      %dma_wait3A_52 = tpu.memref_slice %arg4[%add3A, %dma_wait3A, %dma_wait3A_51] : memref<32x80x128xi32, #tpu.memory_space<hbm>> -> memref<1x80x128xi32, #tpu.memory_space<hbm>>
      %dma_wait3A_53 = tpu.memref_squeeze %dma_wait3A_52 : memref<1x80x128xi32, #tpu.memory_space<hbm>> -> memref<80x128xi32, #tpu.memory_space<hbm>>
      %dma_wait3A_54 = arith.constant 0 : i32
      %dma_wait3A_55 = arith.constant 0 : i32
      %dma_wait3A_56 = tpu.memref_slice %arg4[%add3A, %dma_wait3A_54, %dma_wait3A_55] : memref<32x80x128xi32, #tpu.memory_space<hbm>> -> memref<1x80x128xi32, #tpu.memory_space<hbm>>
      %dma_wait3A_57 = tpu.memref_squeeze %dma_wait3A_56 : memref<1x80x128xi32, #tpu.memory_space<hbm>> -> memref<80x128xi32, #tpu.memory_space<hbm>>
      tpu.wait_dma2 semaphore(%run_scoped3A : memref<!tpu.dma_semaphore, #tpu.memory_space<semaphore_mem>>) src(%dma_wait3A_57 : memref<80x128xi32, #tpu.memory_space<hbm>>) dst(%arg8 : memref<80x128xi32, #tpu.memory_space<vmem>>)
      tpu.yield
    }) : () -> ()
    "tpu.region"() ({
      %run_scoped3A = tpu.sem_alloc : memref<!tpu.dma_semaphore, #tpu.memory_space<semaphore_mem>>
      tpu.enqueue_dma source(%arg5 : memref<128x64xf32, #tpu.memory_space<hbm>>) target(%arg10 : memref<128x64xf32, #tpu.memory_space<vmem>>) target_semaphore(%run_scoped3A : memref<!tpu.dma_semaphore, #tpu.memory_space<semaphore_mem>>)
      tpu.wait_dma2 semaphore(%run_scoped3A : memref<!tpu.dma_semaphore, #tpu.memory_space<semaphore_mem>>) src(%arg5 : memref<128x64xf32, #tpu.memory_space<hbm>>) dst(%arg10 : memref<128x64xf32, #tpu.memory_space<vmem>>)
      tpu.yield
    }) : () -> ()
    %mul3A_1 = arith.constant 640 : i32
    %mul3A_2 = arith.muli %arg1, %mul3A_1 : i32
    %add3A_3 = arith.constant 0 : i32
    %add3A_4 = arith.addi %mul3A_2, %add3A_3 : i32
    "tpu.region"() ({
      %run_scoped3A = tpu.sem_alloc : memref<!tpu.dma_semaphore, #tpu.memory_space<semaphore_mem>>
      %dma_start3A_43 = arith.constant 0 : i32
      %dma_start3A_44 = tpu.memref_slice %arg11[%add3A_4, %dma_start3A_43] : memref<10240x64xf32, #tpu.memory_space<vmem_shared>> -> memref<128x64xf32, #tpu.memory_space<vmem_shared>>
      %dma_start3A_45 = arith.constant 0 : i32
      %dma_start3A_46 = tpu.memref_slice %arg11[%add3A_4, %dma_start3A_45] : memref<10240x64xf32, #tpu.memory_space<vmem_shared>> -> memref<128x64xf32, #tpu.memory_space<vmem_shared>>
      tpu.enqueue_dma source(%arg10 : memref<128x64xf32, #tpu.memory_space<vmem>>) target(%dma_start3A_46 : memref<128x64xf32, #tpu.memory_space<vmem_shared>>) target_semaphore(%run_scoped3A : memref<!tpu.dma_semaphore, #tpu.memory_space<semaphore_mem>>)
      %dma_wait3A = arith.constant 0 : i32
      %dma_wait3A_47 = tpu.memref_slice %arg11[%add3A_4, %dma_wait3A] : memref<10240x64xf32, #tpu.memory_space<vmem_shared>> -> memref<128x64xf32, #tpu.memory_space<vmem_shared>>
      %dma_wait3A_48 = arith.constant 0 : i32
      %dma_wait3A_49 = tpu.memref_slice %arg11[%add3A_4, %dma_wait3A_48] : memref<10240x64xf32, #tpu.memory_space<vmem_shared>> -> memref<128x64xf32, #tpu.memory_space<vmem_shared>>
      tpu.wait_dma2 semaphore(%run_scoped3A : memref<!tpu.dma_semaphore, #tpu.memory_space<semaphore_mem>>) src(%arg10 : memref<128x64xf32, #tpu.memory_space<vmem>>) dst(%dma_wait3A_49 : memref<128x64xf32, #tpu.memory_space<vmem_shared>>)
      tpu.yield
    }) : () -> ()
    %mul3A_5 = arith.constant 640 : i32
    %mul3A_6 = arith.muli %arg1, %mul3A_5 : i32
    %add3A_7 = arith.constant 128 : i32
    %add3A_8 = arith.addi %mul3A_6, %add3A_7 : i32
    "tpu.region"() ({
      %run_scoped3A = tpu.sem_alloc : memref<!tpu.dma_semaphore, #tpu.memory_space<semaphore_mem>>
      %dma_start3A_43 = arith.constant 0 : i32
      %dma_start3A_44 = tpu.memref_slice %arg11[%add3A_8, %dma_start3A_43] : memref<10240x64xf32, #tpu.memory_space<vmem_shared>> -> memref<128x64xf32, #tpu.memory_space<vmem_shared>>
      %dma_start3A_45 = arith.constant 0 : i32
      %dma_start3A_46 = tpu.memref_slice %arg11[%add3A_8, %dma_start3A_45] : memref<10240x64xf32, #tpu.memory_space<vmem_shared>> -> memref<128x64xf32, #tpu.memory_space<vmem_shared>>
      tpu.enqueue_dma source(%arg10 : memref<128x64xf32, #tpu.memory_space<vmem>>) target(%dma_start3A_46 : memref<128x64xf32, #tpu.memory_space<vmem_shared>>) target_semaphore(%run_scoped3A : memref<!tpu.dma_semaphore, #tpu.memory_space<semaphore_mem>>)
      %dma_wait3A = arith.constant 0 : i32
      %dma_wait3A_47 = tpu.memref_slice %arg11[%add3A_8, %dma_wait3A] : memref<10240x64xf32, #tpu.memory_space<vmem_shared>> -> memref<128x64xf32, #tpu.memory_space<vmem_shared>>
      %dma_wait3A_48 = arith.constant 0 : i32
      %dma_wait3A_49 = tpu.memref_slice %arg11[%add3A_8, %dma_wait3A_48] : memref<10240x64xf32, #tpu.memory_space<vmem_shared>> -> memref<128x64xf32, #tpu.memory_space<vmem_shared>>
      tpu.wait_dma2 semaphore(%run_scoped3A : memref<!tpu.dma_semaphore, #tpu.memory_space<semaphore_mem>>) src(%arg10 : memref<128x64xf32, #tpu.memory_space<vmem>>) dst(%dma_wait3A_49 : memref<128x64xf32, #tpu.memory_space<vmem_shared>>)
      tpu.yield
    }) : () -> ()
    %mul3A_9 = arith.constant 640 : i32
    %mul3A_10 = arith.muli %arg1, %mul3A_9 : i32
    %add3A_11 = arith.constant 256 : i32
    %add3A_12 = arith.addi %mul3A_10, %add3A_11 : i32
    "tpu.region"() ({
      %run_scoped3A = tpu.sem_alloc : memref<!tpu.dma_semaphore, #tpu.memory_space<semaphore_mem>>
      %dma_start3A_43 = arith.constant 0 : i32
      %dma_start3A_44 = tpu.memref_slice %arg11[%add3A_12, %dma_start3A_43] : memref<10240x64xf32, #tpu.memory_space<vmem_shared>> -> memref<128x64xf32, #tpu.memory_space<vmem_shared>>
      %dma_start3A_45 = arith.constant 0 : i32
      %dma_start3A_46 = tpu.memref_slice %arg11[%add3A_12, %dma_start3A_45] : memref<10240x64xf32, #tpu.memory_space<vmem_shared>> -> memref<128x64xf32, #tpu.memory_space<vmem_shared>>
      tpu.enqueue_dma source(%arg10 : memref<128x64xf32, #tpu.memory_space<vmem>>) target(%dma_start3A_46 : memref<128x64xf32, #tpu.memory_space<vmem_shared>>) target_semaphore(%run_scoped3A : memref<!tpu.dma_semaphore, #tpu.memory_space<semaphore_mem>>)
      %dma_wait3A = arith.constant 0 : i32
      %dma_wait3A_47 = tpu.memref_slice %arg11[%add3A_12, %dma_wait3A] : memref<10240x64xf32, #tpu.memory_space<vmem_shared>> -> memref<128x64xf32, #tpu.memory_space<vmem_shared>>
      %dma_wait3A_48 = arith.constant 0 : i32
      %dma_wait3A_49 = tpu.memref_slice %arg11[%add3A_12, %dma_wait3A_48] : memref<10240x64xf32, #tpu.memory_space<vmem_shared>> -> memref<128x64xf32, #tpu.memory_space<vmem_shared>>
      tpu.wait_dma2 semaphore(%run_scoped3A : memref<!tpu.dma_semaphore, #tpu.memory_space<semaphore_mem>>) src(%arg10 : memref<128x64xf32, #tpu.memory_space<vmem>>) dst(%dma_wait3A_49 : memref<128x64xf32, #tpu.memory_space<vmem_shared>>)
      tpu.yield
    }) : () -> ()
    %mul3A_13 = arith.constant 640 : i32
    %mul3A_14 = arith.muli %arg1, %mul3A_13 : i32
    %add3A_15 = arith.constant 384 : i32
    %add3A_16 = arith.addi %mul3A_14, %add3A_15 : i32
    "tpu.region"() ({
      %run_scoped3A = tpu.sem_alloc : memref<!tpu.dma_semaphore, #tpu.memory_space<semaphore_mem>>
      %dma_start3A_43 = arith.constant 0 : i32
      %dma_start3A_44 = tpu.memref_slice %arg11[%add3A_16, %dma_start3A_43] : memref<10240x64xf32, #tpu.memory_space<vmem_shared>> -> memref<128x64xf32, #tpu.memory_space<vmem_shared>>
      %dma_start3A_45 = arith.constant 0 : i32
      %dma_start3A_46 = tpu.memref_slice %arg11[%add3A_16, %dma_start3A_45] : memref<10240x64xf32, #tpu.memory_space<vmem_shared>> -> memref<128x64xf32, #tpu.memory_space<vmem_shared>>
      tpu.enqueue_dma source(%arg10 : memref<128x64xf32, #tpu.memory_space<vmem>>) target(%dma_start3A_46 : memref<128x64xf32, #tpu.memory_space<vmem_shared>>) target_semaphore(%run_scoped3A : memref<!tpu.dma_semaphore, #tpu.memory_space<semaphore_mem>>)
      %dma_wait3A = arith.constant 0 : i32
      %dma_wait3A_47 = tpu.memref_slice %arg11[%add3A_16, %dma_wait3A] : memref<10240x64xf32, #tpu.memory_space<vmem_shared>> -> memref<128x64xf32, #tpu.memory_space<vmem_shared>>
      %dma_wait3A_48 = arith.constant 0 : i32
      %dma_wait3A_49 = tpu.memref_slice %arg11[%add3A_16, %dma_wait3A_48] : memref<10240x64xf32, #tpu.memory_space<vmem_shared>> -> memref<128x64xf32, #tpu.memory_space<vmem_shared>>
      tpu.wait_dma2 semaphore(%run_scoped3A : memref<!tpu.dma_semaphore, #tpu.memory_space<semaphore_mem>>) src(%arg10 : memref<128x64xf32, #tpu.memory_space<vmem>>) dst(%dma_wait3A_49 : memref<128x64xf32, #tpu.memory_space<vmem_shared>>)
      tpu.yield
    }) : () -> ()
    %mul3A_17 = arith.constant 640 : i32
    %mul3A_18 = arith.muli %arg1, %mul3A_17 : i32
    %add3A_19 = arith.constant 512 : i32
    %add3A_20 = arith.addi %mul3A_18, %add3A_19 : i32
    "tpu.region"() ({
      %run_scoped3A = tpu.sem_alloc : memref<!tpu.dma_semaphore, #tpu.memory_space<semaphore_mem>>
      %dma_start3A_43 = arith.constant 0 : i32
      %dma_start3A_44 = tpu.memref_slice %arg11[%add3A_20, %dma_start3A_43] : memref<10240x64xf32, #tpu.memory_space<vmem_shared>> -> memref<128x64xf32, #tpu.memory_space<vmem_shared>>
      %dma_start3A_45 = arith.constant 0 : i32
      %dma_start3A_46 = tpu.memref_slice %arg11[%add3A_20, %dma_start3A_45] : memref<10240x64xf32, #tpu.memory_space<vmem_shared>> -> memref<128x64xf32, #tpu.memory_space<vmem_shared>>
      tpu.enqueue_dma source(%arg10 : memref<128x64xf32, #tpu.memory_space<vmem>>) target(%dma_start3A_46 : memref<128x64xf32, #tpu.memory_space<vmem_shared>>) target_semaphore(%run_scoped3A : memref<!tpu.dma_semaphore, #tpu.memory_space<semaphore_mem>>)
      %dma_wait3A = arith.constant 0 : i32
      %dma_wait3A_47 = tpu.memref_slice %arg11[%add3A_20, %dma_wait3A] : memref<10240x64xf32, #tpu.memory_space<vmem_shared>> -> memref<128x64xf32, #tpu.memory_space<vmem_shared>>
      %dma_wait3A_48 = arith.constant 0 : i32
      %dma_wait3A_49 = tpu.memref_slice %arg11[%add3A_20, %dma_wait3A_48] : memref<10240x64xf32, #tpu.memory_space<vmem_shared>> -> memref<128x64xf32, #tpu.memory_space<vmem_shared>>
      tpu.wait_dma2 semaphore(%run_scoped3A : memref<!tpu.dma_semaphore, #tpu.memory_space<semaphore_mem>>) src(%arg10 : memref<128x64xf32, #tpu.memory_space<vmem>>) dst(%dma_wait3A_49 : memref<128x64xf32, #tpu.memory_space<vmem_shared>>)
      tpu.yield
    }) : () -> ()
    %barrier3A = arith.constant 0 : index
    tpu.barrier barrier_id(%barrier3A)
    %dma_start3A = arith.constant 0 : i32
    %dma_start3A_21 = arith.constant 0 : i32
    %dma_start3A_22 = arith.constant 0 : i32
    %dma_start3A_23 = arith.constant 0 : i32
    %dma_start3A_24 = tpu.memref_slice %arg9[%dma_start3A_21, %dma_start3A_22, %dma_start3A_23] : memref<2x128x64xf32, #tpu.memory_space<vmem>> -> memref<1x128x64xf32, #tpu.memory_space<vmem>>
    %dma_start3A_25 = tpu.memref_squeeze %dma_start3A_24 : memref<1x128x64xf32, #tpu.memory_space<vmem>> -> memref<128x64xf32, #tpu.memory_space<vmem>>
    %dma_start3A_26 = arith.constant 0 : i32
    %dma_start3A_27 = tpu.memref_slice %arg7[%dma_start3A, %dma_start3A_26] : memref<80x128xi32, #tpu.memory_space<vmem>> -> memref<1x128xi32, #tpu.memory_space<vmem>>
    %dma_start3A_28 = tpu.memref_squeeze %dma_start3A_27 : memref<1x128xi32, #tpu.memory_space<vmem>> -> memref<128xi32, #tpu.memory_space<vmem>>
    %dma_start3A_29 = arith.constant 0 : i32
    %dma_start3A_30 = arith.constant 0 : i32
    %dma_start3A_31 = tpu.memref_slice %arg2[%dma_start3A_29, %dma_start3A_30] : memref<10240x64xf32, #tpu.memory_space<hbm>> -> memref<10240x64xf32, #tpu.memory_space<hbm>>
    tpu.enqueue_indirect_dma source(%dma_start3A_31 : memref<10240x64xf32, #tpu.memory_space<hbm>>) target(%dma_start3A_25 : memref<128x64xf32, #tpu.memory_space<vmem>>) offsets(%dma_start3A_28 : memref<128xi32, #tpu.memory_space<vmem>>) semaphore(%arg12 : memref<!tpu.dma_semaphore, #tpu.memory_space<semaphore_mem>>)
    %scan3A = arith.constant 0 : i32
    %scan3A_32 = arith.constant 0 : i32
    %scan3A_33 = arith.constant 40 : i32
    %scan3A_34 = arith.addi %scan3A_32, %scan3A_33 : i32
    %scan3A_35 = arith.constant 1 : i32
    %scan3A_36 = scf.for %scan3A_43 = %scan3A_32 to %scan3A_34 step %scan3A_35 iter_args(%scan3A_44 = %scan3A) -> (i32)  : i32 {
      %mul3A_45 = arith.constant 2 : i32
      %mul3A_46 = arith.muli %mul3A_45, %scan3A_43 : i32
      %add3A_47 = arith.constant 1 : i32
      %add3A_48 = arith.addi %mul3A_46, %add3A_47 : i32
      %dma_start3A_49 = arith.constant 1 : i32
      %dma_start3A_50 = arith.constant 0 : i32
      %dma_start3A_51 = arith.constant 0 : i32
      %dma_start3A_52 = tpu.memref_slice %arg9[%dma_start3A_49, %dma_start3A_50, %dma_start3A_51] : memref<2x128x64xf32, #tpu.memory_space<vmem>> -> memref<1x128x64xf32, #tpu.memory_space<vmem>>
      %dma_start3A_53 = tpu.memref_squeeze %dma_start3A_52 : memref<1x128x64xf32, #tpu.memory_space<vmem>> -> memref<128x64xf32, #tpu.memory_space<vmem>>
      %dma_start3A_54 = arith.constant 0 : i32
      %dma_start3A_55 = tpu.memref_slice %arg7[%add3A_48, %dma_start3A_54] : memref<80x128xi32, #tpu.memory_space<vmem>> -> memref<1x128xi32, #tpu.memory_space<vmem>>
      %dma_start3A_56 = tpu.memref_squeeze %dma_start3A_55 : memref<1x128xi32, #tpu.memory_space<vmem>> -> memref<128xi32, #tpu.memory_space<vmem>>
      %dma_start3A_57 = arith.constant 0 : i32
      %dma_start3A_58 = arith.constant 0 : i32
      %dma_start3A_59 = tpu.memref_slice %arg2[%dma_start3A_57, %dma_start3A_58] : memref<10240x64xf32, #tpu.memory_space<hbm>> -> memref<10240x64xf32, #tpu.memory_space<hbm>>
      tpu.enqueue_indirect_dma source(%dma_start3A_59 : memref<10240x64xf32, #tpu.memory_space<hbm>>) target(%dma_start3A_53 : memref<128x64xf32, #tpu.memory_space<vmem>>) offsets(%dma_start3A_56 : memref<128xi32, #tpu.memory_space<vmem>>) semaphore(%arg13 : memref<!tpu.dma_semaphore, #tpu.memory_space<semaphore_mem>>)
      %dma_wait3A = arith.constant 0 : i32
      %dma_wait3A_60 = arith.constant 0 : i32
      %dma_wait3A_61 = arith.constant 0 : i32
      %dma_wait3A_62 = tpu.memref_slice %arg9[%dma_wait3A, %dma_wait3A_60, %dma_wait3A_61] : memref<2x128x64xf32, #tpu.memory_space<vmem>> -> memref<1x128x64xf32, #tpu.memory_space<vmem>>
      %dma_wait3A_63 = tpu.memref_squeeze %dma_wait3A_62 : memref<1x128x64xf32, #tpu.memory_space<vmem>> -> memref<128x64xf32, #tpu.memory_space<vmem>>
      %dma_wait3A_64 = arith.constant 0 : i32
      %dma_wait3A_65 = tpu.memref_slice %arg7[%mul3A_46, %dma_wait3A_64] : memref<80x128xi32, #tpu.memory_space<vmem>> -> memref<1x128xi32, #tpu.memory_space<vmem>>
      %dma_wait3A_66 = tpu.memref_squeeze %dma_wait3A_65 : memref<1x128xi32, #tpu.memory_space<vmem>> -> memref<128xi32, #tpu.memory_space<vmem>>
      %dma_wait3A_67 = arith.constant 0 : i32
      %dma_wait3A_68 = arith.constant 0 : i32
      %dma_wait3A_69 = tpu.memref_slice %arg2[%dma_wait3A_67, %dma_wait3A_68] : memref<10240x64xf32, #tpu.memory_space<hbm>> -> memref<10240x64xf32, #tpu.memory_space<hbm>>
      tpu.wait_indirect_dma semaphore(%arg12 : memref<!tpu.dma_semaphore, #tpu.memory_space<semaphore_mem>>) src(%dma_wait3A_69 : memref<10240x64xf32, #tpu.memory_space<hbm>>) dst(%dma_wait3A_63 : memref<128x64xf32, #tpu.memory_space<vmem>>)
      %run_scoped3A = arith.constant 0 : i32
      "tpu.region"() ({
        %run_scoped3A_87 = tpu.sem_alloc : memref<!tpu.dma_semaphore, #tpu.memory_space<semaphore_mem>>
        %dma_start3A_88 = arith.constant 0 : i32
        %dma_start3A_89 = arith.constant 0 : i32
        %dma_start3A_90 = tpu.memref_slice %arg9[%run_scoped3A, %dma_start3A_88, %dma_start3A_89] : memref<2x128x64xf32, #tpu.memory_space<vmem>> -> memref<1x128x64xf32, #tpu.memory_space<vmem>>
        %dma_start3A_91 = tpu.memref_squeeze %dma_start3A_90 : memref<1x128x64xf32, #tpu.memory_space<vmem>> -> memref<128x64xf32, #tpu.memory_space<vmem>>
        %dma_start3A_92 = arith.constant 0 : i32
        %dma_start3A_93 = tpu.memref_slice %arg8[%mul3A_46, %dma_start3A_92] : memref<80x128xi32, #tpu.memory_space<vmem>> -> memref<1x128xi32, #tpu.memory_space<vmem>>
        %dma_start3A_94 = tpu.memref_squeeze %dma_start3A_93 : memref<1x128xi32, #tpu.memory_space<vmem>> -> memref<128xi32, #tpu.memory_space<vmem>>
        %dma_start3A_95 = arith.constant 0 : i32
        %dma_start3A_96 = arith.constant 0 : i32
        %dma_start3A_97 = tpu.memref_slice %arg11[%dma_start3A_95, %dma_start3A_96] : memref<10240x64xf32, #tpu.memory_space<vmem_shared>> -> memref<10240x64xf32, #tpu.memory_space<vmem_shared>>
        tpu.enqueue_indirect_dma source(%dma_start3A_91 : memref<128x64xf32, #tpu.memory_space<vmem>>) target(%dma_start3A_97 : memref<10240x64xf32, #tpu.memory_space<vmem_shared>>) offsets(%dma_start3A_94 : memref<128xi32, #tpu.memory_space<vmem>>) semaphore(%run_scoped3A_87 : memref<!tpu.dma_semaphore, #tpu.memory_space<semaphore_mem>>) {add = true}
        %dma_wait3A_98 = arith.constant 0 : i32
        %dma_wait3A_99 = arith.constant 0 : i32
        %dma_wait3A_100 = tpu.memref_slice %arg9[%run_scoped3A, %dma_wait3A_98, %dma_wait3A_99] : memref<2x128x64xf32, #tpu.memory_space<vmem>> -> memref<1x128x64xf32, #tpu.memory_space<vmem>>
        %dma_wait3A_101 = tpu.memref_squeeze %dma_wait3A_100 : memref<1x128x64xf32, #tpu.memory_space<vmem>> -> memref<128x64xf32, #tpu.memory_space<vmem>>
        %dma_wait3A_102 = arith.constant 0 : i32
        %dma_wait3A_103 = tpu.memref_slice %arg8[%mul3A_46, %dma_wait3A_102] : memref<80x128xi32, #tpu.memory_space<vmem>> -> memref<1x128xi32, #tpu.memory_space<vmem>>
        %dma_wait3A_104 = tpu.memref_squeeze %dma_wait3A_103 : memref<1x128xi32, #tpu.memory_space<vmem>> -> memref<128xi32, #tpu.memory_space<vmem>>
        %dma_wait3A_105 = arith.constant 0 : i32
        %dma_wait3A_106 = arith.constant 0 : i32
        %dma_wait3A_107 = tpu.memref_slice %arg11[%dma_wait3A_105, %dma_wait3A_106] : memref<10240x64xf32, #tpu.memory_space<vmem_shared>> -> memref<10240x64xf32, #tpu.memory_space<vmem_shared>>
        tpu.wait_indirect_dma semaphore(%run_scoped3A_87 : memref<!tpu.dma_semaphore, #tpu.memory_space<semaphore_mem>>) src(%dma_wait3A_101 : memref<128x64xf32, #tpu.memory_space<vmem>>) dst(%dma_wait3A_107 : memref<10240x64xf32, #tpu.memory_space<vmem_shared>>)
        tpu.yield
      }) : () -> ()
      %add3A_70 = arith.constant 1 : i32
      %add3A_71 = arith.addi %scan3A_43, %add3A_70 : i32
      %lt3A = arith.constant 40 : i32
      %lt3A_72 = arith.cmpi slt, %add3A_71, %lt3A : i32
      %convert_element_type3A = arith.extui %lt3A_72 : i1 to i32
      %cond3A = arith.constant 0 : i32
      %cond3A_73 = arith.cmpi ne, %convert_element_type3A, %cond3A : i32
      scf.if %cond3A_73 {
        %add3A_87 = arith.constant 2 : i32
        %add3A_88 = arith.addi %mul3A_46, %add3A_87 : i32
        %dma_start3A_89 = arith.constant 0 : i32
        %dma_start3A_90 = arith.constant 0 : i32
        %dma_start3A_91 = arith.constant 0 : i32
        %dma_start3A_92 = tpu.memref_slice %arg9[%dma_start3A_89, %dma_start3A_90, %dma_start3A_91] : memref<2x128x64xf32, #tpu.memory_space<vmem>> -> memref<1x128x64xf32, #tpu.memory_space<vmem>>
        %dma_start3A_93 = tpu.memref_squeeze %dma_start3A_92 : memref<1x128x64xf32, #tpu.memory_space<vmem>> -> memref<128x64xf32, #tpu.memory_space<vmem>>
        %dma_start3A_94 = arith.constant 0 : i32
        %dma_start3A_95 = tpu.memref_slice %arg7[%add3A_88, %dma_start3A_94] : memref<80x128xi32, #tpu.memory_space<vmem>> -> memref<1x128xi32, #tpu.memory_space<vmem>>
        %dma_start3A_96 = tpu.memref_squeeze %dma_start3A_95 : memref<1x128xi32, #tpu.memory_space<vmem>> -> memref<128xi32, #tpu.memory_space<vmem>>
        %dma_start3A_97 = arith.constant 0 : i32
        %dma_start3A_98 = arith.constant 0 : i32
        %dma_start3A_99 = tpu.memref_slice %arg2[%dma_start3A_97, %dma_start3A_98] : memref<10240x64xf32, #tpu.memory_space<hbm>> -> memref<10240x64xf32, #tpu.memory_space<hbm>>
        tpu.enqueue_indirect_dma source(%dma_start3A_99 : memref<10240x64xf32, #tpu.memory_space<hbm>>) target(%dma_start3A_93 : memref<128x64xf32, #tpu.memory_space<vmem>>) offsets(%dma_start3A_96 : memref<128xi32, #tpu.memory_space<vmem>>) semaphore(%arg12 : memref<!tpu.dma_semaphore, #tpu.memory_space<semaphore_mem>>)
      } else {
      }
      %dma_wait3A_74 = arith.constant 1 : i32
      %dma_wait3A_75 = arith.constant 0 : i32
      %dma_wait3A_76 = arith.constant 0 : i32
      %dma_wait3A_77 = tpu.memref_slice %arg9[%dma_wait3A_74, %dma_wait3A_75, %dma_wait3A_76] : memref<2x128x64xf32, #tpu.memory_space<vmem>> -> memref<1x128x64xf32, #tpu.memory_space<vmem>>
      %dma_wait3A_78 = tpu.memref_squeeze %dma_wait3A_77 : memref<1x128x64xf32, #tpu.memory_space<vmem>> -> memref<128x64xf32, #tpu.memory_space<vmem>>
      %dma_wait3A_79 = arith.constant 0 : i32
      %dma_wait3A_80 = tpu.memref_slice %arg7[%add3A_48, %dma_wait3A_79] : memref<80x128xi32, #tpu.memory_space<vmem>> -> memref<1x128xi32, #tpu.memory_space<vmem>>
      %dma_wait3A_81 = tpu.memref_squeeze %dma_wait3A_80 : memref<1x128xi32, #tpu.memory_space<vmem>> -> memref<128xi32, #tpu.memory_space<vmem>>
      %dma_wait3A_82 = arith.constant 0 : i32
      %dma_wait3A_83 = arith.constant 0 : i32
      %dma_wait3A_84 = tpu.memref_slice %arg2[%dma_wait3A_82, %dma_wait3A_83] : memref<10240x64xf32, #tpu.memory_space<hbm>> -> memref<10240x64xf32, #tpu.memory_space<hbm>>
      tpu.wait_indirect_dma semaphore(%arg13 : memref<!tpu.dma_semaphore, #tpu.memory_space<semaphore_mem>>) src(%dma_wait3A_84 : memref<10240x64xf32, #tpu.memory_space<hbm>>) dst(%dma_wait3A_78 : memref<128x64xf32, #tpu.memory_space<vmem>>)
      %run_scoped3A_85 = arith.constant 1 : i32
      "tpu.region"() ({
        %run_scoped3A_87 = tpu.sem_alloc : memref<!tpu.dma_semaphore, #tpu.memory_space<semaphore_mem>>
        %dma_start3A_88 = arith.constant 0 : i32
        %dma_start3A_89 = arith.constant 0 : i32
        %dma_start3A_90 = tpu.memref_slice %arg9[%run_scoped3A_85, %dma_start3A_88, %dma_start3A_89] : memref<2x128x64xf32, #tpu.memory_space<vmem>> -> memref<1x128x64xf32, #tpu.memory_space<vmem>>
        %dma_start3A_91 = tpu.memref_squeeze %dma_start3A_90 : memref<1x128x64xf32, #tpu.memory_space<vmem>> -> memref<128x64xf32, #tpu.memory_space<vmem>>
        %dma_start3A_92 = arith.constant 0 : i32
        %dma_start3A_93 = tpu.memref_slice %arg8[%add3A_48, %dma_start3A_92] : memref<80x128xi32, #tpu.memory_space<vmem>> -> memref<1x128xi32, #tpu.memory_space<vmem>>
        %dma_start3A_94 = tpu.memref_squeeze %dma_start3A_93 : memref<1x128xi32, #tpu.memory_space<vmem>> -> memref<128xi32, #tpu.memory_space<vmem>>
        %dma_start3A_95 = arith.constant 0 : i32
        %dma_start3A_96 = arith.constant 0 : i32
        %dma_start3A_97 = tpu.memref_slice %arg11[%dma_start3A_95, %dma_start3A_96] : memref<10240x64xf32, #tpu.memory_space<vmem_shared>> -> memref<10240x64xf32, #tpu.memory_space<vmem_shared>>
        tpu.enqueue_indirect_dma source(%dma_start3A_91 : memref<128x64xf32, #tpu.memory_space<vmem>>) target(%dma_start3A_97 : memref<10240x64xf32, #tpu.memory_space<vmem_shared>>) offsets(%dma_start3A_94 : memref<128xi32, #tpu.memory_space<vmem>>) semaphore(%run_scoped3A_87 : memref<!tpu.dma_semaphore, #tpu.memory_space<semaphore_mem>>) {add = true}
        %dma_wait3A_98 = arith.constant 0 : i32
        %dma_wait3A_99 = arith.constant 0 : i32
        %dma_wait3A_100 = tpu.memref_slice %arg9[%run_scoped3A_85, %dma_wait3A_98, %dma_wait3A_99] : memref<2x128x64xf32, #tpu.memory_space<vmem>> -> memref<1x128x64xf32, #tpu.memory_space<vmem>>
        %dma_wait3A_101 = tpu.memref_squeeze %dma_wait3A_100 : memref<1x128x64xf32, #tpu.memory_space<vmem>> -> memref<128x64xf32, #tpu.memory_space<vmem>>
        %dma_wait3A_102 = arith.constant 0 : i32
        %dma_wait3A_103 = tpu.memref_slice %arg8[%add3A_48, %dma_wait3A_102] : memref<80x128xi32, #tpu.memory_space<vmem>> -> memref<1x128xi32, #tpu.memory_space<vmem>>
        %dma_wait3A_104 = tpu.memref_squeeze %dma_wait3A_103 : memref<1x128xi32, #tpu.memory_space<vmem>> -> memref<128xi32, #tpu.memory_space<vmem>>
        %dma_wait3A_105 = arith.constant 0 : i32
        %dma_wait3A_106 = arith.constant 0 : i32
        %dma_wait3A_107 = tpu.memref_slice %arg11[%dma_wait3A_105, %dma_wait3A_106] : memref<10240x64xf32, #tpu.memory_space<vmem_shared>> -> memref<10240x64xf32, #tpu.memory_space<vmem_shared>>
        tpu.wait_indirect_dma semaphore(%run_scoped3A_87 : memref<!tpu.dma_semaphore, #tpu.memory_space<semaphore_mem>>) src(%dma_wait3A_101 : memref<128x64xf32, #tpu.memory_space<vmem>>) dst(%dma_wait3A_107 : memref<10240x64xf32, #tpu.memory_space<vmem_shared>>)
        tpu.yield
      }) : () -> ()
      %scan3A_86 = arith.constant 0 : i32
      scf.yield %scan3A_86 : i32
    }
    %scan3A_37 = arith.constant 40 : i32
    %barrier3A_38 = arith.constant 0 : index
    tpu.barrier barrier_id(%barrier3A_38)
    %mul3A_39 = arith.constant 640 : i32
    %mul3A_40 = arith.muli %arg1, %mul3A_39 : i32
    %mul3A_41 = arith.constant 640 : i32
    %mul3A_42 = arith.muli %arg1, %mul3A_41 : i32
    "tpu.region"() ({
      %run_scoped3A = tpu.sem_alloc : memref<!tpu.dma_semaphore, #tpu.memory_space<semaphore_mem>>
      %dma_start3A_43 = arith.constant 0 : i32
      %dma_start3A_44 = tpu.memref_slice %arg6[%arg0, %mul3A_42, %dma_start3A_43] : memref<2x10240x64xf32, #tpu.memory_space<hbm>> -> memref<1x640x64xf32, #tpu.memory_space<hbm>>
      %dma_start3A_45 = tpu.memref_squeeze %dma_start3A_44 : memref<1x640x64xf32, #tpu.memory_space<hbm>> -> memref<640x64xf32, #tpu.memory_space<hbm>>
      %dma_start3A_46 = arith.constant 0 : i32
      %dma_start3A_47 = tpu.memref_slice %arg11[%mul3A_40, %dma_start3A_46] : memref<10240x64xf32, #tpu.memory_space<vmem_shared>> -> memref<640x64xf32, #tpu.memory_space<vmem_shared>>
      tpu.enqueue_dma source(%dma_start3A_47 : memref<640x64xf32, #tpu.memory_space<vmem_shared>>) target(%dma_start3A_45 : memref<640x64xf32, #tpu.memory_space<hbm>>) target_semaphore(%run_scoped3A : memref<!tpu.dma_semaphore, #tpu.memory_space<semaphore_mem>>)
      %dma_wait3A = arith.constant 0 : i32
      %dma_wait3A_48 = tpu.memref_slice %arg6[%arg0, %mul3A_42, %dma_wait3A] : memref<2x10240x64xf32, #tpu.memory_space<hbm>> -> memref<1x640x64xf32, #tpu.memory_space<hbm>>
      %dma_wait3A_49 = tpu.memref_squeeze %dma_wait3A_48 : memref<1x640x64xf32, #tpu.memory_space<hbm>> -> memref<640x64xf32, #tpu.memory_space<hbm>>
      %dma_wait3A_50 = arith.constant 0 : i32
      %dma_wait3A_51 = tpu.memref_slice %arg11[%mul3A_40, %dma_wait3A_50] : memref<10240x64xf32, #tpu.memory_space<vmem_shared>> -> memref<640x64xf32, #tpu.memory_space<vmem_shared>>
      tpu.wait_dma2 semaphore(%run_scoped3A : memref<!tpu.dma_semaphore, #tpu.memory_space<semaphore_mem>>) src(%dma_wait3A_51 : memref<640x64xf32, #tpu.memory_space<vmem_shared>>) dst(%dma_wait3A_49 : memref<640x64xf32, #tpu.memory_space<hbm>>)
      tpu.yield
    }) : () -> ()
    return
  }
}

#map = affine_map<(d0, d1) -> (0, 0)>
#map1 = affine_map<(d0, d1) -> (0, 0, 0)>
module attributes {stable_mosaic.version = 14 : i64} {
  func.func @_agg_body(%arg0: i32, %arg1: i32, %arg2: memref<10240x64xf32, #tpu.memory_space<hbm>>, %arg3: memref<32x80x128xi32, #tpu.memory_space<hbm>>, %arg4: memref<32x80x128xi32, #tpu.memory_space<hbm>>, %arg5: memref<128x64xf32, #tpu.memory_space<hbm>>, %arg6: memref<2x10240x64xf32, #tpu.memory_space<hbm>>, %arg7: memref<80x128xi32, #tpu.memory_space<vmem>>, %arg8: memref<80x128xi32, #tpu.memory_space<vmem>>, %arg9: memref<2x128x64xf32, #tpu.memory_space<vmem>>, %arg10: memref<128x64xf32, #tpu.memory_space<vmem>>, %arg11: memref<10240x64xf32, #tpu.memory_space<vmem_shared>>, %arg12: memref<!tpu.dma_semaphore, #tpu.memory_space<semaphore_mem>>, %arg13: memref<!tpu.dma_semaphore, #tpu.memory_space<semaphore_mem>>) attributes {dimension_semantics = [#tpu.dimension_semantics<core_parallel>, #tpu.dimension_semantics<subcore_parallel>], iteration_bounds = array<i64: 2, 16>, scalar_prefetch = 0 : i64, scratch_operands = 7 : i64, tpu.core_type = #tpu.core_type<sc_vector_subcore>, window_params = [{transform_indices = #map}, {transform_indices = #map1}, {transform_indices = #map1}, {transform_indices = #map}, {transform_indices = #map1}]} {
    %mul3A = arith.constant 16 : i32
    %mul3A_0 = arith.muli %arg0, %mul3A : i32
    %add3A = arith.addi %mul3A_0, %arg1 : i32
    "tpu.region"() ({
      %run_scoped3A = tpu.sem_alloc : memref<!tpu.dma_semaphore, #tpu.memory_space<semaphore_mem>>
      %dma_start3A_43 = arith.constant 0 : i32
      %dma_start3A_44 = arith.constant 0 : i32
      %dma_start3A_45 = tpu.memref_slice %arg3[%add3A, %dma_start3A_43, %dma_start3A_44] : memref<32x80x128xi32, #tpu.memory_space<hbm>> -> memref<1x80x128xi32, #tpu.memory_space<hbm>>
      %dma_start3A_46 = tpu.memref_squeeze %dma_start3A_45 : memref<1x80x128xi32, #tpu.memory_space<hbm>> -> memref<80x128xi32, #tpu.memory_space<hbm>>
      %dma_start3A_47 = arith.constant 0 : i32
      %dma_start3A_48 = arith.constant 0 : i32
      %dma_start3A_49 = tpu.memref_slice %arg3[%add3A, %dma_start3A_47, %dma_start3A_48] : memref<32x80x128xi32, #tpu.memory_space<hbm>> -> memref<1x80x128xi32, #tpu.memory_space<hbm>>
      %dma_start3A_50 = tpu.memref_squeeze %dma_start3A_49 : memref<1x80x128xi32, #tpu.memory_space<hbm>> -> memref<80x128xi32, #tpu.memory_space<hbm>>
      tpu.enqueue_dma source(%dma_start3A_50 : memref<80x128xi32, #tpu.memory_space<hbm>>) target(%arg7 : memref<80x128xi32, #tpu.memory_space<vmem>>) target_semaphore(%run_scoped3A : memref<!tpu.dma_semaphore, #tpu.memory_space<semaphore_mem>>)
      %dma_wait3A = arith.constant 0 : i32
      %dma_wait3A_51 = arith.constant 0 : i32
      %dma_wait3A_52 = tpu.memref_slice %arg3[%add3A, %dma_wait3A, %dma_wait3A_51] : memref<32x80x128xi32, #tpu.memory_space<hbm>> -> memref<1x80x128xi32, #tpu.memory_space<hbm>>
      %dma_wait3A_53 = tpu.memref_squeeze %dma_wait3A_52 : memref<1x80x128xi32, #tpu.memory_space<hbm>> -> memref<80x128xi32, #tpu.memory_space<hbm>>
      %dma_wait3A_54 = arith.constant 0 : i32
      %dma_wait3A_55 = arith.constant 0 : i32
      %dma_wait3A_56 = tpu.memref_slice %arg3[%add3A, %dma_wait3A_54, %dma_wait3A_55] : memref<32x80x128xi32, #tpu.memory_space<hbm>> -> memref<1x80x128xi32, #tpu.memory_space<hbm>>
      %dma_wait3A_57 = tpu.memref_squeeze %dma_wait3A_56 : memref<1x80x128xi32, #tpu.memory_space<hbm>> -> memref<80x128xi32, #tpu.memory_space<hbm>>
      tpu.wait_dma2 semaphore(%run_scoped3A : memref<!tpu.dma_semaphore, #tpu.memory_space<semaphore_mem>>) src(%dma_wait3A_57 : memref<80x128xi32, #tpu.memory_space<hbm>>) dst(%arg7 : memref<80x128xi32, #tpu.memory_space<vmem>>)
      tpu.yield
    }) : () -> ()
    "tpu.region"() ({
      %run_scoped3A = tpu.sem_alloc : memref<!tpu.dma_semaphore, #tpu.memory_space<semaphore_mem>>
      %dma_start3A_43 = arith.constant 0 : i32
      %dma_start3A_44 = arith.constant 0 : i32
      %dma_start3A_45 = tpu.memref_slice %arg4[%add3A, %dma_start3A_43, %dma_start3A_44] : memref<32x80x128xi32, #tpu.memory_space<hbm>> -> memref<1x80x128xi32, #tpu.memory_space<hbm>>
      %dma_start3A_46 = tpu.memref_squeeze %dma_start3A_45 : memref<1x80x128xi32, #tpu.memory_space<hbm>> -> memref<80x128xi32, #tpu.memory_space<hbm>>
      %dma_start3A_47 = arith.constant 0 : i32
      %dma_start3A_48 = arith.constant 0 : i32
      %dma_start3A_49 = tpu.memref_slice %arg4[%add3A, %dma_start3A_47, %dma_start3A_48] : memref<32x80x128xi32, #tpu.memory_space<hbm>> -> memref<1x80x128xi32, #tpu.memory_space<hbm>>
      %dma_start3A_50 = tpu.memref_squeeze %dma_start3A_49 : memref<1x80x128xi32, #tpu.memory_space<hbm>> -> memref<80x128xi32, #tpu.memory_space<hbm>>
      tpu.enqueue_dma source(%dma_start3A_50 : memref<80x128xi32, #tpu.memory_space<hbm>>) target(%arg8 : memref<80x128xi32, #tpu.memory_space<vmem>>) target_semaphore(%run_scoped3A : memref<!tpu.dma_semaphore, #tpu.memory_space<semaphore_mem>>)
      %dma_wait3A = arith.constant 0 : i32
      %dma_wait3A_51 = arith.constant 0 : i32
      %dma_wait3A_52 = tpu.memref_slice %arg4[%add3A, %dma_wait3A, %dma_wait3A_51] : memref<32x80x128xi32, #tpu.memory_space<hbm>> -> memref<1x80x128xi32, #tpu.memory_space<hbm>>
      %dma_wait3A_53 = tpu.memref_squeeze %dma_wait3A_52 : memref<1x80x128xi32, #tpu.memory_space<hbm>> -> memref<80x128xi32, #tpu.memory_space<hbm>>
      %dma_wait3A_54 = arith.constant 0 : i32
      %dma_wait3A_55 = arith.constant 0 : i32
      %dma_wait3A_56 = tpu.memref_slice %arg4[%add3A, %dma_wait3A_54, %dma_wait3A_55] : memref<32x80x128xi32, #tpu.memory_space<hbm>> -> memref<1x80x128xi32, #tpu.memory_space<hbm>>
      %dma_wait3A_57 = tpu.memref_squeeze %dma_wait3A_56 : memref<1x80x128xi32, #tpu.memory_space<hbm>> -> memref<80x128xi32, #tpu.memory_space<hbm>>
      tpu.wait_dma2 semaphore(%run_scoped3A : memref<!tpu.dma_semaphore, #tpu.memory_space<semaphore_mem>>) src(%dma_wait3A_57 : memref<80x128xi32, #tpu.memory_space<hbm>>) dst(%arg8 : memref<80x128xi32, #tpu.memory_space<vmem>>)
      tpu.yield
    }) : () -> ()
    "tpu.region"() ({
      %run_scoped3A = tpu.sem_alloc : memref<!tpu.dma_semaphore, #tpu.memory_space<semaphore_mem>>
      tpu.enqueue_dma source(%arg5 : memref<128x64xf32, #tpu.memory_space<hbm>>) target(%arg10 : memref<128x64xf32, #tpu.memory_space<vmem>>) target_semaphore(%run_scoped3A : memref<!tpu.dma_semaphore, #tpu.memory_space<semaphore_mem>>)
      tpu.wait_dma2 semaphore(%run_scoped3A : memref<!tpu.dma_semaphore, #tpu.memory_space<semaphore_mem>>) src(%arg5 : memref<128x64xf32, #tpu.memory_space<hbm>>) dst(%arg10 : memref<128x64xf32, #tpu.memory_space<vmem>>)
      tpu.yield
    }) : () -> ()
    %mul3A_1 = arith.constant 640 : i32
    %mul3A_2 = arith.muli %arg1, %mul3A_1 : i32
    %add3A_3 = arith.constant 0 : i32
    %add3A_4 = arith.addi %mul3A_2, %add3A_3 : i32
    "tpu.region"() ({
      %run_scoped3A = tpu.sem_alloc : memref<!tpu.dma_semaphore, #tpu.memory_space<semaphore_mem>>
      %dma_start3A_43 = arith.constant 0 : i32
      %dma_start3A_44 = tpu.memref_slice %arg11[%add3A_4, %dma_start3A_43] : memref<10240x64xf32, #tpu.memory_space<vmem_shared>> -> memref<128x64xf32, #tpu.memory_space<vmem_shared>>
      %dma_start3A_45 = arith.constant 0 : i32
      %dma_start3A_46 = tpu.memref_slice %arg11[%add3A_4, %dma_start3A_45] : memref<10240x64xf32, #tpu.memory_space<vmem_shared>> -> memref<128x64xf32, #tpu.memory_space<vmem_shared>>
      tpu.enqueue_dma source(%arg10 : memref<128x64xf32, #tpu.memory_space<vmem>>) target(%dma_start3A_46 : memref<128x64xf32, #tpu.memory_space<vmem_shared>>) target_semaphore(%run_scoped3A : memref<!tpu.dma_semaphore, #tpu.memory_space<semaphore_mem>>)
      %dma_wait3A = arith.constant 0 : i32
      %dma_wait3A_47 = tpu.memref_slice %arg11[%add3A_4, %dma_wait3A] : memref<10240x64xf32, #tpu.memory_space<vmem_shared>> -> memref<128x64xf32, #tpu.memory_space<vmem_shared>>
      %dma_wait3A_48 = arith.constant 0 : i32
      %dma_wait3A_49 = tpu.memref_slice %arg11[%add3A_4, %dma_wait3A_48] : memref<10240x64xf32, #tpu.memory_space<vmem_shared>> -> memref<128x64xf32, #tpu.memory_space<vmem_shared>>
      tpu.wait_dma2 semaphore(%run_scoped3A : memref<!tpu.dma_semaphore, #tpu.memory_space<semaphore_mem>>) src(%arg10 : memref<128x64xf32, #tpu.memory_space<vmem>>) dst(%dma_wait3A_49 : memref<128x64xf32, #tpu.memory_space<vmem_shared>>)
      tpu.yield
    }) : () -> ()
    %mul3A_5 = arith.constant 640 : i32
    %mul3A_6 = arith.muli %arg1, %mul3A_5 : i32
    %add3A_7 = arith.constant 128 : i32
    %add3A_8 = arith.addi %mul3A_6, %add3A_7 : i32
    "tpu.region"() ({
      %run_scoped3A = tpu.sem_alloc : memref<!tpu.dma_semaphore, #tpu.memory_space<semaphore_mem>>
      %dma_start3A_43 = arith.constant 0 : i32
      %dma_start3A_44 = tpu.memref_slice %arg11[%add3A_8, %dma_start3A_43] : memref<10240x64xf32, #tpu.memory_space<vmem_shared>> -> memref<128x64xf32, #tpu.memory_space<vmem_shared>>
      %dma_start3A_45 = arith.constant 0 : i32
      %dma_start3A_46 = tpu.memref_slice %arg11[%add3A_8, %dma_start3A_45] : memref<10240x64xf32, #tpu.memory_space<vmem_shared>> -> memref<128x64xf32, #tpu.memory_space<vmem_shared>>
      tpu.enqueue_dma source(%arg10 : memref<128x64xf32, #tpu.memory_space<vmem>>) target(%dma_start3A_46 : memref<128x64xf32, #tpu.memory_space<vmem_shared>>) target_semaphore(%run_scoped3A : memref<!tpu.dma_semaphore, #tpu.memory_space<semaphore_mem>>)
      %dma_wait3A = arith.constant 0 : i32
      %dma_wait3A_47 = tpu.memref_slice %arg11[%add3A_8, %dma_wait3A] : memref<10240x64xf32, #tpu.memory_space<vmem_shared>> -> memref<128x64xf32, #tpu.memory_space<vmem_shared>>
      %dma_wait3A_48 = arith.constant 0 : i32
      %dma_wait3A_49 = tpu.memref_slice %arg11[%add3A_8, %dma_wait3A_48] : memref<10240x64xf32, #tpu.memory_space<vmem_shared>> -> memref<128x64xf32, #tpu.memory_space<vmem_shared>>
      tpu.wait_dma2 semaphore(%run_scoped3A : memref<!tpu.dma_semaphore, #tpu.memory_space<semaphore_mem>>) src(%arg10 : memref<128x64xf32, #tpu.memory_space<vmem>>) dst(%dma_wait3A_49 : memref<128x64xf32, #tpu.memory_space<vmem_shared>>)
      tpu.yield
    }) : () -> ()
    %mul3A_9 = arith.constant 640 : i32
    %mul3A_10 = arith.muli %arg1, %mul3A_9 : i32
    %add3A_11 = arith.constant 256 : i32
    %add3A_12 = arith.addi %mul3A_10, %add3A_11 : i32
    "tpu.region"() ({
      %run_scoped3A = tpu.sem_alloc : memref<!tpu.dma_semaphore, #tpu.memory_space<semaphore_mem>>
      %dma_start3A_43 = arith.constant 0 : i32
      %dma_start3A_44 = tpu.memref_slice %arg11[%add3A_12, %dma_start3A_43] : memref<10240x64xf32, #tpu.memory_space<vmem_shared>> -> memref<128x64xf32, #tpu.memory_space<vmem_shared>>
      %dma_start3A_45 = arith.constant 0 : i32
      %dma_start3A_46 = tpu.memref_slice %arg11[%add3A_12, %dma_start3A_45] : memref<10240x64xf32, #tpu.memory_space<vmem_shared>> -> memref<128x64xf32, #tpu.memory_space<vmem_shared>>
      tpu.enqueue_dma source(%arg10 : memref<128x64xf32, #tpu.memory_space<vmem>>) target(%dma_start3A_46 : memref<128x64xf32, #tpu.memory_space<vmem_shared>>) target_semaphore(%run_scoped3A : memref<!tpu.dma_semaphore, #tpu.memory_space<semaphore_mem>>)
      %dma_wait3A = arith.constant 0 : i32
      %dma_wait3A_47 = tpu.memref_slice %arg11[%add3A_12, %dma_wait3A] : memref<10240x64xf32, #tpu.memory_space<vmem_shared>> -> memref<128x64xf32, #tpu.memory_space<vmem_shared>>
      %dma_wait3A_48 = arith.constant 0 : i32
      %dma_wait3A_49 = tpu.memref_slice %arg11[%add3A_12, %dma_wait3A_48] : memref<10240x64xf32, #tpu.memory_space<vmem_shared>> -> memref<128x64xf32, #tpu.memory_space<vmem_shared>>
      tpu.wait_dma2 semaphore(%run_scoped3A : memref<!tpu.dma_semaphore, #tpu.memory_space<semaphore_mem>>) src(%arg10 : memref<128x64xf32, #tpu.memory_space<vmem>>) dst(%dma_wait3A_49 : memref<128x64xf32, #tpu.memory_space<vmem_shared>>)
      tpu.yield
    }) : () -> ()
    %mul3A_13 = arith.constant 640 : i32
    %mul3A_14 = arith.muli %arg1, %mul3A_13 : i32
    %add3A_15 = arith.constant 384 : i32
    %add3A_16 = arith.addi %mul3A_14, %add3A_15 : i32
    "tpu.region"() ({
      %run_scoped3A = tpu.sem_alloc : memref<!tpu.dma_semaphore, #tpu.memory_space<semaphore_mem>>
      %dma_start3A_43 = arith.constant 0 : i32
      %dma_start3A_44 = tpu.memref_slice %arg11[%add3A_16, %dma_start3A_43] : memref<10240x64xf32, #tpu.memory_space<vmem_shared>> -> memref<128x64xf32, #tpu.memory_space<vmem_shared>>
      %dma_start3A_45 = arith.constant 0 : i32
      %dma_start3A_46 = tpu.memref_slice %arg11[%add3A_16, %dma_start3A_45] : memref<10240x64xf32, #tpu.memory_space<vmem_shared>> -> memref<128x64xf32, #tpu.memory_space<vmem_shared>>
      tpu.enqueue_dma source(%arg10 : memref<128x64xf32, #tpu.memory_space<vmem>>) target(%dma_start3A_46 : memref<128x64xf32, #tpu.memory_space<vmem_shared>>) target_semaphore(%run_scoped3A : memref<!tpu.dma_semaphore, #tpu.memory_space<semaphore_mem>>)
      %dma_wait3A = arith.constant 0 : i32
      %dma_wait3A_47 = tpu.memref_slice %arg11[%add3A_16, %dma_wait3A] : memref<10240x64xf32, #tpu.memory_space<vmem_shared>> -> memref<128x64xf32, #tpu.memory_space<vmem_shared>>
      %dma_wait3A_48 = arith.constant 0 : i32
      %dma_wait3A_49 = tpu.memref_slice %arg11[%add3A_16, %dma_wait3A_48] : memref<10240x64xf32, #tpu.memory_space<vmem_shared>> -> memref<128x64xf32, #tpu.memory_space<vmem_shared>>
      tpu.wait_dma2 semaphore(%run_scoped3A : memref<!tpu.dma_semaphore, #tpu.memory_space<semaphore_mem>>) src(%arg10 : memref<128x64xf32, #tpu.memory_space<vmem>>) dst(%dma_wait3A_49 : memref<128x64xf32, #tpu.memory_space<vmem_shared>>)
      tpu.yield
    }) : () -> ()
    %mul3A_17 = arith.constant 640 : i32
    %mul3A_18 = arith.muli %arg1, %mul3A_17 : i32
    %add3A_19 = arith.constant 512 : i32
    %add3A_20 = arith.addi %mul3A_18, %add3A_19 : i32
    "tpu.region"() ({
      %run_scoped3A = tpu.sem_alloc : memref<!tpu.dma_semaphore, #tpu.memory_space<semaphore_mem>>
      %dma_start3A_43 = arith.constant 0 : i32
      %dma_start3A_44 = tpu.memref_slice %arg11[%add3A_20, %dma_start3A_43] : memref<10240x64xf32, #tpu.memory_space<vmem_shared>> -> memref<128x64xf32, #tpu.memory_space<vmem_shared>>
      %dma_start3A_45 = arith.constant 0 : i32
      %dma_start3A_46 = tpu.memref_slice %arg11[%add3A_20, %dma_start3A_45] : memref<10240x64xf32, #tpu.memory_space<vmem_shared>> -> memref<128x64xf32, #tpu.memory_space<vmem_shared>>
      tpu.enqueue_dma source(%arg10 : memref<128x64xf32, #tpu.memory_space<vmem>>) target(%dma_start3A_46 : memref<128x64xf32, #tpu.memory_space<vmem_shared>>) target_semaphore(%run_scoped3A : memref<!tpu.dma_semaphore, #tpu.memory_space<semaphore_mem>>)
      %dma_wait3A = arith.constant 0 : i32
      %dma_wait3A_47 = tpu.memref_slice %arg11[%add3A_20, %dma_wait3A] : memref<10240x64xf32, #tpu.memory_space<vmem_shared>> -> memref<128x64xf32, #tpu.memory_space<vmem_shared>>
      %dma_wait3A_48 = arith.constant 0 : i32
      %dma_wait3A_49 = tpu.memref_slice %arg11[%add3A_20, %dma_wait3A_48] : memref<10240x64xf32, #tpu.memory_space<vmem_shared>> -> memref<128x64xf32, #tpu.memory_space<vmem_shared>>
      tpu.wait_dma2 semaphore(%run_scoped3A : memref<!tpu.dma_semaphore, #tpu.memory_space<semaphore_mem>>) src(%arg10 : memref<128x64xf32, #tpu.memory_space<vmem>>) dst(%dma_wait3A_49 : memref<128x64xf32, #tpu.memory_space<vmem_shared>>)
      tpu.yield
    }) : () -> ()
    %barrier3A = arith.constant 0 : index
    tpu.barrier barrier_id(%barrier3A)
    %dma_start3A = arith.constant 0 : i32
    %dma_start3A_21 = arith.constant 0 : i32
    %dma_start3A_22 = arith.constant 0 : i32
    %dma_start3A_23 = arith.constant 0 : i32
    %dma_start3A_24 = tpu.memref_slice %arg9[%dma_start3A_21, %dma_start3A_22, %dma_start3A_23] : memref<2x128x64xf32, #tpu.memory_space<vmem>> -> memref<1x128x64xf32, #tpu.memory_space<vmem>>
    %dma_start3A_25 = tpu.memref_squeeze %dma_start3A_24 : memref<1x128x64xf32, #tpu.memory_space<vmem>> -> memref<128x64xf32, #tpu.memory_space<vmem>>
    %dma_start3A_26 = arith.constant 0 : i32
    %dma_start3A_27 = tpu.memref_slice %arg7[%dma_start3A, %dma_start3A_26] : memref<80x128xi32, #tpu.memory_space<vmem>> -> memref<1x128xi32, #tpu.memory_space<vmem>>
    %dma_start3A_28 = tpu.memref_squeeze %dma_start3A_27 : memref<1x128xi32, #tpu.memory_space<vmem>> -> memref<128xi32, #tpu.memory_space<vmem>>
    %dma_start3A_29 = arith.constant 0 : i32
    %dma_start3A_30 = arith.constant 0 : i32
    %dma_start3A_31 = tpu.memref_slice %arg2[%dma_start3A_29, %dma_start3A_30] : memref<10240x64xf32, #tpu.memory_space<hbm>> -> memref<10240x64xf32, #tpu.memory_space<hbm>>
    tpu.enqueue_indirect_dma source(%dma_start3A_31 : memref<10240x64xf32, #tpu.memory_space<hbm>>) target(%dma_start3A_25 : memref<128x64xf32, #tpu.memory_space<vmem>>) offsets(%dma_start3A_28 : memref<128xi32, #tpu.memory_space<vmem>>) semaphore(%arg12 : memref<!tpu.dma_semaphore, #tpu.memory_space<semaphore_mem>>)
    %scan3A = arith.constant 0 : i32
    %scan3A_32 = arith.constant 0 : i32
    %scan3A_33 = arith.constant 40 : i32
    %scan3A_34 = arith.addi %scan3A_32, %scan3A_33 : i32
    %scan3A_35 = arith.constant 1 : i32
    %scan3A_36 = scf.for %scan3A_43 = %scan3A_32 to %scan3A_34 step %scan3A_35 iter_args(%scan3A_44 = %scan3A) -> (i32)  : i32 {
      %mul3A_45 = arith.constant 2 : i32
      %mul3A_46 = arith.muli %mul3A_45, %scan3A_43 : i32
      %add3A_47 = arith.constant 1 : i32
      %add3A_48 = arith.addi %mul3A_46, %add3A_47 : i32
      %dma_start3A_49 = arith.constant 1 : i32
      %dma_start3A_50 = arith.constant 0 : i32
      %dma_start3A_51 = arith.constant 0 : i32
      %dma_start3A_52 = tpu.memref_slice %arg9[%dma_start3A_49, %dma_start3A_50, %dma_start3A_51] : memref<2x128x64xf32, #tpu.memory_space<vmem>> -> memref<1x128x64xf32, #tpu.memory_space<vmem>>
      %dma_start3A_53 = tpu.memref_squeeze %dma_start3A_52 : memref<1x128x64xf32, #tpu.memory_space<vmem>> -> memref<128x64xf32, #tpu.memory_space<vmem>>
      %dma_start3A_54 = arith.constant 0 : i32
      %dma_start3A_55 = tpu.memref_slice %arg7[%add3A_48, %dma_start3A_54] : memref<80x128xi32, #tpu.memory_space<vmem>> -> memref<1x128xi32, #tpu.memory_space<vmem>>
      %dma_start3A_56 = tpu.memref_squeeze %dma_start3A_55 : memref<1x128xi32, #tpu.memory_space<vmem>> -> memref<128xi32, #tpu.memory_space<vmem>>
      %dma_start3A_57 = arith.constant 0 : i32
      %dma_start3A_58 = arith.constant 0 : i32
      %dma_start3A_59 = tpu.memref_slice %arg2[%dma_start3A_57, %dma_start3A_58] : memref<10240x64xf32, #tpu.memory_space<hbm>> -> memref<10240x64xf32, #tpu.memory_space<hbm>>
      tpu.enqueue_indirect_dma source(%dma_start3A_59 : memref<10240x64xf32, #tpu.memory_space<hbm>>) target(%dma_start3A_53 : memref<128x64xf32, #tpu.memory_space<vmem>>) offsets(%dma_start3A_56 : memref<128xi32, #tpu.memory_space<vmem>>) semaphore(%arg13 : memref<!tpu.dma_semaphore, #tpu.memory_space<semaphore_mem>>)
      %dma_wait3A = arith.constant 0 : i32
      %dma_wait3A_60 = arith.constant 0 : i32
      %dma_wait3A_61 = arith.constant 0 : i32
      %dma_wait3A_62 = tpu.memref_slice %arg9[%dma_wait3A, %dma_wait3A_60, %dma_wait3A_61] : memref<2x128x64xf32, #tpu.memory_space<vmem>> -> memref<1x128x64xf32, #tpu.memory_space<vmem>>
      %dma_wait3A_63 = tpu.memref_squeeze %dma_wait3A_62 : memref<1x128x64xf32, #tpu.memory_space<vmem>> -> memref<128x64xf32, #tpu.memory_space<vmem>>
      %dma_wait3A_64 = arith.constant 0 : i32
      %dma_wait3A_65 = tpu.memref_slice %arg7[%mul3A_46, %dma_wait3A_64] : memref<80x128xi32, #tpu.memory_space<vmem>> -> memref<1x128xi32, #tpu.memory_space<vmem>>
      %dma_wait3A_66 = tpu.memref_squeeze %dma_wait3A_65 : memref<1x128xi32, #tpu.memory_space<vmem>> -> memref<128xi32, #tpu.memory_space<vmem>>
      %dma_wait3A_67 = arith.constant 0 : i32
      %dma_wait3A_68 = arith.constant 0 : i32
      %dma_wait3A_69 = tpu.memref_slice %arg2[%dma_wait3A_67, %dma_wait3A_68] : memref<10240x64xf32, #tpu.memory_space<hbm>> -> memref<10240x64xf32, #tpu.memory_space<hbm>>
      tpu.wait_indirect_dma semaphore(%arg12 : memref<!tpu.dma_semaphore, #tpu.memory_space<semaphore_mem>>) src(%dma_wait3A_69 : memref<10240x64xf32, #tpu.memory_space<hbm>>) dst(%dma_wait3A_63 : memref<128x64xf32, #tpu.memory_space<vmem>>)
      %run_scoped3A = arith.constant 0 : i32
      "tpu.region"() ({
        %run_scoped3A_87 = tpu.sem_alloc : memref<!tpu.dma_semaphore, #tpu.memory_space<semaphore_mem>>
        %dma_start3A_88 = arith.constant 0 : i32
        %dma_start3A_89 = arith.constant 0 : i32
        %dma_start3A_90 = tpu.memref_slice %arg9[%run_scoped3A, %dma_start3A_88, %dma_start3A_89] : memref<2x128x64xf32, #tpu.memory_space<vmem>> -> memref<1x128x64xf32, #tpu.memory_space<vmem>>
        %dma_start3A_91 = tpu.memref_squeeze %dma_start3A_90 : memref<1x128x64xf32, #tpu.memory_space<vmem>> -> memref<128x64xf32, #tpu.memory_space<vmem>>
        %dma_start3A_92 = arith.constant 0 : i32
        %dma_start3A_93 = tpu.memref_slice %arg8[%mul3A_46, %dma_start3A_92] : memref<80x128xi32, #tpu.memory_space<vmem>> -> memref<1x128xi32, #tpu.memory_space<vmem>>
        %dma_start3A_94 = tpu.memref_squeeze %dma_start3A_93 : memref<1x128xi32, #tpu.memory_space<vmem>> -> memref<128xi32, #tpu.memory_space<vmem>>
        %dma_start3A_95 = arith.constant 0 : i32
        %dma_start3A_96 = arith.constant 0 : i32
        %dma_start3A_97 = tpu.memref_slice %arg11[%dma_start3A_95, %dma_start3A_96] : memref<10240x64xf32, #tpu.memory_space<vmem_shared>> -> memref<10240x64xf32, #tpu.memory_space<vmem_shared>>
        tpu.enqueue_indirect_dma source(%dma_start3A_91 : memref<128x64xf32, #tpu.memory_space<vmem>>) target(%dma_start3A_97 : memref<10240x64xf32, #tpu.memory_space<vmem_shared>>) offsets(%dma_start3A_94 : memref<128xi32, #tpu.memory_space<vmem>>) semaphore(%run_scoped3A_87 : memref<!tpu.dma_semaphore, #tpu.memory_space<semaphore_mem>>) {add = true}
        %dma_wait3A_98 = arith.constant 0 : i32
        %dma_wait3A_99 = arith.constant 0 : i32
        %dma_wait3A_100 = tpu.memref_slice %arg9[%run_scoped3A, %dma_wait3A_98, %dma_wait3A_99] : memref<2x128x64xf32, #tpu.memory_space<vmem>> -> memref<1x128x64xf32, #tpu.memory_space<vmem>>
        %dma_wait3A_101 = tpu.memref_squeeze %dma_wait3A_100 : memref<1x128x64xf32, #tpu.memory_space<vmem>> -> memref<128x64xf32, #tpu.memory_space<vmem>>
        %dma_wait3A_102 = arith.constant 0 : i32
        %dma_wait3A_103 = tpu.memref_slice %arg8[%mul3A_46, %dma_wait3A_102] : memref<80x128xi32, #tpu.memory_space<vmem>> -> memref<1x128xi32, #tpu.memory_space<vmem>>
        %dma_wait3A_104 = tpu.memref_squeeze %dma_wait3A_103 : memref<1x128xi32, #tpu.memory_space<vmem>> -> memref<128xi32, #tpu.memory_space<vmem>>
        %dma_wait3A_105 = arith.constant 0 : i32
        %dma_wait3A_106 = arith.constant 0 : i32
        %dma_wait3A_107 = tpu.memref_slice %arg11[%dma_wait3A_105, %dma_wait3A_106] : memref<10240x64xf32, #tpu.memory_space<vmem_shared>> -> memref<10240x64xf32, #tpu.memory_space<vmem_shared>>
        tpu.wait_indirect_dma semaphore(%run_scoped3A_87 : memref<!tpu.dma_semaphore, #tpu.memory_space<semaphore_mem>>) src(%dma_wait3A_101 : memref<128x64xf32, #tpu.memory_space<vmem>>) dst(%dma_wait3A_107 : memref<10240x64xf32, #tpu.memory_space<vmem_shared>>)
        tpu.yield
      }) : () -> ()
      %add3A_70 = arith.constant 1 : i32
      %add3A_71 = arith.addi %scan3A_43, %add3A_70 : i32
      %lt3A = arith.constant 40 : i32
      %lt3A_72 = arith.cmpi slt, %add3A_71, %lt3A : i32
      %convert_element_type3A = arith.extui %lt3A_72 : i1 to i32
      %cond3A = arith.constant 0 : i32
      %cond3A_73 = arith.cmpi ne, %convert_element_type3A, %cond3A : i32
      scf.if %cond3A_73 {
        %add3A_87 = arith.constant 2 : i32
        %add3A_88 = arith.addi %mul3A_46, %add3A_87 : i32
        %dma_start3A_89 = arith.constant 0 : i32
        %dma_start3A_90 = arith.constant 0 : i32
        %dma_start3A_91 = arith.constant 0 : i32
        %dma_start3A_92 = tpu.memref_slice %arg9[%dma_start3A_89, %dma_start3A_90, %dma_start3A_91] : memref<2x128x64xf32, #tpu.memory_space<vmem>> -> memref<1x128x64xf32, #tpu.memory_space<vmem>>
        %dma_start3A_93 = tpu.memref_squeeze %dma_start3A_92 : memref<1x128x64xf32, #tpu.memory_space<vmem>> -> memref<128x64xf32, #tpu.memory_space<vmem>>
        %dma_start3A_94 = arith.constant 0 : i32
        %dma_start3A_95 = tpu.memref_slice %arg7[%add3A_88, %dma_start3A_94] : memref<80x128xi32, #tpu.memory_space<vmem>> -> memref<1x128xi32, #tpu.memory_space<vmem>>
        %dma_start3A_96 = tpu.memref_squeeze %dma_start3A_95 : memref<1x128xi32, #tpu.memory_space<vmem>> -> memref<128xi32, #tpu.memory_space<vmem>>
        %dma_start3A_97 = arith.constant 0 : i32
        %dma_start3A_98 = arith.constant 0 : i32
        %dma_start3A_99 = tpu.memref_slice %arg2[%dma_start3A_97, %dma_start3A_98] : memref<10240x64xf32, #tpu.memory_space<hbm>> -> memref<10240x64xf32, #tpu.memory_space<hbm>>
        tpu.enqueue_indirect_dma source(%dma_start3A_99 : memref<10240x64xf32, #tpu.memory_space<hbm>>) target(%dma_start3A_93 : memref<128x64xf32, #tpu.memory_space<vmem>>) offsets(%dma_start3A_96 : memref<128xi32, #tpu.memory_space<vmem>>) semaphore(%arg12 : memref<!tpu.dma_semaphore, #tpu.memory_space<semaphore_mem>>)
      } else {
      }
      %dma_wait3A_74 = arith.constant 1 : i32
      %dma_wait3A_75 = arith.constant 0 : i32
      %dma_wait3A_76 = arith.constant 0 : i32
      %dma_wait3A_77 = tpu.memref_slice %arg9[%dma_wait3A_74, %dma_wait3A_75, %dma_wait3A_76] : memref<2x128x64xf32, #tpu.memory_space<vmem>> -> memref<1x128x64xf32, #tpu.memory_space<vmem>>
      %dma_wait3A_78 = tpu.memref_squeeze %dma_wait3A_77 : memref<1x128x64xf32, #tpu.memory_space<vmem>> -> memref<128x64xf32, #tpu.memory_space<vmem>>
      %dma_wait3A_79 = arith.constant 0 : i32
      %dma_wait3A_80 = tpu.memref_slice %arg7[%add3A_48, %dma_wait3A_79] : memref<80x128xi32, #tpu.memory_space<vmem>> -> memref<1x128xi32, #tpu.memory_space<vmem>>
      %dma_wait3A_81 = tpu.memref_squeeze %dma_wait3A_80 : memref<1x128xi32, #tpu.memory_space<vmem>> -> memref<128xi32, #tpu.memory_space<vmem>>
      %dma_wait3A_82 = arith.constant 0 : i32
      %dma_wait3A_83 = arith.constant 0 : i32
      %dma_wait3A_84 = tpu.memref_slice %arg2[%dma_wait3A_82, %dma_wait3A_83] : memref<10240x64xf32, #tpu.memory_space<hbm>> -> memref<10240x64xf32, #tpu.memory_space<hbm>>
      tpu.wait_indirect_dma semaphore(%arg13 : memref<!tpu.dma_semaphore, #tpu.memory_space<semaphore_mem>>) src(%dma_wait3A_84 : memref<10240x64xf32, #tpu.memory_space<hbm>>) dst(%dma_wait3A_78 : memref<128x64xf32, #tpu.memory_space<vmem>>)
      %run_scoped3A_85 = arith.constant 1 : i32
      "tpu.region"() ({
        %run_scoped3A_87 = tpu.sem_alloc : memref<!tpu.dma_semaphore, #tpu.memory_space<semaphore_mem>>
        %dma_start3A_88 = arith.constant 0 : i32
        %dma_start3A_89 = arith.constant 0 : i32
        %dma_start3A_90 = tpu.memref_slice %arg9[%run_scoped3A_85, %dma_start3A_88, %dma_start3A_89] : memref<2x128x64xf32, #tpu.memory_space<vmem>> -> memref<1x128x64xf32, #tpu.memory_space<vmem>>
        %dma_start3A_91 = tpu.memref_squeeze %dma_start3A_90 : memref<1x128x64xf32, #tpu.memory_space<vmem>> -> memref<128x64xf32, #tpu.memory_space<vmem>>
        %dma_start3A_92 = arith.constant 0 : i32
        %dma_start3A_93 = tpu.memref_slice %arg8[%add3A_48, %dma_start3A_92] : memref<80x128xi32, #tpu.memory_space<vmem>> -> memref<1x128xi32, #tpu.memory_space<vmem>>
        %dma_start3A_94 = tpu.memref_squeeze %dma_start3A_93 : memref<1x128xi32, #tpu.memory_space<vmem>> -> memref<128xi32, #tpu.memory_space<vmem>>
        %dma_start3A_95 = arith.constant 0 : i32
        %dma_start3A_96 = arith.constant 0 : i32
        %dma_start3A_97 = tpu.memref_slice %arg11[%dma_start3A_95, %dma_start3A_96] : memref<10240x64xf32, #tpu.memory_space<vmem_shared>> -> memref<10240x64xf32, #tpu.memory_space<vmem_shared>>
        tpu.enqueue_indirect_dma source(%dma_start3A_91 : memref<128x64xf32, #tpu.memory_space<vmem>>) target(%dma_start3A_97 : memref<10240x64xf32, #tpu.memory_space<vmem_shared>>) offsets(%dma_start3A_94 : memref<128xi32, #tpu.memory_space<vmem>>) semaphore(%run_scoped3A_87 : memref<!tpu.dma_semaphore, #tpu.memory_space<semaphore_mem>>) {add = true}
        %dma_wait3A_98 = arith.constant 0 : i32
        %dma_wait3A_99 = arith.constant 0 : i32
        %dma_wait3A_100 = tpu.memref_slice %arg9[%run_scoped3A_85, %dma_wait3A_98, %dma_wait3A_99] : memref<2x128x64xf32, #tpu.memory_space<vmem>> -> memref<1x128x64xf32, #tpu.memory_space<vmem>>
        %dma_wait3A_101 = tpu.memref_squeeze %dma_wait3A_100 : memref<1x128x64xf32, #tpu.memory_space<vmem>> -> memref<128x64xf32, #tpu.memory_space<vmem>>
        %dma_wait3A_102 = arith.constant 0 : i32
        %dma_wait3A_103 = tpu.memref_slice %arg8[%add3A_48, %dma_wait3A_102] : memref<80x128xi32, #tpu.memory_space<vmem>> -> memref<1x128xi32, #tpu.memory_space<vmem>>
        %dma_wait3A_104 = tpu.memref_squeeze %dma_wait3A_103 : memref<1x128xi32, #tpu.memory_space<vmem>> -> memref<128xi32, #tpu.memory_space<vmem>>
        %dma_wait3A_105 = arith.constant 0 : i32
        %dma_wait3A_106 = arith.constant 0 : i32
        %dma_wait3A_107 = tpu.memref_slice %arg11[%dma_wait3A_105, %dma_wait3A_106] : memref<10240x64xf32, #tpu.memory_space<vmem_shared>> -> memref<10240x64xf32, #tpu.memory_space<vmem_shared>>
        tpu.wait_indirect_dma semaphore(%run_scoped3A_87 : memref<!tpu.dma_semaphore, #tpu.memory_space<semaphore_mem>>) src(%dma_wait3A_101 : memref<128x64xf32, #tpu.memory_space<vmem>>) dst(%dma_wait3A_107 : memref<10240x64xf32, #tpu.memory_space<vmem_shared>>)
        tpu.yield
      }) : () -> ()
      %scan3A_86 = arith.constant 0 : i32
      scf.yield %scan3A_86 : i32
    }
    %scan3A_37 = arith.constant 40 : i32
    %barrier3A_38 = arith.constant 0 : index
    tpu.barrier barrier_id(%barrier3A_38)
    %mul3A_39 = arith.constant 640 : i32
    %mul3A_40 = arith.muli %arg1, %mul3A_39 : i32
    %mul3A_41 = arith.constant 640 : i32
    %mul3A_42 = arith.muli %arg1, %mul3A_41 : i32
    "tpu.region"() ({
      %run_scoped3A = tpu.sem_alloc : memref<!tpu.dma_semaphore, #tpu.memory_space<semaphore_mem>>
      %dma_start3A_43 = arith.constant 0 : i32
      %dma_start3A_44 = tpu.memref_slice %arg6[%arg0, %mul3A_42, %dma_start3A_43] : memref<2x10240x64xf32, #tpu.memory_space<hbm>> -> memref<1x640x64xf32, #tpu.memory_space<hbm>>
      %dma_start3A_45 = tpu.memref_squeeze %dma_start3A_44 : memref<1x640x64xf32, #tpu.memory_space<hbm>> -> memref<640x64xf32, #tpu.memory_space<hbm>>
      %dma_start3A_46 = arith.constant 0 : i32
      %dma_start3A_47 = tpu.memref_slice %arg11[%mul3A_40, %dma_start3A_46] : memref<10240x64xf32, #tpu.memory_space<vmem_shared>> -> memref<640x64xf32, #tpu.memory_space<vmem_shared>>
      tpu.enqueue_dma source(%dma_start3A_47 : memref<640x64xf32, #tpu.memory_space<vmem_shared>>) target(%dma_start3A_45 : memref<640x64xf32, #tpu.memory_space<hbm>>) target_semaphore(%run_scoped3A : memref<!tpu.dma_semaphore, #tpu.memory_space<semaphore_mem>>)
      %dma_wait3A = arith.constant 0 : i32
      %dma_wait3A_48 = tpu.memref_slice %arg6[%arg0, %mul3A_42, %dma_wait3A] : memref<2x10240x64xf32, #tpu.memory_space<hbm>> -> memref<1x640x64xf32, #tpu.memory_space<hbm>>
      %dma_wait3A_49 = tpu.memref_squeeze %dma_wait3A_48 : memref<1x640x64xf32, #tpu.memory_space<hbm>> -> memref<640x64xf32, #tpu.memory_space<hbm>>
      %dma_wait3A_50 = arith.constant 0 : i32
      %dma_wait3A_51 = tpu.memref_slice %arg11[%mul3A_40, %dma_wait3A_50] : memref<10240x64xf32, #tpu.memory_space<vmem_shared>> -> memref<640x64xf32, #tpu.memory_space<vmem_shared>>
      tpu.wait_dma2 semaphore(%run_scoped3A : memref<!tpu.dma_semaphore, #tpu.memory_space<semaphore_mem>>) src(%dma_wait3A_51 : memref<640x64xf32, #tpu.memory_space<vmem_shared>>) dst(%dma_wait3A_49 : memref<640x64xf32, #tpu.memory_space<hbm>>)
      tpu.yield
    }) : () -> ()
    return
  }
}

module attributes {stable_mosaic.version = 14 : i64} {
  func.func @_pre_body(%arg0: i32, %arg1: memref<2x1024x16xf32, #tpu.memory_space<vmem>>, %arg2: memref<1024x128xf32, #tpu.memory_space<vmem>>, %arg3: memref<128x96xf32, #tpu.memory_space<vmem>>, %arg4: memref<1024x96xf32, #tpu.memory_space<vmem>>, %arg5: memref<1024x1xf32, #tpu.memory_space<vmem>>, %arg6: memref<1024x1xf32, #tpu.memory_space<vmem>>) attributes {dimension_semantics = [#tpu.dimension_semantics<arbitrary>], iteration_bounds = array<i64: 10>, scalar_prefetch = 0 : i64, scratch_operands = 0 : i64, tpu.core_type = #tpu.core_type<tc>, window_params = [{transform_indices = @transform_0, window_bounds = array<i64: 2, 1024, 16>}, {transform_indices = @transform_1, window_bounds = array<i64: 1024, 128>}, {pipeline_mode = #tpu.pipeline_mode<synchronous>, transform_indices = @transform_2, window_bounds = array<i64: 128, 96>}, {transform_indices = @transform_3, window_bounds = array<i64: 1024, 96>}, {transform_indices = @transform_4, window_bounds = array<i64: 1024, 1>}, {transform_indices = @transform_5, window_bounds = array<i64: 1024, 1>}]} {
    %get3A = arith.constant 0 : index
    %get3A_0 = arith.constant 0 : index
    %get3A_1 = arith.constant 0 : index
    %get3A_2 = vector.load %arg1[%get3A, %get3A_0, %get3A_1] : memref<2x1024x16xf32, #tpu.memory_space<vmem>>, vector<2x1024x16xf32>
    %slice3A = vector.extract_strided_slice %get3A_2 {offsets = [0, 0, 0], sizes = [1, 1024, 1], strides = [1, 1, 1]} : vector<2x1024x16xf32> to vector<1x1024x1xf32>
    %squeeze3A = vector.shape_cast %slice3A : vector<1x1024x1xf32> to vector<1024x1xf32>
    %slice3A_3 = vector.extract_strided_slice %get3A_2 {offsets = [1, 0, 0], sizes = [1, 1024, 1], strides = [1, 1, 1]} : vector<2x1024x16xf32> to vector<1x1024x1xf32>
    %squeeze3A_4 = vector.shape_cast %slice3A_3 : vector<1x1024x1xf32> to vector<1024x1xf32>
    %add3A = arith.addf %squeeze3A, %squeeze3A_4 : vector<1024x1xf32>
    %add3A_5 = arith.constant 1.000000e+00 : f32
    %add3A_6 = vector.broadcast %add3A_5 : f32 to vector<1024x1xf32>
    %add3A_7 = arith.addf %add3A, %add3A_6 : vector<1024x1xf32>
    %rsqrt3A = math.rsqrt %add3A_7 : vector<1024x1xf32>
    %gt3A = arith.constant 0.000000e+00 : f32
    %gt3A_8 = vector.broadcast %gt3A : f32 to vector<1024x1xf32>
    %gt3A_9 = arith.cmpf ogt, %add3A, %gt3A_8 : vector<1024x1xf32>
    %max3A = arith.constant 9.99999996E-13 : f32
    %max3A_10 = vector.broadcast %max3A : f32 to vector<1024x1xf32>
    %max3A_11 = arith.maximumf %add3A, %max3A_10 : vector<1024x1xf32>
    %rsqrt3A_12 = math.rsqrt %max3A_11 : vector<1024x1xf32>
    %jit3A = arith.constant 0.000000e+00 : f32
    %broadcast_in_dim3A = vector.broadcast %jit3A : f32 to vector<1024x1xf32>
    %select_n3A = arith.select %gt3A_9, %rsqrt3A_12, %broadcast_in_dim3A : vector<1024x1xi1>, vector<1024x1xf32>
    %swap3A = arith.constant 0 : index
    %swap3A_13 = arith.constant 0 : index
    %swap3A_14 = vector.load %arg5[%swap3A, %swap3A_13] : memref<1024x1xf32, #tpu.memory_space<vmem>>, vector<1024x1xf32>
    tpu.vector_store %arg5[%swap3A, %swap3A_13], %rsqrt3A {strides = array<i32>} : memref<1024x1xf32, #tpu.memory_space<vmem>>, vector<1024x1xf32>,
    %swap3A_15 = arith.constant 0 : index
    %swap3A_16 = arith.constant 0 : index
    %swap3A_17 = vector.load %arg6[%swap3A_15, %swap3A_16] : memref<1024x1xf32, #tpu.memory_space<vmem>>, vector<1024x1xf32>
    tpu.vector_store %arg6[%swap3A_15, %swap3A_16], %select_n3A {strides = array<i32>} : memref<1024x1xf32, #tpu.memory_space<vmem>>, vector<1024x1xf32>,
    %get3A_18 = arith.constant 0 : index
    %get3A_19 = arith.constant 0 : index
    %get3A_20 = vector.load %arg2[%get3A_18, %get3A_19] : memref<1024x128xf32, #tpu.memory_space<vmem>>, vector<1024x128xf32>
    %get3A_21 = arith.constant 0 : index
    %get3A_22 = arith.constant 0 : index
    %get3A_23 = vector.load %arg3[%get3A_21, %get3A_22] : memref<128x96xf32, #tpu.memory_space<vmem>>, vector<128x96xf32>
    %dot_general3A = arith.constant dense<0.000000e+00> : vector<1024x96xf32>
    %dot_general3A_24 = tpu.matmul %get3A_20, %get3A_23, %dot_general3A {dimension_numbers = #tpu.dot_dimension_numbers<[1], [0], [0], [1], [0, 0, 1, 1], [], []>, transpose_lhs_hint = false} : vector<1024x128xf32>, vector<128x96xf32>, vector<1024x96xf32> -> vector<1024x96xf32>
    %mul3A = vector.broadcast %rsqrt3A : vector<1024x1xf32> to vector<1024x96xf32>
    %mul3A_25 = arith.mulf %mul3A, %dot_general3A_24 : vector<1024x96xf32>
    %swap3A_26 = arith.constant 0 : index
    %swap3A_27 = arith.constant 0 : index
    %swap3A_28 = vector.load %arg4[%swap3A_26, %swap3A_27] : memref<1024x96xf32, #tpu.memory_space<vmem>>, vector<1024x96xf32>
    tpu.vector_store %arg4[%swap3A_26, %swap3A_27], %mul3A_25 {strides = array<i32>} : memref<1024x96xf32, #tpu.memory_space<vmem>>, vector<1024x96xf32>,
    return
  }
  func.func @transform_0(%arg0: i32) -> (i32, i32, i32) {
    %c0_i32 = arith.constant 0 : i32
    %c0_i32_0 = arith.constant 0 : i32
    %c0_i32_1 = arith.constant 0 : i32
    return %c0_i32, %arg0, %c0_i32_0 : i32, i32, i32
  }
  func.func @transform_1(%arg0: i32) -> (i32, i32) {
    %c0_i32 = arith.constant 0 : i32
    %c0_i32_0 = arith.constant 0 : i32
    return %arg0, %c0_i32 : i32, i32
  }
  func.func @transform_2(%arg0: i32) -> (i32, i32) {
    %c0_i32 = arith.constant 0 : i32
    %c0_i32_0 = arith.constant 0 : i32
    %c0_i32_1 = arith.constant 0 : i32
    return %c0_i32, %c0_i32_0 : i32, i32
  }
  func.func @transform_3(%arg0: i32) -> (i32, i32) {
    %c0_i32 = arith.constant 0 : i32
    %c0_i32_0 = arith.constant 0 : i32
    return %arg0, %c0_i32 : i32, i32
  }
  func.func @transform_4(%arg0: i32) -> (i32, i32) {
    %c0_i32 = arith.constant 0 : i32
    %c0_i32_0 = arith.constant 0 : i32
    return %arg0, %c0_i32 : i32, i32
  }
  func.func @transform_5(%arg0: i32) -> (i32, i32) {
    %c0_i32 = arith.constant 0 : i32
    %c0_i32_0 = arith.constant 0 : i32
    return %arg0, %c0_i32 : i32, i32
  }
}

module attributes {stable_mosaic.version = 14 : i64} {
  func.func @_mid_body(%arg0: i32, %arg1: memref<2x1024x96xf32, #tpu.memory_space<vmem>>, %arg2: memref<1024x96xf32, #tpu.memory_space<vmem>>, %arg3: memref<96xf32, #tpu.memory_space<vmem>>, %arg4: memref<1024x1xf32, #tpu.memory_space<vmem>>, %arg5: memref<96x64xf32, #tpu.memory_space<vmem>>, %arg6: memref<1024x64xf32, #tpu.memory_space<vmem>>) attributes {dimension_semantics = [#tpu.dimension_semantics<arbitrary>], iteration_bounds = array<i64: 10>, scalar_prefetch = 0 : i64, scratch_operands = 0 : i64, tpu.core_type = #tpu.core_type<tc>, window_params = [{transform_indices = @transform_0, window_bounds = array<i64: 2, 1024, 96>}, {transform_indices = @transform_1, window_bounds = array<i64: 1024, 96>}, {pipeline_mode = #tpu.pipeline_mode<synchronous>, transform_indices = @transform_2, window_bounds = array<i64: 96>}, {transform_indices = @transform_3, window_bounds = array<i64: 1024, 1>}, {pipeline_mode = #tpu.pipeline_mode<synchronous>, transform_indices = @transform_4, window_bounds = array<i64: 96, 64>}, {transform_indices = @transform_5, window_bounds = array<i64: 1024, 64>}]} {
    %get3A = arith.constant 0 : index
    %get3A_0 = arith.constant 0 : index
    %get3A_1 = vector.load %arg4[%get3A, %get3A_0] : memref<1024x1xf32, #tpu.memory_space<vmem>>, vector<1024x1xf32>
    %get3A_2 = arith.constant 0 : index
    %get3A_3 = arith.constant 0 : index
    %get3A_4 = arith.constant 0 : index
    %get3A_5 = vector.load %arg1[%get3A_2, %get3A_3, %get3A_4] : memref<2x1024x96xf32, #tpu.memory_space<vmem>>, vector<1x1024x96xf32>
    %get3A_6 = vector.shape_cast %get3A_5 : vector<1x1024x96xf32> to vector<1024x96xf32>
    %get3A_7 = arith.constant 1 : index
    %get3A_8 = arith.constant 0 : index
    %get3A_9 = arith.constant 0 : index
    %get3A_10 = vector.load %arg1[%get3A_7, %get3A_8, %get3A_9] : memref<2x1024x96xf32, #tpu.memory_space<vmem>>, vector<1x1024x96xf32>
    %get3A_11 = vector.shape_cast %get3A_10 : vector<1x1024x96xf32> to vector<1024x96xf32>
    %add3A = arith.addf %get3A_6, %get3A_11 : vector<1024x96xf32>
    %get3A_12 = arith.constant 0 : index
    %get3A_13 = arith.constant 0 : index
    %get3A_14 = vector.load %arg2[%get3A_12, %get3A_13] : memref<1024x96xf32, #tpu.memory_space<vmem>>, vector<1024x96xf32>
    %add3A_15 = arith.addf %add3A, %get3A_14 : vector<1024x96xf32>
    %mul3A = vector.broadcast %get3A_1 : vector<1024x1xf32> to vector<1024x96xf32>
    %mul3A_16 = arith.mulf %mul3A, %add3A_15 : vector<1024x96xf32>
    %get3A_17 = arith.constant 0 : index
    %get3A_18 = vector.load %arg3[%get3A_17] : memref<96xf32, #tpu.memory_space<vmem>>, vector<96xf32>
    %broadcast_in_dim3A = vector.shape_cast %get3A_18 : vector<96xf32> to vector<1x96xf32>
    %add3A_19 = vector.broadcast %broadcast_in_dim3A : vector<1x96xf32> to vector<1024x96xf32>
    %add3A_20 = arith.addf %mul3A_16, %add3A_19 : vector<1024x96xf32>
    %max3A = arith.constant 0.000000e+00 : f32
    %max3A_21 = vector.broadcast %max3A : f32 to vector<1024x96xf32>
    %max3A_22 = arith.maximumf %add3A_20, %max3A_21 : vector<1024x96xf32>
    %get3A_23 = arith.constant 0 : index
    %get3A_24 = arith.constant 0 : index
    %get3A_25 = vector.load %arg5[%get3A_23, %get3A_24] : memref<96x64xf32, #tpu.memory_space<vmem>>, vector<96x64xf32>
    %dot_general3A = arith.constant dense<0.000000e+00> : vector<1024x64xf32>
    %dot_general3A_26 = tpu.matmul %max3A_22, %get3A_25, %dot_general3A {dimension_numbers = #tpu.dot_dimension_numbers<[1], [0], [0], [1], [0, 0, 1, 1], [], []>, transpose_lhs_hint = false} : vector<1024x96xf32>, vector<96x64xf32>, vector<1024x64xf32> -> vector<1024x64xf32>
    %mul3A_27 = vector.broadcast %get3A_1 : vector<1024x1xf32> to vector<1024x64xf32>
    %mul3A_28 = arith.mulf %mul3A_27, %dot_general3A_26 : vector<1024x64xf32>
    %swap3A = arith.constant 0 : index
    %swap3A_29 = arith.constant 0 : index
    %swap3A_30 = vector.load %arg6[%swap3A, %swap3A_29] : memref<1024x64xf32, #tpu.memory_space<vmem>>, vector<1024x64xf32>
    tpu.vector_store %arg6[%swap3A, %swap3A_29], %mul3A_28 {strides = array<i32>} : memref<1024x64xf32, #tpu.memory_space<vmem>>, vector<1024x64xf32>,
    return
  }
  func.func @transform_0(%arg0: i32) -> (i32, i32, i32) {
    %c0_i32 = arith.constant 0 : i32
    %c0_i32_0 = arith.constant 0 : i32
    %c0_i32_1 = arith.constant 0 : i32
    return %c0_i32, %arg0, %c0_i32_0 : i32, i32, i32
  }
  func.func @transform_1(%arg0: i32) -> (i32, i32) {
    %c0_i32 = arith.constant 0 : i32
    %c0_i32_0 = arith.constant 0 : i32
    return %arg0, %c0_i32 : i32, i32
  }
  func.func @transform_2(%arg0: i32) -> i32 {
    %c0_i32 = arith.constant 0 : i32
    %c0_i32_0 = arith.constant 0 : i32
    return %c0_i32 : i32
  }
  func.func @transform_3(%arg0: i32) -> (i32, i32) {
    %c0_i32 = arith.constant 0 : i32
    %c0_i32_0 = arith.constant 0 : i32
    return %arg0, %c0_i32 : i32, i32
  }
  func.func @transform_4(%arg0: i32) -> (i32, i32) {
    %c0_i32 = arith.constant 0 : i32
    %c0_i32_0 = arith.constant 0 : i32
    %c0_i32_1 = arith.constant 0 : i32
    return %c0_i32, %c0_i32_0 : i32, i32
  }
  func.func @transform_5(%arg0: i32) -> (i32, i32) {
    %c0_i32 = arith.constant 0 : i32
    %c0_i32_0 = arith.constant 0 : i32
    return %arg0, %c0_i32 : i32, i32
  }
}

module attributes {stable_mosaic.version = 14 : i64} {
  func.func @_mid_body(%arg0: i32, %arg1: memref<2x1024x64xf32, #tpu.memory_space<vmem>>, %arg2: memref<1024x64xf32, #tpu.memory_space<vmem>>, %arg3: memref<64xf32, #tpu.memory_space<vmem>>, %arg4: memref<1024x1xf32, #tpu.memory_space<vmem>>, %arg5: memref<64x32xf32, #tpu.memory_space<vmem>>, %arg6: memref<1024x32xf32, #tpu.memory_space<vmem>>) attributes {dimension_semantics = [#tpu.dimension_semantics<arbitrary>], iteration_bounds = array<i64: 10>, scalar_prefetch = 0 : i64, scratch_operands = 0 : i64, tpu.core_type = #tpu.core_type<tc>, window_params = [{transform_indices = @transform_0, window_bounds = array<i64: 2, 1024, 64>}, {transform_indices = @transform_1, window_bounds = array<i64: 1024, 64>}, {pipeline_mode = #tpu.pipeline_mode<synchronous>, transform_indices = @transform_2, window_bounds = array<i64: 64>}, {transform_indices = @transform_3, window_bounds = array<i64: 1024, 1>}, {pipeline_mode = #tpu.pipeline_mode<synchronous>, transform_indices = @transform_4, window_bounds = array<i64: 64, 32>}, {transform_indices = @transform_5, window_bounds = array<i64: 1024, 32>}]} {
    %get3A = arith.constant 0 : index
    %get3A_0 = arith.constant 0 : index
    %get3A_1 = vector.load %arg4[%get3A, %get3A_0] : memref<1024x1xf32, #tpu.memory_space<vmem>>, vector<1024x1xf32>
    %get3A_2 = arith.constant 0 : index
    %get3A_3 = arith.constant 0 : index
    %get3A_4 = arith.constant 0 : index
    %get3A_5 = vector.load %arg1[%get3A_2, %get3A_3, %get3A_4] : memref<2x1024x64xf32, #tpu.memory_space<vmem>>, vector<1x1024x64xf32>
    %get3A_6 = vector.shape_cast %get3A_5 : vector<1x1024x64xf32> to vector<1024x64xf32>
    %get3A_7 = arith.constant 1 : index
    %get3A_8 = arith.constant 0 : index
    %get3A_9 = arith.constant 0 : index
    %get3A_10 = vector.load %arg1[%get3A_7, %get3A_8, %get3A_9] : memref<2x1024x64xf32, #tpu.memory_space<vmem>>, vector<1x1024x64xf32>
    %get3A_11 = vector.shape_cast %get3A_10 : vector<1x1024x64xf32> to vector<1024x64xf32>
    %add3A = arith.addf %get3A_6, %get3A_11 : vector<1024x64xf32>
    %get3A_12 = arith.constant 0 : index
    %get3A_13 = arith.constant 0 : index
    %get3A_14 = vector.load %arg2[%get3A_12, %get3A_13] : memref<1024x64xf32, #tpu.memory_space<vmem>>, vector<1024x64xf32>
    %add3A_15 = arith.addf %add3A, %get3A_14 : vector<1024x64xf32>
    %mul3A = vector.broadcast %get3A_1 : vector<1024x1xf32> to vector<1024x64xf32>
    %mul3A_16 = arith.mulf %mul3A, %add3A_15 : vector<1024x64xf32>
    %get3A_17 = arith.constant 0 : index
    %get3A_18 = vector.load %arg3[%get3A_17] : memref<64xf32, #tpu.memory_space<vmem>>, vector<64xf32>
    %broadcast_in_dim3A = vector.shape_cast %get3A_18 : vector<64xf32> to vector<1x64xf32>
    %add3A_19 = vector.broadcast %broadcast_in_dim3A : vector<1x64xf32> to vector<1024x64xf32>
    %add3A_20 = arith.addf %mul3A_16, %add3A_19 : vector<1024x64xf32>
    %max3A = arith.constant 0.000000e+00 : f32
    %max3A_21 = vector.broadcast %max3A : f32 to vector<1024x64xf32>
    %max3A_22 = arith.maximumf %add3A_20, %max3A_21 : vector<1024x64xf32>
    %get3A_23 = arith.constant 0 : index
    %get3A_24 = arith.constant 0 : index
    %get3A_25 = vector.load %arg5[%get3A_23, %get3A_24] : memref<64x32xf32, #tpu.memory_space<vmem>>, vector<64x32xf32>
    %dot_general3A = arith.constant dense<0.000000e+00> : vector<1024x32xf32>
    %dot_general3A_26 = tpu.matmul %max3A_22, %get3A_25, %dot_general3A {dimension_numbers = #tpu.dot_dimension_numbers<[1], [0], [0], [1], [0, 0, 1, 1], [], []>, transpose_lhs_hint = false} : vector<1024x64xf32>, vector<64x32xf32>, vector<1024x32xf32> -> vector<1024x32xf32>
    %mul3A_27 = vector.broadcast %get3A_1 : vector<1024x1xf32> to vector<1024x32xf32>
    %mul3A_28 = arith.mulf %mul3A_27, %dot_general3A_26 : vector<1024x32xf32>
    %swap3A = arith.constant 0 : index
    %swap3A_29 = arith.constant 0 : index
    %swap3A_30 = vector.load %arg6[%swap3A, %swap3A_29] : memref<1024x32xf32, #tpu.memory_space<vmem>>, vector<1024x32xf32>
    tpu.vector_store %arg6[%swap3A, %swap3A_29], %mul3A_28 {strides = array<i32>} : memref<1024x32xf32, #tpu.memory_space<vmem>>, vector<1024x32xf32>,
    return
  }
  func.func @transform_0(%arg0: i32) -> (i32, i32, i32) {
    %c0_i32 = arith.constant 0 : i32
    %c0_i32_0 = arith.constant 0 : i32
    %c0_i32_1 = arith.constant 0 : i32
    return %c0_i32, %arg0, %c0_i32_0 : i32, i32, i32
  }
  func.func @transform_1(%arg0: i32) -> (i32, i32) {
    %c0_i32 = arith.constant 0 : i32
    %c0_i32_0 = arith.constant 0 : i32
    return %arg0, %c0_i32 : i32, i32
  }
  func.func @transform_2(%arg0: i32) -> i32 {
    %c0_i32 = arith.constant 0 : i32
    %c0_i32_0 = arith.constant 0 : i32
    return %c0_i32 : i32
  }
  func.func @transform_3(%arg0: i32) -> (i32, i32) {
    %c0_i32 = arith.constant 0 : i32
    %c0_i32_0 = arith.constant 0 : i32
    return %arg0, %c0_i32 : i32, i32
  }
  func.func @transform_4(%arg0: i32) -> (i32, i32) {
    %c0_i32 = arith.constant 0 : i32
    %c0_i32_0 = arith.constant 0 : i32
    %c0_i32_1 = arith.constant 0 : i32
    return %c0_i32, %c0_i32_0 : i32, i32
  }
  func.func @transform_5(%arg0: i32) -> (i32, i32) {
    %c0_i32 = arith.constant 0 : i32
    %c0_i32_0 = arith.constant 0 : i32
    return %arg0, %c0_i32 : i32, i32
  }
}

module attributes {stable_mosaic.version = 14 : i64} {
  func.func @_dec1_body(%arg0: i32, %arg1: memref<2x1024x32xf32, #tpu.memory_space<vmem>>, %arg2: memref<1024x32xf32, #tpu.memory_space<vmem>>, %arg3: memref<32xf32, #tpu.memory_space<vmem>>, %arg4: memref<1024x1xf32, #tpu.memory_space<vmem>>, %arg5: memref<1024x1xf32, #tpu.memory_space<vmem>>, %arg6: memref<32x64xf32, #tpu.memory_space<vmem>>, %arg7: memref<1024x32xf32, #tpu.memory_space<vmem>>, %arg8: memref<1024x64xf32, #tpu.memory_space<vmem>>, %arg9: memref<1024x64xf32, #tpu.memory_space<vmem>>) attributes {dimension_semantics = [#tpu.dimension_semantics<arbitrary>], iteration_bounds = array<i64: 10>, scalar_prefetch = 0 : i64, scratch_operands = 0 : i64, tpu.core_type = #tpu.core_type<tc>, window_params = [{transform_indices = @transform_0, window_bounds = array<i64: 2, 1024, 32>}, {transform_indices = @transform_1, window_bounds = array<i64: 1024, 32>}, {pipeline_mode = #tpu.pipeline_mode<synchronous>, transform_indices = @transform_2, window_bounds = array<i64: 32>}, {transform_indices = @transform_3, window_bounds = array<i64: 1024, 1>}, {transform_indices = @transform_4, window_bounds = array<i64: 1024, 1>}, {pipeline_mode = #tpu.pipeline_mode<synchronous>, transform_indices = @transform_5, window_bounds = array<i64: 32, 64>}, {transform_indices = @transform_6, window_bounds = array<i64: 1024, 32>}, {transform_indices = @transform_7, window_bounds = array<i64: 1024, 64>}, {transform_indices = @transform_8, window_bounds = array<i64: 1024, 64>}]} {
    %get3A = arith.constant 0 : index
    %get3A_0 = arith.constant 0 : index
    %get3A_1 = vector.load %arg4[%get3A, %get3A_0] : memref<1024x1xf32, #tpu.memory_space<vmem>>, vector<1024x1xf32>
    %get3A_2 = arith.constant 0 : index
    %get3A_3 = arith.constant 0 : index
    %get3A_4 = arith.constant 0 : index
    %get3A_5 = vector.load %arg1[%get3A_2, %get3A_3, %get3A_4] : memref<2x1024x32xf32, #tpu.memory_space<vmem>>, vector<1x1024x32xf32>
    %get3A_6 = vector.shape_cast %get3A_5 : vector<1x1024x32xf32> to vector<1024x32xf32>
    %get3A_7 = arith.constant 1 : index
    %get3A_8 = arith.constant 0 : index
    %get3A_9 = arith.constant 0 : index
    %get3A_10 = vector.load %arg1[%get3A_7, %get3A_8, %get3A_9] : memref<2x1024x32xf32, #tpu.memory_space<vmem>>, vector<1x1024x32xf32>
    %get3A_11 = vector.shape_cast %get3A_10 : vector<1x1024x32xf32> to vector<1024x32xf32>
    %add3A = arith.addf %get3A_6, %get3A_11 : vector<1024x32xf32>
    %get3A_12 = arith.constant 0 : index
    %get3A_13 = arith.constant 0 : index
    %get3A_14 = vector.load %arg2[%get3A_12, %get3A_13] : memref<1024x32xf32, #tpu.memory_space<vmem>>, vector<1024x32xf32>
    %add3A_15 = arith.addf %add3A, %get3A_14 : vector<1024x32xf32>
    %mul3A = vector.broadcast %get3A_1 : vector<1024x1xf32> to vector<1024x32xf32>
    %mul3A_16 = arith.mulf %mul3A, %add3A_15 : vector<1024x32xf32>
    %get3A_17 = arith.constant 0 : index
    %get3A_18 = vector.load %arg3[%get3A_17] : memref<32xf32, #tpu.memory_space<vmem>>, vector<32xf32>
    %broadcast_in_dim3A = vector.shape_cast %get3A_18 : vector<32xf32> to vector<1x32xf32>
    %add3A_19 = vector.broadcast %broadcast_in_dim3A : vector<1x32xf32> to vector<1024x32xf32>
    %add3A_20 = arith.addf %mul3A_16, %add3A_19 : vector<1024x32xf32>
    %max3A = arith.constant 0.000000e+00 : f32
    %max3A_21 = vector.broadcast %max3A : f32 to vector<1024x32xf32>
    %max3A_22 = arith.maximumf %add3A_20, %max3A_21 : vector<1024x32xf32>
    %swap3A = arith.constant 0 : index
    %swap3A_23 = arith.constant 0 : index
    %swap3A_24 = vector.load %arg7[%swap3A, %swap3A_23] : memref<1024x32xf32, #tpu.memory_space<vmem>>, vector<1024x32xf32>
    tpu.vector_store %arg7[%swap3A, %swap3A_23], %max3A_22 {strides = array<i32>} : memref<1024x32xf32, #tpu.memory_space<vmem>>, vector<1024x32xf32>,
    %get3A_25 = arith.constant 0 : index
    %get3A_26 = arith.constant 0 : index
    %get3A_27 = vector.load %arg6[%get3A_25, %get3A_26] : memref<32x64xf32, #tpu.memory_space<vmem>>, vector<32x64xf32>
    %dot_general3A = arith.constant dense<0.000000e+00> : vector<1024x64xf32>
    %dot_general3A_28 = tpu.matmul %max3A_22, %get3A_27, %dot_general3A {dimension_numbers = #tpu.dot_dimension_numbers<[1], [0], [0], [1], [0, 0, 1, 1], [], []>, transpose_lhs_hint = false} : vector<1024x32xf32>, vector<32x64xf32>, vector<1024x64xf32> -> vector<1024x64xf32>
    %swap3A_29 = arith.constant 0 : index
    %swap3A_30 = arith.constant 0 : index
    %swap3A_31 = vector.load %arg8[%swap3A_29, %swap3A_30] : memref<1024x64xf32, #tpu.memory_space<vmem>>, vector<1024x64xf32>
    tpu.vector_store %arg8[%swap3A_29, %swap3A_30], %dot_general3A_28 {strides = array<i32>} : memref<1024x64xf32, #tpu.memory_space<vmem>>, vector<1024x64xf32>,
    %get3A_32 = arith.constant 0 : index
    %get3A_33 = arith.constant 0 : index
    %get3A_34 = vector.load %arg5[%get3A_32, %get3A_33] : memref<1024x1xf32, #tpu.memory_space<vmem>>, vector<1024x1xf32>
    %mul3A_35 = vector.broadcast %get3A_34 : vector<1024x1xf32> to vector<1024x64xf32>
    %mul3A_36 = arith.mulf %mul3A_35, %dot_general3A_28 : vector<1024x64xf32>
    %swap3A_37 = arith.constant 0 : index
    %swap3A_38 = arith.constant 0 : index
    %swap3A_39 = vector.load %arg9[%swap3A_37, %swap3A_38] : memref<1024x64xf32, #tpu.memory_space<vmem>>, vector<1024x64xf32>
    tpu.vector_store %arg9[%swap3A_37, %swap3A_38], %mul3A_36 {strides = array<i32>} : memref<1024x64xf32, #tpu.memory_space<vmem>>, vector<1024x64xf32>,
    return
  }
  func.func @transform_0(%arg0: i32) -> (i32, i32, i32) {
    %c0_i32 = arith.constant 0 : i32
    %c0_i32_0 = arith.constant 0 : i32
    %c0_i32_1 = arith.constant 0 : i32
    return %c0_i32, %arg0, %c0_i32_0 : i32, i32, i32
  }
  func.func @transform_1(%arg0: i32) -> (i32, i32) {
    %c0_i32 = arith.constant 0 : i32
    %c0_i32_0 = arith.constant 0 : i32
    return %arg0, %c0_i32 : i32, i32
  }
  func.func @transform_2(%arg0: i32) -> i32 {
    %c0_i32 = arith.constant 0 : i32
    %c0_i32_0 = arith.constant 0 : i32
    return %c0_i32 : i32
  }
  func.func @transform_3(%arg0: i32) -> (i32, i32) {
    %c0_i32 = arith.constant 0 : i32
    %c0_i32_0 = arith.constant 0 : i32
    return %arg0, %c0_i32 : i32, i32
  }
  func.func @transform_4(%arg0: i32) -> (i32, i32) {
    %c0_i32 = arith.constant 0 : i32
    %c0_i32_0 = arith.constant 0 : i32
    return %arg0, %c0_i32 : i32, i32
  }
  func.func @transform_5(%arg0: i32) -> (i32, i32) {
    %c0_i32 = arith.constant 0 : i32
    %c0_i32_0 = arith.constant 0 : i32
    %c0_i32_1 = arith.constant 0 : i32
    return %c0_i32, %c0_i32_0 : i32, i32
  }
  func.func @transform_6(%arg0: i32) -> (i32, i32) {
    %c0_i32 = arith.constant 0 : i32
    %c0_i32_0 = arith.constant 0 : i32
    return %arg0, %c0_i32 : i32, i32
  }
  func.func @transform_7(%arg0: i32) -> (i32, i32) {
    %c0_i32 = arith.constant 0 : i32
    %c0_i32_0 = arith.constant 0 : i32
    return %arg0, %c0_i32 : i32, i32
  }
  func.func @transform_8(%arg0: i32) -> (i32, i32) {
    %c0_i32 = arith.constant 0 : i32
    %c0_i32_0 = arith.constant 0 : i32
    return %arg0, %c0_i32 : i32, i32
  }
}

module attributes {stable_mosaic.version = 14 : i64} {
  func.func @_dec_body(%arg0: i32, %arg1: memref<2x1024x64xf32, #tpu.memory_space<vmem>>, %arg2: memref<1024x64xf32, #tpu.memory_space<vmem>>, %arg3: memref<64xf32, #tpu.memory_space<vmem>>, %arg4: memref<1024x1xf32, #tpu.memory_space<vmem>>, %arg5: memref<64x96xf32, #tpu.memory_space<vmem>>, %arg6: memref<1024x96xf32, #tpu.memory_space<vmem>>, %arg7: memref<1024x96xf32, #tpu.memory_space<vmem>>) attributes {dimension_semantics = [#tpu.dimension_semantics<arbitrary>], iteration_bounds = array<i64: 10>, scalar_prefetch = 0 : i64, scratch_operands = 0 : i64, tpu.core_type = #tpu.core_type<tc>, window_params = [{transform_indices = @transform_0, window_bounds = array<i64: 2, 1024, 64>}, {transform_indices = @transform_1, window_bounds = array<i64: 1024, 64>}, {pipeline_mode = #tpu.pipeline_mode<synchronous>, transform_indices = @transform_2, window_bounds = array<i64: 64>}, {transform_indices = @transform_3, window_bounds = array<i64: 1024, 1>}, {pipeline_mode = #tpu.pipeline_mode<synchronous>, transform_indices = @transform_4, window_bounds = array<i64: 64, 96>}, {transform_indices = @transform_5, window_bounds = array<i64: 1024, 96>}, {transform_indices = @transform_6, window_bounds = array<i64: 1024, 96>}]} {
    %get3A = arith.constant 0 : index
    %get3A_0 = arith.constant 0 : index
    %get3A_1 = vector.load %arg4[%get3A, %get3A_0] : memref<1024x1xf32, #tpu.memory_space<vmem>>, vector<1024x1xf32>
    %get3A_2 = arith.constant 0 : index
    %get3A_3 = arith.constant 0 : index
    %get3A_4 = vector.load %arg2[%get3A_2, %get3A_3] : memref<1024x64xf32, #tpu.memory_space<vmem>>, vector<1024x64xf32>
    %mul3A = arith.constant 2.000000e+00 : f32
    %mul3A_5 = vector.broadcast %mul3A : f32 to vector<1024x64xf32>
    %mul3A_6 = arith.mulf %mul3A_5, %get3A_4 : vector<1024x64xf32>
    %get3A_7 = arith.constant 0 : index
    %get3A_8 = arith.constant 0 : index
    %get3A_9 = arith.constant 0 : index
    %get3A_10 = vector.load %arg1[%get3A_7, %get3A_8, %get3A_9] : memref<2x1024x64xf32, #tpu.memory_space<vmem>>, vector<1x1024x64xf32>
    %get3A_11 = vector.shape_cast %get3A_10 : vector<1x1024x64xf32> to vector<1024x64xf32>
    %get3A_12 = arith.constant 1 : index
    %get3A_13 = arith.constant 0 : index
    %get3A_14 = arith.constant 0 : index
    %get3A_15 = vector.load %arg1[%get3A_12, %get3A_13, %get3A_14] : memref<2x1024x64xf32, #tpu.memory_space<vmem>>, vector<1x1024x64xf32>
    %get3A_16 = vector.shape_cast %get3A_15 : vector<1x1024x64xf32> to vector<1024x64xf32>
    %add3A = arith.addf %get3A_11, %get3A_16 : vector<1024x64xf32>
    %mul3A_17 = vector.broadcast %get3A_1 : vector<1024x1xf32> to vector<1024x64xf32>
    %mul3A_18 = arith.mulf %mul3A_17, %add3A : vector<1024x64xf32>
    %sub3A = arith.subf %mul3A_6, %mul3A_18 : vector<1024x64xf32>
    %get3A_19 = arith.constant 0 : index
    %get3A_20 = vector.load %arg3[%get3A_19] : memref<64xf32, #tpu.memory_space<vmem>>, vector<64xf32>
    %broadcast_in_dim3A = vector.shape_cast %get3A_20 : vector<64xf32> to vector<1x64xf32>
    %add3A_21 = vector.broadcast %broadcast_in_dim3A : vector<1x64xf32> to vector<1024x64xf32>
    %add3A_22 = arith.addf %sub3A, %add3A_21 : vector<1024x64xf32>
    %max3A = arith.constant 0.000000e+00 : f32
    %max3A_23 = vector.broadcast %max3A : f32 to vector<1024x64xf32>
    %max3A_24 = arith.maximumf %add3A_22, %max3A_23 : vector<1024x64xf32>
    %get3A_25 = arith.constant 0 : index
    %get3A_26 = arith.constant 0 : index
    %get3A_27 = vector.load %arg5[%get3A_25, %get3A_26] : memref<64x96xf32, #tpu.memory_space<vmem>>, vector<64x96xf32>
    %dot_general3A = arith.constant dense<0.000000e+00> : vector<1024x96xf32>
    %dot_general3A_28 = tpu.matmul %max3A_24, %get3A_27, %dot_general3A {dimension_numbers = #tpu.dot_dimension_numbers<[1], [0], [0], [1], [0, 0, 1, 1], [], []>, transpose_lhs_hint = false} : vector<1024x64xf32>, vector<64x96xf32>, vector<1024x96xf32> -> vector<1024x96xf32>
    %swap3A = arith.constant 0 : index
    %swap3A_29 = arith.constant 0 : index
    %swap3A_30 = vector.load %arg6[%swap3A, %swap3A_29] : memref<1024x96xf32, #tpu.memory_space<vmem>>, vector<1024x96xf32>
    tpu.vector_store %arg6[%swap3A, %swap3A_29], %dot_general3A_28 {strides = array<i32>} : memref<1024x96xf32, #tpu.memory_space<vmem>>, vector<1024x96xf32>,
    %mul3A_31 = vector.broadcast %get3A_1 : vector<1024x1xf32> to vector<1024x96xf32>
    %mul3A_32 = arith.mulf %mul3A_31, %dot_general3A_28 : vector<1024x96xf32>
    %swap3A_33 = arith.constant 0 : index
    %swap3A_34 = arith.constant 0 : index
    %swap3A_35 = vector.load %arg7[%swap3A_33, %swap3A_34] : memref<1024x96xf32, #tpu.memory_space<vmem>>, vector<1024x96xf32>
    tpu.vector_store %arg7[%swap3A_33, %swap3A_34], %mul3A_32 {strides = array<i32>} : memref<1024x96xf32, #tpu.memory_space<vmem>>, vector<1024x96xf32>,
    return
  }
  func.func @transform_0(%arg0: i32) -> (i32, i32, i32) {
    %c0_i32 = arith.constant 0 : i32
    %c0_i32_0 = arith.constant 0 : i32
    %c0_i32_1 = arith.constant 0 : i32
    return %c0_i32, %arg0, %c0_i32_0 : i32, i32, i32
  }
  func.func @transform_1(%arg0: i32) -> (i32, i32) {
    %c0_i32 = arith.constant 0 : i32
    %c0_i32_0 = arith.constant 0 : i32
    return %arg0, %c0_i32 : i32, i32
  }
  func.func @transform_2(%arg0: i32) -> i32 {
    %c0_i32 = arith.constant 0 : i32
    %c0_i32_0 = arith.constant 0 : i32
    return %c0_i32 : i32
  }
  func.func @transform_3(%arg0: i32) -> (i32, i32) {
    %c0_i32 = arith.constant 0 : i32
    %c0_i32_0 = arith.constant 0 : i32
    return %arg0, %c0_i32 : i32, i32
  }
  func.func @transform_4(%arg0: i32) -> (i32, i32) {
    %c0_i32 = arith.constant 0 : i32
    %c0_i32_0 = arith.constant 0 : i32
    %c0_i32_1 = arith.constant 0 : i32
    return %c0_i32, %c0_i32_0 : i32, i32
  }
  func.func @transform_5(%arg0: i32) -> (i32, i32) {
    %c0_i32 = arith.constant 0 : i32
    %c0_i32_0 = arith.constant 0 : i32
    return %arg0, %c0_i32 : i32, i32
  }
  func.func @transform_6(%arg0: i32) -> (i32, i32) {
    %c0_i32 = arith.constant 0 : i32
    %c0_i32_0 = arith.constant 0 : i32
    return %arg0, %c0_i32 : i32, i32
  }
}

module attributes {stable_mosaic.version = 14 : i64} {
  func.func @_dec_split_body(%arg0: i32, %arg1: memref<2x1024x96xf32, #tpu.memory_space<vmem>>, %arg2: memref<1024x96xf32, #tpu.memory_space<vmem>>, %arg3: memref<96xf32, #tpu.memory_space<vmem>>, %arg4: memref<1024x1xf32, #tpu.memory_space<vmem>>, %arg5: memref<96x128xf32, #tpu.memory_space<vmem>>, %arg6: memref<1024x128xf32, #tpu.memory_space<vmem>>, %arg7: memref<1024x64xf32, #tpu.memory_space<vmem>>, %arg8: memref<1024x64xf32, #tpu.memory_space<vmem>>) attributes {dimension_semantics = [#tpu.dimension_semantics<arbitrary>], iteration_bounds = array<i64: 10>, scalar_prefetch = 0 : i64, scratch_operands = 0 : i64, tpu.core_type = #tpu.core_type<tc>, window_params = [{transform_indices = @transform_0, window_bounds = array<i64: 2, 1024, 96>}, {transform_indices = @transform_1, window_bounds = array<i64: 1024, 96>}, {pipeline_mode = #tpu.pipeline_mode<synchronous>, transform_indices = @transform_2, window_bounds = array<i64: 96>}, {transform_indices = @transform_3, window_bounds = array<i64: 1024, 1>}, {pipeline_mode = #tpu.pipeline_mode<synchronous>, transform_indices = @transform_4, window_bounds = array<i64: 96, 128>}, {transform_indices = @transform_5, window_bounds = array<i64: 1024, 128>}, {transform_indices = @transform_6, window_bounds = array<i64: 1024, 64>}, {transform_indices = @transform_7, window_bounds = array<i64: 1024, 64>}]} {
    %get3A = arith.constant 0 : index
    %get3A_0 = arith.constant 0 : index
    %get3A_1 = vector.load %arg4[%get3A, %get3A_0] : memref<1024x1xf32, #tpu.memory_space<vmem>>, vector<1024x1xf32>
    %get3A_2 = arith.constant 0 : index
    %get3A_3 = arith.constant 0 : index
    %get3A_4 = vector.load %arg2[%get3A_2, %get3A_3] : memref<1024x96xf32, #tpu.memory_space<vmem>>, vector<1024x96xf32>
    %mul3A = arith.constant 2.000000e+00 : f32
    %mul3A_5 = vector.broadcast %mul3A : f32 to vector<1024x96xf32>
    %mul3A_6 = arith.mulf %mul3A_5, %get3A_4 : vector<1024x96xf32>
    %get3A_7 = arith.constant 0 : index
    %get3A_8 = arith.constant 0 : index
    %get3A_9 = arith.constant 0 : index
    %get3A_10 = vector.load %arg1[%get3A_7, %get3A_8, %get3A_9] : memref<2x1024x96xf32, #tpu.memory_space<vmem>>, vector<1x1024x96xf32>
    %get3A_11 = vector.shape_cast %get3A_10 : vector<1x1024x96xf32> to vector<1024x96xf32>
    %get3A_12 = arith.constant 1 : index
    %get3A_13 = arith.constant 0 : index
    %get3A_14 = arith.constant 0 : index
    %get3A_15 = vector.load %arg1[%get3A_12, %get3A_13, %get3A_14] : memref<2x1024x96xf32, #tpu.memory_space<vmem>>, vector<1x1024x96xf32>
    %get3A_16 = vector.shape_cast %get3A_15 : vector<1x1024x96xf32> to vector<1024x96xf32>
    %add3A = arith.addf %get3A_11, %get3A_16 : vector<1024x96xf32>
    %mul3A_17 = vector.broadcast %get3A_1 : vector<1024x1xf32> to vector<1024x96xf32>
    %mul3A_18 = arith.mulf %mul3A_17, %add3A : vector<1024x96xf32>
    %sub3A = arith.subf %mul3A_6, %mul3A_18 : vector<1024x96xf32>
    %get3A_19 = arith.constant 0 : index
    %get3A_20 = vector.load %arg3[%get3A_19] : memref<96xf32, #tpu.memory_space<vmem>>, vector<96xf32>
    %broadcast_in_dim3A = vector.shape_cast %get3A_20 : vector<96xf32> to vector<1x96xf32>
    %add3A_21 = vector.broadcast %broadcast_in_dim3A : vector<1x96xf32> to vector<1024x96xf32>
    %add3A_22 = arith.addf %sub3A, %add3A_21 : vector<1024x96xf32>
    %max3A = arith.constant 0.000000e+00 : f32
    %max3A_23 = vector.broadcast %max3A : f32 to vector<1024x96xf32>
    %max3A_24 = arith.maximumf %add3A_22, %max3A_23 : vector<1024x96xf32>
    %get3A_25 = arith.constant 0 : index
    %get3A_26 = arith.constant 0 : index
    %get3A_27 = vector.load %arg5[%get3A_25, %get3A_26] : memref<96x128xf32, #tpu.memory_space<vmem>>, vector<96x128xf32>
    %dot_general3A = arith.constant dense<0.000000e+00> : vector<1024x128xf32>
    %dot_general3A_28 = tpu.matmul %max3A_24, %get3A_27, %dot_general3A {dimension_numbers = #tpu.dot_dimension_numbers<[1], [0], [0], [1], [0, 0, 1, 1], [], []>, transpose_lhs_hint = false} : vector<1024x96xf32>, vector<96x128xf32>, vector<1024x128xf32> -> vector<1024x128xf32>
    %swap3A = arith.constant 0 : index
    %swap3A_29 = arith.constant 0 : index
    %swap3A_30 = vector.load %arg6[%swap3A, %swap3A_29] : memref<1024x128xf32, #tpu.memory_space<vmem>>, vector<1024x128xf32>
    tpu.vector_store %arg6[%swap3A, %swap3A_29], %dot_general3A_28 {strides = array<i32>} : memref<1024x128xf32, #tpu.memory_space<vmem>>, vector<1024x128xf32>,
    %mul3A_31 = vector.broadcast %get3A_1 : vector<1024x1xf32> to vector<1024x128xf32>
    %mul3A_32 = arith.mulf %mul3A_31, %dot_general3A_28 : vector<1024x128xf32>
    %slice3A = vector.extract_strided_slice %mul3A_32 {offsets = [0, 0], sizes = [1024, 64], strides = [1, 1]} : vector<1024x128xf32> to vector<1024x64xf32>
    %swap3A_33 = arith.constant 0 : index
    %swap3A_34 = arith.constant 0 : index
    %swap3A_35 = vector.load %arg7[%swap3A_33, %swap3A_34] : memref<1024x64xf32, #tpu.memory_space<vmem>>, vector<1024x64xf32>
    tpu.vector_store %arg7[%swap3A_33, %swap3A_34], %slice3A {strides = array<i32>} : memref<1024x64xf32, #tpu.memory_space<vmem>>, vector<1024x64xf32>,
    %slice3A_36 = vector.extract_strided_slice %mul3A_32 {offsets = [0, 64], sizes = [1024, 64], strides = [1, 1]} : vector<1024x128xf32> to vector<1024x64xf32>
    %swap3A_37 = arith.constant 0 : index
    %swap3A_38 = arith.constant 0 : index
    %swap3A_39 = vector.load %arg8[%swap3A_37, %swap3A_38] : memref<1024x64xf32, #tpu.memory_space<vmem>>, vector<1024x64xf32>
    tpu.vector_store %arg8[%swap3A_37, %swap3A_38], %slice3A_36 {strides = array<i32>} : memref<1024x64xf32, #tpu.memory_space<vmem>>, vector<1024x64xf32>,
    return
  }
  func.func @transform_0(%arg0: i32) -> (i32, i32, i32) {
    %c0_i32 = arith.constant 0 : i32
    %c0_i32_0 = arith.constant 0 : i32
    %c0_i32_1 = arith.constant 0 : i32
    return %c0_i32, %arg0, %c0_i32_0 : i32, i32, i32
  }
  func.func @transform_1(%arg0: i32) -> (i32, i32) {
    %c0_i32 = arith.constant 0 : i32
    %c0_i32_0 = arith.constant 0 : i32
    return %arg0, %c0_i32 : i32, i32
  }
  func.func @transform_2(%arg0: i32) -> i32 {
    %c0_i32 = arith.constant 0 : i32
    %c0_i32_0 = arith.constant 0 : i32
    return %c0_i32 : i32
  }
  func.func @transform_3(%arg0: i32) -> (i32, i32) {
    %c0_i32 = arith.constant 0 : i32
    %c0_i32_0 = arith.constant 0 : i32
    return %arg0, %c0_i32 : i32, i32
  }
  func.func @transform_4(%arg0: i32) -> (i32, i32) {
    %c0_i32 = arith.constant 0 : i32
    %c0_i32_0 = arith.constant 0 : i32
    %c0_i32_1 = arith.constant 0 : i32
    return %c0_i32, %c0_i32_0 : i32, i32
  }
  func.func @transform_5(%arg0: i32) -> (i32, i32) {
    %c0_i32 = arith.constant 0 : i32
    %c0_i32_0 = arith.constant 0 : i32
    return %arg0, %c0_i32 : i32, i32
  }
  func.func @transform_6(%arg0: i32) -> (i32, i32) {
    %c0_i32 = arith.constant 0 : i32
    %c0_i32_0 = arith.constant 0 : i32
    return %arg0, %c0_i32 : i32, i32
  }
  func.func @transform_7(%arg0: i32) -> (i32, i32) {
    %c0_i32 = arith.constant 0 : i32
    %c0_i32_0 = arith.constant 0 : i32
    return %arg0, %c0_i32 : i32, i32
  }
}

module attributes {stable_mosaic.version = 14 : i64} {
  func.func @_fin_body(%arg0: i32, %arg1: memref<2x1024x64xf32, #tpu.memory_space<vmem>>, %arg2: memref<2x1024x64xf32, #tpu.memory_space<vmem>>, %arg3: memref<1024x128xf32, #tpu.memory_space<vmem>>, %arg4: memref<128xf32, #tpu.memory_space<vmem>>, %arg5: memref<1024x1xf32, #tpu.memory_space<vmem>>, %arg6: memref<1024x128xf32, #tpu.memory_space<vmem>>) attributes {dimension_semantics = [#tpu.dimension_semantics<arbitrary>], iteration_bounds = array<i64: 10>, scalar_prefetch = 0 : i64, scratch_operands = 0 : i64, tpu.core_type = #tpu.core_type<tc>, window_params = [{transform_indices = @transform_0, window_bounds = array<i64: 2, 1024, 64>}, {transform_indices = @transform_1, window_bounds = array<i64: 2, 1024, 64>}, {transform_indices = @transform_2, window_bounds = array<i64: 1024, 128>}, {pipeline_mode = #tpu.pipeline_mode<synchronous>, transform_indices = @transform_3, window_bounds = array<i64: 128>}, {transform_indices = @transform_4, window_bounds = array<i64: 1024, 1>}, {transform_indices = @transform_5, window_bounds = array<i64: 1024, 128>}]} {
    %get3A = arith.constant 0 : index
    %get3A_0 = arith.constant 0 : index
    %get3A_1 = vector.load %arg5[%get3A, %get3A_0] : memref<1024x1xf32, #tpu.memory_space<vmem>>, vector<1024x1xf32>
    %get3A_2 = arith.constant 0 : index
    %get3A_3 = arith.constant 0 : index
    %get3A_4 = arith.constant 0 : index
    %get3A_5 = vector.load %arg1[%get3A_2, %get3A_3, %get3A_4] : memref<2x1024x64xf32, #tpu.memory_space<vmem>>, vector<1x1024x64xf32>
    %get3A_6 = vector.shape_cast %get3A_5 : vector<1x1024x64xf32> to vector<1024x64xf32>
    %get3A_7 = arith.constant 1 : index
    %get3A_8 = arith.constant 0 : index
    %get3A_9 = arith.constant 0 : index
    %get3A_10 = vector.load %arg1[%get3A_7, %get3A_8, %get3A_9] : memref<2x1024x64xf32, #tpu.memory_space<vmem>>, vector<1x1024x64xf32>
    %get3A_11 = vector.shape_cast %get3A_10 : vector<1x1024x64xf32> to vector<1024x64xf32>
    %add3A = arith.addf %get3A_6, %get3A_11 : vector<1024x64xf32>
    %get3A_12 = arith.constant 0 : index
    %get3A_13 = arith.constant 0 : index
    %get3A_14 = arith.constant 0 : index
    %get3A_15 = vector.load %arg2[%get3A_12, %get3A_13, %get3A_14] : memref<2x1024x64xf32, #tpu.memory_space<vmem>>, vector<1x1024x64xf32>
    %get3A_16 = vector.shape_cast %get3A_15 : vector<1x1024x64xf32> to vector<1024x64xf32>
    %get3A_17 = arith.constant 1 : index
    %get3A_18 = arith.constant 0 : index
    %get3A_19 = arith.constant 0 : index
    %get3A_20 = vector.load %arg2[%get3A_17, %get3A_18, %get3A_19] : memref<2x1024x64xf32, #tpu.memory_space<vmem>>, vector<1x1024x64xf32>
    %get3A_21 = vector.shape_cast %get3A_20 : vector<1x1024x64xf32> to vector<1024x64xf32>
    %add3A_22 = arith.addf %get3A_16, %get3A_21 : vector<1024x64xf32>
    %concatenate3A = tpu.concatenate %add3A, %add3A_22 in 1 : vector<1024x64xf32>, vector<1024x64xf32> -> vector<1024x128xf32>
    %get3A_23 = arith.constant 0 : index
    %get3A_24 = arith.constant 0 : index
    %get3A_25 = vector.load %arg3[%get3A_23, %get3A_24] : memref<1024x128xf32, #tpu.memory_space<vmem>>, vector<1024x128xf32>
    %mul3A = arith.constant 2.000000e+00 : f32
    %mul3A_26 = vector.broadcast %mul3A : f32 to vector<1024x128xf32>
    %mul3A_27 = arith.mulf %mul3A_26, %get3A_25 : vector<1024x128xf32>
    %mul3A_28 = vector.broadcast %get3A_1 : vector<1024x1xf32> to vector<1024x128xf32>
    %mul3A_29 = arith.mulf %mul3A_28, %concatenate3A : vector<1024x128xf32>
    %sub3A = arith.subf %mul3A_27, %mul3A_29 : vector<1024x128xf32>
    %get3A_30 = arith.constant 0 : index
    %get3A_31 = vector.load %arg4[%get3A_30] : memref<128xf32, #tpu.memory_space<vmem>>, vector<128xf32>
    %broadcast_in_dim3A = vector.shape_cast %get3A_31 : vector<128xf32> to vector<1x128xf32>
    %add3A_32 = vector.broadcast %broadcast_in_dim3A : vector<1x128xf32> to vector<1024x128xf32>
    %add3A_33 = arith.addf %sub3A, %add3A_32 : vector<1024x128xf32>
    %swap3A = arith.constant 0 : index
    %swap3A_34 = arith.constant 0 : index
    %swap3A_35 = vector.load %arg6[%swap3A, %swap3A_34] : memref<1024x128xf32, #tpu.memory_space<vmem>>, vector<1024x128xf32>
    tpu.vector_store %arg6[%swap3A, %swap3A_34], %add3A_33 {strides = array<i32>} : memref<1024x128xf32, #tpu.memory_space<vmem>>, vector<1024x128xf32>,
    return
  }
  func.func @transform_0(%arg0: i32) -> (i32, i32, i32) {
    %c0_i32 = arith.constant 0 : i32
    %c0_i32_0 = arith.constant 0 : i32
    %c0_i32_1 = arith.constant 0 : i32
    return %c0_i32, %arg0, %c0_i32_0 : i32, i32, i32
  }
  func.func @transform_1(%arg0: i32) -> (i32, i32, i32) {
    %c0_i32 = arith.constant 0 : i32
    %c0_i32_0 = arith.constant 0 : i32
    %c0_i32_1 = arith.constant 0 : i32
    return %c0_i32, %arg0, %c0_i32_0 : i32, i32, i32
  }
  func.func @transform_2(%arg0: i32) -> (i32, i32) {
    %c0_i32 = arith.constant 0 : i32
    %c0_i32_0 = arith.constant 0 : i32
    return %arg0, %c0_i32 : i32, i32
  }
  func.func @transform_3(%arg0: i32) -> i32 {
    %c0_i32 = arith.constant 0 : i32
    %c0_i32_0 = arith.constant 0 : i32
    return %c0_i32 : i32
  }
  func.func @transform_4(%arg0: i32) -> (i32, i32) {
    %c0_i32 = arith.constant 0 : i32
    %c0_i32_0 = arith.constant 0 : i32
    return %arg0, %c0_i32 : i32, i32
  }
  func.func @transform_5(%arg0: i32) -> (i32, i32) {
    %c0_i32 = arith.constant 0 : i32
    %c0_i32_0 = arith.constant 0 : i32
    return %arg0, %c0_i32 : i32, i32
  }
}

</mosaic_0001>

<sc_bundles>
// kernel: kernel.17.cloned.1.call-start
scs
__scs_entry_jumppad:
0x0: {  	(pc) =	sbr.rel $0x88, $3  }
0x1: {  	(tag) =	ssettag $0x0;
	lr =	simm.s32 $0x1  }
0x2: {  	[smem:$0x3F93] =	sst lr;
	_ =	strace $0xD0000000  }
0x3: {  	_ = 	snop  }
0x4: {  	_ = 	snop  }
0x5: {  	_ = 	snop  }
0x6: {  	_ = 	snop  }
0x7: {  	_ = 	snop  }
__scs_overlays_trampoline_lowered:
0x8: {  	[smem:$0x3FA2] =	sst s0  }
0x9: {  	[smem:$0x3FA3] =	sst s1  }
0xa: {  	[smem:$0x3FA4] =	sst s2  }
0xb: {  	[smem:$0x3FA5] =	sst s3  }
0xc: {  	[smem:$0x3FA6] =	sst s4  }
0xd: {  	[smem:$0x3FA7] =	sst s5  }
0xe: {  	[smem:$0x3FA8] =	sst s6  }
0xf: {  	[smem:$0x3FA9] =	sst s7  }
0x10: {  	[smem:$0x3FAA] =	sst s8  }
0x11: {  	[smem:$0x3FAB] =	sst s9;
	s0 =	simm.s32 @!p0 $0x0  }
0x12: {  	s1 =	sld [smem:$0x3F91];
	s0 =	simm.s32 @p0 $0x1  }
0x13: {  	[smem:$0x3FAC] =	sst s0;
	s0 =	simm.s32 @!p1 $0x0  }
0x14: {  	s2 =	sld [smem:$0x3F90];
	s0 =	simm.s32 @p1 $0x1  }
0x15: {  	[smem:$0x3FAD] =	sst s0;
	s0 =	simm.s32 @!p2 $0x0  }
0x16: {  	s3 =	sld [smem:$0x3FDB];
	s0 =	simm.s32 @p2 $0x1  }
0x17: {  	s4 =	simm.s32 $0x1BF5;
	[smem:$0x3FAF] =	sst s0  }
0x18: {  	s0 =	sld [smem:$0x3F92];
	_ =	swait.ge [sflag:s4], $0x0  }
0x19: {  	s7 =	sld [smem:$0x3F93]  }
0x1a: {  	s8 =	sadd.s32 $0xFFFFE003, lr  }
0x1b: {  	s9 =	sadd.s32 $0xFFFFFEF7, lr;
	s5 =	simm.s32 $0xFFFFFFFF;
	p2 =	slt.u32 s8, $0xFFFFF086  }
0x1c: {  	p1 =	slt.u32 s9, $0xF7A;
	s5 =	simm.s32 @!p2 $0x0  }
0x1d: {  	s5 =	simm.s32 @p1 $0x1;
	p0 =	seq.s32 s7, s2  }
0x1e: {  	s7 =	smul.u32 @!p0 $0xF7A, s2;
	p2 =	seq.s32 @!p0 s5, $0x0  }
0x1f: {  	s9 =	smul.u32 $0xF7A, s1;
	s8 =	simm.s32 @!p0 $0x1BF5;
	p2 =	por !p2, p0  }
0x20: {  	[sflag:s8] =	ssyncset.s32 @!p0 $0xFFFFF086;
	s6 =	sadd.s32 @!p0 s3, s7;
	s7 =	simm.s32 @!p0 $0x108  }
0x21: {  	s3 =	sadd.s32 s3, s9;
	s6 =	sadd.s32 @!p0 $0x88, s6;
	s7 =	simm.s32 @p2 $0x1082  }
0x22: {  	[simem:s7], [sflag:s8] =	dma.local @!p0 [hbm:s6], $0xF7A  }
0x23: {  	s9 =	sor.u32 $0xD0000000, s2;
	s6 =	simm.s32 $0x108;
	_ =	swait.ge @!p0 [sflag:s8], $0x0  }
0x24: {  	s3 =	sadd.s32 $0x88, s3;
	s6 =	simm.s32 @!p1 $0x1082;
	[sflag:s4] =	ssyncset.s32 $0xFFFFF086  }
0x25: {  	[simem:s6], [sflag:s4] =	dma.local [hbm:s3], $0xF7A  }
0x26: {  	[smem:$0x3F93] =	sst s1;
	(tag) =	ssettag s2;
	_ =	strace s9  }
0x27: {  	s1 =	sld [smem:$0x3FA3]  }
0x28: {  	s2 =	sld [smem:$0x3FA4]  }
0x29: {  	s4 =	sld [smem:$0x3FA6]  }
0x2a: {  	p0 =	seq.s32 s5, $0x0;
	s5 =	sld [smem:$0x3FA7]  }
0x2b: {  	s6 =	sld [smem:$0x3FA8]  }
0x2c: {  	s7 =	sld [smem:$0x3FA9]  }
0x2d: {  	s3 =	simm.s32 $0x108;
	s8 =	sld [smem:$0x3FAA]  }
0x2e: {  	s3 =	simm.s32 @!p0 $0x1082;
	s9 =	sld [smem:$0x3FAB]  }
0x2f: {  	lr =	sadd.s32 s0, s3;
	s0 =	sld [smem:$0x3FA2]  }
0x30: {  	s3 =	sld [smem:$0x3FA5]  }
0x31: {  	[smem:$0x3FAE] =	sst s10  }
0x32: {  	s10 =	sld [smem:$0x3FAC];
	_ =	sdelay $0x3  }
0x33: {  	p0 =	seq.s32 s10, $0x1;
	s10 =	sld [smem:$0x3FAE];
	_ =	sdelay $0x3  }
0x34: {  	[smem:$0x3FAE] =	sst s10  }
0x35: {  	s10 =	sld [smem:$0x3FAD];
	_ =	sdelay $0x3  }
0x36: {  	p1 =	seq.s32 s10, $0x1;
	s10 =	sld [smem:$0x3FAE];
	_ =	sdelay $0x3  }
0x37: {  	[smem:$0x3FAE] =	sst s10  }
0x38: {  	s10 =	sld [smem:$0x3FAF]  }
0x39: {  	_ = 	snop;
	(pc) =	sbr.ind lr, $3  }
0x3a: {  	_ = 	snop  }
0x3b: {  	_ = 	snop  }
0x3c: {  	p2 =	seq.s32 s10, $0x1;
	s10 =	sld [smem:$0x3FAE]  }
0x3d: {  	_ =	shalt  }
0x3e: {  	_ =	shalt  }
0x3f: {  	_ =	shalt  }
0x40: {  	_ =	shalt  }
0x41: {  	_ =	shalt  }
0x42: {  	_ =	shalt  }
0x43: {  	_ =	shalt  }
0x44: {  	_ =	shalt  }
0x45: {  	_ =	shalt  }
0x46: {  	_ =	shalt  }
0x47: {  	_ =	shalt  }
0x48: {  	_ =	shalt  }
0x49: {  	_ =	shalt  }
0x4a: {  	_ =	shalt  }
0x4b: {  	_ =	shalt  }
0x4c: {  	_ =	shalt  }
0x4d: {  	_ =	shalt  }
0x4e: {  	_ =	shalt  }
0x4f: {  	_ =	shalt  }
0x50: {  	_ =	shalt  }
0x51: {  	_ =	shalt  }
0x52: {  	_ =	shalt  }
0x53: {  	_ =	shalt  }
0x54: {  	_ =	shalt  }
0x55: {  	_ =	shalt  }
0x56: {  	_ =	shalt  }
0x57: {  	_ =	shalt  }
0x58: {  	_ =	shalt  }
0x59: {  	_ =	shalt  }
0x5a: {  	_ =	shalt  }
0x5b: {  	_ =	shalt  }
0x5c: {  	_ =	shalt  }
0x5d: {  	_ =	shalt  }
0x5e: {  	_ =	shalt  }
0x5f: {  	_ =	shalt  }
0x60: {  	_ =	shalt  }
0x61: {  	_ =	shalt  }
0x62: {  	_ =	shalt  }
0x63: {  	_ =	shalt  }
0x64: {  	_ =	shalt  }
0x65: {  	_ =	shalt  }
0x66: {  	_ =	shalt  }
0x67: {  	_ =	shalt  }
0x68: {  	_ =	shalt  }
0x69: {  	_ =	shalt  }
0x6a: {  	_ =	shalt  }
0x6b: {  	_ =	shalt  }
0x6c: {  	_ =	shalt  }
0x6d: {  	_ =	shalt  }
0x6e: {  	_ =	shalt  }
0x6f: {  	_ =	shalt  }
0x70: {  	_ =	shalt  }
0x71: {  	_ =	shalt  }
0x72: {  	_ =	shalt  }
0x73: {  	_ =	shalt  }
0x74: {  	_ =	shalt  }
0x75: {  	_ =	shalt  }
0x76: {  	_ =	shalt  }
0x77: {  	_ =	shalt  }
0x78: {  	_ =	shalt  }
0x79: {  	_ =	shalt  }
0x7a: {  	_ =	shalt  }
0x7b: {  	_ =	shalt  }
0x7c: {  	_ =	shalt  }
0x7d: {  	_ =	shalt  }
0x7e: {  	_ =	shalt  }
0x7f: {  	_ =	shalt  }
0x80: {  	_ =	shalt  }
0x81: {  	_ =	shalt  }
0x82: {  	_ =	shalt  }
0x83: {  	_ =	shalt  }
0x84: {  	_ =	shalt  }
0x85: {  	_ =	shalt  }
0x86: {  	_ =	shalt  }
0x87: {  	_ =	shalt  }
.Lfunc_end0:
.L_simem_size_0:
called_computation_lowered:
.L_overlay_start_0:
0x88: {  	s2 =	sld [smem:$0x3FD9]  }
0x89: {  	s3 =	sld [smem:$0x3FFE];
	_ =	sdelay $0x1  }
0x8a: {  	s1 =	srdreg.scid  }
0x8b: {  	s0 =	sand.u32 $0x1, s1  }
0x8c: {  	s14 =	sshll.u32 s0, $0xA;
	s2 =	sadd.s32 s3, s2  }
0x8d: {  	s2 =	sadd.s32 s2, s14  }
0x8e: {  	[smem:$0x3FBA] =	sst s2  }
0x8f: {  	_ = 	snop  }
0x90: {  	s2 =	sld [smem:$0x3FD0];
	_ =	sdelay $0x2  }
0x91: {  	s15 =	simm.s32 $0xB;
	s4 =	simm.s32 $0x10  }
0x92: {  	[smem:s4], [sflag:s15] =	dma.local [hbm:s2], $0x1  }
0x93: {  	_ =	swait.eq [sflag:s15], $0x1  }
0x94: {  	[sflag:s15] =	ssyncset.done $0x0  }
0x95: {  	s16 =	sld [smem:$0x10];
	[sflag:s15] =	ssyncadd.s32 $0xFFFFFFFF  }
0x96: {  	s17 =	sld [smem:$0x11];
	(tm) =	ssettm $0x1  }
0x97: {  	s18 =	sld [smem:$0x3FFB];
	_ =	sdelay $0x3  }
0x98: {  	_ =	strace s18  }
0x99: {  	s4 =	sld [smem:$0x3FFC];
	_ =	sdelay $0x3  }
0x9a: {  	_ =	strace s4  }
0x9b: {  	s4 =	sld [smem:$0x3FFD];
	_ =	sdelay $0x3  }
0x9c: {  	_ =	strace s4  }
0x9d: {  	_ =	strace $0x8FFFFFFF  }
0x9e: {  	s19 =	sld [smem:$0x3FDB];
	_ =	sdelay $0x1  }
0x9f: {  	s5 =	simm.s32 $_scs_section_size  }
0xa0: {  	s6 =	simm.s32 $_size__tile_overlayer_lowered;
	s7 =	simm.s32 $_tile_overlayer_lowered  }
0xa1: {  	s22 =	simm.s32 $0x1BFF;
	s21 =	sshll.u32 s7, $0x1;
	s4 =	sadd.s32 s5, s19  }
0xa2: {  	s8 =	simm.s32 $0x0;
	s20 =	sshll.u32 s6, $0x1;
	s6 =	sadd.s32 s21, s4  }
0xa3: {  	[timem:s8], [sflag:s22] =	dma.local [hbm:s6], s20  }
0xa4: {  	_ =	swait.ge [sflag:s22], s20  }
0xa5: {  	s5 =	ssub.s32 $0x0, s20;
	[sflag:s22] =	ssyncset.done $0x0  }
0xa6: {  	[sflag:s22] =	ssyncadd.s32 s5;
	_ =	sdelay $0x1  }
0xa7: {  	s23 =	simm.s32 $0x1B8B  }
0xa8: {  	_ =	swait.ge [sflag:s23], $0x1  }
0xa9: {  	[sflag:s23] =	ssyncset.done $0x0  }
0xaa: {  	s25 =	simm.s32 $0x1B8E;
	s24 =	sld [smem:$0x3FFE];
	[sflag:s23] =	ssyncadd.s32 $0xFFFFFFFF  }
0xab: {  	s26 =	simm.s32 $execute0_lowered;
	[smem:$0x3FD2] =	sst s25  }
0xac: {  	s6 =	sshll.u32 s26, $0x1;
	_ =	strace $0x80000046;
	[dreg:$0x1] =	wrdreg $0xFFFFFFFF  }
0xad: {  	s28 =	simm.s32 $_size_execute0_lowered;
	s4 =	sadd.s32 s4, s6;
	[dreg:$0x0] =	wrdreg $0x0  }
0xae: {  	s6 =	sshll.u32 s28, $0x1;
	[dreg:$0x2] =	wrdreg s4  }
0xaf: {  	[dreg:$0x3] =	wrdreg s6  }
0xb0: {  	[dreg:$0x4] =	wrdreg $0xC0  }
0xb1: {  	_ =	task [dreg:s8], $0x5FFFF  }
0xb2: {  	[dreg:$0x1] =	wrdreg $0xFFFFFFFF  }
0xb3: {  	[dreg:$0x0] =	wrdreg $0x60  }
0xb4: {  	[dreg:$0x2] =	wrdreg s17  }
0xb5: {  	[dreg:$0x3] =	wrdreg s24  }
0xb6: {  	[dreg:$0x4] =	wrdreg s16  }
0xb7: {  	[dreg:$0x5] =	wrdreg $0x68000  }
0xb8: {  	[dreg:$0x6] =	wrdreg $0x9  }
0xb9: {  	_ =	task.clear_ibuf [dreg:s8], $0x7FFFF;
	_ =	strace $0x90000046  }
0xba: {  	s29 =	simm.s32 $0x9;
	_ =	strace $0x80000048  }
0xbb: {  	_ =	swait.ge [sflag:s29], $0x1  }
0xbc: {  	[sflag:s29] =	ssyncadd.s32 $0xFFFFFFFF  }
0xbd: {  	_ =	strace $0x90000048  }
0xbe: {  	_ =	sfence  }
0xbf: {  	s30 =	sld [smem:$0x0];
	_ =	sdelay $0x2  }
0xc0: {  	s31 =	sshll.u32 s1, $0xD;
	s1 =	sshrl.u32 s1, $0x2  }
0xc1: {  	s3 =	sand.u32 $0x4000, s31;
	s1 =	sadd.s32 s1, s30  }
0xc2: {  	s0 =	sor.u32 s3, s0;
	s1 =	sshll.u32 s1, $0x11  }
0xc3: {  	s0 =	sor.u32 s1, s0  }
0xc4: {  	s0 =	sadd.s32 $0x8F2B, s0  }
0xc5: {  	[sflag:s0] =	ssyncadd.remote.s32 $0x1  }
0xc6: {  	_ =	sfence.sel $0xFFFF  }
0xc7: {  	[dreg:$0x0] =	wrdreg $0xFFFFFFFF;
	(pc) =	sbr.abs _section_cstart, $3  }
0xc8: {  	[dreg:$0x1] =	wrdreg $0xFFFFFFFF  }
0xc9: {  	_ =	task.clear_ibuf [dreg:s8], $0x2FFFF;
	_ =	strace $0x9FFFFFFF  }
0xca: {  	(tm) =	ssettm $0x7FFFFFFF  }
0xcb: {  	_ =	shalt  }
tec
execute0_lowered:
.L_overlay_start_1:
0x0: {  	(tag) =	ssettag $0x1  }
0x1: {  	s0 =	rddreg [dreg:$0x0]  }
0x2: {  	s5 =	rddreg [dreg:$0x1]  }
0x3: {  	s1 =	srdreg.scid;
	s13 =	rddreg [dreg:$0x2]  }
0x4: {  	s3 =	rddreg [dreg:$0x3];
	s2 =	stileid.u32;
	s4 =	simm.s32 $0x0  }
0x5: {  	s16 =	simm.s32 $0x2800;
	s17 =	simm.s32 $0x6000;
	s18 =	simm.s32 $0x80  }
0x6: {  	s19 =	simm.s32 $0x5000;
	s20 =	simm.s32 $0x5800;
	s21 =	simm.s32 $0x1  }
0x7: {  	s22 =	simm.s32 $0x2;
	s23 =	simm.s32 $0x2780;
	s24 =	simm.s32 $0x4F00  }
0x8: {  	s25 =	simm.s32 $0x4F80;
	s26 =	simm.s32 $0x0;
	s9 =	smul.u32 $0xA000, s2  }
0x9: {  	s6 =	sand.u32 $0x1, s1;
	[smem:$0x7FF] =	sst s4;
	s11 =	smul.u32 $0x2800, s2  }
0xa: {  	s7 =	sshll.u32 s6, $0x4;
	_ =	strace $0x80000047;
	s8 =	ssub.s32 $0x2, s6  }
0xb: {  	s31 =	smul.u32 $0x28000, s6;
	s7 =	sor.u32 s2, s7;
	s10 =	sshrl.u32 s8, $0x1  }
0xc: {  	s30 =	sshrl.u32 s9, $0x2;
	s7 =	smul.u32 $0x500, s7;
	s14 =	ssub.s32 s8, s10  }
0xd: {  	s12 =	sadd.s32 s30, s3;
	s8 =	sadd.s32 s11, s3;
	s15 =	sadd.s32 s11, s31  }
0xe: {  	s9 =	sadd.s32 $0x800, s12;
	s10 =	sadd.s32 $0x1000, s12;
	s11 =	sadd.s32 $0x1800, s12  }
0xf: {  	s15 =	sshrl.u32 s15, $0x3;
	s12 =	sadd.s32 $0x2000, s12;
	s14 =	smax.u32 s14, $0x1  }
0x10: {  	s7 =	sadd.s32 s7, s5;
	s5 =	sadd.s32 $0x19E00, s5;
	s13 =	sadd.s32 s13, s15  }
0x11: {  	s15 =	simm.s32 $0x3;
	s6 =	sadd.s32 $0xFE00, s7;
	s7 =	sadd.s32 $0x5E00, s7  }
.LBB2_1:
0x12: {  	[tilespmem:s4], [sflag:$0x3] =	stream.linear.gather [hbm4b:s6+s4], $0x2800, $0x38;
	[tilespmem:$0x9000] =	vst v63  }
0x13: {  	_ =	swait.ge [sflag:s15], $0x2800  }
0x14: {  	[sflag:s15] =	ssyncset.done $0x0  }
0x15: {  	[sflag:s15] =	ssyncadd.s32 $0xFFFFD800  }
0x16: {  	[tilespmem:s16], [sflag:$0x3] =	stream.linear.gather [hbm4b:s7+s4], $0x2800, $0x38;
	[tilespmem:$0x9000] =	vst v63  }
0x17: {  	_ =	swait.ge [sflag:s15], $0x2800  }
0x18: {  	[sflag:s15] =	ssyncset.done $0x0  }
0x19: {  	[sflag:s15] =	ssyncadd.s32 $0xFFFFD800  }
0x1a: {  	[tilespmem:s17], [sflag:$0x3] =	stream.linear.gather [hbm4b:s5+s4], $0x800, $0x38;
	[tilespmem:$0x9000] =	vst v63  }
0x1b: {  	_ =	swait.ge [sflag:s15], $0x800  }
0x1c: {  	[sflag:s15] =	ssyncset.done $0x0  }
0x1d: {  	[sflag:s15] =	ssyncadd.s32 $0xFFFFF800  }
0x1e: {  	[spmem:s8] =	stream.linear.scatter [tilespmem:s17], [sflag:$0x3], $0x800, $0x38;
	[tilespmem:$0x9000] =	vst v63  }
0x1f: {  	_ =	swait.ge [sflag:s15], $0x800  }
0x20: {  	[sflag:s15] =	ssyncset.done $0x0  }
0x21: {  	[sflag:s15] =	ssyncadd.s32 $0xFFFFF800  }
0x22: {  	[spmem:s9] =	stream.linear.scatter [tilespmem:s17], [sflag:$0x3], $0x800, $0x38;
	[tilespmem:$0x9000] =	vst v63  }
0x23: {  	_ =	swait.ge [sflag:s15], $0x800  }
0x24: {  	[sflag:s15] =	ssyncset.done $0x0  }
0x25: {  	[sflag:s15] =	ssyncadd.s32 $0xFFFFF800  }
0x26: {  	[spmem:s10] =	stream.linear.scatter [tilespmem:s17], [sflag:$0x3], $0x800, $0x38;
	[tilespmem:$0x9000] =	vst v63  }
0x27: {  	_ =	swait.ge [sflag:s15], $0x800  }
0x28: {  	[sflag:s15] =	ssyncset.done $0x0  }
0x29: {  	[sflag:s15] =	ssyncadd.s32 $0xFFFFF800  }
0x2a: {  	[spmem:s11] =	stream.linear.scatter [tilespmem:s17], [sflag:$0x3], $0x800, $0x38;
	[tilespmem:$0x9000] =	vst v63  }
0x2b: {  	_ =	swait.ge [sflag:s15], $0x800  }
0x2c: {  	[sflag:s15] =	ssyncset.done $0x0  }
0x2d: {  	[sflag:s15] =	ssyncadd.s32 $0xFFFFF800  }
0x2e: {  	[spmem:s12] =	stream.linear.scatter [tilespmem:s17], [sflag:$0x3], $0x800, $0x38;
	[tilespmem:$0x9000] =	vst v63  }
0x2f: {  	_ =	swait.ge [sflag:s15], $0x800  }
0x30: {  	[sflag:s15] =	ssyncset.done $0x0  }
0x31: {  	[sflag:s15] =	ssyncadd.s32 $0xFFFFF800  }
0x32: {  	[bflag:$0x0] =	sbarrier.arrive $0xFFFF  }
0x33: {  	[tilespmem:s19], [sflag:$0x1] =	stream.indirect.gather [hbm4b:s0+s18], $0x10, s4, s18, $0xb8;
	[tilespmem:$0x9000] =	vst v63  }
0x34: {  	s28 =	simm.s32 $0x80  }
0x35: {  	[tilespmem:s20], [sflag:$0x2] =	stream.indirect.gather [hbm4b:s0+s18], $0x10, s28, s18, $0xb8;
	[tilespmem:$0x9000] =	vst v63  }
0x36: {  	_ =	swait.ge [sflag:s21], $0x800  }
0x37: {  	[sflag:s21] =	ssyncset.done $0x0  }
0x38: {  	s28 =	simm.s32 $0x2800;
	[sflag:s21] =	ssyncadd.s32 $0xFFFFF800  }
0x39: {  	[spmem:s3] =	stream.indirect.scatter.add.f32 [tilespmem:s19], [sflag:$0x3], $0x10, s28, s18, $0xb8;
	[tilespmem:$0x9000] =	vst v63  }
0x3a: {  	_ =	swait.ge [sflag:s15], $0x800  }
0x3b: {  	[sflag:s15] =	ssyncset.done $0x0  }
0x3c: {  	s28 =	simm.s32 $0x100;
	[sflag:s15] =	ssyncadd.s32 $0xFFFFF800  }
0x3d: {  	[tilespmem:s19], [sflag:$0x1] =	stream.indirect.gather [hbm4b:s0+s18], $0x10, s28, s18, $0xb8;
	[tilespmem:$0x9000] =	vst v63  }
0x3e: {  	_ =	swait.ge [sflag:s22], $0x800  }
0x3f: {  	[sflag:s22] =	ssyncset.done $0x0  }
0x40: {  	s28 =	simm.s32 $0x2880;
	[sflag:s22] =	ssyncadd.s32 $0xFFFFF800  }
0x41: {  	[spmem:s3] =	stream.indirect.scatter.add.f32 [tilespmem:s20], [sflag:$0x3], $0x10, s28, s18, $0xb8;
	[tilespmem:$0x9000] =	vst v63  }
0x42: {  	_ =	swait.ge [sflag:s15], $0x800  }
0x43: {  	s29 =	simm.s32 $0x800;
	s28 =	simm.s32 $0x100;
	[sflag:s15] =	ssyncset.done $0x0  }
.LBB2_2:
0x44: {  	s30 =	sadd.s32 $0x80, s28  }
0x45: {  	[sflag:s15] =	ssyncadd.s32 $0xFFFFF800;
	s31 =	smov.u32 s29;
	s1 =	sadd.s32 $0x400, s29  }
0x46: {  	[tilespmem:s20], [sflag:$0x2] =	stream.indirect.gather [hbm4b:s0+s18], $0x10, s30, s18, $0xb8;
	[tilespmem:$0x9000] =	vst v63  }
0x47: {  	p0 =	sne.s32 s29, $0x9800;
	_ =	swait.ge [sflag:s21], $0x800  }
0x48: {  	[sflag:s21] =	ssyncset.done $0x0  }
0x49: {  	s29 =	sadd.s32 $0x2800, s28;
	[sflag:s21] =	ssyncadd.s32 $0xFFFFF800  }
0x4a: {  	[spmem:s3] =	stream.indirect.scatter.add.f32 [tilespmem:s19], [sflag:$0x3], $0x10, s29, s18, $0xb8;
	[tilespmem:$0x9000] =	vst v63  }
0x4b: {  	_ =	swait.ge [sflag:s15], $0x800  }
0x4c: {  	[sflag:s15] =	ssyncset.done $0x0  }
0x4d: {  	s29 =	sadd.s32 $0x100, s28;
	[sflag:s15] =	ssyncadd.s32 $0xFFFFF800  }
0x4e: {  	[tilespmem:s19], [sflag:$0x1] =	stream.indirect.gather [hbm4b:s0+s18], $0x10, s29, s18, $0xb8;
	[tilespmem:$0x9000] =	vst v63  }
0x4f: {  	_ =	swait.ge [sflag:s22], $0x800  }
.Ltmp0:
0x50: {  	[sflag:s22] =	ssyncset.done $0x0;
	(pc) =	sbr.rel @p0 .LBB2_2-.Ltmp0, $4  }
0x51: {  	s28 =	sadd.s32 $0x2880, s28;
	[sflag:s22] =	ssyncadd.s32 $0xFFFFF800  }
0x52: {  	[spmem:s3] =	stream.indirect.scatter.add.f32 [tilespmem:s20], [sflag:$0x3], $0x10, s28, s18, $0xb8;
	[tilespmem:$0x9000] =	vst v63  }
0x53: {  	_ =	swait.ge [sflag:s15], $0x800  }
0x54: {  	s29 =	smov.u32 s1;
	s28 =	sshra.s32 s31, $0x2;
	[sflag:s15] =	ssyncset.done $0x0  }
0x55: {  	s1 =	sadd.s32 $0x80, s28;
	[sflag:s15] =	ssyncadd.s32 $0xFFFFF800  }
0x56: {  	[tilespmem:s20], [sflag:$0x2] =	stream.indirect.gather [hbm4b:s0+s18], $0x10, s1, s18, $0xb8;
	[tilespmem:$0x9000] =	vst v63  }
0x57: {  	_ =	swait.ge [sflag:s21], $0x800  }
0x58: {  	[sflag:s21] =	ssyncset.done $0x0  }
0x59: {  	s30 =	sadd.s32 $0x2800, s28;
	[sflag:s21] =	ssyncadd.s32 $0xFFFFF800  }
0x5a: {  	[spmem:s3] =	stream.indirect.scatter.add.f32 [tilespmem:s19], [sflag:$0x3], $0x10, s30, s18, $0xb8;
	[tilespmem:$0x9000] =	vst v63  }
0x5b: {  	_ =	swait.ge [sflag:s15], $0x800  }
0x5c: {  	[sflag:s15] =	ssyncset.done $0x0  }
0x5d: {  	s31 =	sadd.s32 $0x100, s28;
	[sflag:s15] =	ssyncadd.s32 $0xFFFFF800  }
0x5e: {  	[tilespmem:s19], [sflag:$0x1] =	stream.indirect.gather [hbm4b:s0+s18], $0x10, s31, s18, $0xb8;
	[tilespmem:$0x9000] =	vst v63  }
0x5f: {  	_ =	swait.ge [sflag:s22], $0x800  }
0x60: {  	[sflag:s22] =	ssyncset.done $0x0  }
0x61: {  	s29 =	sadd.s32 $0x2880, s28;
	[sflag:s22] =	ssyncadd.s32 $0xFFFFF800  }
0x62: {  	[spmem:s3] =	stream.indirect.scatter.add.f32 [tilespmem:s20], [sflag:$0x3], $0x10, s29, s18, $0xb8;
	[tilespmem:$0x9000] =	vst v63  }
0x63: {  	_ =	swait.ge [sflag:s15], $0x800  }
0x64: {  	[sflag:s15] =	ssyncset.done $0x0  }
0x65: {  	[sflag:s15] =	ssyncadd.s32 $0xFFFFF800  }
0x66: {  	[tilespmem:s20], [sflag:$0x2] =	stream.indirect.gather [hbm4b:s0+s18], $0x10, s23, s18, $0xb8;
	[tilespmem:$0x9000] =	vst v63  }
0x67: {  	_ =	swait.ge [sflag:s21], $0x800  }
0x68: {  	[sflag:s21] =	ssyncset.done $0x0  }
0x69: {  	[sflag:s21] =	ssyncadd.s32 $0xFFFFF800  }
0x6a: {  	[spmem:s3] =	stream.indirect.scatter.add.f32 [tilespmem:s19], [sflag:$0x3], $0x10, s24, s18, $0xb8;
	[tilespmem:$0x9000] =	vst v63  }
0x6b: {  	_ =	swait.ge [sflag:s15], $0x800  }
0x6c: {  	[sflag:s15] =	ssyncset.done $0x0  }
0x6d: {  	[sflag:s15] =	ssyncadd.s32 $0xFFFFF800  }
0x6e: {  	_ =	swait.ge [sflag:s22], $0x800  }
0x6f: {  	[sflag:s22] =	ssyncset.done $0x0  }
0x70: {  	[sflag:s22] =	ssyncadd.s32 $0xFFFFF800  }
0x71: {  	[spmem:s3] =	stream.indirect.scatter.add.f32 [tilespmem:s20], [sflag:$0x3], $0x10, s25, s18, $0xb8;
	[tilespmem:$0x9000] =	vst v63  }
0x72: {  	_ =	swait.ge [sflag:s15], $0x800  }
0x73: {  	s26 =	sadd.s32 $0x1, s26;
	s30 =	sshll.u32 s2, $0x6;
	[sflag:s15] =	ssyncset.done $0x0  }
0x74: {  	p0 =	sne.s32 s26, s14;
	s1 =	sor.u32 $0x1C03, s30;
	[sflag:s15] =	ssyncadd.s32 $0xFFFFF800  }
.Ltmp1:
0x75: {  	s31 =	sshrl.u32 s8, $0x3;
	[bflag:$0x0] =	sbarrier.arrive $0xFFFF;
	(pc) =	sbr.rel @p0 .LBB2_1-.Ltmp1, $4  }
0x76: {  	[hbm:s13], [sflag:s1] =	dma.local [spmem:s31], $0x500  }
0x77: {  	_ =	swait.ge [sflag:s15], $0x500  }
0x78: {  	[sflag:s15] =	ssyncset.done $0x0  }
0x79: {  	[sflag:s15] =	ssyncadd.s32 $0xFFFFFB00  }
0x7a: {  	_ =	sfence.sel $0x180000  }
0x7b: {  	[bflag:$0x0] =	sbarrier.arrive $0xFFFF  }
0x7c: {  	_ =	strace $0x90000047  }
0x7d: {  	[bflag:$0x2] =	sbarrier.arrive $0xFFFF  }
0x7e: {  	p0 =	sne.s32 s2, $0x0;
	s0 =	rddreg [dreg:$0x4]  }
0x7f: {  	s0 =	sadd.s32 @!p0 $0x100000, s0  }
0x80: {  	[sflag:s0] =	ssyncadd.tile.s32 @!p0 $0x1;
	_ =	shalt  }
.Lfunc_end2:
_tile_overlayer_lowered:
.L_overlay_start_2:
0x81: {  	(tag) =	ssettag $0x2  }
0x82: {  	s0 =	rddreg [dreg:$0x0];
	s2 =	stileid.u32  }
0x83: {  	s1 =	rddreg [dreg:$0x1];
	p0 =	sne.s32 s2, $0x0  }
0x84: {  	s3 =	rddreg [dreg:$0x2];
	[bflag:$0x3] =	sbarrier.arrive $0xFFFF;
	s2 =	simm.s32 @!p0 $0x1C03  }
0x85: {  	[timem:s3], [sflag:s2] =	dma.local @!p0 [hbm:s0], s1  }
0x86: {  	s0 =	simm.s32 @!p0 $0x3  }
0x87: {  	_ =	swait.ge @!p0 [sflag:s0], s1  }
0x88: {  	s1 =	ssub.s32 @!p0 $0x0, s1;
	[sflag:s0] =	ssyncset.done @!p0 $0x0  }
0x89: {  	[sflag:s0] =	ssyncadd.s32 @!p0 s1  }
0x8a: {  	[bflag:$0x3] =	sbarrier.arrive $0xFFFF  }
0x8b: {  	_ =	shalt  }

// kernel: kernel.20.cloned.1.call-start
scs
__scs_entry_jumppad:
0x0: {  	(pc) =	sbr.rel $0x88, $3  }
0x1: {  	(tag) =	ssettag $0x0;
	lr =	simm.s32 $0x1  }
0x2: {  	[smem:$0x3F93] =	sst lr;
	_ =	strace $0xD0000000  }
0x3: {  	_ = 	snop  }
0x4: {  	_ = 	snop  }
0x5: {  	_ = 	snop  }
0x6: {  	_ = 	snop  }
0x7: {  	_ = 	snop  }
__scs_overlays_trampoline_lowered:
0x8: {  	[smem:$0x3FA2] =	sst s0  }
0x9: {  	[smem:$0x3FA3] =	sst s1  }
0xa: {  	[smem:$0x3FA4] =	sst s2  }
0xb: {  	[smem:$0x3FA5] =	sst s3  }
0xc: {  	[smem:$0x3FA6] =	sst s4  }
0xd: {  	[smem:$0x3FA7] =	sst s5  }
0xe: {  	[smem:$0x3FA8] =	sst s6  }
0xf: {  	[smem:$0x3FA9] =	sst s7  }
0x10: {  	[smem:$0x3FAA] =	sst s8  }
0x11: {  	[smem:$0x3FAB] =	sst s9;
	s0 =	simm.s32 @!p0 $0x0  }
0x12: {  	s1 =	sld [smem:$0x3F91];
	s0 =	simm.s32 @p0 $0x1  }
0x13: {  	[smem:$0x3FAC] =	sst s0;
	s0 =	simm.s32 @!p1 $0x0  }
0x14: {  	s2 =	sld [smem:$0x3F90];
	s0 =	simm.s32 @p1 $0x1  }
0x15: {  	[smem:$0x3FAD] =	sst s0;
	s0 =	simm.s32 @!p2 $0x0  }
0x16: {  	s3 =	sld [smem:$0x3FDB];
	s0 =	simm.s32 @p2 $0x1  }
0x17: {  	s4 =	simm.s32 $0x1BF5;
	[smem:$0x3FAF] =	sst s0  }
0x18: {  	s0 =	sld [smem:$0x3F92];
	_ =	swait.ge [sflag:s4], $0x0  }
0x19: {  	s7 =	sld [smem:$0x3F93]  }
0x1a: {  	s8 =	sadd.s32 $0xFFFFE003, lr  }
0x1b: {  	s9 =	sadd.s32 $0xFFFFFEF7, lr;
	s5 =	simm.s32 $0xFFFFFFFF;
	p2 =	slt.u32 s8, $0xFFFFF086  }
0x1c: {  	p1 =	slt.u32 s9, $0xF7A;
	s5 =	simm.s32 @!p2 $0x0  }
0x1d: {  	s5 =	simm.s32 @p1 $0x1;
	p0 =	seq.s32 s7, s2  }
0x1e: {  	s7 =	smul.u32 @!p0 $0xF7A, s2;
	p2 =	seq.s32 @!p0 s5, $0x0  }
0x1f: {  	s9 =	smul.u32 $0xF7A, s1;
	s8 =	simm.s32 @!p0 $0x1BF5;
	p2 =	por !p2, p0  }
0x20: {  	[sflag:s8] =	ssyncset.s32 @!p0 $0xFFFFF086;
	s6 =	sadd.s32 @!p0 s3, s7;
	s7 =	simm.s32 @!p0 $0x108  }
0x21: {  	s3 =	sadd.s32 s3, s9;
	s6 =	sadd.s32 @!p0 $0x88, s6;
	s7 =	simm.s32 @p2 $0x1082  }
0x22: {  	[simem:s7], [sflag:s8] =	dma.local @!p0 [hbm:s6], $0xF7A  }
0x23: {  	s9 =	sor.u32 $0xD0000000, s2;
	s6 =	simm.s32 $0x108;
	_ =	swait.ge @!p0 [sflag:s8], $0x0  }
0x24: {  	s3 =	sadd.s32 $0x88, s3;
	s6 =	simm.s32 @!p1 $0x1082;
	[sflag:s4] =	ssyncset.s32 $0xFFFFF086  }
0x25: {  	[simem:s6], [sflag:s4] =	dma.local [hbm:s3], $0xF7A  }
0x26: {  	[smem:$0x3F93] =	sst s1;
	(tag) =	ssettag s2;
	_ =	strace s9  }
0x27: {  	s1 =	sld [smem:$0x3FA3]  }
0x28: {  	s2 =	sld [smem:$0x3FA4]  }
0x29: {  	s4 =	sld [smem:$0x3FA6]  }
0x2a: {  	p0 =	seq.s32 s5, $0x0;
	s5 =	sld [smem:$0x3FA7]  }
0x2b: {  	s6 =	sld [smem:$0x3FA8]  }
0x2c: {  	s7 =	sld [smem:$0x3FA9]  }
0x2d: {  	s3 =	simm.s32 $0x108;
	s8 =	sld [smem:$0x3FAA]  }
0x2e: {  	s3 =	simm.s32 @!p0 $0x1082;
	s9 =	sld [smem:$0x3FAB]  }
0x2f: {  	lr =	sadd.s32 s0, s3;
	s0 =	sld [smem:$0x3FA2]  }
0x30: {  	s3 =	sld [smem:$0x3FA5]  }
0x31: {  	[smem:$0x3FAE] =	sst s10  }
0x32: {  	s10 =	sld [smem:$0x3FAC];
	_ =	sdelay $0x3  }
0x33: {  	p0 =	seq.s32 s10, $0x1;
	s10 =	sld [smem:$0x3FAE];
	_ =	sdelay $0x3  }
0x34: {  	[smem:$0x3FAE] =	sst s10  }
0x35: {  	s10 =	sld [smem:$0x3FAD];
	_ =	sdelay $0x3  }
0x36: {  	p1 =	seq.s32 s10, $0x1;
	s10 =	sld [smem:$0x3FAE];
	_ =	sdelay $0x3  }
0x37: {  	[smem:$0x3FAE] =	sst s10  }
0x38: {  	s10 =	sld [smem:$0x3FAF]  }
0x39: {  	_ = 	snop;
	(pc) =	sbr.ind lr, $3  }
0x3a: {  	_ = 	snop  }
0x3b: {  	_ = 	snop  }
0x3c: {  	p2 =	seq.s32 s10, $0x1;
	s10 =	sld [smem:$0x3FAE]  }
0x3d: {  	_ =	shalt  }
0x3e: {  	_ =	shalt  }
0x3f: {  	_ =	shalt  }
0x40: {  	_ =	shalt  }
0x41: {  	_ =	shalt  }
0x42: {  	_ =	shalt  }
0x43: {  	_ =	shalt  }
0x44: {  	_ =	shalt  }
0x45: {  	_ =	shalt  }
0x46: {  	_ =	shalt  }
0x47: {  	_ =	shalt  }
0x48: {  	_ =	shalt  }
0x49: {  	_ =	shalt  }
0x4a: {  	_ =	shalt  }
0x4b: {  	_ =	shalt  }
0x4c: {  	_ =	shalt  }
0x4d: {  	_ =	shalt  }
0x4e: {  	_ =	shalt  }
0x4f: {  	_ =	shalt  }
0x50: {  	_ =	shalt  }
0x51: {  	_ =	shalt  }
0x52: {  	_ =	shalt  }
0x53: {  	_ =	shalt  }
0x54: {  	_ =	shalt  }
0x55: {  	_ =	shalt  }
0x56: {  	_ =	shalt  }
0x57: {  	_ =	shalt  }
0x58: {  	_ =	shalt  }
0x59: {  	_ =	shalt  }
0x5a: {  	_ =	shalt  }
0x5b: {  	_ =	shalt  }
0x5c: {  	_ =	shalt  }
0x5d: {  	_ =	shalt  }
0x5e: {  	_ =	shalt  }
0x5f: {  	_ =	shalt  }
0x60: {  	_ =	shalt  }
0x61: {  	_ =	shalt  }
0x62: {  	_ =	shalt  }
0x63: {  	_ =	shalt  }
0x64: {  	_ =	shalt  }
0x65: {  	_ =	shalt  }
0x66: {  	_ =	shalt  }
0x67: {  	_ =	shalt  }
0x68: {  	_ =	shalt  }
0x69: {  	_ =	shalt  }
0x6a: {  	_ =	shalt  }
0x6b: {  	_ =	shalt  }
0x6c: {  	_ =	shalt  }
0x6d: {  	_ =	shalt  }
0x6e: {  	_ =	shalt  }
0x6f: {  	_ =	shalt  }
0x70: {  	_ =	shalt  }
0x71: {  	_ =	shalt  }
0x72: {  	_ =	shalt  }
0x73: {  	_ =	shalt  }
0x74: {  	_ =	shalt  }
0x75: {  	_ =	shalt  }
0x76: {  	_ =	shalt  }
0x77: {  	_ =	shalt  }
0x78: {  	_ =	shalt  }
0x79: {  	_ =	shalt  }
0x7a: {  	_ =	shalt  }
0x7b: {  	_ =	shalt  }
0x7c: {  	_ =	shalt  }
0x7d: {  	_ =	shalt  }
0x7e: {  	_ =	shalt  }
0x7f: {  	_ =	shalt  }
0x80: {  	_ =	shalt  }
0x81: {  	_ =	shalt  }
0x82: {  	_ =	shalt  }
0x83: {  	_ =	shalt  }
0x84: {  	_ =	shalt  }
0x85: {  	_ =	shalt  }
0x86: {  	_ =	shalt  }
0x87: {  	_ =	shalt  }
.Lfunc_end0:
.L_simem_size_0:
called_computation.1_lowered:
.L_overlay_start_0:
0x88: {  	s2 =	sld [smem:$0x3FD9]  }
0x89: {  	s3 =	sld [smem:$0x3FFE];
	_ =	sdelay $0x1  }
0x8a: {  	s1 =	srdreg.scid  }
0x8b: {  	s0 =	sand.u32 $0x1, s1  }
0x8c: {  	s14 =	sshll.u32 s0, $0xA;
	s2 =	sadd.s32 s3, s2  }
0x8d: {  	s2 =	sadd.s32 s2, s14  }
0x8e: {  	[smem:$0x3FBA] =	sst s2  }
0x8f: {  	_ = 	snop  }
0x90: {  	s2 =	sld [smem:$0x3FD0];
	_ =	sdelay $0x2  }
0x91: {  	s15 =	simm.s32 $0xB;
	s4 =	simm.s32 $0x10  }
0x92: {  	[smem:s4], [sflag:s15] =	dma.local [hbm:s2], $0x1  }
0x93: {  	_ =	swait.eq [sflag:s15], $0x1  }
0x94: {  	[sflag:s15] =	ssyncset.done $0x0  }
0x95: {  	s16 =	sld [smem:$0x10];
	[sflag:s15] =	ssyncadd.s32 $0xFFFFFFFF  }
0x96: {  	s17 =	sld [smem:$0x11];
	(tm) =	ssettm $0x1  }
0x97: {  	s18 =	sld [smem:$0x3FFB];
	_ =	sdelay $0x3  }
0x98: {  	_ =	strace s18  }
0x99: {  	s4 =	sld [smem:$0x3FFC];
	_ =	sdelay $0x3  }
0x9a: {  	_ =	strace s4  }
0x9b: {  	s4 =	sld [smem:$0x3FFD];
	_ =	sdelay $0x3  }
0x9c: {  	_ =	strace s4  }
0x9d: {  	_ =	strace $0x8FFFFFFF  }
0x9e: {  	s19 =	sld [smem:$0x3FDB];
	_ =	sdelay $0x1  }
0x9f: {  	s5 =	simm.s32 $_scs_section_size  }
0xa0: {  	s6 =	simm.s32 $_size__tile_overlayer_lowered;
	s7 =	simm.s32 $_tile_overlayer_lowered  }
0xa1: {  	s22 =	simm.s32 $0x1BFF;
	s21 =	sshll.u32 s7, $0x1;
	s4 =	sadd.s32 s5, s19  }
0xa2: {  	s8 =	simm.s32 $0x0;
	s20 =	sshll.u32 s6, $0x1;
	s6 =	sadd.s32 s21, s4  }
0xa3: {  	[timem:s8], [sflag:s22] =	dma.local [hbm:s6], s20  }
0xa4: {  	_ =	swait.ge [sflag:s22], s20  }
0xa5: {  	s5 =	ssub.s32 $0x0, s20;
	[sflag:s22] =	ssyncset.done $0x0  }
0xa6: {  	[sflag:s22] =	ssyncadd.s32 s5;
	_ =	sdelay $0x1  }
0xa7: {  	s23 =	simm.s32 $0x1B8B  }
0xa8: {  	_ =	swait.ge [sflag:s23], $0x1  }
0xa9: {  	[sflag:s23] =	ssyncset.done $0x0  }
0xaa: {  	s25 =	simm.s32 $0x1B8E;
	s24 =	sld [smem:$0x3FFE];
	[sflag:s23] =	ssyncadd.s32 $0xFFFFFFFF  }
0xab: {  	s26 =	simm.s32 $execute0_lowered;
	[smem:$0x3FD2] =	sst s25  }
0xac: {  	s6 =	sshll.u32 s26, $0x1;
	_ =	strace $0x80000049;
	[dreg:$0x1] =	wrdreg $0xFFFFFFFF  }
0xad: {  	s28 =	simm.s32 $_size_execute0_lowered;
	s4 =	sadd.s32 s4, s6;
	[dreg:$0x0] =	wrdreg $0x0  }
0xae: {  	s6 =	sshll.u32 s28, $0x1;
	[dreg:$0x2] =	wrdreg s4  }
0xaf: {  	[dreg:$0x3] =	wrdreg s6  }
0xb0: {  	[dreg:$0x4] =	wrdreg $0xC0  }
0xb1: {  	_ =	task [dreg:s8], $0x5FFFF  }
0xb2: {  	[dreg:$0x1] =	wrdreg $0xFFFFFFFF  }
0xb3: {  	[dreg:$0x0] =	wrdreg $0x60  }
0xb4: {  	[dreg:$0x2] =	wrdreg s16  }
0xb5: {  	[dreg:$0x3] =	wrdreg s24  }
0xb6: {  	[dreg:$0x4] =	wrdreg s17  }
0xb7: {  	[dreg:$0x5] =	wrdreg $0xE0000  }
0xb8: {  	[dreg:$0x6] =	wrdreg $0x9  }
0xb9: {  	_ =	task.clear_ibuf [dreg:s8], $0x7FFFF;
	_ =	strace $0x90000049  }
0xba: {  	s29 =	simm.s32 $0x9;
	_ =	strace $0x8000004B  }
0xbb: {  	_ =	swait.ge [sflag:s29], $0x1  }
0xbc: {  	[sflag:s29] =	ssyncadd.s32 $0xFFFFFFFF  }
0xbd: {  	_ =	strace $0x9000004B  }
0xbe: {  	_ =	sfence  }
0xbf: {  	s30 =	sld [smem:$0x0];
	_ =	sdelay $0x2  }
0xc0: {  	s31 =	sshll.u32 s1, $0xD;
	s1 =	sshrl.u32 s1, $0x2  }
0xc1: {  	s3 =	sand.u32 $0x4000, s31;
	s1 =	sadd.s32 s1, s30  }
0xc2: {  	s0 =	sor.u32 s3, s0;
	s1 =	sshll.u32 s1, $0x11  }
0xc3: {  	s0 =	sor.u32 s1, s0  }
0xc4: {  	s0 =	sadd.s32 $0x8F2B, s0  }
0xc5: {  	[sflag:s0] =	ssyncadd.remote.s32 $0x1  }
0xc6: {  	_ =	sfence.sel $0xFFFF  }
0xc7: {  	[dreg:$0x0] =	wrdreg $0xFFFFFFFF;
	(pc) =	sbr.abs _section_cstart, $3  }
0xc8: {  	[dreg:$0x1] =	wrdreg $0xFFFFFFFF  }
0xc9: {  	_ =	task.clear_ibuf [dreg:s8], $0x2FFFF;
	_ =	strace $0x9FFFFFFF  }
0xca: {  	(tm) =	ssettm $0x7FFFFFFF  }
0xcb: {  	_ =	shalt  }
tec
execute0_lowered:
.L_overlay_start_1:
0x0: {  	(tag) =	ssettag $0x1  }
0x1: {  	s1 =	rddreg [dreg:$0x0]  }
0x2: {  	s6 =	rddreg [dreg:$0x1]  }
0x3: {  	s3 =	rddreg [dreg:$0x2]  }
0x4: {  	s4 =	rddreg [dreg:$0x3]  }
0x5: {  	s5 =	srdreg.scid;
	s2 =	stileid.u32;
	s15 =	simm.s32 $0x3  }
0x6: {  	s16 =	simm.s32 $0x2800;
	s17 =	simm.s32 $0xB000;
	s18 =	simm.s32 $0x80  }
0x7: {  	s19 =	simm.s32 $0x5000;
	s20 =	simm.s32 $0x8000;
	s21 =	simm.s32 $0x1  }
0x8: {  	s22 =	simm.s32 $0x2;
	s23 =	simm.s32 $0x2780;
	s24 =	simm.s32 $0x4F00  }
0x9: {  	s25 =	simm.s32 $0x4F80;
	s26 =	simm.s32 $0x0;
	s8 =	smul.u32 $0xF000, s2  }
0xa: {  	s7 =	sand.u32 $0x1, s5;
	s5 =	simm.s32 $0x0;
	s11 =	smul.u32 $0x3C000, s2  }
0xb: {  	s9 =	sshll.u32 s7, $0x4;
	s10 =	smul.u32 $0xF0000, s7;
	[smem:$0x7FF] =	sst s5  }
0xc: {  	s7 =	ssub.s32 $0x2, s7;
	s9 =	sor.u32 s2, s9;
	_ =	strace $0x8000004A  }
0xd: {  	s30 =	sshrl.u32 s7, $0x1;
	s31 =	sshrl.u32 s11, $0x2;
	s9 =	smul.u32 $0x500, s9  }
0xe: {  	s10 =	sadd.s32 s8, s10;
	s14 =	ssub.s32 s7, s30;
	s12 =	sadd.s32 s31, s4  }
0xf: {  	s8 =	sadd.s32 s8, s4;
	s10 =	sshrl.u32 s10, $0x3;
	s11 =	sadd.s32 $0x9000, s12  }
0x10: {  	s14 =	smax.u32 s14, $0x1;
	s9 =	sadd.s32 s9, s6;
	s13 =	sadd.s32 s10, s6  }
0x11: {  	s10 =	sadd.s32 $0x6000, s12;
	s6 =	sadd.s32 $0xFE00, s9;
	s7 =	sadd.s32 $0x5E00, s9  }
0x12: {  	s9 =	sadd.s32 $0x3000, s12;
	s12 =	sadd.s32 $0xC000, s12;
	s13 =	sadd.s32 $0x69E00, s13  }
.LBB2_1:
0x13: {  	[tilespmem:s5], [sflag:$0x3] =	stream.linear.gather [hbm4b:s6+s5], $0x2800, $0x38;
	[tilespmem:$0x1D000] =	vst v63  }
0x14: {  	_ =	swait.ge [sflag:s15], $0x2800  }
0x15: {  	[sflag:s15] =	ssyncset.done $0x0  }
0x16: {  	[sflag:s15] =	ssyncadd.s32 $0xFFFFD800  }
0x17: {  	[tilespmem:s16], [sflag:$0x3] =	stream.linear.gather [hbm4b:s7+s5], $0x2800, $0x38;
	[tilespmem:$0x1D000] =	vst v63  }
0x18: {  	_ =	swait.ge [sflag:s15], $0x2800  }
0x19: {  	[sflag:s15] =	ssyncset.done $0x0  }
0x1a: {  	[sflag:s15] =	ssyncadd.s32 $0xFFFFD800  }
0x1b: {  	[tilespmem:s17], [sflag:$0x3] =	stream.linear.gather [hbm4b:s3+s5], $0x3000, $0x38;
	[tilespmem:$0x1D000] =	vst v63  }
0x1c: {  	_ =	swait.ge [sflag:s15], $0x3000  }
0x1d: {  	[sflag:s15] =	ssyncset.done $0x0  }
0x1e: {  	[sflag:s15] =	ssyncadd.s32 $0xFFFFD000  }
0x1f: {  	[spmem:s8] =	stream.linear.scatter [tilespmem:s17], [sflag:$0x3], $0x3000, $0x38;
	[tilespmem:$0x1D000] =	vst v63  }
0x20: {  	_ =	swait.ge [sflag:s15], $0x3000  }
0x21: {  	[sflag:s15] =	ssyncset.done $0x0  }
0x22: {  	[sflag:s15] =	ssyncadd.s32 $0xFFFFD000  }
0x23: {  	[spmem:s9] =	stream.linear.scatter [tilespmem:s17], [sflag:$0x3], $0x3000, $0x38;
	[tilespmem:$0x1D000] =	vst v63  }
0x24: {  	_ =	swait.ge [sflag:s15], $0x3000  }
0x25: {  	[sflag:s15] =	ssyncset.done $0x0  }
0x26: {  	[sflag:s15] =	ssyncadd.s32 $0xFFFFD000  }
0x27: {  	[spmem:s10] =	stream.linear.scatter [tilespmem:s17], [sflag:$0x3], $0x3000, $0x38;
	[tilespmem:$0x1D000] =	vst v63  }
0x28: {  	_ =	swait.ge [sflag:s15], $0x3000  }
0x29: {  	[sflag:s15] =	ssyncset.done $0x0  }
0x2a: {  	[sflag:s15] =	ssyncadd.s32 $0xFFFFD000  }
0x2b: {  	[spmem:s11] =	stream.linear.scatter [tilespmem:s17], [sflag:$0x3], $0x3000, $0x38;
	[tilespmem:$0x1D000] =	vst v63  }
0x2c: {  	_ =	swait.ge [sflag:s15], $0x3000  }
0x2d: {  	[sflag:s15] =	ssyncset.done $0x0  }
0x2e: {  	[sflag:s15] =	ssyncadd.s32 $0xFFFFD000  }
0x2f: {  	[spmem:s12] =	stream.linear.scatter [tilespmem:s17], [sflag:$0x3], $0x3000, $0x38;
	[tilespmem:$0x1D000] =	vst v63  }
0x30: {  	_ =	swait.ge [sflag:s15], $0x3000  }
0x31: {  	[sflag:s15] =	ssyncset.done $0x0  }
0x32: {  	[sflag:s15] =	ssyncadd.s32 $0xFFFFD000  }
0x33: {  	[bflag:$0x0] =	sbarrier.arrive $0xFFFF  }
0x34: {  	[tilespmem:s19], [sflag:$0x1] =	stream.indirect.gather [hbm4b:s1+s18], $0x60, s5, s18, $0xb8;
	[tilespmem:$0x1D000] =	vst v63  }
0x35: {  	s28 =	simm.s32 $0x80  }
0x36: {  	[tilespmem:s20], [sflag:$0x2] =	stream.indirect.gather [hbm4b:s1+s18], $0x60, s28, s18, $0xb8;
	[tilespmem:$0x1D000] =	vst v63  }
0x37: {  	_ =	swait.ge [sflag:s21], $0x3000  }
0x38: {  	[sflag:s21] =	ssyncset.done $0x0  }
0x39: {  	s28 =	simm.s32 $0x2800;
	[sflag:s21] =	ssyncadd.s32 $0xFFFFD000  }
0x3a: {  	[spmem:s4] =	stream.indirect.scatter.add.f32 [tilespmem:s19], [sflag:$0x3], $0x60, s28, s18, $0xb8;
	[tilespmem:$0x1D000] =	vst v63  }
0x3b: {  	_ =	swait.ge [sflag:s15], $0x3000  }
0x3c: {  	[sflag:s15] =	ssyncset.done $0x0  }
0x3d: {  	s28 =	simm.s32 $0x100;
	[sflag:s15] =	ssyncadd.s32 $0xFFFFD000  }
0x3e: {  	[tilespmem:s19], [sflag:$0x1] =	stream.indirect.gather [hbm4b:s1+s18], $0x60, s28, s18, $0xb8;
	[tilespmem:$0x1D000] =	vst v63  }
0x3f: {  	_ =	swait.ge [sflag:s22], $0x3000  }
0x40: {  	[sflag:s22] =	ssyncset.done $0x0  }
0x41: {  	s28 =	simm.s32 $0x2880;
	[sflag:s22] =	ssyncadd.s32 $0xFFFFD000  }
0x42: {  	[spmem:s4] =	stream.indirect.scatter.add.f32 [tilespmem:s20], [sflag:$0x3], $0x60, s28, s18, $0xb8;
	[tilespmem:$0x1D000] =	vst v63  }
0x43: {  	_ =	swait.ge [sflag:s15], $0x3000  }
0x44: {  	s29 =	simm.s32 $0x800;
	s28 =	simm.s32 $0x100;
	[sflag:s15] =	ssyncset.done $0x0  }
.LBB2_2:
0x45: {  	s30 =	sadd.s32 $0x80, s28  }
0x46: {  	[sflag:s15] =	ssyncadd.s32 $0xFFFFD000;
	s31 =	smov.u32 s29;
	s0 =	sadd.s32 $0x400, s29  }
0x47: {  	[tilespmem:s20], [sflag:$0x2] =	stream.indirect.gather [hbm4b:s1+s18], $0x60, s30, s18, $0xb8;
	[tilespmem:$0x1D000] =	vst v63  }
0x48: {  	p0 =	sne.s32 s29, $0x9800;
	_ =	swait.ge [sflag:s21], $0x3000  }
0x49: {  	[sflag:s21] =	ssyncset.done $0x0  }
0x4a: {  	s29 =	sadd.s32 $0x2800, s28;
	[sflag:s21] =	ssyncadd.s32 $0xFFFFD000  }
0x4b: {  	[spmem:s4] =	stream.indirect.scatter.add.f32 [tilespmem:s19], [sflag:$0x3], $0x60, s29, s18, $0xb8;
	[tilespmem:$0x1D000] =	vst v63  }
0x4c: {  	_ =	swait.ge [sflag:s15], $0x3000  }
0x4d: {  	[sflag:s15] =	ssyncset.done $0x0  }
0x4e: {  	s29 =	sadd.s32 $0x100, s28;
	[sflag:s15] =	ssyncadd.s32 $0xFFFFD000  }
0x4f: {  	[tilespmem:s19], [sflag:$0x1] =	stream.indirect.gather [hbm4b:s1+s18], $0x60, s29, s18, $0xb8;
	[tilespmem:$0x1D000] =	vst v63  }
0x50: {  	_ =	swait.ge [sflag:s22], $0x3000  }
.Ltmp0:
0x51: {  	[sflag:s22] =	ssyncset.done $0x0;
	(pc) =	sbr.rel @p0 .LBB2_2-.Ltmp0, $4  }
0x52: {  	s28 =	sadd.s32 $0x2880, s28;
	[sflag:s22] =	ssyncadd.s32 $0xFFFFD000  }
0x53: {  	[spmem:s4] =	stream.indirect.scatter.add.f32 [tilespmem:s20], [sflag:$0x3], $0x60, s28, s18, $0xb8;
	[tilespmem:$0x1D000] =	vst v63  }
0x54: {  	_ =	swait.ge [sflag:s15], $0x3000  }
0x55: {  	s29 =	smov.u32 s0;
	s28 =	sshra.s32 s31, $0x2;
	[sflag:s15] =	ssyncset.done $0x0  }
0x56: {  	s0 =	sadd.s32 $0x80, s28;
	[sflag:s15] =	ssyncadd.s32 $0xFFFFD000  }
0x57: {  	[tilespmem:s20], [sflag:$0x2] =	stream.indirect.gather [hbm4b:s1+s18], $0x60, s0, s18, $0xb8;
	[tilespmem:$0x1D000] =	vst v63  }
0x58: {  	_ =	swait.ge [sflag:s21], $0x3000  }
0x59: {  	[sflag:s21] =	ssyncset.done $0x0  }
0x5a: {  	s30 =	sadd.s32 $0x2800, s28;
	[sflag:s21] =	ssyncadd.s32 $0xFFFFD000  }
0x5b: {  	[spmem:s4] =	stream.indirect.scatter.add.f32 [tilespmem:s19], [sflag:$0x3], $0x60, s30, s18, $0xb8;
	[tilespmem:$0x1D000] =	vst v63  }
0x5c: {  	_ =	swait.ge [sflag:s15], $0x3000  }
0x5d: {  	[sflag:s15] =	ssyncset.done $0x0  }
0x5e: {  	s31 =	sadd.s32 $0x100, s28;
	[sflag:s15] =	ssyncadd.s32 $0xFFFFD000  }
0x5f: {  	[tilespmem:s19], [sflag:$0x1] =	stream.indirect.gather [hbm4b:s1+s18], $0x60, s31, s18, $0xb8;
	[tilespmem:$0x1D000] =	vst v63  }
0x60: {  	_ =	swait.ge [sflag:s22], $0x3000  }
0x61: {  	[sflag:s22] =	ssyncset.done $0x0  }
0x62: {  	s29 =	sadd.s32 $0x2880, s28;
	[sflag:s22] =	ssyncadd.s32 $0xFFFFD000  }
0x63: {  	[spmem:s4] =	stream.indirect.scatter.add.f32 [tilespmem:s20], [sflag:$0x3], $0x60, s29, s18, $0xb8;
	[tilespmem:$0x1D000] =	vst v63  }
0x64: {  	_ =	swait.ge [sflag:s15], $0x3000  }
0x65: {  	[sflag:s15] =	ssyncset.done $0x0  }
0x66: {  	[sflag:s15] =	ssyncadd.s32 $0xFFFFD000  }
0x67: {  	[tilespmem:s20], [sflag:$0x2] =	stream.indirect.gather [hbm4b:s1+s18], $0x60, s23, s18, $0xb8;
	[tilespmem:$0x1D000] =	vst v63  }
0x68: {  	_ =	swait.ge [sflag:s21], $0x3000  }
0x69: {  	[sflag:s21] =	ssyncset.done $0x0  }
0x6a: {  	[sflag:s21] =	ssyncadd.s32 $0xFFFFD000  }
0x6b: {  	[spmem:s4] =	stream.indirect.scatter.add.f32 [tilespmem:s19], [sflag:$0x3], $0x60, s24, s18, $0xb8;
	[tilespmem:$0x1D000] =	vst v63  }
0x6c: {  	_ =	swait.ge [sflag:s15], $0x3000  }
0x6d: {  	[sflag:s15] =	ssyncset.done $0x0  }
0x6e: {  	[sflag:s15] =	ssyncadd.s32 $0xFFFFD000  }
0x6f: {  	_ =	swait.ge [sflag:s22], $0x3000  }
0x70: {  	[sflag:s22] =	ssyncset.done $0x0  }
0x71: {  	[sflag:s22] =	ssyncadd.s32 $0xFFFFD000  }
0x72: {  	[spmem:s4] =	stream.indirect.scatter.add.f32 [tilespmem:s20], [sflag:$0x3], $0x60, s25, s18, $0xb8;
	[tilespmem:$0x1D000] =	vst v63  }
0x73: {  	_ =	swait.ge [sflag:s15], $0x3000  }
0x74: {  	s26 =	sadd.s32 $0x1, s26;
	s30 =	sshll.u32 s2, $0x6;
	[sflag:s15] =	ssyncset.done $0x0  }
0x75: {  	p0 =	sne.s32 s26, s14;
	s0 =	sor.u32 $0x1C03, s30;
	[sflag:s15] =	ssyncadd.s32 $0xFFFFD000  }
.Ltmp1:
0x76: {  	s31 =	sshrl.u32 s8, $0x3;
	[bflag:$0x0] =	sbarrier.arrive $0xFFFF;
	(pc) =	sbr.rel @p0 .LBB2_1-.Ltmp1, $4  }
0x77: {  	[hbm:s13], [sflag:s0] =	dma.local [spmem:s31], $0x1E00  }
0x78: {  	_ =	swait.ge [sflag:s15], $0x1E00  }
0x79: {  	[sflag:s15] =	ssyncset.done $0x0  }
0x7a: {  	[sflag:s15] =	ssyncadd.s32 $0xFFFFE200  }
0x7b: {  	_ =	sfence.sel $0x180000  }
0x7c: {  	[bflag:$0x0] =	sbarrier.arrive $0xFFFF  }
0x7d: {  	_ =	strace $0x9000004A  }
0x7e: {  	[bflag:$0x2] =	sbarrier.arrive $0xFFFF  }
0x7f: {  	p0 =	sne.s32 s2, $0x0;
	s0 =	rddreg [dreg:$0x4]  }
0x80: {  	s0 =	sadd.s32 @!p0 $0x100000, s0  }
0x81: {  	[sflag:s0] =	ssyncadd.tile.s32 @!p0 $0x1;
	_ =	shalt  }
.Lfunc_end2:
_tile_overlayer_lowered:
.L_overlay_start_2:
0x82: {  	(tag) =	ssettag $0x2  }
0x83: {  	s0 =	rddreg [dreg:$0x0];
	s2 =	stileid.u32  }
0x84: {  	s1 =	rddreg [dreg:$0x1];
	p0 =	sne.s32 s2, $0x0  }
0x85: {  	s3 =	rddreg [dreg:$0x2];
	[bflag:$0x3] =	sbarrier.arrive $0xFFFF;
	s2 =	simm.s32 @!p0 $0x1C03  }
0x86: {  	[timem:s3], [sflag:s2] =	dma.local @!p0 [hbm:s0], s1  }
0x87: {  	s0 =	simm.s32 @!p0 $0x3  }
0x88: {  	_ =	swait.ge @!p0 [sflag:s0], s1  }
0x89: {  	s1 =	ssub.s32 @!p0 $0x0, s1;
	[sflag:s0] =	ssyncset.done @!p0 $0x0  }
0x8a: {  	[sflag:s0] =	ssyncadd.s32 @!p0 s1  }
0x8b: {  	[bflag:$0x3] =	sbarrier.arrive $0xFFFF  }
0x8c: {  	_ =	shalt  }

// kernel: kernel.23.cloned.1.call-start
scs
__scs_entry_jumppad:
0x0: {  	(pc) =	sbr.rel $0x88, $3  }
0x1: {  	(tag) =	ssettag $0x0;
	lr =	simm.s32 $0x1  }
0x2: {  	[smem:$0x3F93] =	sst lr;
	_ =	strace $0xD0000000  }
0x3: {  	_ = 	snop  }
0x4: {  	_ = 	snop  }
0x5: {  	_ = 	snop  }
0x6: {  	_ = 	snop  }
0x7: {  	_ = 	snop  }
__scs_overlays_trampoline_lowered:
0x8: {  	[smem:$0x3FA2] =	sst s0  }
0x9: {  	[smem:$0x3FA3] =	sst s1  }
0xa: {  	[smem:$0x3FA4] =	sst s2  }
0xb: {  	[smem:$0x3FA5] =	sst s3  }
0xc: {  	[smem:$0x3FA6] =	sst s4  }
0xd: {  	[smem:$0x3FA7] =	sst s5  }
0xe: {  	[smem:$0x3FA8] =	sst s6  }
0xf: {  	[smem:$0x3FA9] =	sst s7  }
0x10: {  	[smem:$0x3FAA] =	sst s8  }
0x11: {  	[smem:$0x3FAB] =	sst s9;
	s0 =	simm.s32 @!p0 $0x0  }
0x12: {  	s1 =	sld [smem:$0x3F91];
	s0 =	simm.s32 @p0 $0x1  }
0x13: {  	[smem:$0x3FAC] =	sst s0;
	s0 =	simm.s32 @!p1 $0x0  }
0x14: {  	s2 =	sld [smem:$0x3F90];
	s0 =	simm.s32 @p1 $0x1  }
0x15: {  	[smem:$0x3FAD] =	sst s0;
	s0 =	simm.s32 @!p2 $0x0  }
0x16: {  	s3 =	sld [smem:$0x3FDB];
	s0 =	simm.s32 @p2 $0x1  }
0x17: {  	s4 =	simm.s32 $0x1BF5;
	[smem:$0x3FAF] =	sst s0  }
0x18: {  	s0 =	sld [smem:$0x3F92];
	_ =	swait.ge [sflag:s4], $0x0  }
0x19: {  	s7 =	sld [smem:$0x3F93]  }
0x1a: {  	s8 =	sadd.s32 $0xFFFFE003, lr  }
0x1b: {  	s9 =	sadd.s32 $0xFFFFFEF7, lr;
	s5 =	simm.s32 $0xFFFFFFFF;
	p2 =	slt.u32 s8, $0xFFFFF086  }
0x1c: {  	p1 =	slt.u32 s9, $0xF7A;
	s5 =	simm.s32 @!p2 $0x0  }
0x1d: {  	s5 =	simm.s32 @p1 $0x1;
	p0 =	seq.s32 s7, s2  }
0x1e: {  	s7 =	smul.u32 @!p0 $0xF7A, s2;
	p2 =	seq.s32 @!p0 s5, $0x0  }
0x1f: {  	s9 =	smul.u32 $0xF7A, s1;
	s8 =	simm.s32 @!p0 $0x1BF5;
	p2 =	por !p2, p0  }
0x20: {  	[sflag:s8] =	ssyncset.s32 @!p0 $0xFFFFF086;
	s6 =	sadd.s32 @!p0 s3, s7;
	s7 =	simm.s32 @!p0 $0x108  }
0x21: {  	s3 =	sadd.s32 s3, s9;
	s6 =	sadd.s32 @!p0 $0x88, s6;
	s7 =	simm.s32 @p2 $0x1082  }
0x22: {  	[simem:s7], [sflag:s8] =	dma.local @!p0 [hbm:s6], $0xF7A  }
0x23: {  	s9 =	sor.u32 $0xD0000000, s2;
	s6 =	simm.s32 $0x108;
	_ =	swait.ge @!p0 [sflag:s8], $0x0  }
0x24: {  	s3 =	sadd.s32 $0x88, s3;
	s6 =	simm.s32 @!p1 $0x1082;
	[sflag:s4] =	ssyncset.s32 $0xFFFFF086  }
0x25: {  	[simem:s6], [sflag:s4] =	dma.local [hbm:s3], $0xF7A  }
0x26: {  	[smem:$0x3F93] =	sst s1;
	(tag) =	ssettag s2;
	_ =	strace s9  }
0x27: {  	s1 =	sld [smem:$0x3FA3]  }
0x28: {  	s2 =	sld [smem:$0x3FA4]  }
0x29: {  	s4 =	sld [smem:$0x3FA6]  }
0x2a: {  	p0 =	seq.s32 s5, $0x0;
	s5 =	sld [smem:$0x3FA7]  }
0x2b: {  	s6 =	sld [smem:$0x3FA8]  }
0x2c: {  	s7 =	sld [smem:$0x3FA9]  }
0x2d: {  	s3 =	simm.s32 $0x108;
	s8 =	sld [smem:$0x3FAA]  }
0x2e: {  	s3 =	simm.s32 @!p0 $0x1082;
	s9 =	sld [smem:$0x3FAB]  }
0x2f: {  	lr =	sadd.s32 s0, s3;
	s0 =	sld [smem:$0x3FA2]  }
0x30: {  	s3 =	sld [smem:$0x3FA5]  }
0x31: {  	[smem:$0x3FAE] =	sst s10  }
0x32: {  	s10 =	sld [smem:$0x3FAC];
	_ =	sdelay $0x3  }
0x33: {  	p0 =	seq.s32 s10, $0x1;
	s10 =	sld [smem:$0x3FAE];
	_ =	sdelay $0x3  }
0x34: {  	[smem:$0x3FAE] =	sst s10  }
0x35: {  	s10 =	sld [smem:$0x3FAD];
	_ =	sdelay $0x3  }
0x36: {  	p1 =	seq.s32 s10, $0x1;
	s10 =	sld [smem:$0x3FAE];
	_ =	sdelay $0x3  }
0x37: {  	[smem:$0x3FAE] =	sst s10  }
0x38: {  	s10 =	sld [smem:$0x3FAF]  }
0x39: {  	_ = 	snop;
	(pc) =	sbr.ind lr, $3  }
0x3a: {  	_ = 	snop  }
0x3b: {  	_ = 	snop  }
0x3c: {  	p2 =	seq.s32 s10, $0x1;
	s10 =	sld [smem:$0x3FAE]  }
0x3d: {  	_ =	shalt  }
0x3e: {  	_ =	shalt  }
0x3f: {  	_ =	shalt  }
0x40: {  	_ =	shalt  }
0x41: {  	_ =	shalt  }
0x42: {  	_ =	shalt  }
0x43: {  	_ =	shalt  }
0x44: {  	_ =	shalt  }
0x45: {  	_ =	shalt  }
0x46: {  	_ =	shalt  }
0x47: {  	_ =	shalt  }
0x48: {  	_ =	shalt  }
0x49: {  	_ =	shalt  }
0x4a: {  	_ =	shalt  }
0x4b: {  	_ =	shalt  }
0x4c: {  	_ =	shalt  }
0x4d: {  	_ =	shalt  }
0x4e: {  	_ =	shalt  }
0x4f: {  	_ =	shalt  }
0x50: {  	_ =	shalt  }
0x51: {  	_ =	shalt  }
0x52: {  	_ =	shalt  }
0x53: {  	_ =	shalt  }
0x54: {  	_ =	shalt  }
0x55: {  	_ =	shalt  }
0x56: {  	_ =	shalt  }
0x57: {  	_ =	shalt  }
0x58: {  	_ =	shalt  }
0x59: {  	_ =	shalt  }
0x5a: {  	_ =	shalt  }
0x5b: {  	_ =	shalt  }
0x5c: {  	_ =	shalt  }
0x5d: {  	_ =	shalt  }
0x5e: {  	_ =	shalt  }
0x5f: {  	_ =	shalt  }
0x60: {  	_ =	shalt  }
0x61: {  	_ =	shalt  }
0x62: {  	_ =	shalt  }
0x63: {  	_ =	shalt  }
0x64: {  	_ =	shalt  }
0x65: {  	_ =	shalt  }
0x66: {  	_ =	shalt  }
0x67: {  	_ =	shalt  }
0x68: {  	_ =	shalt  }
0x69: {  	_ =	shalt  }
0x6a: {  	_ =	shalt  }
0x6b: {  	_ =	shalt  }
0x6c: {  	_ =	shalt  }
0x6d: {  	_ =	shalt  }
0x6e: {  	_ =	shalt  }
0x6f: {  	_ =	shalt  }
0x70: {  	_ =	shalt  }
0x71: {  	_ =	shalt  }
0x72: {  	_ =	shalt  }
0x73: {  	_ =	shalt  }
0x74: {  	_ =	shalt  }
0x75: {  	_ =	shalt  }
0x76: {  	_ =	shalt  }
0x77: {  	_ =	shalt  }
0x78: {  	_ =	shalt  }
0x79: {  	_ =	shalt  }
0x7a: {  	_ =	shalt  }
0x7b: {  	_ =	shalt  }
0x7c: {  	_ =	shalt  }
0x7d: {  	_ =	shalt  }
0x7e: {  	_ =	shalt  }
0x7f: {  	_ =	shalt  }
0x80: {  	_ =	shalt  }
0x81: {  	_ =	shalt  }
0x82: {  	_ =	shalt  }
0x83: {  	_ =	shalt  }
0x84: {  	_ =	shalt  }
0x85: {  	_ =	shalt  }
0x86: {  	_ =	shalt  }
0x87: {  	_ =	shalt  }
.Lfunc_end0:
.L_simem_size_0:
called_computation.2_lowered:
.L_overlay_start_0:
0x88: {  	s2 =	sld [smem:$0x3FD9]  }
0x89: {  	s3 =	sld [smem:$0x3FFE];
	_ =	sdelay $0x1  }
0x8a: {  	s1 =	srdreg.scid  }
0x8b: {  	s0 =	sand.u32 $0x1, s1  }
0x8c: {  	s14 =	sshll.u32 s0, $0xA;
	s2 =	sadd.s32 s3, s2  }
0x8d: {  	s2 =	sadd.s32 s2, s14  }
0x8e: {  	[smem:$0x3FBA] =	sst s2  }
0x8f: {  	_ = 	snop  }
0x90: {  	s2 =	sld [smem:$0x3FD0];
	_ =	sdelay $0x2  }
0x91: {  	s15 =	simm.s32 $0xB;
	s4 =	simm.s32 $0x10  }
0x92: {  	[smem:s4], [sflag:s15] =	dma.local [hbm:s2], $0x1  }
0x93: {  	_ =	swait.eq [sflag:s15], $0x1  }
0x94: {  	[sflag:s15] =	ssyncset.done $0x0  }
0x95: {  	[sflag:s15] =	ssyncadd.s32 $0xFFFFFFFF  }
0x96: {  	s16 =	sld [smem:$0x10];
	(tm) =	ssettm $0x1  }
0x97: {  	s17 =	sld [smem:$0x3FFB];
	_ =	sdelay $0x3  }
0x98: {  	_ =	strace s17  }
0x99: {  	s3 =	sld [smem:$0x3FFC];
	_ =	sdelay $0x3  }
0x9a: {  	_ =	strace s3  }
0x9b: {  	s3 =	sld [smem:$0x3FFD];
	_ =	sdelay $0x3  }
0x9c: {  	_ =	strace s3  }
0x9d: {  	_ =	strace $0x8FFFFFFF  }
0x9e: {  	s18 =	sld [smem:$0x3FDB];
	_ =	sdelay $0x1  }
0x9f: {  	s19 =	simm.s32 $_scs_section_size  }
0xa0: {  	s5 =	simm.s32 $_size__tile_overlayer_lowered;
	s6 =	simm.s32 $_tile_overlayer_lowered  }
0xa1: {  	s22 =	simm.s32 $0x1BFF;
	s21 =	sshll.u32 s6, $0x1;
	s3 =	sadd.s32 s19, s18  }
0xa2: {  	s7 =	simm.s32 $0x0;
	s20 =	sshll.u32 s5, $0x1;
	s5 =	sadd.s32 s21, s3  }
0xa3: {  	[timem:s7], [sflag:s22] =	dma.local [hbm:s5], s20  }
0xa4: {  	_ =	swait.ge [sflag:s22], s20  }
0xa5: {  	s4 =	ssub.s32 $0x0, s20;
	[sflag:s22] =	ssyncset.done $0x0  }
0xa6: {  	[sflag:s22] =	ssyncadd.s32 s4;
	_ =	sdelay $0x1  }
0xa7: {  	s23 =	simm.s32 $0x1B8B  }
0xa8: {  	_ =	swait.ge [sflag:s23], $0x1  }
0xa9: {  	[sflag:s23] =	ssyncset.done $0x0  }
0xaa: {  	s25 =	simm.s32 $0x1B8E;
	s24 =	sld [smem:$0x3FFE];
	[sflag:s23] =	ssyncadd.s32 $0xFFFFFFFF  }
0xab: {  	s26 =	simm.s32 $execute0_lowered;
	[smem:$0x3FD2] =	sst s25  }
0xac: {  	s5 =	sshll.u32 s26, $0x1;
	_ =	strace $0x8000004C;
	[dreg:$0x1] =	wrdreg $0xFFFFFFFF  }
0xad: {  	s28 =	simm.s32 $_size_execute0_lowered;
	s3 =	sadd.s32 s3, s5;
	[dreg:$0x0] =	wrdreg $0x0  }
0xae: {  	s5 =	sshll.u32 s28, $0x1;
	[dreg:$0x2] =	wrdreg s3  }
0xaf: {  	[dreg:$0x3] =	wrdreg s5  }
0xb0: {  	[dreg:$0x4] =	wrdreg $0xC0  }
0xb1: {  	_ =	task [dreg:s7], $0x5FFFF  }
0xb2: {  	[dreg:$0x1] =	wrdreg $0xFFFFFFFF  }
0xb3: {  	[dreg:$0x0] =	wrdreg $0x60  }
0xb4: {  	[dreg:$0x2] =	wrdreg s16  }
0xb5: {  	[dreg:$0x3] =	wrdreg s24  }
0xb6: {  	[dreg:$0x4] =	wrdreg $0xB0000  }
0xb7: {  	[dreg:$0x5] =	wrdreg $0x9  }
0xb8: {  	_ =	task.clear_ibuf [dreg:s7], $0x6FFFF;
	_ =	strace $0x9000004C  }
0xb9: {  	s29 =	simm.s32 $0x9;
	_ =	strace $0x8000004E  }
0xba: {  	_ =	swait.ge [sflag:s29], $0x1  }
0xbb: {  	[sflag:s29] =	ssyncadd.s32 $0xFFFFFFFF  }
0xbc: {  	_ =	strace $0x9000004E  }
0xbd: {  	_ =	sfence  }
0xbe: {  	s30 =	sld [smem:$0x0];
	_ =	sdelay $0x2  }
0xbf: {  	s31 =	sshll.u32 s1, $0xD;
	s1 =	sshrl.u32 s1, $0x2  }
0xc0: {  	s3 =	sand.u32 $0x4000, s31;
	s1 =	sadd.s32 s1, s30  }
0xc1: {  	s0 =	sor.u32 s3, s0;
	s1 =	sshll.u32 s1, $0x11  }
0xc2: {  	s0 =	sor.u32 s1, s0  }
0xc3: {  	s0 =	sadd.s32 $0x8F2B, s0  }
0xc4: {  	[sflag:s0] =	ssyncadd.remote.s32 $0x1  }
0xc5: {  	_ =	sfence.sel $0xFFFF  }
0xc6: {  	[dreg:$0x0] =	wrdreg $0xFFFFFFFF;
	(pc) =	sbr.abs _section_cstart, $3  }
0xc7: {  	[dreg:$0x1] =	wrdreg $0xFFFFFFFF  }
0xc8: {  	_ =	task.clear_ibuf [dreg:s7], $0x2FFFF;
	_ =	strace $0x9FFFFFFF  }
0xc9: {  	(tm) =	ssettm $0x7FFFFFFF  }
tec
execute0_lowered:
.L_overlay_start_1:
0x0: {  	(tag) =	ssettag $0x1  }
0x1: {  	s2 =	rddreg [dreg:$0x0]  }
0x2: {  	s6 =	rddreg [dreg:$0x1]  }
0x3: {  	s0 =	srdreg.scid;
	s3 =	rddreg [dreg:$0x2]  }
0x4: {  	s4 =	simm.s32 $0x0;
	s15 =	simm.s32 $0x3;
	s16 =	simm.s32 $0x2800  }
0x5: {  	s17 =	simm.s32 $0x9000;
	s18 =	simm.s32 $0x80;
	s19 =	simm.s32 $0x5000  }
0x6: {  	s20 =	simm.s32 $0x7000;
	s21 =	simm.s32 $0x1;
	s22 =	simm.s32 $0x2  }
0x7: {  	s23 =	simm.s32 $0x2780;
	s24 =	simm.s32 $0x4F00;
	s25 =	simm.s32 $0x4F80  }
0x8: {  	s26 =	simm.s32 $0x0;
	s5 =	sand.u32 $0x1, s0;
	s0 =	stileid.u32  }
0x9: {  	[smem:$0x7FF] =	sst s4;
	s1 =	sshll.u32 s5, $0x4;
	s8 =	smul.u32 $0xA000, s0  }
0xa: {  	s9 =	smul.u32 $0xA0000, s5;
	_ =	strace $0x8000004D;
	s10 =	ssub.s32 $0x2, s5  }
0xb: {  	s11 =	smul.u32 $0x28000, s0;
	s5 =	sadd.s32 $0x69E00, s6;
	s1 =	sor.u32 s0, s1  }
0xc: {  	s30 =	sshrl.u32 s10, $0x1;
	s7 =	smul.u32 $0x500, s1;
	s9 =	sadd.s32 s8, s9  }
0xd: {  	s14 =	ssub.s32 s10, s30;
	s31 =	sshrl.u32 s11, $0x2;
	s8 =	sadd.s32 s8, s3  }
0xe: {  	s9 =	sshrl.u32 s9, $0x3;
	s12 =	sadd.s32 s31, s3;
	s14 =	smax.u32 s14, $0x1  }
0xf: {  	s7 =	sadd.s32 s7, s6;
	s13 =	sadd.s32 s9, s6;
	s9 =	sadd.s32 $0x2000, s12  }
0x10: {  	s10 =	sadd.s32 $0x4000, s12;
	s11 =	sadd.s32 $0x6000, s12;
	s12 =	sadd.s32 $0x8000, s12  }
0x11: {  	s6 =	sadd.s32 $0xFE00, s7;
	s7 =	sadd.s32 $0x5E00, s7;
	s13 =	sadd.s32 $0x6A200, s13  }
.LBB2_1:
0x12: {  	[tilespmem:s4], [sflag:$0x3] =	stream.linear.gather [hbm4b:s6+s4], $0x2800, $0x38;
	[tilespmem:$0x15000] =	vst v63  }
0x13: {  	_ =	swait.ge [sflag:s15], $0x2800  }
0x14: {  	[sflag:s15] =	ssyncset.done $0x0  }
0x15: {  	[sflag:s15] =	ssyncadd.s32 $0xFFFFD800  }
0x16: {  	[tilespmem:s16], [sflag:$0x3] =	stream.linear.gather [hbm4b:s7+s4], $0x2800, $0x38;
	[tilespmem:$0x15000] =	vst v63  }
0x17: {  	_ =	swait.ge [sflag:s15], $0x2800  }
0x18: {  	[sflag:s15] =	ssyncset.done $0x0  }
0x19: {  	[sflag:s15] =	ssyncadd.s32 $0xFFFFD800  }
0x1a: {  	[tilespmem:s17], [sflag:$0x3] =	stream.linear.gather [hbm4b:s5+s4], $0x2000, $0x38;
	[tilespmem:$0x15000] =	vst v63  }
0x1b: {  	_ =	swait.ge [sflag:s15], $0x2000  }
0x1c: {  	[sflag:s15] =	ssyncset.done $0x0  }
0x1d: {  	[sflag:s15] =	ssyncadd.s32 $0xFFFFE000  }
0x1e: {  	[spmem:s8] =	stream.linear.scatter [tilespmem:s17], [sflag:$0x3], $0x2000, $0x38;
	[tilespmem:$0x15000] =	vst v63  }
0x1f: {  	_ =	swait.ge [sflag:s15], $0x2000  }
0x20: {  	[sflag:s15] =	ssyncset.done $0x0  }
0x21: {  	[sflag:s15] =	ssyncadd.s32 $0xFFFFE000  }
0x22: {  	[spmem:s9] =	stream.linear.scatter [tilespmem:s17], [sflag:$0x3], $0x2000, $0x38;
	[tilespmem:$0x15000] =	vst v63  }
0x23: {  	_ =	swait.ge [sflag:s15], $0x2000  }
0x24: {  	[sflag:s15] =	ssyncset.done $0x0  }
0x25: {  	[sflag:s15] =	ssyncadd.s32 $0xFFFFE000  }
0x26: {  	[spmem:s10] =	stream.linear.scatter [tilespmem:s17], [sflag:$0x3], $0x2000, $0x38;
	[tilespmem:$0x15000] =	vst v63  }
0x27: {  	_ =	swait.ge [sflag:s15], $0x2000  }
0x28: {  	[sflag:s15] =	ssyncset.done $0x0  }
0x29: {  	[sflag:s15] =	ssyncadd.s32 $0xFFFFE000  }
0x2a: {  	[spmem:s11] =	stream.linear.scatter [tilespmem:s17], [sflag:$0x3], $0x2000, $0x38;
	[tilespmem:$0x15000] =	vst v63  }
0x2b: {  	_ =	swait.ge [sflag:s15], $0x2000  }
0x2c: {  	[sflag:s15] =	ssyncset.done $0x0  }
0x2d: {  	[sflag:s15] =	ssyncadd.s32 $0xFFFFE000  }
0x2e: {  	[spmem:s12] =	stream.linear.scatter [tilespmem:s17], [sflag:$0x3], $0x2000, $0x38;
	[tilespmem:$0x15000] =	vst v63  }
0x2f: {  	_ =	swait.ge [sflag:s15], $0x2000  }
0x30: {  	[sflag:s15] =	ssyncset.done $0x0  }
0x31: {  	[sflag:s15] =	ssyncadd.s32 $0xFFFFE000  }
0x32: {  	[bflag:$0x0] =	sbarrier.arrive $0xFFFF  }
0x33: {  	[tilespmem:s19], [sflag:$0x1] =	stream.indirect.gather [hbm4b:s2+s18], $0x40, s4, s18, $0xb8;
	[tilespmem:$0x15000] =	vst v63  }
0x34: {  	s28 =	simm.s32 $0x80  }
0x35: {  	[tilespmem:s20], [sflag:$0x2] =	stream.indirect.gather [hbm4b:s2+s18], $0x40, s28, s18, $0xb8;
	[tilespmem:$0x15000] =	vst v63  }
0x36: {  	_ =	swait.ge [sflag:s21], $0x2000  }
0x37: {  	[sflag:s21] =	ssyncset.done $0x0  }
0x38: {  	s28 =	simm.s32 $0x2800;
	[sflag:s21] =	ssyncadd.s32 $0xFFFFE000  }
0x39: {  	[spmem:s3] =	stream.indirect.scatter.add.f32 [tilespmem:s19], [sflag:$0x3], $0x40, s28, s18, $0xb8;
	[tilespmem:$0x15000] =	vst v63  }
0x3a: {  	_ =	swait.ge [sflag:s15], $0x2000  }
0x3b: {  	[sflag:s15] =	ssyncset.done $0x0  }
0x3c: {  	s28 =	simm.s32 $0x100;
	[sflag:s15] =	ssyncadd.s32 $0xFFFFE000  }
0x3d: {  	[tilespmem:s19], [sflag:$0x1] =	stream.indirect.gather [hbm4b:s2+s18], $0x40, s28, s18, $0xb8;
	[tilespmem:$0x15000] =	vst v63  }
0x3e: {  	_ =	swait.ge [sflag:s22], $0x2000  }
0x3f: {  	[sflag:s22] =	ssyncset.done $0x0  }
0x40: {  	s28 =	simm.s32 $0x2880;
	[sflag:s22] =	ssyncadd.s32 $0xFFFFE000  }
0x41: {  	[spmem:s3] =	stream.indirect.scatter.add.f32 [tilespmem:s20], [sflag:$0x3], $0x40, s28, s18, $0xb8;
	[tilespmem:$0x15000] =	vst v63  }
0x42: {  	_ =	swait.ge [sflag:s15], $0x2000  }
0x43: {  	s29 =	simm.s32 $0x800;
	s28 =	simm.s32 $0x100;
	[sflag:s15] =	ssyncset.done $0x0  }
.LBB2_2:
0x44: {  	s30 =	sadd.s32 $0x80, s28  }
0x45: {  	[sflag:s15] =	ssyncadd.s32 $0xFFFFE000;
	s31 =	smov.u32 s29;
	s1 =	sadd.s32 $0x400, s29  }
0x46: {  	[tilespmem:s20], [sflag:$0x2] =	stream.indirect.gather [hbm4b:s2+s18], $0x40, s30, s18, $0xb8;
	[tilespmem:$0x15000] =	vst v63  }
0x47: {  	p0 =	sne.s32 s29, $0x9800;
	_ =	swait.ge [sflag:s21], $0x2000  }
0x48: {  	[sflag:s21] =	ssyncset.done $0x0  }
0x49: {  	s29 =	sadd.s32 $0x2800, s28;
	[sflag:s21] =	ssyncadd.s32 $0xFFFFE000  }
0x4a: {  	[spmem:s3] =	stream.indirect.scatter.add.f32 [tilespmem:s19], [sflag:$0x3], $0x40, s29, s18, $0xb8;
	[tilespmem:$0x15000] =	vst v63  }
0x4b: {  	_ =	swait.ge [sflag:s15], $0x2000  }
0x4c: {  	[sflag:s15] =	ssyncset.done $0x0  }
0x4d: {  	s29 =	sadd.s32 $0x100, s28;
	[sflag:s15] =	ssyncadd.s32 $0xFFFFE000  }
0x4e: {  	[tilespmem:s19], [sflag:$0x1] =	stream.indirect.gather [hbm4b:s2+s18], $0x40, s29, s18, $0xb8;
	[tilespmem:$0x15000] =	vst v63  }
0x4f: {  	_ =	swait.ge [sflag:s22], $0x2000  }
.Ltmp0:
0x50: {  	[sflag:s22] =	ssyncset.done $0x0;
	(pc) =	sbr.rel @p0 .LBB2_2-.Ltmp0, $4  }
0x51: {  	s28 =	sadd.s32 $0x2880, s28;
	[sflag:s22] =	ssyncadd.s32 $0xFFFFE000  }
0x52: {  	[spmem:s3] =	stream.indirect.scatter.add.f32 [tilespmem:s20], [sflag:$0x3], $0x40, s28, s18, $0xb8;
	[tilespmem:$0x15000] =	vst v63  }
0x53: {  	_ =	swait.ge [sflag:s15], $0x2000  }
0x54: {  	s29 =	smov.u32 s1;
	s28 =	sshra.s32 s31, $0x2;
	[sflag:s15] =	ssyncset.done $0x0  }
0x55: {  	s1 =	sadd.s32 $0x80, s28;
	[sflag:s15] =	ssyncadd.s32 $0xFFFFE000  }
0x56: {  	[tilespmem:s20], [sflag:$0x2] =	stream.indirect.gather [hbm4b:s2+s18], $0x40, s1, s18, $0xb8;
	[tilespmem:$0x15000] =	vst v63  }
0x57: {  	_ =	swait.ge [sflag:s21], $0x2000  }
0x58: {  	[sflag:s21] =	ssyncset.done $0x0  }
0x59: {  	s30 =	sadd.s32 $0x2800, s28;
	[sflag:s21] =	ssyncadd.s32 $0xFFFFE000  }
0x5a: {  	[spmem:s3] =	stream.indirect.scatter.add.f32 [tilespmem:s19], [sflag:$0x3], $0x40, s30, s18, $0xb8;
	[tilespmem:$0x15000] =	vst v63  }
0x5b: {  	_ =	swait.ge [sflag:s15], $0x2000  }
0x5c: {  	[sflag:s15] =	ssyncset.done $0x0  }
0x5d: {  	s31 =	sadd.s32 $0x100, s28;
	[sflag:s15] =	ssyncadd.s32 $0xFFFFE000  }
0x5e: {  	[tilespmem:s19], [sflag:$0x1] =	stream.indirect.gather [hbm4b:s2+s18], $0x40, s31, s18, $0xb8;
	[tilespmem:$0x15000] =	vst v63  }
0x5f: {  	_ =	swait.ge [sflag:s22], $0x2000  }
0x60: {  	[sflag:s22] =	ssyncset.done $0x0  }
0x61: {  	s29 =	sadd.s32 $0x2880, s28;
	[sflag:s22] =	ssyncadd.s32 $0xFFFFE000  }
0x62: {  	[spmem:s3] =	stream.indirect.scatter.add.f32 [tilespmem:s20], [sflag:$0x3], $0x40, s29, s18, $0xb8;
	[tilespmem:$0x15000] =	vst v63  }
0x63: {  	_ =	swait.ge [sflag:s15], $0x2000  }
0x64: {  	[sflag:s15] =	ssyncset.done $0x0  }
0x65: {  	[sflag:s15] =	ssyncadd.s32 $0xFFFFE000  }
0x66: {  	[tilespmem:s20], [sflag:$0x2] =	stream.indirect.gather [hbm4b:s2+s18], $0x40, s23, s18, $0xb8;
	[tilespmem:$0x15000] =	vst v63  }
0x67: {  	_ =	swait.ge [sflag:s21], $0x2000  }
0x68: {  	[sflag:s21] =	ssyncset.done $0x0  }
0x69: {  	[sflag:s21] =	ssyncadd.s32 $0xFFFFE000  }
0x6a: {  	[spmem:s3] =	stream.indirect.scatter.add.f32 [tilespmem:s19], [sflag:$0x3], $0x40, s24, s18, $0xb8;
	[tilespmem:$0x15000] =	vst v63  }
0x6b: {  	_ =	swait.ge [sflag:s15], $0x2000  }
0x6c: {  	[sflag:s15] =	ssyncset.done $0x0  }
0x6d: {  	[sflag:s15] =	ssyncadd.s32 $0xFFFFE000  }
0x6e: {  	_ =	swait.ge [sflag:s22], $0x2000  }
0x6f: {  	[sflag:s22] =	ssyncset.done $0x0  }
0x70: {  	[sflag:s22] =	ssyncadd.s32 $0xFFFFE000  }
0x71: {  	[spmem:s3] =	stream.indirect.scatter.add.f32 [tilespmem:s20], [sflag:$0x3], $0x40, s25, s18, $0xb8;
	[tilespmem:$0x15000] =	vst v63  }
0x72: {  	_ =	swait.ge [sflag:s15], $0x2000  }
0x73: {  	s26 =	sadd.s32 $0x1, s26;
	s30 =	sshll.u32 s0, $0x6;
	[sflag:s15] =	ssyncset.done $0x0  }
0x74: {  	p0 =	sne.s32 s26, s14;
	s1 =	sor.u32 $0x1C03, s30;
	[sflag:s15] =	ssyncadd.s32 $0xFFFFE000  }
.Ltmp1:
0x75: {  	s31 =	sshrl.u32 s8, $0x3;
	[bflag:$0x0] =	sbarrier.arrive $0xFFFF;
	(pc) =	sbr.rel @p0 .LBB2_1-.Ltmp1, $4  }
0x76: {  	[hbm:s13], [sflag:s1] =	dma.local [spmem:s31], $0x1400  }
0x77: {  	_ =	swait.ge [sflag:s15], $0x1400  }
0x78: {  	[sflag:s15] =	ssyncset.done $0x0  }
0x79: {  	[sflag:s15] =	ssyncadd.s32 $0xFFFFEC00  }
0x7a: {  	_ =	sfence.sel $0x180000  }
0x7b: {  	[bflag:$0x0] =	sbarrier.arrive $0xFFFF  }
0x7c: {  	_ =	strace $0x9000004D  }
0x7d: {  	[bflag:$0x2] =	sbarrier.arrive $0xFFFF  }
0x7e: {  	p0 =	sne.s32 s0, $0x0;
	s0 =	rddreg [dreg:$0x3]  }
0x7f: {  	s0 =	sadd.s32 @!p0 $0x100000, s0  }
0x80: {  	[sflag:s0] =	ssyncadd.tile.s32 @!p0 $0x1;
	_ =	shalt  }
.Lfunc_end2:
_tile_overlayer_lowered:
.L_overlay_start_2:
0x81: {  	(tag) =	ssettag $0x2  }
0x82: {  	s0 =	rddreg [dreg:$0x0];
	s2 =	stileid.u32  }
0x83: {  	s1 =	rddreg [dreg:$0x1];
	p0 =	sne.s32 s2, $0x0  }
0x84: {  	s3 =	rddreg [dreg:$0x2];
	[bflag:$0x3] =	sbarrier.arrive $0xFFFF;
	s2 =	simm.s32 @!p0 $0x1C03  }
0x85: {  	[timem:s3], [sflag:s2] =	dma.local @!p0 [hbm:s0], s1  }
0x86: {  	s0 =	simm.s32 @!p0 $0x3  }
0x87: {  	_ =	swait.ge @!p0 [sflag:s0], s1  }
0x88: {  	s1 =	ssub.s32 @!p0 $0x0, s1;
	[sflag:s0] =	ssyncset.done @!p0 $0x0  }
0x89: {  	[sflag:s0] =	ssyncadd.s32 @!p0 s1  }
0x8a: {  	[bflag:$0x3] =	sbarrier.arrive $0xFFFF  }
0x8b: {  	_ =	shalt  }

// kernel: kernel.26.cloned.1.call-start
scs
__scs_entry_jumppad:
0x0: {  	(pc) =	sbr.rel $0x88, $3  }
0x1: {  	(tag) =	ssettag $0x0;
	lr =	simm.s32 $0x1  }
0x2: {  	[smem:$0x3F93] =	sst lr;
	_ =	strace $0xD0000000  }
0x3: {  	_ = 	snop  }
0x4: {  	_ = 	snop  }
0x5: {  	_ = 	snop  }
0x6: {  	_ = 	snop  }
0x7: {  	_ = 	snop  }
__scs_overlays_trampoline_lowered:
0x8: {  	[smem:$0x3FA2] =	sst s0  }
0x9: {  	[smem:$0x3FA3] =	sst s1  }
0xa: {  	[smem:$0x3FA4] =	sst s2  }
0xb: {  	[smem:$0x3FA5] =	sst s3  }
0xc: {  	[smem:$0x3FA6] =	sst s4  }
0xd: {  	[smem:$0x3FA7] =	sst s5  }
0xe: {  	[smem:$0x3FA8] =	sst s6  }
0xf: {  	[smem:$0x3FA9] =	sst s7  }
0x10: {  	[smem:$0x3FAA] =	sst s8  }
0x11: {  	[smem:$0x3FAB] =	sst s9;
	s0 =	simm.s32 @!p0 $0x0  }
0x12: {  	s1 =	sld [smem:$0x3F91];
	s0 =	simm.s32 @p0 $0x1  }
0x13: {  	[smem:$0x3FAC] =	sst s0;
	s0 =	simm.s32 @!p1 $0x0  }
0x14: {  	s2 =	sld [smem:$0x3F90];
	s0 =	simm.s32 @p1 $0x1  }
0x15: {  	[smem:$0x3FAD] =	sst s0;
	s0 =	simm.s32 @!p2 $0x0  }
0x16: {  	s3 =	sld [smem:$0x3FDB];
	s0 =	simm.s32 @p2 $0x1  }
0x17: {  	s4 =	simm.s32 $0x1BF5;
	[smem:$0x3FAF] =	sst s0  }
0x18: {  	s0 =	sld [smem:$0x3F92];
	_ =	swait.ge [sflag:s4], $0x0  }
0x19: {  	s7 =	sld [smem:$0x3F93]  }
0x1a: {  	s8 =	sadd.s32 $0xFFFFE003, lr  }
0x1b: {  	s9 =	sadd.s32 $0xFFFFFEF7, lr;
	s5 =	simm.s32 $0xFFFFFFFF;
	p2 =	slt.u32 s8, $0xFFFFF086  }
0x1c: {  	p1 =	slt.u32 s9, $0xF7A;
	s5 =	simm.s32 @!p2 $0x0  }
0x1d: {  	s5 =	simm.s32 @p1 $0x1;
	p0 =	seq.s32 s7, s2  }
0x1e: {  	s7 =	smul.u32 @!p0 $0xF7A, s2;
	p2 =	seq.s32 @!p0 s5, $0x0  }
0x1f: {  	s9 =	smul.u32 $0xF7A, s1;
	s8 =	simm.s32 @!p0 $0x1BF5;
	p2 =	por !p2, p0  }
0x20: {  	[sflag:s8] =	ssyncset.s32 @!p0 $0xFFFFF086;
	s6 =	sadd.s32 @!p0 s3, s7;
	s7 =	simm.s32 @!p0 $0x108  }
0x21: {  	s3 =	sadd.s32 s3, s9;
	s6 =	sadd.s32 @!p0 $0x88, s6;
	s7 =	simm.s32 @p2 $0x1082  }
0x22: {  	[simem:s7], [sflag:s8] =	dma.local @!p0 [hbm:s6], $0xF7A  }
0x23: {  	s9 =	sor.u32 $0xD0000000, s2;
	s6 =	simm.s32 $0x108;
	_ =	swait.ge @!p0 [sflag:s8], $0x0  }
0x24: {  	s3 =	sadd.s32 $0x88, s3;
	s6 =	simm.s32 @!p1 $0x1082;
	[sflag:s4] =	ssyncset.s32 $0xFFFFF086  }
0x25: {  	[simem:s6], [sflag:s4] =	dma.local [hbm:s3], $0xF7A  }
0x26: {  	[smem:$0x3F93] =	sst s1;
	(tag) =	ssettag s2;
	_ =	strace s9  }
0x27: {  	s1 =	sld [smem:$0x3FA3]  }
0x28: {  	s2 =	sld [smem:$0x3FA4]  }
0x29: {  	s4 =	sld [smem:$0x3FA6]  }
0x2a: {  	p0 =	seq.s32 s5, $0x0;
	s5 =	sld [smem:$0x3FA7]  }
0x2b: {  	s6 =	sld [smem:$0x3FA8]  }
0x2c: {  	s7 =	sld [smem:$0x3FA9]  }
0x2d: {  	s3 =	simm.s32 $0x108;
	s8 =	sld [smem:$0x3FAA]  }
0x2e: {  	s3 =	simm.s32 @!p0 $0x1082;
	s9 =	sld [smem:$0x3FAB]  }
0x2f: {  	lr =	sadd.s32 s0, s3;
	s0 =	sld [smem:$0x3FA2]  }
0x30: {  	s3 =	sld [smem:$0x3FA5]  }
0x31: {  	[smem:$0x3FAE] =	sst s10  }
0x32: {  	s10 =	sld [smem:$0x3FAC];
	_ =	sdelay $0x3  }
0x33: {  	p0 =	seq.s32 s10, $0x1;
	s10 =	sld [smem:$0x3FAE];
	_ =	sdelay $0x3  }
0x34: {  	[smem:$0x3FAE] =	sst s10  }
0x35: {  	s10 =	sld [smem:$0x3FAD];
	_ =	sdelay $0x3  }
0x36: {  	p1 =	seq.s32 s10, $0x1;
	s10 =	sld [smem:$0x3FAE];
	_ =	sdelay $0x3  }
0x37: {  	[smem:$0x3FAE] =	sst s10  }
0x38: {  	s10 =	sld [smem:$0x3FAF]  }
0x39: {  	_ = 	snop;
	(pc) =	sbr.ind lr, $3  }
0x3a: {  	_ = 	snop  }
0x3b: {  	_ = 	snop  }
0x3c: {  	p2 =	seq.s32 s10, $0x1;
	s10 =	sld [smem:$0x3FAE]  }
0x3d: {  	_ =	shalt  }
0x3e: {  	_ =	shalt  }
0x3f: {  	_ =	shalt  }
0x40: {  	_ =	shalt  }
0x41: {  	_ =	shalt  }
0x42: {  	_ =	shalt  }
0x43: {  	_ =	shalt  }
0x44: {  	_ =	shalt  }
0x45: {  	_ =	shalt  }
0x46: {  	_ =	shalt  }
0x47: {  	_ =	shalt  }
0x48: {  	_ =	shalt  }
0x49: {  	_ =	shalt  }
0x4a: {  	_ =	shalt  }
0x4b: {  	_ =	shalt  }
0x4c: {  	_ =	shalt  }
0x4d: {  	_ =	shalt  }
0x4e: {  	_ =	shalt  }
0x4f: {  	_ =	shalt  }
0x50: {  	_ =	shalt  }
0x51: {  	_ =	shalt  }
0x52: {  	_ =	shalt  }
0x53: {  	_ =	shalt  }
0x54: {  	_ =	shalt  }
0x55: {  	_ =	shalt  }
0x56: {  	_ =	shalt  }
0x57: {  	_ =	shalt  }
0x58: {  	_ =	shalt  }
0x59: {  	_ =	shalt  }
0x5a: {  	_ =	shalt  }
0x5b: {  	_ =	shalt  }
0x5c: {  	_ =	shalt  }
0x5d: {  	_ =	shalt  }
0x5e: {  	_ =	shalt  }
0x5f: {  	_ =	shalt  }
0x60: {  	_ =	shalt  }
0x61: {  	_ =	shalt  }
0x62: {  	_ =	shalt  }
0x63: {  	_ =	shalt  }
0x64: {  	_ =	shalt  }
0x65: {  	_ =	shalt  }
0x66: {  	_ =	shalt  }
0x67: {  	_ =	shalt  }
0x68: {  	_ =	shalt  }
0x69: {  	_ =	shalt  }
0x6a: {  	_ =	shalt  }
0x6b: {  	_ =	shalt  }
0x6c: {  	_ =	shalt  }
0x6d: {  	_ =	shalt  }
0x6e: {  	_ =	shalt  }
0x6f: {  	_ =	shalt  }
0x70: {  	_ =	shalt  }
0x71: {  	_ =	shalt  }
0x72: {  	_ =	shalt  }
0x73: {  	_ =	shalt  }
0x74: {  	_ =	shalt  }
0x75: {  	_ =	shalt  }
0x76: {  	_ =	shalt  }
0x77: {  	_ =	shalt  }
0x78: {  	_ =	shalt  }
0x79: {  	_ =	shalt  }
0x7a: {  	_ =	shalt  }
0x7b: {  	_ =	shalt  }
0x7c: {  	_ =	shalt  }
0x7d: {  	_ =	shalt  }
0x7e: {  	_ =	shalt  }
0x7f: {  	_ =	shalt  }
0x80: {  	_ =	shalt  }
0x81: {  	_ =	shalt  }
0x82: {  	_ =	shalt  }
0x83: {  	_ =	shalt  }
0x84: {  	_ =	shalt  }
0x85: {  	_ =	shalt  }
0x86: {  	_ =	shalt  }
0x87: {  	_ =	shalt  }
.Lfunc_end0:
.L_simem_size_0:
called_computation.3_lowered:
.L_overlay_start_0:
0x88: {  	s2 =	sld [smem:$0x3FD9]  }
0x89: {  	s3 =	sld [smem:$0x3FFE];
	_ =	sdelay $0x1  }
0x8a: {  	s1 =	srdreg.scid  }
0x8b: {  	s0 =	sand.u32 $0x1, s1  }
0x8c: {  	s14 =	sshll.u32 s0, $0xA;
	s2 =	sadd.s32 s3, s2  }
0x8d: {  	s2 =	sadd.s32 s2, s14  }
0x8e: {  	[smem:$0x3FBA] =	sst s2  }
0x8f: {  	_ = 	snop  }
0x90: {  	s2 =	sld [smem:$0x3FD0];
	_ =	sdelay $0x2  }
0x91: {  	s15 =	simm.s32 $0xB;
	s4 =	simm.s32 $0x10  }
0x92: {  	[smem:s4], [sflag:s15] =	dma.local [hbm:s2], $0x1  }
0x93: {  	_ =	swait.eq [sflag:s15], $0x1  }
0x94: {  	[sflag:s15] =	ssyncset.done $0x0  }
0x95: {  	[sflag:s15] =	ssyncadd.s32 $0xFFFFFFFF  }
0x96: {  	s16 =	sld [smem:$0x10];
	(tm) =	ssettm $0x1  }
0x97: {  	s17 =	sld [smem:$0x3FFB];
	_ =	sdelay $0x3  }
0x98: {  	_ =	strace s17  }
0x99: {  	s3 =	sld [smem:$0x3FFC];
	_ =	sdelay $0x3  }
0x9a: {  	_ =	strace s3  }
0x9b: {  	s3 =	sld [smem:$0x3FFD];
	_ =	sdelay $0x3  }
0x9c: {  	_ =	strace s3  }
0x9d: {  	_ =	strace $0x8FFFFFFF  }
0x9e: {  	s18 =	sld [smem:$0x3FDB];
	_ =	sdelay $0x1  }
0x9f: {  	s19 =	simm.s32 $_scs_section_size  }
0xa0: {  	s5 =	simm.s32 $_size__tile_overlayer_lowered;
	s6 =	simm.s32 $_tile_overlayer_lowered  }
0xa1: {  	s22 =	simm.s32 $0x1BFF;
	s21 =	sshll.u32 s6, $0x1;
	s3 =	sadd.s32 s19, s18  }
0xa2: {  	s7 =	simm.s32 $0x0;
	s20 =	sshll.u32 s5, $0x1;
	s5 =	sadd.s32 s21, s3  }
0xa3: {  	[timem:s7], [sflag:s22] =	dma.local [hbm:s5], s20  }
0xa4: {  	_ =	swait.ge [sflag:s22], s20  }
0xa5: {  	s4 =	ssub.s32 $0x0, s20;
	[sflag:s22] =	ssyncset.done $0x0  }
0xa6: {  	[sflag:s22] =	ssyncadd.s32 s4;
	_ =	sdelay $0x1  }
0xa7: {  	s23 =	simm.s32 $0x1B8B  }
0xa8: {  	_ =	swait.ge [sflag:s23], $0x1  }
0xa9: {  	[sflag:s23] =	ssyncset.done $0x0  }
0xaa: {  	s25 =	simm.s32 $0x1B8E;
	s24 =	sld [smem:$0x3FFE];
	[sflag:s23] =	ssyncadd.s32 $0xFFFFFFFF  }
0xab: {  	s26 =	simm.s32 $execute0_lowered;
	[smem:$0x3FD2] =	sst s25  }
0xac: {  	s5 =	sshll.u32 s26, $0x1;
	_ =	strace $0x8000004F;
	[dreg:$0x1] =	wrdreg $0xFFFFFFFF  }
0xad: {  	s28 =	simm.s32 $_size_execute0_lowered;
	s3 =	sadd.s32 s3, s5;
	[dreg:$0x0] =	wrdreg $0x0  }
0xae: {  	s5 =	sshll.u32 s28, $0x1;
	[dreg:$0x2] =	wrdreg s3  }
0xaf: {  	[dreg:$0x3] =	wrdreg s5  }
0xb0: {  	[dreg:$0x4] =	wrdreg $0xC0  }
0xb1: {  	_ =	task [dreg:s7], $0x5FFFF  }
0xb2: {  	[dreg:$0x1] =	wrdreg $0xFFFFFFFF  }
0xb3: {  	[dreg:$0x0] =	wrdreg $0x60  }
0xb4: {  	[dreg:$0x2] =	wrdreg s24  }
0xb5: {  	[dreg:$0x3] =	wrdreg s16  }
0xb6: {  	[dreg:$0x4] =	wrdreg $0x80000  }
0xb7: {  	[dreg:$0x5] =	wrdreg $0x9  }
0xb8: {  	_ =	task.clear_ibuf [dreg:s7], $0x6FFFF;
	_ =	strace $0x9000004F  }
0xb9: {  	s29 =	simm.s32 $0x9;
	_ =	strace $0x80000051  }
0xba: {  	_ =	swait.ge [sflag:s29], $0x1  }
0xbb: {  	[sflag:s29] =	ssyncadd.s32 $0xFFFFFFFF  }
0xbc: {  	_ =	strace $0x90000051  }
0xbd: {  	_ =	sfence  }
0xbe: {  	s30 =	sld [smem:$0x0];
	_ =	sdelay $0x2  }
0xbf: {  	s31 =	sshll.u32 s1, $0xD;
	s1 =	sshrl.u32 s1, $0x2  }
0xc0: {  	s3 =	sand.u32 $0x4000, s31;
	s1 =	sadd.s32 s1, s30  }
0xc1: {  	s0 =	sor.u32 s3, s0;
	s1 =	sshll.u32 s1, $0x11  }
0xc2: {  	s0 =	sor.u32 s1, s0  }
0xc3: {  	s0 =	sadd.s32 $0x8F2B, s0  }
0xc4: {  	[sflag:s0] =	ssyncadd.remote.s32 $0x1  }
0xc5: {  	_ =	sfence.sel $0xFFFF  }
0xc6: {  	[dreg:$0x0] =	wrdreg $0xFFFFFFFF;
	(pc) =	sbr.abs _section_cstart, $3  }
0xc7: {  	[dreg:$0x1] =	wrdreg $0xFFFFFFFF  }
0xc8: {  	_ =	task.clear_ibuf [dreg:s7], $0x2FFFF;
	_ =	strace $0x9FFFFFFF  }
0xc9: {  	(tm) =	ssettm $0x7FFFFFFF  }
tec
execute0_lowered:
.L_overlay_start_1:
0x0: {  	(tag) =	ssettag $0x1  }
0x1: {  	s5 =	rddreg [dreg:$0x0]  }
0x2: {  	s13 =	rddreg [dreg:$0x1]  }
0x3: {  	s0 =	srdreg.scid;
	s2 =	rddreg [dreg:$0x2]  }
0x4: {  	s1 =	stileid.u32;
	s3 =	simm.s32 $0x0;
	s16 =	simm.s32 $0x2800  }
0x5: {  	s17 =	simm.s32 $0x7000;
	s18 =	simm.s32 $0x80;
	s19 =	simm.s32 $0x5000  }
0x6: {  	s20 =	simm.s32 $0x6000;
	s21 =	simm.s32 $0x1;
	s22 =	simm.s32 $0x2  }
0x7: {  	s23 =	simm.s32 $0x2780;
	s24 =	simm.s32 $0x4F00;
	s25 =	simm.s32 $0x4F80  }
0x8: {  	s26 =	simm.s32 $0x0;
	s6 =	sand.u32 $0x1, s0;
	s9 =	smul.u32 $0x14000, s1  }
0x9: {  	[smem:$0x7FF] =	sst s3;
	s11 =	smul.u32 $0x5000, s1;
	s4 =	sshll.u32 s6, $0x4  }
0xa: {  	_ =	strace $0x80000050;
	s8 =	ssub.s32 $0x2, s6;
	s31 =	smul.u32 $0x50000, s6  }
0xb: {  	s4 =	sor.u32 s1, s4;
	s10 =	sshrl.u32 s8, $0x1;
	s30 =	sshrl.u32 s9, $0x2  }
0xc: {  	s7 =	smul.u32 $0x500, s4;
	s4 =	sadd.s32 $0x6A200, s5;
	s14 =	ssub.s32 s8, s10  }
0xd: {  	s12 =	sadd.s32 s30, s2;
	s8 =	sadd.s32 s11, s2;
	s15 =	sadd.s32 s11, s31  }
0xe: {  	s9 =	sadd.s32 $0x1000, s12;
	s10 =	sadd.s32 $0x2000, s12;
	s11 =	sadd.s32 $0x3000, s12  }
0xf: {  	s15 =	sshrl.u32 s15, $0x3;
	s12 =	sadd.s32 $0x4000, s12;
	s14 =	smax.u32 s14, $0x1  }
0x10: {  	s7 =	sadd.s32 s7, s5;
	s5 =	sadd.s32 $0x74200, s5;
	s13 =	sadd.s32 s13, s15  }
0x11: {  	s15 =	simm.s32 $0x3;
	s6 =	sadd.s32 $0xFE00, s7;
	s7 =	sadd.s32 $0x5E00, s7  }
.LBB2_1:
0x12: {  	[tilespmem:s3], [sflag:$0x3] =	stream.linear.gather [hbm4b:s6+s3], $0x2800, $0x38;
	[tilespmem:$0xD000] =	vst v63  }
0x13: {  	_ =	swait.ge [sflag:s15], $0x2800  }
0x14: {  	[sflag:s15] =	ssyncset.done $0x0  }
0x15: {  	[sflag:s15] =	ssyncadd.s32 $0xFFFFD800  }
0x16: {  	[tilespmem:s16], [sflag:$0x3] =	stream.linear.gather [hbm4b:s7+s3], $0x2800, $0x38;
	[tilespmem:$0xD000] =	vst v63  }
0x17: {  	_ =	swait.ge [sflag:s15], $0x2800  }
0x18: {  	[sflag:s15] =	ssyncset.done $0x0  }
0x19: {  	[sflag:s15] =	ssyncadd.s32 $0xFFFFD800  }
0x1a: {  	[tilespmem:s17], [sflag:$0x3] =	stream.linear.gather [hbm4b:s5+s3], $0x1000, $0x38;
	[tilespmem:$0xD000] =	vst v63  }
0x1b: {  	_ =	swait.ge [sflag:s15], $0x1000  }
0x1c: {  	[sflag:s15] =	ssyncset.done $0x0  }
0x1d: {  	[sflag:s15] =	ssyncadd.s32 $0xFFFFF000  }
0x1e: {  	[spmem:s8] =	stream.linear.scatter [tilespmem:s17], [sflag:$0x3], $0x1000, $0x38;
	[tilespmem:$0xD000] =	vst v63  }
0x1f: {  	_ =	swait.ge [sflag:s15], $0x1000  }
0x20: {  	[sflag:s15] =	ssyncset.done $0x0  }
0x21: {  	[sflag:s15] =	ssyncadd.s32 $0xFFFFF000  }
0x22: {  	[spmem:s9] =	stream.linear.scatter [tilespmem:s17], [sflag:$0x3], $0x1000, $0x38;
	[tilespmem:$0xD000] =	vst v63  }
0x23: {  	_ =	swait.ge [sflag:s15], $0x1000  }
0x24: {  	[sflag:s15] =	ssyncset.done $0x0  }
0x25: {  	[sflag:s15] =	ssyncadd.s32 $0xFFFFF000  }
0x26: {  	[spmem:s10] =	stream.linear.scatter [tilespmem:s17], [sflag:$0x3], $0x1000, $0x38;
	[tilespmem:$0xD000] =	vst v63  }
0x27: {  	_ =	swait.ge [sflag:s15], $0x1000  }
0x28: {  	[sflag:s15] =	ssyncset.done $0x0  }
0x29: {  	[sflag:s15] =	ssyncadd.s32 $0xFFFFF000  }
0x2a: {  	[spmem:s11] =	stream.linear.scatter [tilespmem:s17], [sflag:$0x3], $0x1000, $0x38;
	[tilespmem:$0xD000] =	vst v63  }
0x2b: {  	_ =	swait.ge [sflag:s15], $0x1000  }
0x2c: {  	[sflag:s15] =	ssyncset.done $0x0  }
0x2d: {  	[sflag:s15] =	ssyncadd.s32 $0xFFFFF000  }
0x2e: {  	[spmem:s12] =	stream.linear.scatter [tilespmem:s17], [sflag:$0x3], $0x1000, $0x38;
	[tilespmem:$0xD000] =	vst v63  }
0x2f: {  	_ =	swait.ge [sflag:s15], $0x1000  }
0x30: {  	[sflag:s15] =	ssyncset.done $0x0  }
0x31: {  	[sflag:s15] =	ssyncadd.s32 $0xFFFFF000  }
0x32: {  	[bflag:$0x0] =	sbarrier.arrive $0xFFFF  }
0x33: {  	[tilespmem:s19], [sflag:$0x1] =	stream.indirect.gather [hbm4b:s4+s18], $0x20, s3, s18, $0xb8;
	[tilespmem:$0xD000] =	vst v63  }
0x34: {  	s28 =	simm.s32 $0x80  }
0x35: {  	[tilespmem:s20], [sflag:$0x2] =	stream.indirect.gather [hbm4b:s4+s18], $0x20, s28, s18, $0xb8;
	[tilespmem:$0xD000] =	vst v63  }
0x36: {  	_ =	swait.ge [sflag:s21], $0x1000  }
0x37: {  	[sflag:s21] =	ssyncset.done $0x0  }
0x38: {  	s28 =	simm.s32 $0x2800;
	[sflag:s21] =	ssyncadd.s32 $0xFFFFF000  }
0x39: {  	[spmem:s2] =	stream.indirect.scatter.add.f32 [tilespmem:s19], [sflag:$0x3], $0x20, s28, s18, $0xb8;
	[tilespmem:$0xD000] =	vst v63  }
0x3a: {  	_ =	swait.ge [sflag:s15], $0x1000  }
0x3b: {  	[sflag:s15] =	ssyncset.done $0x0  }
0x3c: {  	s28 =	simm.s32 $0x100;
	[sflag:s15] =	ssyncadd.s32 $0xFFFFF000  }
0x3d: {  	[tilespmem:s19], [sflag:$0x1] =	stream.indirect.gather [hbm4b:s4+s18], $0x20, s28, s18, $0xb8;
	[tilespmem:$0xD000] =	vst v63  }
0x3e: {  	_ =	swait.ge [sflag:s22], $0x1000  }
0x3f: {  	[sflag:s22] =	ssyncset.done $0x0  }
0x40: {  	s28 =	simm.s32 $0x2880;
	[sflag:s22] =	ssyncadd.s32 $0xFFFFF000  }
0x41: {  	[spmem:s2] =	stream.indirect.scatter.add.f32 [tilespmem:s20], [sflag:$0x3], $0x20, s28, s18, $0xb8;
	[tilespmem:$0xD000] =	vst v63  }
0x42: {  	_ =	swait.ge [sflag:s15], $0x1000  }
0x43: {  	s29 =	simm.s32 $0x800;
	s28 =	simm.s32 $0x100;
	[sflag:s15] =	ssyncset.done $0x0  }
.LBB2_2:
0x44: {  	s30 =	sadd.s32 $0x80, s28  }
0x45: {  	[sflag:s15] =	ssyncadd.s32 $0xFFFFF000;
	s31 =	smov.u32 s29;
	s0 =	sadd.s32 $0x400, s29  }
0x46: {  	[tilespmem:s20], [sflag:$0x2] =	stream.indirect.gather [hbm4b:s4+s18], $0x20, s30, s18, $0xb8;
	[tilespmem:$0xD000] =	vst v63  }
0x47: {  	p0 =	sne.s32 s29, $0x9800;
	_ =	swait.ge [sflag:s21], $0x1000  }
0x48: {  	[sflag:s21] =	ssyncset.done $0x0  }
0x49: {  	s29 =	sadd.s32 $0x2800, s28;
	[sflag:s21] =	ssyncadd.s32 $0xFFFFF000  }
0x4a: {  	[spmem:s2] =	stream.indirect.scatter.add.f32 [tilespmem:s19], [sflag:$0x3], $0x20, s29, s18, $0xb8;
	[tilespmem:$0xD000] =	vst v63  }
0x4b: {  	_ =	swait.ge [sflag:s15], $0x1000  }
0x4c: {  	[sflag:s15] =	ssyncset.done $0x0  }
0x4d: {  	s29 =	sadd.s32 $0x100, s28;
	[sflag:s15] =	ssyncadd.s32 $0xFFFFF000  }
0x4e: {  	[tilespmem:s19], [sflag:$0x1] =	stream.indirect.gather [hbm4b:s4+s18], $0x20, s29, s18, $0xb8;
	[tilespmem:$0xD000] =	vst v63  }
0x4f: {  	_ =	swait.ge [sflag:s22], $0x1000  }
.Ltmp0:
0x50: {  	[sflag:s22] =	ssyncset.done $0x0;
	(pc) =	sbr.rel @p0 .LBB2_2-.Ltmp0, $4  }
0x51: {  	s28 =	sadd.s32 $0x2880, s28;
	[sflag:s22] =	ssyncadd.s32 $0xFFFFF000  }
0x52: {  	[spmem:s2] =	stream.indirect.scatter.add.f32 [tilespmem:s20], [sflag:$0x3], $0x20, s28, s18, $0xb8;
	[tilespmem:$0xD000] =	vst v63  }
0x53: {  	_ =	swait.ge [sflag:s15], $0x1000  }
0x54: {  	s29 =	smov.u32 s0;
	s28 =	sshra.s32 s31, $0x2;
	[sflag:s15] =	ssyncset.done $0x0  }
0x55: {  	s0 =	sadd.s32 $0x80, s28;
	[sflag:s15] =	ssyncadd.s32 $0xFFFFF000  }
0x56: {  	[tilespmem:s20], [sflag:$0x2] =	stream.indirect.gather [hbm4b:s4+s18], $0x20, s0, s18, $0xb8;
	[tilespmem:$0xD000] =	vst v63  }
0x57: {  	_ =	swait.ge [sflag:s21], $0x1000  }
0x58: {  	[sflag:s21] =	ssyncset.done $0x0  }
0x59: {  	s30 =	sadd.s32 $0x2800, s28;
	[sflag:s21] =	ssyncadd.s32 $0xFFFFF000  }
0x5a: {  	[spmem:s2] =	stream.indirect.scatter.add.f32 [tilespmem:s19], [sflag:$0x3], $0x20, s30, s18, $0xb8;
	[tilespmem:$0xD000] =	vst v63  }
0x5b: {  	_ =	swait.ge [sflag:s15], $0x1000  }
0x5c: {  	[sflag:s15] =	ssyncset.done $0x0  }
0x5d: {  	s31 =	sadd.s32 $0x100, s28;
	[sflag:s15] =	ssyncadd.s32 $0xFFFFF000  }
0x5e: {  	[tilespmem:s19], [sflag:$0x1] =	stream.indirect.gather [hbm4b:s4+s18], $0x20, s31, s18, $0xb8;
	[tilespmem:$0xD000] =	vst v63  }
0x5f: {  	_ =	swait.ge [sflag:s22], $0x1000  }
0x60: {  	[sflag:s22] =	ssyncset.done $0x0  }
0x61: {  	s29 =	sadd.s32 $0x2880, s28;
	[sflag:s22] =	ssyncadd.s32 $0xFFFFF000  }
0x62: {  	[spmem:s2] =	stream.indirect.scatter.add.f32 [tilespmem:s20], [sflag:$0x3], $0x20, s29, s18, $0xb8;
	[tilespmem:$0xD000] =	vst v63  }
0x63: {  	_ =	swait.ge [sflag:s15], $0x1000  }
0x64: {  	[sflag:s15] =	ssyncset.done $0x0  }
0x65: {  	[sflag:s15] =	ssyncadd.s32 $0xFFFFF000  }
0x66: {  	[tilespmem:s20], [sflag:$0x2] =	stream.indirect.gather [hbm4b:s4+s18], $0x20, s23, s18, $0xb8;
	[tilespmem:$0xD000] =	vst v63  }
0x67: {  	_ =	swait.ge [sflag:s21], $0x1000  }
0x68: {  	[sflag:s21] =	ssyncset.done $0x0  }
0x69: {  	[sflag:s21] =	ssyncadd.s32 $0xFFFFF000  }
0x6a: {  	[spmem:s2] =	stream.indirect.scatter.add.f32 [tilespmem:s19], [sflag:$0x3], $0x20, s24, s18, $0xb8;
	[tilespmem:$0xD000] =	vst v63  }
0x6b: {  	_ =	swait.ge [sflag:s15], $0x1000  }
0x6c: {  	[sflag:s15] =	ssyncset.done $0x0  }
0x6d: {  	[sflag:s15] =	ssyncadd.s32 $0xFFFFF000  }
0x6e: {  	_ =	swait.ge [sflag:s22], $0x1000  }
0x6f: {  	[sflag:s22] =	ssyncset.done $0x0  }
0x70: {  	[sflag:s22] =	ssyncadd.s32 $0xFFFFF000  }
0x71: {  	[spmem:s2] =	stream.indirect.scatter.add.f32 [tilespmem:s20], [sflag:$0x3], $0x20, s25, s18, $0xb8;
	[tilespmem:$0xD000] =	vst v63  }
0x72: {  	_ =	swait.ge [sflag:s15], $0x1000  }
0x73: {  	s26 =	sadd.s32 $0x1, s26;
	s30 =	sshll.u32 s1, $0x6;
	[sflag:s15] =	ssyncset.done $0x0  }
0x74: {  	p0 =	sne.s32 s26, s14;
	s0 =	sor.u32 $0x1C03, s30;
	[sflag:s15] =	ssyncadd.s32 $0xFFFFF000  }
.Ltmp1:
0x75: {  	s31 =	sshrl.u32 s8, $0x3;
	[bflag:$0x0] =	sbarrier.arrive $0xFFFF;
	(pc) =	sbr.rel @p0 .LBB2_1-.Ltmp1, $4  }
0x76: {  	[hbm:s13], [sflag:s0] =	dma.local [spmem:s31], $0xA00  }
0x77: {  	_ =	swait.ge [sflag:s15], $0xA00  }
0x78: {  	[sflag:s15] =	ssyncset.done $0x0  }
0x79: {  	[sflag:s15] =	ssyncadd.s32 $0xFFFFF600  }
0x7a: {  	_ =	sfence.sel $0x180000  }
0x7b: {  	[bflag:$0x0] =	sbarrier.arrive $0xFFFF  }
0x7c: {  	_ =	strace $0x90000050  }
0x7d: {  	[bflag:$0x2] =	sbarrier.arrive $0xFFFF  }
0x7e: {  	p0 =	sne.s32 s1, $0x0;
	s0 =	rddreg [dreg:$0x3]  }
0x7f: {  	s0 =	sadd.s32 @!p0 $0x100000, s0  }
0x80: {  	[sflag:s0] =	ssyncadd.tile.s32 @!p0 $0x1;
	_ =	shalt  }
.Lfunc_end2:
_tile_overlayer_lowered:
.L_overlay_start_2:
0x81: {  	(tag) =	ssettag $0x2  }
0x82: {  	s0 =	rddreg [dreg:$0x0];
	s2 =	stileid.u32  }
0x83: {  	s1 =	rddreg [dreg:$0x1];
	p0 =	sne.s32 s2, $0x0  }
0x84: {  	s3 =	rddreg [dreg:$0x2];
	[bflag:$0x3] =	sbarrier.arrive $0xFFFF;
	s2 =	simm.s32 @!p0 $0x1C03  }
0x85: {  	[timem:s3], [sflag:s2] =	dma.local @!p0 [hbm:s0], s1  }
0x86: {  	s0 =	simm.s32 @!p0 $0x3  }
0x87: {  	_ =	swait.ge @!p0 [sflag:s0], s1  }
0x88: {  	s1 =	ssub.s32 @!p0 $0x0, s1;
	[sflag:s0] =	ssyncset.done @!p0 $0x0  }
0x89: {  	[sflag:s0] =	ssyncadd.s32 @!p0 s1  }
0x8a: {  	[bflag:$0x3] =	sbarrier.arrive $0xFFFF  }
0x8b: {  	_ =	shalt  }

// kernel: kernel.29.cloned.1.call-start
scs
__scs_entry_jumppad:
0x0: {  	(pc) =	sbr.rel $0x88, $3  }
0x1: {  	(tag) =	ssettag $0x0;
	lr =	simm.s32 $0x1  }
0x2: {  	[smem:$0x3F93] =	sst lr;
	_ =	strace $0xD0000000  }
0x3: {  	_ = 	snop  }
0x4: {  	_ = 	snop  }
0x5: {  	_ = 	snop  }
0x6: {  	_ = 	snop  }
0x7: {  	_ = 	snop  }
__scs_overlays_trampoline_lowered:
0x8: {  	[smem:$0x3FA2] =	sst s0  }
0x9: {  	[smem:$0x3FA3] =	sst s1  }
0xa: {  	[smem:$0x3FA4] =	sst s2  }
0xb: {  	[smem:$0x3FA5] =	sst s3  }
0xc: {  	[smem:$0x3FA6] =	sst s4  }
0xd: {  	[smem:$0x3FA7] =	sst s5  }
0xe: {  	[smem:$0x3FA8] =	sst s6  }
0xf: {  	[smem:$0x3FA9] =	sst s7  }
0x10: {  	[smem:$0x3FAA] =	sst s8  }
0x11: {  	[smem:$0x3FAB] =	sst s9;
	s0 =	simm.s32 @!p0 $0x0  }
0x12: {  	s1 =	sld [smem:$0x3F91];
	s0 =	simm.s32 @p0 $0x1  }
0x13: {  	[smem:$0x3FAC] =	sst s0;
	s0 =	simm.s32 @!p1 $0x0  }
0x14: {  	s2 =	sld [smem:$0x3F90];
	s0 =	simm.s32 @p1 $0x1  }
0x15: {  	[smem:$0x3FAD] =	sst s0;
	s0 =	simm.s32 @!p2 $0x0  }
0x16: {  	s3 =	sld [smem:$0x3FDB];
	s0 =	simm.s32 @p2 $0x1  }
0x17: {  	s4 =	simm.s32 $0x1BF5;
	[smem:$0x3FAF] =	sst s0  }
0x18: {  	s0 =	sld [smem:$0x3F92];
	_ =	swait.ge [sflag:s4], $0x0  }
0x19: {  	s7 =	sld [smem:$0x3F93]  }
0x1a: {  	s8 =	sadd.s32 $0xFFFFE003, lr  }
0x1b: {  	s9 =	sadd.s32 $0xFFFFFEF7, lr;
	s5 =	simm.s32 $0xFFFFFFFF;
	p2 =	slt.u32 s8, $0xFFFFF086  }
0x1c: {  	p1 =	slt.u32 s9, $0xF7A;
	s5 =	simm.s32 @!p2 $0x0  }
0x1d: {  	s5 =	simm.s32 @p1 $0x1;
	p0 =	seq.s32 s7, s2  }
0x1e: {  	s7 =	smul.u32 @!p0 $0xF7A, s2;
	p2 =	seq.s32 @!p0 s5, $0x0  }
0x1f: {  	s9 =	smul.u32 $0xF7A, s1;
	s8 =	simm.s32 @!p0 $0x1BF5;
	p2 =	por !p2, p0  }
0x20: {  	[sflag:s8] =	ssyncset.s32 @!p0 $0xFFFFF086;
	s6 =	sadd.s32 @!p0 s3, s7;
	s7 =	simm.s32 @!p0 $0x108  }
0x21: {  	s3 =	sadd.s32 s3, s9;
	s6 =	sadd.s32 @!p0 $0x88, s6;
	s7 =	simm.s32 @p2 $0x1082  }
0x22: {  	[simem:s7], [sflag:s8] =	dma.local @!p0 [hbm:s6], $0xF7A  }
0x23: {  	s9 =	sor.u32 $0xD0000000, s2;
	s6 =	simm.s32 $0x108;
	_ =	swait.ge @!p0 [sflag:s8], $0x0  }
0x24: {  	s3 =	sadd.s32 $0x88, s3;
	s6 =	simm.s32 @!p1 $0x1082;
	[sflag:s4] =	ssyncset.s32 $0xFFFFF086  }
0x25: {  	[simem:s6], [sflag:s4] =	dma.local [hbm:s3], $0xF7A  }
0x26: {  	[smem:$0x3F93] =	sst s1;
	(tag) =	ssettag s2;
	_ =	strace s9  }
0x27: {  	s1 =	sld [smem:$0x3FA3]  }
0x28: {  	s2 =	sld [smem:$0x3FA4]  }
0x29: {  	s4 =	sld [smem:$0x3FA6]  }
0x2a: {  	p0 =	seq.s32 s5, $0x0;
	s5 =	sld [smem:$0x3FA7]  }
0x2b: {  	s6 =	sld [smem:$0x3FA8]  }
0x2c: {  	s7 =	sld [smem:$0x3FA9]  }
0x2d: {  	s3 =	simm.s32 $0x108;
	s8 =	sld [smem:$0x3FAA]  }
0x2e: {  	s3 =	simm.s32 @!p0 $0x1082;
	s9 =	sld [smem:$0x3FAB]  }
0x2f: {  	lr =	sadd.s32 s0, s3;
	s0 =	sld [smem:$0x3FA2]  }
0x30: {  	s3 =	sld [smem:$0x3FA5]  }
0x31: {  	[smem:$0x3FAE] =	sst s10  }
0x32: {  	s10 =	sld [smem:$0x3FAC];
	_ =	sdelay $0x3  }
0x33: {  	p0 =	seq.s32 s10, $0x1;
	s10 =	sld [smem:$0x3FAE];
	_ =	sdelay $0x3  }
0x34: {  	[smem:$0x3FAE] =	sst s10  }
0x35: {  	s10 =	sld [smem:$0x3FAD];
	_ =	sdelay $0x3  }
0x36: {  	p1 =	seq.s32 s10, $0x1;
	s10 =	sld [smem:$0x3FAE];
	_ =	sdelay $0x3  }
0x37: {  	[smem:$0x3FAE] =	sst s10  }
0x38: {  	s10 =	sld [smem:$0x3FAF]  }
0x39: {  	_ = 	snop;
	(pc) =	sbr.ind lr, $3  }
0x3a: {  	_ = 	snop  }
0x3b: {  	_ = 	snop  }
0x3c: {  	p2 =	seq.s32 s10, $0x1;
	s10 =	sld [smem:$0x3FAE]  }
0x3d: {  	_ =	shalt  }
0x3e: {  	_ =	shalt  }
0x3f: {  	_ =	shalt  }
0x40: {  	_ =	shalt  }
0x41: {  	_ =	shalt  }
0x42: {  	_ =	shalt  }
0x43: {  	_ =	shalt  }
0x44: {  	_ =	shalt  }
0x45: {  	_ =	shalt  }
0x46: {  	_ =	shalt  }
0x47: {  	_ =	shalt  }
0x48: {  	_ =	shalt  }
0x49: {  	_ =	shalt  }
0x4a: {  	_ =	shalt  }
0x4b: {  	_ =	shalt  }
0x4c: {  	_ =	shalt  }
0x4d: {  	_ =	shalt  }
0x4e: {  	_ =	shalt  }
0x4f: {  	_ =	shalt  }
0x50: {  	_ =	shalt  }
0x51: {  	_ =	shalt  }
0x52: {  	_ =	shalt  }
0x53: {  	_ =	shalt  }
0x54: {  	_ =	shalt  }
0x55: {  	_ =	shalt  }
0x56: {  	_ =	shalt  }
0x57: {  	_ =	shalt  }
0x58: {  	_ =	shalt  }
0x59: {  	_ =	shalt  }
0x5a: {  	_ =	shalt  }
0x5b: {  	_ =	shalt  }
0x5c: {  	_ =	shalt  }
0x5d: {  	_ =	shalt  }
0x5e: {  	_ =	shalt  }
0x5f: {  	_ =	shalt  }
0x60: {  	_ =	shalt  }
0x61: {  	_ =	shalt  }
0x62: {  	_ =	shalt  }
0x63: {  	_ =	shalt  }
0x64: {  	_ =	shalt  }
0x65: {  	_ =	shalt  }
0x66: {  	_ =	shalt  }
0x67: {  	_ =	shalt  }
0x68: {  	_ =	shalt  }
0x69: {  	_ =	shalt  }
0x6a: {  	_ =	shalt  }
0x6b: {  	_ =	shalt  }
0x6c: {  	_ =	shalt  }
0x6d: {  	_ =	shalt  }
0x6e: {  	_ =	shalt  }
0x6f: {  	_ =	shalt  }
0x70: {  	_ =	shalt  }
0x71: {  	_ =	shalt  }
0x72: {  	_ =	shalt  }
0x73: {  	_ =	shalt  }
0x74: {  	_ =	shalt  }
0x75: {  	_ =	shalt  }
0x76: {  	_ =	shalt  }
0x77: {  	_ =	shalt  }
0x78: {  	_ =	shalt  }
0x79: {  	_ =	shalt  }
0x7a: {  	_ =	shalt  }
0x7b: {  	_ =	shalt  }
0x7c: {  	_ =	shalt  }
0x7d: {  	_ =	shalt  }
0x7e: {  	_ =	shalt  }
0x7f: {  	_ =	shalt  }
0x80: {  	_ =	shalt  }
0x81: {  	_ =	shalt  }
0x82: {  	_ =	shalt  }
0x83: {  	_ =	shalt  }
0x84: {  	_ =	shalt  }
0x85: {  	_ =	shalt  }
0x86: {  	_ =	shalt  }
0x87: {  	_ =	shalt  }
.Lfunc_end0:
.L_simem_size_0:
called_computation.4_lowered:
.L_overlay_start_0:
0x88: {  	s2 =	sld [smem:$0x3FD9]  }
0x89: {  	s3 =	sld [smem:$0x3FFE];
	_ =	sdelay $0x1  }
0x8a: {  	s1 =	srdreg.scid  }
0x8b: {  	s0 =	sand.u32 $0x1, s1  }
0x8c: {  	s14 =	sshll.u32 s0, $0xA;
	s2 =	sadd.s32 s3, s2  }
0x8d: {  	s2 =	sadd.s32 s2, s14  }
0x8e: {  	[smem:$0x3FBA] =	sst s2  }
0x8f: {  	_ = 	snop  }
0x90: {  	s2 =	sld [smem:$0x3FD0];
	_ =	sdelay $0x2  }
0x91: {  	s15 =	simm.s32 $0xB;
	s4 =	simm.s32 $0x10  }
0x92: {  	[smem:s4], [sflag:s15] =	dma.local [hbm:s2], $0x1  }
0x93: {  	_ =	swait.eq [sflag:s15], $0x1  }
0x94: {  	[sflag:s15] =	ssyncset.done $0x0  }
0x95: {  	[sflag:s15] =	ssyncadd.s32 $0xFFFFFFFF  }
0x96: {  	s16 =	sld [smem:$0x10];
	(tm) =	ssettm $0x1  }
0x97: {  	s17 =	sld [smem:$0x3FFB];
	_ =	sdelay $0x3  }
0x98: {  	_ =	strace s17  }
0x99: {  	s3 =	sld [smem:$0x3FFC];
	_ =	sdelay $0x3  }
0x9a: {  	_ =	strace s3  }
0x9b: {  	s3 =	sld [smem:$0x3FFD];
	_ =	sdelay $0x3  }
0x9c: {  	_ =	strace s3  }
0x9d: {  	_ =	strace $0x8FFFFFFF  }
0x9e: {  	s18 =	sld [smem:$0x3FDB];
	_ =	sdelay $0x1  }
0x9f: {  	s19 =	simm.s32 $_scs_section_size  }
0xa0: {  	s5 =	simm.s32 $_size__tile_overlayer_lowered;
	s6 =	simm.s32 $_tile_overlayer_lowered  }
0xa1: {  	s22 =	simm.s32 $0x1BFF;
	s21 =	sshll.u32 s6, $0x1;
	s3 =	sadd.s32 s19, s18  }
0xa2: {  	s7 =	simm.s32 $0x0;
	s20 =	sshll.u32 s5, $0x1;
	s5 =	sadd.s32 s21, s3  }
0xa3: {  	[timem:s7], [sflag:s22] =	dma.local [hbm:s5], s20  }
0xa4: {  	_ =	swait.ge [sflag:s22], s20  }
0xa5: {  	s4 =	ssub.s32 $0x0, s20;
	[sflag:s22] =	ssyncset.done $0x0  }
0xa6: {  	[sflag:s22] =	ssyncadd.s32 s4;
	_ =	sdelay $0x1  }
0xa7: {  	s23 =	simm.s32 $0x1B8B  }
0xa8: {  	_ =	swait.ge [sflag:s23], $0x1  }
0xa9: {  	[sflag:s23] =	ssyncset.done $0x0  }
0xaa: {  	s25 =	simm.s32 $0x1B8E;
	s24 =	sld [smem:$0x3FFE];
	[sflag:s23] =	ssyncadd.s32 $0xFFFFFFFF  }
0xab: {  	s26 =	simm.s32 $execute0_lowered;
	[smem:$0x3FD2] =	sst s25  }
0xac: {  	s5 =	sshll.u32 s26, $0x1;
	_ =	strace $0x80000052;
	[dreg:$0x1] =	wrdreg $0xFFFFFFFF  }
0xad: {  	s28 =	simm.s32 $_size_execute0_lowered;
	s3 =	sadd.s32 s3, s5;
	[dreg:$0x0] =	wrdreg $0x0  }
0xae: {  	s5 =	sshll.u32 s28, $0x1;
	[dreg:$0x2] =	wrdreg s3  }
0xaf: {  	[dreg:$0x3] =	wrdreg s5  }
0xb0: {  	[dreg:$0x4] =	wrdreg $0xC0  }
0xb1: {  	_ =	task [dreg:s7], $0x5FFFF  }
0xb2: {  	[dreg:$0x1] =	wrdreg $0xFFFFFFFF  }
0xb3: {  	[dreg:$0x0] =	wrdreg $0x60  }
0xb4: {  	[dreg:$0x2] =	wrdreg s16  }
0xb5: {  	[dreg:$0x3] =	wrdreg s24  }
0xb6: {  	[dreg:$0x4] =	wrdreg $0xB0000  }
0xb7: {  	[dreg:$0x5] =	wrdreg $0x9  }
0xb8: {  	_ =	task.clear_ibuf [dreg:s7], $0x6FFFF;
	_ =	strace $0x90000052  }
0xb9: {  	s29 =	simm.s32 $0x9;
	_ =	strace $0x80000054  }
0xba: {  	_ =	swait.ge [sflag:s29], $0x1  }
0xbb: {  	[sflag:s29] =	ssyncadd.s32 $0xFFFFFFFF  }
0xbc: {  	_ =	strace $0x90000054  }
0xbd: {  	_ =	sfence  }
0xbe: {  	s30 =	sld [smem:$0x0];
	_ =	sdelay $0x2  }
0xbf: {  	s31 =	sshll.u32 s1, $0xD;
	s1 =	sshrl.u32 s1, $0x2  }
0xc0: {  	s3 =	sand.u32 $0x4000, s31;
	s1 =	sadd.s32 s1, s30  }
0xc1: {  	s0 =	sor.u32 s3, s0;
	s1 =	sshll.u32 s1, $0x11  }
0xc2: {  	s0 =	sor.u32 s1, s0  }
0xc3: {  	s0 =	sadd.s32 $0x8F2B, s0  }
0xc4: {  	[sflag:s0] =	ssyncadd.remote.s32 $0x1  }
0xc5: {  	_ =	sfence.sel $0xFFFF  }
0xc6: {  	[dreg:$0x0] =	wrdreg $0xFFFFFFFF;
	(pc) =	sbr.abs _section_cstart, $3  }
0xc7: {  	[dreg:$0x1] =	wrdreg $0xFFFFFFFF  }
0xc8: {  	_ =	task.clear_ibuf [dreg:s7], $0x2FFFF;
	_ =	strace $0x9FFFFFFF  }
0xc9: {  	(tm) =	ssettm $0x7FFFFFFF  }
tec
execute0_lowered:
.L_overlay_start_1:
0x0: {  	(tag) =	ssettag $0x1  }
0x1: {  	s2 =	rddreg [dreg:$0x0]  }
0x2: {  	s6 =	rddreg [dreg:$0x1]  }
0x3: {  	s0 =	srdreg.scid;
	s3 =	rddreg [dreg:$0x2]  }
0x4: {  	s4 =	simm.s32 $0x0;
	s15 =	simm.s32 $0x3;
	s16 =	simm.s32 $0x2800  }
0x5: {  	s17 =	simm.s32 $0x9000;
	s18 =	simm.s32 $0x80;
	s19 =	simm.s32 $0x5000  }
0x6: {  	s20 =	simm.s32 $0x7000;
	s21 =	simm.s32 $0x1;
	s22 =	simm.s32 $0x2  }
0x7: {  	s23 =	simm.s32 $0x2780;
	s24 =	simm.s32 $0x4F00;
	s25 =	simm.s32 $0x4F80  }
0x8: {  	s26 =	simm.s32 $0x0;
	s5 =	sand.u32 $0x1, s0;
	s0 =	stileid.u32  }
0x9: {  	[smem:$0x7FF] =	sst s4;
	s1 =	sshll.u32 s5, $0x4;
	s8 =	smul.u32 $0xA000, s0  }
0xa: {  	s9 =	smul.u32 $0xA0000, s5;
	_ =	strace $0x80000053;
	s10 =	ssub.s32 $0x2, s5  }
0xb: {  	s11 =	smul.u32 $0x28000, s0;
	s5 =	sadd.s32 $0x69E00, s6;
	s1 =	sor.u32 s0, s1  }
0xc: {  	s30 =	sshrl.u32 s10, $0x1;
	s7 =	smul.u32 $0x500, s1;
	s9 =	sadd.s32 s8, s9  }
0xd: {  	s14 =	ssub.s32 s10, s30;
	s31 =	sshrl.u32 s11, $0x2;
	s8 =	sadd.s32 s8, s3  }
0xe: {  	s9 =	sshrl.u32 s9, $0x3;
	s12 =	sadd.s32 s31, s3;
	s14 =	smax.u32 s14, $0x1  }
0xf: {  	s7 =	sadd.s32 s7, s6;
	s13 =	sadd.s32 s9, s6;
	s9 =	sadd.s32 $0x2000, s12  }
0x10: {  	s10 =	sadd.s32 $0x4000, s12;
	s11 =	sadd.s32 $0x6000, s12;
	s12 =	sadd.s32 $0x8000, s12  }
0x11: {  	s6 =	sadd.s32 $0xFE00, s7;
	s7 =	sadd.s32 $0x5E00, s7;
	s13 =	sadd.s32 $0x6A200, s13  }
.LBB2_1:
0x12: {  	[tilespmem:s4], [sflag:$0x3] =	stream.linear.gather [hbm4b:s6+s4], $0x2800, $0x38;
	[tilespmem:$0x15000] =	vst v63  }
0x13: {  	_ =	swait.ge [sflag:s15], $0x2800  }
0x14: {  	[sflag:s15] =	ssyncset.done $0x0  }
0x15: {  	[sflag:s15] =	ssyncadd.s32 $0xFFFFD800  }
0x16: {  	[tilespmem:s16], [sflag:$0x3] =	stream.linear.gather [hbm4b:s7+s4], $0x2800, $0x38;
	[tilespmem:$0x15000] =	vst v63  }
0x17: {  	_ =	swait.ge [sflag:s15], $0x2800  }
0x18: {  	[sflag:s15] =	ssyncset.done $0x0  }
0x19: {  	[sflag:s15] =	ssyncadd.s32 $0xFFFFD800  }
0x1a: {  	[tilespmem:s17], [sflag:$0x3] =	stream.linear.gather [hbm4b:s5+s4], $0x2000, $0x38;
	[tilespmem:$0x15000] =	vst v63  }
0x1b: {  	_ =	swait.ge [sflag:s15], $0x2000  }
0x1c: {  	[sflag:s15] =	ssyncset.done $0x0  }
0x1d: {  	[sflag:s15] =	ssyncadd.s32 $0xFFFFE000  }
0x1e: {  	[spmem:s8] =	stream.linear.scatter [tilespmem:s17], [sflag:$0x3], $0x2000, $0x38;
	[tilespmem:$0x15000] =	vst v63  }
0x1f: {  	_ =	swait.ge [sflag:s15], $0x2000  }
0x20: {  	[sflag:s15] =	ssyncset.done $0x0  }
0x21: {  	[sflag:s15] =	ssyncadd.s32 $0xFFFFE000  }
0x22: {  	[spmem:s9] =	stream.linear.scatter [tilespmem:s17], [sflag:$0x3], $0x2000, $0x38;
	[tilespmem:$0x15000] =	vst v63  }
0x23: {  	_ =	swait.ge [sflag:s15], $0x2000  }
0x24: {  	[sflag:s15] =	ssyncset.done $0x0  }
0x25: {  	[sflag:s15] =	ssyncadd.s32 $0xFFFFE000  }
0x26: {  	[spmem:s10] =	stream.linear.scatter [tilespmem:s17], [sflag:$0x3], $0x2000, $0x38;
	[tilespmem:$0x15000] =	vst v63  }
0x27: {  	_ =	swait.ge [sflag:s15], $0x2000  }
0x28: {  	[sflag:s15] =	ssyncset.done $0x0  }
0x29: {  	[sflag:s15] =	ssyncadd.s32 $0xFFFFE000  }
0x2a: {  	[spmem:s11] =	stream.linear.scatter [tilespmem:s17], [sflag:$0x3], $0x2000, $0x38;
	[tilespmem:$0x15000] =	vst v63  }
0x2b: {  	_ =	swait.ge [sflag:s15], $0x2000  }
0x2c: {  	[sflag:s15] =	ssyncset.done $0x0  }
0x2d: {  	[sflag:s15] =	ssyncadd.s32 $0xFFFFE000  }
0x2e: {  	[spmem:s12] =	stream.linear.scatter [tilespmem:s17], [sflag:$0x3], $0x2000, $0x38;
	[tilespmem:$0x15000] =	vst v63  }
0x2f: {  	_ =	swait.ge [sflag:s15], $0x2000  }
0x30: {  	[sflag:s15] =	ssyncset.done $0x0  }
0x31: {  	[sflag:s15] =	ssyncadd.s32 $0xFFFFE000  }
0x32: {  	[bflag:$0x0] =	sbarrier.arrive $0xFFFF  }
0x33: {  	[tilespmem:s19], [sflag:$0x1] =	stream.indirect.gather [hbm4b:s2+s18], $0x40, s4, s18, $0xb8;
	[tilespmem:$0x15000] =	vst v63  }
0x34: {  	s28 =	simm.s32 $0x80  }
0x35: {  	[tilespmem:s20], [sflag:$0x2] =	stream.indirect.gather [hbm4b:s2+s18], $0x40, s28, s18, $0xb8;
	[tilespmem:$0x15000] =	vst v63  }
0x36: {  	_ =	swait.ge [sflag:s21], $0x2000  }
0x37: {  	[sflag:s21] =	ssyncset.done $0x0  }
0x38: {  	s28 =	simm.s32 $0x2800;
	[sflag:s21] =	ssyncadd.s32 $0xFFFFE000  }
0x39: {  	[spmem:s3] =	stream.indirect.scatter.add.f32 [tilespmem:s19], [sflag:$0x3], $0x40, s28, s18, $0xb8;
	[tilespmem:$0x15000] =	vst v63  }
0x3a: {  	_ =	swait.ge [sflag:s15], $0x2000  }
0x3b: {  	[sflag:s15] =	ssyncset.done $0x0  }
0x3c: {  	s28 =	simm.s32 $0x100;
	[sflag:s15] =	ssyncadd.s32 $0xFFFFE000  }
0x3d: {  	[tilespmem:s19], [sflag:$0x1] =	stream.indirect.gather [hbm4b:s2+s18], $0x40, s28, s18, $0xb8;
	[tilespmem:$0x15000] =	vst v63  }
0x3e: {  	_ =	swait.ge [sflag:s22], $0x2000  }
0x3f: {  	[sflag:s22] =	ssyncset.done $0x0  }
0x40: {  	s28 =	simm.s32 $0x2880;
	[sflag:s22] =	ssyncadd.s32 $0xFFFFE000  }
0x41: {  	[spmem:s3] =	stream.indirect.scatter.add.f32 [tilespmem:s20], [sflag:$0x3], $0x40, s28, s18, $0xb8;
	[tilespmem:$0x15000] =	vst v63  }
0x42: {  	_ =	swait.ge [sflag:s15], $0x2000  }
0x43: {  	s29 =	simm.s32 $0x800;
	s28 =	simm.s32 $0x100;
	[sflag:s15] =	ssyncset.done $0x0  }
.LBB2_2:
0x44: {  	s30 =	sadd.s32 $0x80, s28  }
0x45: {  	[sflag:s15] =	ssyncadd.s32 $0xFFFFE000;
	s31 =	smov.u32 s29;
	s1 =	sadd.s32 $0x400, s29  }
0x46: {  	[tilespmem:s20], [sflag:$0x2] =	stream.indirect.gather [hbm4b:s2+s18], $0x40, s30, s18, $0xb8;
	[tilespmem:$0x15000] =	vst v63  }
0x47: {  	p0 =	sne.s32 s29, $0x9800;
	_ =	swait.ge [sflag:s21], $0x2000  }
0x48: {  	[sflag:s21] =	ssyncset.done $0x0  }
0x49: {  	s29 =	sadd.s32 $0x2800, s28;
	[sflag:s21] =	ssyncadd.s32 $0xFFFFE000  }
0x4a: {  	[spmem:s3] =	stream.indirect.scatter.add.f32 [tilespmem:s19], [sflag:$0x3], $0x40, s29, s18, $0xb8;
	[tilespmem:$0x15000] =	vst v63  }
0x4b: {  	_ =	swait.ge [sflag:s15], $0x2000  }
0x4c: {  	[sflag:s15] =	ssyncset.done $0x0  }
0x4d: {  	s29 =	sadd.s32 $0x100, s28;
	[sflag:s15] =	ssyncadd.s32 $0xFFFFE000  }
0x4e: {  	[tilespmem:s19], [sflag:$0x1] =	stream.indirect.gather [hbm4b:s2+s18], $0x40, s29, s18, $0xb8;
	[tilespmem:$0x15000] =	vst v63  }
0x4f: {  	_ =	swait.ge [sflag:s22], $0x2000  }
.Ltmp0:
0x50: {  	[sflag:s22] =	ssyncset.done $0x0;
	(pc) =	sbr.rel @p0 .LBB2_2-.Ltmp0, $4  }
0x51: {  	s28 =	sadd.s32 $0x2880, s28;
	[sflag:s22] =	ssyncadd.s32 $0xFFFFE000  }
0x52: {  	[spmem:s3] =	stream.indirect.scatter.add.f32 [tilespmem:s20], [sflag:$0x3], $0x40, s28, s18, $0xb8;
	[tilespmem:$0x15000] =	vst v63  }
0x53: {  	_ =	swait.ge [sflag:s15], $0x2000  }
0x54: {  	s29 =	smov.u32 s1;
	s28 =	sshra.s32 s31, $0x2;
	[sflag:s15] =	ssyncset.done $0x0  }
0x55: {  	s1 =	sadd.s32 $0x80, s28;
	[sflag:s15] =	ssyncadd.s32 $0xFFFFE000  }
0x56: {  	[tilespmem:s20], [sflag:$0x2] =	stream.indirect.gather [hbm4b:s2+s18], $0x40, s1, s18, $0xb8;
	[tilespmem:$0x15000] =	vst v63  }
0x57: {  	_ =	swait.ge [sflag:s21], $0x2000  }
0x58: {  	[sflag:s21] =	ssyncset.done $0x0  }
0x59: {  	s30 =	sadd.s32 $0x2800, s28;
	[sflag:s21] =	ssyncadd.s32 $0xFFFFE000  }
0x5a: {  	[spmem:s3] =	stream.indirect.scatter.add.f32 [tilespmem:s19], [sflag:$0x3], $0x40, s30, s18, $0xb8;
	[tilespmem:$0x15000] =	vst v63  }
0x5b: {  	_ =	swait.ge [sflag:s15], $0x2000  }
0x5c: {  	[sflag:s15] =	ssyncset.done $0x0  }
0x5d: {  	s31 =	sadd.s32 $0x100, s28;
	[sflag:s15] =	ssyncadd.s32 $0xFFFFE000  }
0x5e: {  	[tilespmem:s19], [sflag:$0x1] =	stream.indirect.gather [hbm4b:s2+s18], $0x40, s31, s18, $0xb8;
	[tilespmem:$0x15000] =	vst v63  }
0x5f: {  	_ =	swait.ge [sflag:s22], $0x2000  }
0x60: {  	[sflag:s22] =	ssyncset.done $0x0  }
0x61: {  	s29 =	sadd.s32 $0x2880, s28;
	[sflag:s22] =	ssyncadd.s32 $0xFFFFE000  }
0x62: {  	[spmem:s3] =	stream.indirect.scatter.add.f32 [tilespmem:s20], [sflag:$0x3], $0x40, s29, s18, $0xb8;
	[tilespmem:$0x15000] =	vst v63  }
0x63: {  	_ =	swait.ge [sflag:s15], $0x2000  }
0x64: {  	[sflag:s15] =	ssyncset.done $0x0  }
0x65: {  	[sflag:s15] =	ssyncadd.s32 $0xFFFFE000  }
0x66: {  	[tilespmem:s20], [sflag:$0x2] =	stream.indirect.gather [hbm4b:s2+s18], $0x40, s23, s18, $0xb8;
	[tilespmem:$0x15000] =	vst v63  }
0x67: {  	_ =	swait.ge [sflag:s21], $0x2000  }
0x68: {  	[sflag:s21] =	ssyncset.done $0x0  }
0x69: {  	[sflag:s21] =	ssyncadd.s32 $0xFFFFE000  }
0x6a: {  	[spmem:s3] =	stream.indirect.scatter.add.f32 [tilespmem:s19], [sflag:$0x3], $0x40, s24, s18, $0xb8;
	[tilespmem:$0x15000] =	vst v63  }
0x6b: {  	_ =	swait.ge [sflag:s15], $0x2000  }
0x6c: {  	[sflag:s15] =	ssyncset.done $0x0  }
0x6d: {  	[sflag:s15] =	ssyncadd.s32 $0xFFFFE000  }
0x6e: {  	_ =	swait.ge [sflag:s22], $0x2000  }
0x6f: {  	[sflag:s22] =	ssyncset.done $0x0  }
0x70: {  	[sflag:s22] =	ssyncadd.s32 $0xFFFFE000  }
0x71: {  	[spmem:s3] =	stream.indirect.scatter.add.f32 [tilespmem:s20], [sflag:$0x3], $0x40, s25, s18, $0xb8;
	[tilespmem:$0x15000] =	vst v63  }
0x72: {  	_ =	swait.ge [sflag:s15], $0x2000  }
0x73: {  	s26 =	sadd.s32 $0x1, s26;
	s30 =	sshll.u32 s0, $0x6;
	[sflag:s15] =	ssyncset.done $0x0  }
0x74: {  	p0 =	sne.s32 s26, s14;
	s1 =	sor.u32 $0x1C03, s30;
	[sflag:s15] =	ssyncadd.s32 $0xFFFFE000  }
.Ltmp1:
0x75: {  	s31 =	sshrl.u32 s8, $0x3;
	[bflag:$0x0] =	sbarrier.arrive $0xFFFF;
	(pc) =	sbr.rel @p0 .LBB2_1-.Ltmp1, $4  }
0x76: {  	[hbm:s13], [sflag:s1] =	dma.local [spmem:s31], $0x1400  }
0x77: {  	_ =	swait.ge [sflag:s15], $0x1400  }
0x78: {  	[sflag:s15] =	ssyncset.done $0x0  }
0x79: {  	[sflag:s15] =	ssyncadd.s32 $0xFFFFEC00  }
0x7a: {  	_ =	sfence.sel $0x180000  }
0x7b: {  	[bflag:$0x0] =	sbarrier.arrive $0xFFFF  }
0x7c: {  	_ =	strace $0x90000053  }
0x7d: {  	[bflag:$0x2] =	sbarrier.arrive $0xFFFF  }
0x7e: {  	p0 =	sne.s32 s0, $0x0;
	s0 =	rddreg [dreg:$0x3]  }
0x7f: {  	s0 =	sadd.s32 @!p0 $0x100000, s0  }
0x80: {  	[sflag:s0] =	ssyncadd.tile.s32 @!p0 $0x1;
	_ =	shalt  }
.Lfunc_end2:
_tile_overlayer_lowered:
.L_overlay_start_2:
0x81: {  	(tag) =	ssettag $0x2  }
0x82: {  	s0 =	rddreg [dreg:$0x0];
	s2 =	stileid.u32  }
0x83: {  	s1 =	rddreg [dreg:$0x1];
	p0 =	sne.s32 s2, $0x0  }
0x84: {  	s3 =	rddreg [dreg:$0x2];
	[bflag:$0x3] =	sbarrier.arrive $0xFFFF;
	s2 =	simm.s32 @!p0 $0x1C03  }
0x85: {  	[timem:s3], [sflag:s2] =	dma.local @!p0 [hbm:s0], s1  }
0x86: {  	s0 =	simm.s32 @!p0 $0x3  }
0x87: {  	_ =	swait.ge @!p0 [sflag:s0], s1  }
0x88: {  	s1 =	ssub.s32 @!p0 $0x0, s1;
	[sflag:s0] =	ssyncset.done @!p0 $0x0  }
0x89: {  	[sflag:s0] =	ssyncadd.s32 @!p0 s1  }
0x8a: {  	[bflag:$0x3] =	sbarrier.arrive $0xFFFF  }
0x8b: {  	_ =	shalt  }

// kernel: kernel.32.cloned.1.call-start
scs
__scs_entry_jumppad:
0x0: {  	(pc) =	sbr.rel $0x88, $3  }
0x1: {  	(tag) =	ssettag $0x0;
	lr =	simm.s32 $0x1  }
0x2: {  	[smem:$0x3F93] =	sst lr;
	_ =	strace $0xD0000000  }
0x3: {  	_ = 	snop  }
0x4: {  	_ = 	snop  }
0x5: {  	_ = 	snop  }
0x6: {  	_ = 	snop  }
0x7: {  	_ = 	snop  }
__scs_overlays_trampoline_lowered:
0x8: {  	[smem:$0x3FA2] =	sst s0  }
0x9: {  	[smem:$0x3FA3] =	sst s1  }
0xa: {  	[smem:$0x3FA4] =	sst s2  }
0xb: {  	[smem:$0x3FA5] =	sst s3  }
0xc: {  	[smem:$0x3FA6] =	sst s4  }
0xd: {  	[smem:$0x3FA7] =	sst s5  }
0xe: {  	[smem:$0x3FA8] =	sst s6  }
0xf: {  	[smem:$0x3FA9] =	sst s7  }
0x10: {  	[smem:$0x3FAA] =	sst s8  }
0x11: {  	[smem:$0x3FAB] =	sst s9;
	s0 =	simm.s32 @!p0 $0x0  }
0x12: {  	s1 =	sld [smem:$0x3F91];
	s0 =	simm.s32 @p0 $0x1  }
0x13: {  	[smem:$0x3FAC] =	sst s0;
	s0 =	simm.s32 @!p1 $0x0  }
0x14: {  	s2 =	sld [smem:$0x3F90];
	s0 =	simm.s32 @p1 $0x1  }
0x15: {  	[smem:$0x3FAD] =	sst s0;
	s0 =	simm.s32 @!p2 $0x0  }
0x16: {  	s3 =	sld [smem:$0x3FDB];
	s0 =	simm.s32 @p2 $0x1  }
0x17: {  	s4 =	simm.s32 $0x1BF5;
	[smem:$0x3FAF] =	sst s0  }
0x18: {  	s0 =	sld [smem:$0x3F92];
	_ =	swait.ge [sflag:s4], $0x0  }
0x19: {  	s7 =	sld [smem:$0x3F93]  }
0x1a: {  	s8 =	sadd.s32 $0xFFFFE003, lr  }
0x1b: {  	s9 =	sadd.s32 $0xFFFFFEF7, lr;
	s5 =	simm.s32 $0xFFFFFFFF;
	p2 =	slt.u32 s8, $0xFFFFF086  }
0x1c: {  	p1 =	slt.u32 s9, $0xF7A;
	s5 =	simm.s32 @!p2 $0x0  }
0x1d: {  	s5 =	simm.s32 @p1 $0x1;
	p0 =	seq.s32 s7, s2  }
0x1e: {  	s7 =	smul.u32 @!p0 $0xF7A, s2;
	p2 =	seq.s32 @!p0 s5, $0x0  }
0x1f: {  	s9 =	smul.u32 $0xF7A, s1;
	s8 =	simm.s32 @!p0 $0x1BF5;
	p2 =	por !p2, p0  }
0x20: {  	[sflag:s8] =	ssyncset.s32 @!p0 $0xFFFFF086;
	s6 =	sadd.s32 @!p0 s3, s7;
	s7 =	simm.s32 @!p0 $0x108  }
0x21: {  	s3 =	sadd.s32 s3, s9;
	s6 =	sadd.s32 @!p0 $0x88, s6;
	s7 =	simm.s32 @p2 $0x1082  }
0x22: {  	[simem:s7], [sflag:s8] =	dma.local @!p0 [hbm:s6], $0xF7A  }
0x23: {  	s9 =	sor.u32 $0xD0000000, s2;
	s6 =	simm.s32 $0x108;
	_ =	swait.ge @!p0 [sflag:s8], $0x0  }
0x24: {  	s3 =	sadd.s32 $0x88, s3;
	s6 =	simm.s32 @!p1 $0x1082;
	[sflag:s4] =	ssyncset.s32 $0xFFFFF086  }
0x25: {  	[simem:s6], [sflag:s4] =	dma.local [hbm:s3], $0xF7A  }
0x26: {  	[smem:$0x3F93] =	sst s1;
	(tag) =	ssettag s2;
	_ =	strace s9  }
0x27: {  	s1 =	sld [smem:$0x3FA3]  }
0x28: {  	s2 =	sld [smem:$0x3FA4]  }
0x29: {  	s4 =	sld [smem:$0x3FA6]  }
0x2a: {  	p0 =	seq.s32 s5, $0x0;
	s5 =	sld [smem:$0x3FA7]  }
0x2b: {  	s6 =	sld [smem:$0x3FA8]  }
0x2c: {  	s7 =	sld [smem:$0x3FA9]  }
0x2d: {  	s3 =	simm.s32 $0x108;
	s8 =	sld [smem:$0x3FAA]  }
0x2e: {  	s3 =	simm.s32 @!p0 $0x1082;
	s9 =	sld [smem:$0x3FAB]  }
0x2f: {  	lr =	sadd.s32 s0, s3;
	s0 =	sld [smem:$0x3FA2]  }
0x30: {  	s3 =	sld [smem:$0x3FA5]  }
0x31: {  	[smem:$0x3FAE] =	sst s10  }
0x32: {  	s10 =	sld [smem:$0x3FAC];
	_ =	sdelay $0x3  }
0x33: {  	p0 =	seq.s32 s10, $0x1;
	s10 =	sld [smem:$0x3FAE];
	_ =	sdelay $0x3  }
0x34: {  	[smem:$0x3FAE] =	sst s10  }
0x35: {  	s10 =	sld [smem:$0x3FAD];
	_ =	sdelay $0x3  }
0x36: {  	p1 =	seq.s32 s10, $0x1;
	s10 =	sld [smem:$0x3FAE];
	_ =	sdelay $0x3  }
0x37: {  	[smem:$0x3FAE] =	sst s10  }
0x38: {  	s10 =	sld [smem:$0x3FAF]  }
0x39: {  	_ = 	snop;
	(pc) =	sbr.ind lr, $3  }
0x3a: {  	_ = 	snop  }
0x3b: {  	_ = 	snop  }
0x3c: {  	p2 =	seq.s32 s10, $0x1;
	s10 =	sld [smem:$0x3FAE]  }
0x3d: {  	_ =	shalt  }
0x3e: {  	_ =	shalt  }
0x3f: {  	_ =	shalt  }
0x40: {  	_ =	shalt  }
0x41: {  	_ =	shalt  }
0x42: {  	_ =	shalt  }
0x43: {  	_ =	shalt  }
0x44: {  	_ =	shalt  }
0x45: {  	_ =	shalt  }
0x46: {  	_ =	shalt  }
0x47: {  	_ =	shalt  }
0x48: {  	_ =	shalt  }
0x49: {  	_ =	shalt  }
0x4a: {  	_ =	shalt  }
0x4b: {  	_ =	shalt  }
0x4c: {  	_ =	shalt  }
0x4d: {  	_ =	shalt  }
0x4e: {  	_ =	shalt  }
0x4f: {  	_ =	shalt  }
0x50: {  	_ =	shalt  }
0x51: {  	_ =	shalt  }
0x52: {  	_ =	shalt  }
0x53: {  	_ =	shalt  }
0x54: {  	_ =	shalt  }
0x55: {  	_ =	shalt  }
0x56: {  	_ =	shalt  }
0x57: {  	_ =	shalt  }
0x58: {  	_ =	shalt  }
0x59: {  	_ =	shalt  }
0x5a: {  	_ =	shalt  }
0x5b: {  	_ =	shalt  }
0x5c: {  	_ =	shalt  }
0x5d: {  	_ =	shalt  }
0x5e: {  	_ =	shalt  }
0x5f: {  	_ =	shalt  }
0x60: {  	_ =	shalt  }
0x61: {  	_ =	shalt  }
0x62: {  	_ =	shalt  }
0x63: {  	_ =	shalt  }
0x64: {  	_ =	shalt  }
0x65: {  	_ =	shalt  }
0x66: {  	_ =	shalt  }
0x67: {  	_ =	shalt  }
0x68: {  	_ =	shalt  }
0x69: {  	_ =	shalt  }
0x6a: {  	_ =	shalt  }
0x6b: {  	_ =	shalt  }
0x6c: {  	_ =	shalt  }
0x6d: {  	_ =	shalt  }
0x6e: {  	_ =	shalt  }
0x6f: {  	_ =	shalt  }
0x70: {  	_ =	shalt  }
0x71: {  	_ =	shalt  }
0x72: {  	_ =	shalt  }
0x73: {  	_ =	shalt  }
0x74: {  	_ =	shalt  }
0x75: {  	_ =	shalt  }
0x76: {  	_ =	shalt  }
0x77: {  	_ =	shalt  }
0x78: {  	_ =	shalt  }
0x79: {  	_ =	shalt  }
0x7a: {  	_ =	shalt  }
0x7b: {  	_ =	shalt  }
0x7c: {  	_ =	shalt  }
0x7d: {  	_ =	shalt  }
0x7e: {  	_ =	shalt  }
0x7f: {  	_ =	shalt  }
0x80: {  	_ =	shalt  }
0x81: {  	_ =	shalt  }
0x82: {  	_ =	shalt  }
0x83: {  	_ =	shalt  }
0x84: {  	_ =	shalt  }
0x85: {  	_ =	shalt  }
0x86: {  	_ =	shalt  }
0x87: {  	_ =	shalt  }
.Lfunc_end0:
.L_simem_size_0:
called_computation.5_lowered:
.L_overlay_start_0:
0x88: {  	s2 =	sld [smem:$0x3FD9]  }
0x89: {  	s3 =	sld [smem:$0x3FFE];
	_ =	sdelay $0x1  }
0x8a: {  	s1 =	srdreg.scid  }
0x8b: {  	s0 =	sand.u32 $0x1, s1  }
0x8c: {  	s14 =	sshll.u32 s0, $0xA;
	s2 =	sadd.s32 s3, s2  }
0x8d: {  	s2 =	sadd.s32 s2, s14  }
0x8e: {  	[smem:$0x3FBA] =	sst s2  }
0x8f: {  	_ = 	snop  }
0x90: {  	s2 =	sld [smem:$0x3FD0];
	_ =	sdelay $0x2  }
0x91: {  	s15 =	simm.s32 $0xB;
	s4 =	simm.s32 $0x10  }
0x92: {  	[smem:s4], [sflag:s15] =	dma.local [hbm:s2], $0x1  }
0x93: {  	_ =	swait.eq [sflag:s15], $0x1  }
0x94: {  	[sflag:s15] =	ssyncset.done $0x0  }
0x95: {  	s16 =	sld [smem:$0x10];
	[sflag:s15] =	ssyncadd.s32 $0xFFFFFFFF  }
0x96: {  	s17 =	sld [smem:$0x11];
	(tm) =	ssettm $0x1  }
0x97: {  	s18 =	sld [smem:$0x3FFB];
	_ =	sdelay $0x3  }
0x98: {  	_ =	strace s18  }
0x99: {  	s4 =	sld [smem:$0x3FFC];
	_ =	sdelay $0x3  }
0x9a: {  	_ =	strace s4  }
0x9b: {  	s4 =	sld [smem:$0x3FFD];
	_ =	sdelay $0x3  }
0x9c: {  	_ =	strace s4  }
0x9d: {  	_ =	strace $0x8FFFFFFF  }
0x9e: {  	s19 =	sld [smem:$0x3FDB];
	_ =	sdelay $0x1  }
0x9f: {  	s5 =	simm.s32 $_scs_section_size  }
0xa0: {  	s6 =	simm.s32 $_size__tile_overlayer_lowered;
	s7 =	simm.s32 $_tile_overlayer_lowered  }
0xa1: {  	s22 =	simm.s32 $0x1BFF;
	s21 =	sshll.u32 s7, $0x1;
	s4 =	sadd.s32 s5, s19  }
0xa2: {  	s8 =	simm.s32 $0x0;
	s20 =	sshll.u32 s6, $0x1;
	s6 =	sadd.s32 s21, s4  }
0xa3: {  	[timem:s8], [sflag:s22] =	dma.local [hbm:s6], s20  }
0xa4: {  	_ =	swait.ge [sflag:s22], s20  }
0xa5: {  	s5 =	ssub.s32 $0x0, s20;
	[sflag:s22] =	ssyncset.done $0x0  }
0xa6: {  	[sflag:s22] =	ssyncadd.s32 s5;
	_ =	sdelay $0x1  }
0xa7: {  	s23 =	simm.s32 $0x1B8B  }
0xa8: {  	_ =	swait.ge [sflag:s23], $0x1  }
0xa9: {  	[sflag:s23] =	ssyncset.done $0x0  }
0xaa: {  	s25 =	simm.s32 $0x1B8E;
	s24 =	sld [smem:$0x3FFE];
	[sflag:s23] =	ssyncadd.s32 $0xFFFFFFFF  }
0xab: {  	s26 =	simm.s32 $execute0_lowered;
	[smem:$0x3FD2] =	sst s25  }
0xac: {  	s6 =	sshll.u32 s26, $0x1;
	_ =	strace $0x80000055;
	[dreg:$0x1] =	wrdreg $0xFFFFFFFF  }
0xad: {  	s28 =	simm.s32 $_size_execute0_lowered;
	s4 =	sadd.s32 s4, s6;
	[dreg:$0x0] =	wrdreg $0x0  }
0xae: {  	s6 =	sshll.u32 s28, $0x1;
	[dreg:$0x2] =	wrdreg s4  }
0xaf: {  	[dreg:$0x3] =	wrdreg s6  }
0xb0: {  	[dreg:$0x4] =	wrdreg $0xC0  }
0xb1: {  	_ =	task [dreg:s8], $0x5FFFF  }
0xb2: {  	[dreg:$0x1] =	wrdreg $0xFFFFFFFF  }
0xb3: {  	[dreg:$0x0] =	wrdreg $0x60  }
0xb4: {  	[dreg:$0x2] =	wrdreg s16  }
0xb5: {  	[dreg:$0x3] =	wrdreg s24  }
0xb6: {  	[dreg:$0x4] =	wrdreg s17  }
0xb7: {  	[dreg:$0x5] =	wrdreg $0xE0000  }
0xb8: {  	[dreg:$0x6] =	wrdreg $0x9  }
0xb9: {  	_ =	task.clear_ibuf [dreg:s8], $0x7FFFF;
	_ =	strace $0x90000055  }
0xba: {  	s29 =	simm.s32 $0x9;
	_ =	strace $0x80000057  }
0xbb: {  	_ =	swait.ge [sflag:s29], $0x1  }
0xbc: {  	[sflag:s29] =	ssyncadd.s32 $0xFFFFFFFF  }
0xbd: {  	_ =	strace $0x90000057  }
0xbe: {  	_ =	sfence  }
0xbf: {  	s30 =	sld [smem:$0x0];
	_ =	sdelay $0x2  }
0xc0: {  	s31 =	sshll.u32 s1, $0xD;
	s1 =	sshrl.u32 s1, $0x2  }
0xc1: {  	s3 =	sand.u32 $0x4000, s31;
	s1 =	sadd.s32 s1, s30  }
0xc2: {  	s0 =	sor.u32 s3, s0;
	s1 =	sshll.u32 s1, $0x11  }
0xc3: {  	s0 =	sor.u32 s1, s0  }
0xc4: {  	s0 =	sadd.s32 $0x8F2B, s0  }
0xc5: {  	[sflag:s0] =	ssyncadd.remote.s32 $0x1  }
0xc6: {  	_ =	sfence.sel $0xFFFF  }
0xc7: {  	[dreg:$0x0] =	wrdreg $0xFFFFFFFF;
	(pc) =	sbr.abs _section_cstart, $3  }
0xc8: {  	[dreg:$0x1] =	wrdreg $0xFFFFFFFF  }
0xc9: {  	_ =	task.clear_ibuf [dreg:s8], $0x2FFFF;
	_ =	strace $0x9FFFFFFF  }
0xca: {  	(tm) =	ssettm $0x7FFFFFFF  }
0xcb: {  	_ =	shalt  }
tec
execute0_lowered:
.L_overlay_start_1:
0x0: {  	(tag) =	ssettag $0x1  }
0x1: {  	s1 =	rddreg [dreg:$0x0]  }
0x2: {  	s6 =	rddreg [dreg:$0x1]  }
0x3: {  	s3 =	rddreg [dreg:$0x2]  }
0x4: {  	s4 =	rddreg [dreg:$0x3]  }
0x5: {  	s5 =	srdreg.scid;
	s2 =	stileid.u32;
	s15 =	simm.s32 $0x3  }
0x6: {  	s16 =	simm.s32 $0x2800;
	s17 =	simm.s32 $0xB000;
	s18 =	simm.s32 $0x80  }
0x7: {  	s19 =	simm.s32 $0x5000;
	s20 =	simm.s32 $0x8000;
	s21 =	simm.s32 $0x1  }
0x8: {  	s22 =	simm.s32 $0x2;
	s23 =	simm.s32 $0x2780;
	s24 =	simm.s32 $0x4F00  }
0x9: {  	s25 =	simm.s32 $0x4F80;
	s26 =	simm.s32 $0x0;
	s8 =	smul.u32 $0xF000, s2  }
0xa: {  	s7 =	sand.u32 $0x1, s5;
	s5 =	simm.s32 $0x0;
	s11 =	smul.u32 $0x3C000, s2  }
0xb: {  	s9 =	sshll.u32 s7, $0x4;
	s10 =	smul.u32 $0xF0000, s7;
	[smem:$0x7FF] =	sst s5  }
0xc: {  	s7 =	ssub.s32 $0x2, s7;
	s9 =	sor.u32 s2, s9;
	_ =	strace $0x80000056  }
0xd: {  	s30 =	sshrl.u32 s7, $0x1;
	s31 =	sshrl.u32 s11, $0x2;
	s9 =	smul.u32 $0x500, s9  }
0xe: {  	s10 =	sadd.s32 s8, s10;
	s14 =	ssub.s32 s7, s30;
	s12 =	sadd.s32 s31, s4  }
0xf: {  	s8 =	sadd.s32 s8, s4;
	s10 =	sshrl.u32 s10, $0x3;
	s11 =	sadd.s32 $0x9000, s12  }
0x10: {  	s14 =	smax.u32 s14, $0x1;
	s9 =	sadd.s32 s9, s6;
	s13 =	sadd.s32 s10, s6  }
0x11: {  	s10 =	sadd.s32 $0x6000, s12;
	s6 =	sadd.s32 $0xFE00, s9;
	s7 =	sadd.s32 $0x5E00, s9  }
0x12: {  	s9 =	sadd.s32 $0x3000, s12;
	s12 =	sadd.s32 $0xC000, s12;
	s13 =	sadd.s32 $0x6A200, s13  }
.LBB2_1:
0x13: {  	[tilespmem:s5], [sflag:$0x3] =	stream.linear.gather [hbm4b:s6+s5], $0x2800, $0x38;
	[tilespmem:$0x1D000] =	vst v63  }
0x14: {  	_ =	swait.ge [sflag:s15], $0x2800  }
0x15: {  	[sflag:s15] =	ssyncset.done $0x0  }
0x16: {  	[sflag:s15] =	ssyncadd.s32 $0xFFFFD800  }
0x17: {  	[tilespmem:s16], [sflag:$0x3] =	stream.linear.gather [hbm4b:s7+s5], $0x2800, $0x38;
	[tilespmem:$0x1D000] =	vst v63  }
0x18: {  	_ =	swait.ge [sflag:s15], $0x2800  }
0x19: {  	[sflag:s15] =	ssyncset.done $0x0  }
0x1a: {  	[sflag:s15] =	ssyncadd.s32 $0xFFFFD800  }
0x1b: {  	[tilespmem:s17], [sflag:$0x3] =	stream.linear.gather [hbm4b:s3+s5], $0x3000, $0x38;
	[tilespmem:$0x1D000] =	vst v63  }
0x1c: {  	_ =	swait.ge [sflag:s15], $0x3000  }
0x1d: {  	[sflag:s15] =	ssyncset.done $0x0  }
0x1e: {  	[sflag:s15] =	ssyncadd.s32 $0xFFFFD000  }
0x1f: {  	[spmem:s8] =	stream.linear.scatter [tilespmem:s17], [sflag:$0x3], $0x3000, $0x38;
	[tilespmem:$0x1D000] =	vst v63  }
0x20: {  	_ =	swait.ge [sflag:s15], $0x3000  }
0x21: {  	[sflag:s15] =	ssyncset.done $0x0  }
0x22: {  	[sflag:s15] =	ssyncadd.s32 $0xFFFFD000  }
0x23: {  	[spmem:s9] =	stream.linear.scatter [tilespmem:s17], [sflag:$0x3], $0x3000, $0x38;
	[tilespmem:$0x1D000] =	vst v63  }
0x24: {  	_ =	swait.ge [sflag:s15], $0x3000  }
0x25: {  	[sflag:s15] =	ssyncset.done $0x0  }
0x26: {  	[sflag:s15] =	ssyncadd.s32 $0xFFFFD000  }
0x27: {  	[spmem:s10] =	stream.linear.scatter [tilespmem:s17], [sflag:$0x3], $0x3000, $0x38;
	[tilespmem:$0x1D000] =	vst v63  }
0x28: {  	_ =	swait.ge [sflag:s15], $0x3000  }
0x29: {  	[sflag:s15] =	ssyncset.done $0x0  }
0x2a: {  	[sflag:s15] =	ssyncadd.s32 $0xFFFFD000  }
0x2b: {  	[spmem:s11] =	stream.linear.scatter [tilespmem:s17], [sflag:$0x3], $0x3000, $0x38;
	[tilespmem:$0x1D000] =	vst v63  }
0x2c: {  	_ =	swait.ge [sflag:s15], $0x3000  }
0x2d: {  	[sflag:s15] =	ssyncset.done $0x0  }
0x2e: {  	[sflag:s15] =	ssyncadd.s32 $0xFFFFD000  }
0x2f: {  	[spmem:s12] =	stream.linear.scatter [tilespmem:s17], [sflag:$0x3], $0x3000, $0x38;
	[tilespmem:$0x1D000] =	vst v63  }
0x30: {  	_ =	swait.ge [sflag:s15], $0x3000  }
0x31: {  	[sflag:s15] =	ssyncset.done $0x0  }
0x32: {  	[sflag:s15] =	ssyncadd.s32 $0xFFFFD000  }
0x33: {  	[bflag:$0x0] =	sbarrier.arrive $0xFFFF  }
0x34: {  	[tilespmem:s19], [sflag:$0x1] =	stream.indirect.gather [hbm4b:s1+s18], $0x60, s5, s18, $0xb8;
	[tilespmem:$0x1D000] =	vst v63  }
0x35: {  	s28 =	simm.s32 $0x80  }
0x36: {  	[tilespmem:s20], [sflag:$0x2] =	stream.indirect.gather [hbm4b:s1+s18], $0x60, s28, s18, $0xb8;
	[tilespmem:$0x1D000] =	vst v63  }
0x37: {  	_ =	swait.ge [sflag:s21], $0x3000  }
0x38: {  	[sflag:s21] =	ssyncset.done $0x0  }
0x39: {  	s28 =	simm.s32 $0x2800;
	[sflag:s21] =	ssyncadd.s32 $0xFFFFD000  }
0x3a: {  	[spmem:s4] =	stream.indirect.scatter.add.f32 [tilespmem:s19], [sflag:$0x3], $0x60, s28, s18, $0xb8;
	[tilespmem:$0x1D000] =	vst v63  }
0x3b: {  	_ =	swait.ge [sflag:s15], $0x3000  }
0x3c: {  	[sflag:s15] =	ssyncset.done $0x0  }
0x3d: {  	s28 =	simm.s32 $0x100;
	[sflag:s15] =	ssyncadd.s32 $0xFFFFD000  }
0x3e: {  	[tilespmem:s19], [sflag:$0x1] =	stream.indirect.gather [hbm4b:s1+s18], $0x60, s28, s18, $0xb8;
	[tilespmem:$0x1D000] =	vst v63  }
0x3f: {  	_ =	swait.ge [sflag:s22], $0x3000  }
0x40: {  	[sflag:s22] =	ssyncset.done $0x0  }
0x41: {  	s28 =	simm.s32 $0x2880;
	[sflag:s22] =	ssyncadd.s32 $0xFFFFD000  }
0x42: {  	[spmem:s4] =	stream.indirect.scatter.add.f32 [tilespmem:s20], [sflag:$0x3], $0x60, s28, s18, $0xb8;
	[tilespmem:$0x1D000] =	vst v63  }
0x43: {  	_ =	swait.ge [sflag:s15], $0x3000  }
0x44: {  	s29 =	simm.s32 $0x800;
	s28 =	simm.s32 $0x100;
	[sflag:s15] =	ssyncset.done $0x0  }
.LBB2_2:
0x45: {  	s30 =	sadd.s32 $0x80, s28  }
0x46: {  	[sflag:s15] =	ssyncadd.s32 $0xFFFFD000;
	s31 =	smov.u32 s29;
	s0 =	sadd.s32 $0x400, s29  }
0x47: {  	[tilespmem:s20], [sflag:$0x2] =	stream.indirect.gather [hbm4b:s1+s18], $0x60, s30, s18, $0xb8;
	[tilespmem:$0x1D000] =	vst v63  }
0x48: {  	p0 =	sne.s32 s29, $0x9800;
	_ =	swait.ge [sflag:s21], $0x3000  }
0x49: {  	[sflag:s21] =	ssyncset.done $0x0  }
0x4a: {  	s29 =	sadd.s32 $0x2800, s28;
	[sflag:s21] =	ssyncadd.s32 $0xFFFFD000  }
0x4b: {  	[spmem:s4] =	stream.indirect.scatter.add.f32 [tilespmem:s19], [sflag:$0x3], $0x60, s29, s18, $0xb8;
	[tilespmem:$0x1D000] =	vst v63  }
0x4c: {  	_ =	swait.ge [sflag:s15], $0x3000  }
0x4d: {  	[sflag:s15] =	ssyncset.done $0x0  }
0x4e: {  	s29 =	sadd.s32 $0x100, s28;
	[sflag:s15] =	ssyncadd.s32 $0xFFFFD000  }
0x4f: {  	[tilespmem:s19], [sflag:$0x1] =	stream.indirect.gather [hbm4b:s1+s18], $0x60, s29, s18, $0xb8;
	[tilespmem:$0x1D000] =	vst v63  }
0x50: {  	_ =	swait.ge [sflag:s22], $0x3000  }
.Ltmp0:
0x51: {  	[sflag:s22] =	ssyncset.done $0x0;
	(pc) =	sbr.rel @p0 .LBB2_2-.Ltmp0, $4  }
0x52: {  	s28 =	sadd.s32 $0x2880, s28;
	[sflag:s22] =	ssyncadd.s32 $0xFFFFD000  }
0x53: {  	[spmem:s4] =	stream.indirect.scatter.add.f32 [tilespmem:s20], [sflag:$0x3], $0x60, s28, s18, $0xb8;
	[tilespmem:$0x1D000] =	vst v63  }
0x54: {  	_ =	swait.ge [sflag:s15], $0x3000  }
0x55: {  	s29 =	smov.u32 s0;
	s28 =	sshra.s32 s31, $0x2;
	[sflag:s15] =	ssyncset.done $0x0  }
0x56: {  	s0 =	sadd.s32 $0x80, s28;
	[sflag:s15] =	ssyncadd.s32 $0xFFFFD000  }
0x57: {  	[tilespmem:s20], [sflag:$0x2] =	stream.indirect.gather [hbm4b:s1+s18], $0x60, s0, s18, $0xb8;
	[tilespmem:$0x1D000] =	vst v63  }
0x58: {  	_ =	swait.ge [sflag:s21], $0x3000  }
0x59: {  	[sflag:s21] =	ssyncset.done $0x0  }
0x5a: {  	s30 =	sadd.s32 $0x2800, s28;
	[sflag:s21] =	ssyncadd.s32 $0xFFFFD000  }
0x5b: {  	[spmem:s4] =	stream.indirect.scatter.add.f32 [tilespmem:s19], [sflag:$0x3], $0x60, s30, s18, $0xb8;
	[tilespmem:$0x1D000] =	vst v63  }
0x5c: {  	_ =	swait.ge [sflag:s15], $0x3000  }
0x5d: {  	[sflag:s15] =	ssyncset.done $0x0  }
0x5e: {  	s31 =	sadd.s32 $0x100, s28;
	[sflag:s15] =	ssyncadd.s32 $0xFFFFD000  }
0x5f: {  	[tilespmem:s19], [sflag:$0x1] =	stream.indirect.gather [hbm4b:s1+s18], $0x60, s31, s18, $0xb8;
	[tilespmem:$0x1D000] =	vst v63  }
0x60: {  	_ =	swait.ge [sflag:s22], $0x3000  }
0x61: {  	[sflag:s22] =	ssyncset.done $0x0  }
0x62: {  	s29 =	sadd.s32 $0x2880, s28;
	[sflag:s22] =	ssyncadd.s32 $0xFFFFD000  }
0x63: {  	[spmem:s4] =	stream.indirect.scatter.add.f32 [tilespmem:s20], [sflag:$0x3], $0x60, s29, s18, $0xb8;
	[tilespmem:$0x1D000] =	vst v63  }
0x64: {  	_ =	swait.ge [sflag:s15], $0x3000  }
0x65: {  	[sflag:s15] =	ssyncset.done $0x0  }
0x66: {  	[sflag:s15] =	ssyncadd.s32 $0xFFFFD000  }
0x67: {  	[tilespmem:s20], [sflag:$0x2] =	stream.indirect.gather [hbm4b:s1+s18], $0x60, s23, s18, $0xb8;
	[tilespmem:$0x1D000] =	vst v63  }
0x68: {  	_ =	swait.ge [sflag:s21], $0x3000  }
0x69: {  	[sflag:s21] =	ssyncset.done $0x0  }
0x6a: {  	[sflag:s21] =	ssyncadd.s32 $0xFFFFD000  }
0x6b: {  	[spmem:s4] =	stream.indirect.scatter.add.f32 [tilespmem:s19], [sflag:$0x3], $0x60, s24, s18, $0xb8;
	[tilespmem:$0x1D000] =	vst v63  }
0x6c: {  	_ =	swait.ge [sflag:s15], $0x3000  }
0x6d: {  	[sflag:s15] =	ssyncset.done $0x0  }
0x6e: {  	[sflag:s15] =	ssyncadd.s32 $0xFFFFD000  }
0x6f: {  	_ =	swait.ge [sflag:s22], $0x3000  }
0x70: {  	[sflag:s22] =	ssyncset.done $0x0  }
0x71: {  	[sflag:s22] =	ssyncadd.s32 $0xFFFFD000  }
0x72: {  	[spmem:s4] =	stream.indirect.scatter.add.f32 [tilespmem:s20], [sflag:$0x3], $0x60, s25, s18, $0xb8;
	[tilespmem:$0x1D000] =	vst v63  }
0x73: {  	_ =	swait.ge [sflag:s15], $0x3000  }
0x74: {  	s26 =	sadd.s32 $0x1, s26;
	s30 =	sshll.u32 s2, $0x6;
	[sflag:s15] =	ssyncset.done $0x0  }
0x75: {  	p0 =	sne.s32 s26, s14;
	s0 =	sor.u32 $0x1C03, s30;
	[sflag:s15] =	ssyncadd.s32 $0xFFFFD000  }
.Ltmp1:
0x76: {  	s31 =	sshrl.u32 s8, $0x3;
	[bflag:$0x0] =	sbarrier.arrive $0xFFFF;
	(pc) =	sbr.rel @p0 .LBB2_1-.Ltmp1, $4  }
0x77: {  	[hbm:s13], [sflag:s0] =	dma.local [spmem:s31], $0x1E00  }
0x78: {  	_ =	swait.ge [sflag:s15], $0x1E00  }
0x79: {  	[sflag:s15] =	ssyncset.done $0x0  }
0x7a: {  	[sflag:s15] =	ssyncadd.s32 $0xFFFFE200  }
0x7b: {  	_ =	sfence.sel $0x180000  }
0x7c: {  	[bflag:$0x0] =	sbarrier.arrive $0xFFFF  }
0x7d: {  	_ =	strace $0x90000056  }
0x7e: {  	[bflag:$0x2] =	sbarrier.arrive $0xFFFF  }
0x7f: {  	p0 =	sne.s32 s2, $0x0;
	s0 =	rddreg [dreg:$0x4]  }
0x80: {  	s0 =	sadd.s32 @!p0 $0x100000, s0  }
0x81: {  	[sflag:s0] =	ssyncadd.tile.s32 @!p0 $0x1;
	_ =	shalt  }
.Lfunc_end2:
_tile_overlayer_lowered:
.L_overlay_start_2:
0x82: {  	(tag) =	ssettag $0x2  }
0x83: {  	s0 =	rddreg [dreg:$0x0];
	s2 =	stileid.u32  }
0x84: {  	s1 =	rddreg [dreg:$0x1];
	p0 =	sne.s32 s2, $0x0  }
0x85: {  	s3 =	rddreg [dreg:$0x2];
	[bflag:$0x3] =	sbarrier.arrive $0xFFFF;
	s2 =	simm.s32 @!p0 $0x1C03  }
0x86: {  	[timem:s3], [sflag:s2] =	dma.local @!p0 [hbm:s0], s1  }
0x87: {  	s0 =	simm.s32 @!p0 $0x3  }
0x88: {  	_ =	swait.ge @!p0 [sflag:s0], s1  }
0x89: {  	s1 =	ssub.s32 @!p0 $0x0, s1;
	[sflag:s0] =	ssyncset.done @!p0 $0x0  }
0x8a: {  	[sflag:s0] =	ssyncadd.s32 @!p0 s1  }
0x8b: {  	[bflag:$0x3] =	sbarrier.arrive $0xFFFF  }
0x8c: {  	_ =	shalt  }

// kernel: kernel.35.cloned.1.call-start
scs
__scs_entry_jumppad:
0x0: {  	(pc) =	sbr.rel $0x88, $3  }
0x1: {  	(tag) =	ssettag $0x0;
	lr =	simm.s32 $0x1  }
0x2: {  	[smem:$0x3F93] =	sst lr;
	_ =	strace $0xD0000000  }
0x3: {  	_ = 	snop  }
0x4: {  	_ = 	snop  }
0x5: {  	_ = 	snop  }
0x6: {  	_ = 	snop  }
0x7: {  	_ = 	snop  }
__scs_overlays_trampoline_lowered:
0x8: {  	[smem:$0x3FA2] =	sst s0  }
0x9: {  	[smem:$0x3FA3] =	sst s1  }
0xa: {  	[smem:$0x3FA4] =	sst s2  }
0xb: {  	[smem:$0x3FA5] =	sst s3  }
0xc: {  	[smem:$0x3FA6] =	sst s4  }
0xd: {  	[smem:$0x3FA7] =	sst s5  }
0xe: {  	[smem:$0x3FA8] =	sst s6  }
0xf: {  	[smem:$0x3FA9] =	sst s7  }
0x10: {  	[smem:$0x3FAA] =	sst s8  }
0x11: {  	[smem:$0x3FAB] =	sst s9;
	s0 =	simm.s32 @!p0 $0x0  }
0x12: {  	s1 =	sld [smem:$0x3F91];
	s0 =	simm.s32 @p0 $0x1  }
0x13: {  	[smem:$0x3FAC] =	sst s0;
	s0 =	simm.s32 @!p1 $0x0  }
0x14: {  	s2 =	sld [smem:$0x3F90];
	s0 =	simm.s32 @p1 $0x1  }
0x15: {  	[smem:$0x3FAD] =	sst s0;
	s0 =	simm.s32 @!p2 $0x0  }
0x16: {  	s3 =	sld [smem:$0x3FDB];
	s0 =	simm.s32 @p2 $0x1  }
0x17: {  	s4 =	simm.s32 $0x1BF5;
	[smem:$0x3FAF] =	sst s0  }
0x18: {  	s0 =	sld [smem:$0x3F92];
	_ =	swait.ge [sflag:s4], $0x0  }
0x19: {  	s7 =	sld [smem:$0x3F93]  }
0x1a: {  	s8 =	sadd.s32 $0xFFFFE003, lr  }
0x1b: {  	s9 =	sadd.s32 $0xFFFFFEF7, lr;
	s5 =	simm.s32 $0xFFFFFFFF;
	p2 =	slt.u32 s8, $0xFFFFF086  }
0x1c: {  	p1 =	slt.u32 s9, $0xF7A;
	s5 =	simm.s32 @!p2 $0x0  }
0x1d: {  	s5 =	simm.s32 @p1 $0x1;
	p0 =	seq.s32 s7, s2  }
0x1e: {  	s7 =	smul.u32 @!p0 $0xF7A, s2;
	p2 =	seq.s32 @!p0 s5, $0x0  }
0x1f: {  	s9 =	smul.u32 $0xF7A, s1;
	s8 =	simm.s32 @!p0 $0x1BF5;
	p2 =	por !p2, p0  }
0x20: {  	[sflag:s8] =	ssyncset.s32 @!p0 $0xFFFFF086;
	s6 =	sadd.s32 @!p0 s3, s7;
	s7 =	simm.s32 @!p0 $0x108  }
0x21: {  	s3 =	sadd.s32 s3, s9;
	s6 =	sadd.s32 @!p0 $0x88, s6;
	s7 =	simm.s32 @p2 $0x1082  }
0x22: {  	[simem:s7], [sflag:s8] =	dma.local @!p0 [hbm:s6], $0xF7A  }
0x23: {  	s9 =	sor.u32 $0xD0000000, s2;
	s6 =	simm.s32 $0x108;
	_ =	swait.ge @!p0 [sflag:s8], $0x0  }
0x24: {  	s3 =	sadd.s32 $0x88, s3;
	s6 =	simm.s32 @!p1 $0x1082;
	[sflag:s4] =	ssyncset.s32 $0xFFFFF086  }
0x25: {  	[simem:s6], [sflag:s4] =	dma.local [hbm:s3], $0xF7A  }
0x26: {  	[smem:$0x3F93] =	sst s1;
	(tag) =	ssettag s2;
	_ =	strace s9  }
0x27: {  	s1 =	sld [smem:$0x3FA3]  }
0x28: {  	s2 =	sld [smem:$0x3FA4]  }
0x29: {  	s4 =	sld [smem:$0x3FA6]  }
0x2a: {  	p0 =	seq.s32 s5, $0x0;
	s5 =	sld [smem:$0x3FA7]  }
0x2b: {  	s6 =	sld [smem:$0x3FA8]  }
0x2c: {  	s7 =	sld [smem:$0x3FA9]  }
0x2d: {  	s3 =	simm.s32 $0x108;
	s8 =	sld [smem:$0x3FAA]  }
0x2e: {  	s3 =	simm.s32 @!p0 $0x1082;
	s9 =	sld [smem:$0x3FAB]  }
0x2f: {  	lr =	sadd.s32 s0, s3;
	s0 =	sld [smem:$0x3FA2]  }
0x30: {  	s3 =	sld [smem:$0x3FA5]  }
0x31: {  	[smem:$0x3FAE] =	sst s10  }
0x32: {  	s10 =	sld [smem:$0x3FAC];
	_ =	sdelay $0x3  }
0x33: {  	p0 =	seq.s32 s10, $0x1;
	s10 =	sld [smem:$0x3FAE];
	_ =	sdelay $0x3  }
0x34: {  	[smem:$0x3FAE] =	sst s10  }
0x35: {  	s10 =	sld [smem:$0x3FAD];
	_ =	sdelay $0x3  }
0x36: {  	p1 =	seq.s32 s10, $0x1;
	s10 =	sld [smem:$0x3FAE];
	_ =	sdelay $0x3  }
0x37: {  	[smem:$0x3FAE] =	sst s10  }
0x38: {  	s10 =	sld [smem:$0x3FAF]  }
0x39: {  	_ = 	snop;
	(pc) =	sbr.ind lr, $3  }
0x3a: {  	_ = 	snop  }
0x3b: {  	_ = 	snop  }
0x3c: {  	p2 =	seq.s32 s10, $0x1;
	s10 =	sld [smem:$0x3FAE]  }
0x3d: {  	_ =	shalt  }
0x3e: {  	_ =	shalt  }
0x3f: {  	_ =	shalt  }
0x40: {  	_ =	shalt  }
0x41: {  	_ =	shalt  }
0x42: {  	_ =	shalt  }
0x43: {  	_ =	shalt  }
0x44: {  	_ =	shalt  }
0x45: {  	_ =	shalt  }
0x46: {  	_ =	shalt  }
0x47: {  	_ =	shalt  }
0x48: {  	_ =	shalt  }
0x49: {  	_ =	shalt  }
0x4a: {  	_ =	shalt  }
0x4b: {  	_ =	shalt  }
0x4c: {  	_ =	shalt  }
0x4d: {  	_ =	shalt  }
0x4e: {  	_ =	shalt  }
0x4f: {  	_ =	shalt  }
0x50: {  	_ =	shalt  }
0x51: {  	_ =	shalt  }
0x52: {  	_ =	shalt  }
0x53: {  	_ =	shalt  }
0x54: {  	_ =	shalt  }
0x55: {  	_ =	shalt  }
0x56: {  	_ =	shalt  }
0x57: {  	_ =	shalt  }
0x58: {  	_ =	shalt  }
0x59: {  	_ =	shalt  }
0x5a: {  	_ =	shalt  }
0x5b: {  	_ =	shalt  }
0x5c: {  	_ =	shalt  }
0x5d: {  	_ =	shalt  }
0x5e: {  	_ =	shalt  }
0x5f: {  	_ =	shalt  }
0x60: {  	_ =	shalt  }
0x61: {  	_ =	shalt  }
0x62: {  	_ =	shalt  }
0x63: {  	_ =	shalt  }
0x64: {  	_ =	shalt  }
0x65: {  	_ =	shalt  }
0x66: {  	_ =	shalt  }
0x67: {  	_ =	shalt  }
0x68: {  	_ =	shalt  }
0x69: {  	_ =	shalt  }
0x6a: {  	_ =	shalt  }
0x6b: {  	_ =	shalt  }
0x6c: {  	_ =	shalt  }
0x6d: {  	_ =	shalt  }
0x6e: {  	_ =	shalt  }
0x6f: {  	_ =	shalt  }
0x70: {  	_ =	shalt  }
0x71: {  	_ =	shalt  }
0x72: {  	_ =	shalt  }
0x73: {  	_ =	shalt  }
0x74: {  	_ =	shalt  }
0x75: {  	_ =	shalt  }
0x76: {  	_ =	shalt  }
0x77: {  	_ =	shalt  }
0x78: {  	_ =	shalt  }
0x79: {  	_ =	shalt  }
0x7a: {  	_ =	shalt  }
0x7b: {  	_ =	shalt  }
0x7c: {  	_ =	shalt  }
0x7d: {  	_ =	shalt  }
0x7e: {  	_ =	shalt  }
0x7f: {  	_ =	shalt  }
0x80: {  	_ =	shalt  }
0x81: {  	_ =	shalt  }
0x82: {  	_ =	shalt  }
0x83: {  	_ =	shalt  }
0x84: {  	_ =	shalt  }
0x85: {  	_ =	shalt  }
0x86: {  	_ =	shalt  }
0x87: {  	_ =	shalt  }
.Lfunc_end0:
.L_simem_size_0:
called_computation.6_lowered:
.L_overlay_start_0:
0x88: {  	s2 =	sld [smem:$0x3FD9]  }
0x89: {  	s3 =	sld [smem:$0x3FFE];
	_ =	sdelay $0x1  }
0x8a: {  	s1 =	srdreg.scid  }
0x8b: {  	s0 =	sand.u32 $0x1, s1  }
0x8c: {  	s15 =	sshll.u32 s0, $0xA;
	s2 =	sadd.s32 s3, s2  }
0x8d: {  	s2 =	sadd.s32 s2, s15  }
0x8e: {  	[smem:$0x3FBA] =	sst s2  }
0x8f: {  	_ = 	snop  }
0x90: {  	s2 =	sld [smem:$0x3FD0];
	_ =	sdelay $0x2  }
0x91: {  	s16 =	simm.s32 $0xB;
	s4 =	simm.s32 $0x10  }
0x92: {  	[smem:s4], [sflag:s16] =	dma.local [hbm:s2], $0x1  }
0x93: {  	_ =	swait.eq [sflag:s16], $0x1  }
0x94: {  	[sflag:s16] =	ssyncset.done $0x0  }
0x95: {  	[sflag:s16] =	ssyncadd.s32 $0xFFFFFFFF  }
0x96: {  	s17 =	sld [smem:$0x10];
	(tm) =	ssettm $0x1  }
0x97: {  	s18 =	sld [smem:$0x3FFB];
	_ =	sdelay $0x3  }
0x98: {  	_ =	strace s18  }
0x99: {  	s2 =	sld [smem:$0x3FFC];
	_ =	sdelay $0x3  }
0x9a: {  	_ =	strace s2  }
0x9b: {  	s2 =	sld [smem:$0x3FFD];
	_ =	sdelay $0x3  }
0x9c: {  	_ =	strace s2  }
0x9d: {  	_ =	strace $0x8FFFFFFF  }
0x9e: {  	s19 =	sld [smem:$0x3FDB];
	_ =	sdelay $0x1  }
0x9f: {  	s20 =	simm.s32 $_scs_section_size  }
0xa0: {  	s5 =	simm.s32 $_size__tile_overlayer_lowered;
	s6 =	simm.s32 $_tile_overlayer_lowered  }
0xa1: {  	s7 =	simm.s32 $0x1BFF;
	s21 =	sshll.u32 s6, $0x1;
	s4 =	sadd.s32 s20, s19  }
0xa2: {  	s22 =	simm.s32 $0x0;
	s5 =	sshll.u32 s5, $0x1;
	s6 =	sadd.s32 s21, s4  }
0xa3: {  	[timem:s22], [sflag:s7] =	dma.local [hbm:s6], s5  }
0xa4: {  	_ =	swait.ge [sflag:s7], s5  }
0xa5: {  	s5 =	ssub.s32 $0x0, s5;
	[sflag:s7] =	ssyncset.done $0x0  }
0xa6: {  	[sflag:s7] =	ssyncadd.s32 s5;
	_ =	sdelay $0x1  }
0xa7: {  	s23 =	simm.s32 $0x1B8B  }
0xa8: {  	_ =	swait.ge [sflag:s23], $0x1  }
0xa9: {  	[sflag:s23] =	ssyncset.done $0x0  }
0xaa: {  	[sflag:s23] =	ssyncadd.s32 $0xFFFFFFFF  }
0xab: {  	s5 =	sld [smem:$0x0]  }
0xac: {  	s6 =	sand.u32 $0xFFFFFFFE, s1  }
0xad: {  	p0 =	sne.s32 s1, s6  }
0xae: {  	s6 =	sshll.u32 @p0 s6, $0xE  }
0xaf: {  	s6 =	sadd.s32 @p0 $0x11B8D, s6;
	s7 =	sshll.u32 @p0 s5, $0x11  }
0xb0: {  	s6 =	sor.u32 @p0 s7, s6  }
0xb1: {  	[sflag:s6] =	ssyncadd.remote.s32 @p0 $0x1;
	_ =	sdelay $0x1  }
0xb2: {  	s6 =	simm.s32 @p0 $0x1B8D  }
0xb3: {  	_ =	swait.eq @p0 [sflag:s6], $0x1  }
0xb4: {  	[sflag:s6] =	ssyncadd.s32 @p0 $0xFFFFFFFF  }
0xb5: {  	s7 =	sshll.u32 @!p0 s1, $0xE  }
0xb6: {  	s7 =	sor.u32 @!p0 $0x4000, s7;
	s6 =	simm.s32 @!p0 $0x1B8D  }
0xb7: {  	s5 =	sshll.u32 @!p0 s5, $0x11;
	s7 =	sadd.s32 @!p0 $0x11B8D, s7;
	_ =	swait.eq @!p0 [sflag:s6], $0x1  }
0xb8: {  	s5 =	sor.u32 @!p0 s5, s7;
	[sflag:s6] =	ssyncadd.s32 @!p0 $0xFFFFFFFF  }
0xb9: {  	s25 =	simm.s32 $0x1B8E;
	s24 =	sld [smem:$0x3FFE];
	[sflag:s5] =	ssyncadd.remote.s32 @!p0 $0x1  }
0xba: {  	s26 =	simm.s32 $execute0_lowered;
	[smem:$0x3FD2] =	sst s25  }
0xbb: {  	s6 =	sshll.u32 s26, $0x1;
	_ =	strace $0x8000005B;
	[dreg:$0x1] =	wrdreg $0xFFFFFFFF  }
0xbc: {  	s28 =	simm.s32 $_size_execute0_lowered;
	s4 =	sadd.s32 s4, s6;
	[dreg:$0x0] =	wrdreg $0x0  }
0xbd: {  	s6 =	sshll.u32 s28, $0x1;
	[dreg:$0x2] =	wrdreg s4  }
0xbe: {  	[dreg:$0x3] =	wrdreg s6  }
0xbf: {  	[dreg:$0x4] =	wrdreg $0xC0  }
0xc0: {  	_ =	task [dreg:s22], $0x5FFFF  }
0xc1: {  	[dreg:$0x1] =	wrdreg $0xFFFFFFFF  }
0xc2: {  	[dreg:$0x0] =	wrdreg $0x60  }
0xc3: {  	[dreg:$0x2] =	wrdreg s17  }
0xc4: {  	[dreg:$0x3] =	wrdreg s24  }
0xc5: {  	[dreg:$0x4] =	wrdreg $0xB0000  }
0xc6: {  	[dreg:$0x5] =	wrdreg $0x9  }
0xc7: {  	_ =	task.clear_ibuf [dreg:s22], $0x6FFFF;
	_ =	strace $0x9000005B  }
0xc8: {  	s29 =	simm.s32 $0x9;
	_ =	strace $0x8000005D  }
0xc9: {  	_ =	swait.ge [sflag:s29], $0x1  }
0xca: {  	[sflag:s29] =	ssyncadd.s32 $0xFFFFFFFF  }
0xcb: {  	_ =	strace $0x9000005D  }
0xcc: {  	_ =	sfence  }
0xcd: {  	s30 =	sld [smem:$0x0];
	_ =	sdelay $0x2  }
0xce: {  	s31 =	sshll.u32 s1, $0xD;
	s1 =	sshrl.u32 s1, $0x2  }
0xcf: {  	s4 =	sand.u32 $0x4000, s31;
	s1 =	sadd.s32 s1, s30  }
0xd0: {  	s0 =	sor.u32 s4, s0;
	s1 =	sshll.u32 s1, $0x11  }
0xd1: {  	s0 =	sor.u32 s1, s0  }
0xd2: {  	s0 =	sadd.s32 $0x8F2B, s0  }
0xd3: {  	[sflag:s0] =	ssyncadd.remote.s32 $0x1  }
0xd4: {  	_ =	sfence.sel $0xFFFF  }
0xd5: {  	[dreg:$0x0] =	wrdreg $0xFFFFFFFF;
	(pc) =	sbr.abs _section_cstart, $3  }
0xd6: {  	[dreg:$0x1] =	wrdreg $0xFFFFFFFF  }
0xd7: {  	_ =	task.clear_ibuf [dreg:s22], $0x2FFFF;
	_ =	strace $0x9FFFFFFF  }
0xd8: {  	(tm) =	ssettm $0x7FFFFFFF  }
0xd9: {  	_ =	shalt  }
tec
execute0_lowered:
.L_overlay_start_1:
0x0: {  	(tag) =	ssettag $0x1  }
0x1: {  	s2 =	rddreg [dreg:$0x0]  }
0x2: {  	s6 =	rddreg [dreg:$0x1]  }
0x3: {  	s0 =	srdreg.scid;
	s3 =	rddreg [dreg:$0x2]  }
0x4: {  	s4 =	simm.s32 $0x0;
	s15 =	simm.s32 $0x3;
	s16 =	simm.s32 $0x2800  }
0x5: {  	s17 =	simm.s32 $0x9000;
	s18 =	simm.s32 $0x80;
	s19 =	simm.s32 $0x5000  }
0x6: {  	s20 =	simm.s32 $0x7000;
	s21 =	simm.s32 $0x1;
	s22 =	simm.s32 $0x2  }
0x7: {  	s23 =	simm.s32 $0x2780;
	s24 =	simm.s32 $0x4F00;
	s25 =	simm.s32 $0x4F80  }
0x8: {  	s26 =	simm.s32 $0x0;
	s5 =	sand.u32 $0x1, s0;
	s0 =	stileid.u32  }
0x9: {  	[smem:$0x7FF] =	sst s4;
	s1 =	sshll.u32 s5, $0x4;
	s8 =	smul.u32 $0xA000, s0  }
0xa: {  	s9 =	smul.u32 $0xA0000, s5;
	_ =	strace $0x8000005C;
	s10 =	ssub.s32 $0x2, s5  }
0xb: {  	s11 =	smul.u32 $0x28000, s0;
	s5 =	sadd.s32 $0x69E00, s6;
	s1 =	sor.u32 s0, s1  }
0xc: {  	s30 =	sshrl.u32 s10, $0x1;
	s7 =	smul.u32 $0x500, s1;
	s9 =	sadd.s32 s8, s9  }
0xd: {  	s14 =	ssub.s32 s10, s30;
	s31 =	sshrl.u32 s11, $0x2;
	s8 =	sadd.s32 s8, s3  }
0xe: {  	s9 =	sshrl.u32 s9, $0x3;
	s12 =	sadd.s32 s31, s3;
	s14 =	smax.u32 s14, $0x1  }
0xf: {  	s7 =	sadd.s32 s7, s6;
	s13 =	sadd.s32 s9, s6;
	s9 =	sadd.s32 $0x2000, s12  }
0x10: {  	s10 =	sadd.s32 $0x4000, s12;
	s11 =	sadd.s32 $0x6000, s12;
	s12 =	sadd.s32 $0x8000, s12  }
0x11: {  	s6 =	sadd.s32 $0xFE00, s7;
	s7 =	sadd.s32 $0x5E00, s7;
	s13 =	sadd.s32 $0xA6200, s13  }
.LBB2_1:
0x12: {  	[tilespmem:s4], [sflag:$0x3] =	stream.linear.gather [hbm4b:s6+s4], $0x2800, $0x38;
	[tilespmem:$0x15000] =	vst v63  }
0x13: {  	_ =	swait.ge [sflag:s15], $0x2800  }
0x14: {  	[sflag:s15] =	ssyncset.done $0x0  }
0x15: {  	[sflag:s15] =	ssyncadd.s32 $0xFFFFD800  }
0x16: {  	[tilespmem:s16], [sflag:$0x3] =	stream.linear.gather [hbm4b:s7+s4], $0x2800, $0x38;
	[tilespmem:$0x15000] =	vst v63  }
0x17: {  	_ =	swait.ge [sflag:s15], $0x2800  }
0x18: {  	[sflag:s15] =	ssyncset.done $0x0  }
0x19: {  	[sflag:s15] =	ssyncadd.s32 $0xFFFFD800  }
0x1a: {  	[tilespmem:s17], [sflag:$0x3] =	stream.linear.gather [hbm4b:s5+s4], $0x2000, $0x38;
	[tilespmem:$0x15000] =	vst v63  }
0x1b: {  	_ =	swait.ge [sflag:s15], $0x2000  }
0x1c: {  	[sflag:s15] =	ssyncset.done $0x0  }
0x1d: {  	[sflag:s15] =	ssyncadd.s32 $0xFFFFE000  }
0x1e: {  	[spmem:s8] =	stream.linear.scatter [tilespmem:s17], [sflag:$0x3], $0x2000, $0x38;
	[tilespmem:$0x15000] =	vst v63  }
0x1f: {  	_ =	swait.ge [sflag:s15], $0x2000  }
0x20: {  	[sflag:s15] =	ssyncset.done $0x0  }
0x21: {  	[sflag:s15] =	ssyncadd.s32 $0xFFFFE000  }
0x22: {  	[spmem:s9] =	stream.linear.scatter [tilespmem:s17], [sflag:$0x3], $0x2000, $0x38;
	[tilespmem:$0x15000] =	vst v63  }
0x23: {  	_ =	swait.ge [sflag:s15], $0x2000  }
0x24: {  	[sflag:s15] =	ssyncset.done $0x0  }
0x25: {  	[sflag:s15] =	ssyncadd.s32 $0xFFFFE000  }
0x26: {  	[spmem:s10] =	stream.linear.scatter [tilespmem:s17], [sflag:$0x3], $0x2000, $0x38;
	[tilespmem:$0x15000] =	vst v63  }
0x27: {  	_ =	swait.ge [sflag:s15], $0x2000  }
0x28: {  	[sflag:s15] =	ssyncset.done $0x0  }
0x29: {  	[sflag:s15] =	ssyncadd.s32 $0xFFFFE000  }
0x2a: {  	[spmem:s11] =	stream.linear.scatter [tilespmem:s17], [sflag:$0x3], $0x2000, $0x38;
	[tilespmem:$0x15000] =	vst v63  }
0x2b: {  	_ =	swait.ge [sflag:s15], $0x2000  }
0x2c: {  	[sflag:s15] =	ssyncset.done $0x0  }
0x2d: {  	[sflag:s15] =	ssyncadd.s32 $0xFFFFE000  }
0x2e: {  	[spmem:s12] =	stream.linear.scatter [tilespmem:s17], [sflag:$0x3], $0x2000, $0x38;
	[tilespmem:$0x15000] =	vst v63  }
0x2f: {  	_ =	swait.ge [sflag:s15], $0x2000  }
0x30: {  	[sflag:s15] =	ssyncset.done $0x0  }
0x31: {  	[sflag:s15] =	ssyncadd.s32 $0xFFFFE000  }
0x32: {  	[bflag:$0x0] =	sbarrier.arrive $0xFFFF  }
0x33: {  	[tilespmem:s19], [sflag:$0x1] =	stream.indirect.gather [hbm4b:s2+s18], $0x40, s4, s18, $0xb8;
	[tilespmem:$0x15000] =	vst v63  }
0x34: {  	s28 =	simm.s32 $0x80  }
0x35: {  	[tilespmem:s20], [sflag:$0x2] =	stream.indirect.gather [hbm4b:s2+s18], $0x40, s28, s18, $0xb8;
	[tilespmem:$0x15000] =	vst v63  }
0x36: {  	_ =	swait.ge [sflag:s21], $0x2000  }
0x37: {  	[sflag:s21] =	ssyncset.done $0x0  }
0x38: {  	s28 =	simm.s32 $0x2800;
	[sflag:s21] =	ssyncadd.s32 $0xFFFFE000  }
0x39: {  	[spmem:s3] =	stream.indirect.scatter.add.f32 [tilespmem:s19], [sflag:$0x3], $0x40, s28, s18, $0xb8;
	[tilespmem:$0x15000] =	vst v63  }
0x3a: {  	_ =	swait.ge [sflag:s15], $0x2000  }
0x3b: {  	[sflag:s15] =	ssyncset.done $0x0  }
0x3c: {  	s28 =	simm.s32 $0x100;
	[sflag:s15] =	ssyncadd.s32 $0xFFFFE000  }
0x3d: {  	[tilespmem:s19], [sflag:$0x1] =	stream.indirect.gather [hbm4b:s2+s18], $0x40, s28, s18, $0xb8;
	[tilespmem:$0x15000] =	vst v63  }
0x3e: {  	_ =	swait.ge [sflag:s22], $0x2000  }
0x3f: {  	[sflag:s22] =	ssyncset.done $0x0  }
0x40: {  	s28 =	simm.s32 $0x2880;
	[sflag:s22] =	ssyncadd.s32 $0xFFFFE000  }
0x41: {  	[spmem:s3] =	stream.indirect.scatter.add.f32 [tilespmem:s20], [sflag:$0x3], $0x40, s28, s18, $0xb8;
	[tilespmem:$0x15000] =	vst v63  }
0x42: {  	_ =	swait.ge [sflag:s15], $0x2000  }
0x43: {  	s29 =	simm.s32 $0x800;
	s28 =	simm.s32 $0x100;
	[sflag:s15] =	ssyncset.done $0x0  }
.LBB2_2:
0x44: {  	s30 =	sadd.s32 $0x80, s28  }
0x45: {  	[sflag:s15] =	ssyncadd.s32 $0xFFFFE000;
	s31 =	smov.u32 s29;
	s1 =	sadd.s32 $0x400, s29  }
0x46: {  	[tilespmem:s20], [sflag:$0x2] =	stream.indirect.gather [hbm4b:s2+s18], $0x40, s30, s18, $0xb8;
	[tilespmem:$0x15000] =	vst v63  }
0x47: {  	p0 =	sne.s32 s29, $0x9800;
	_ =	swait.ge [sflag:s21], $0x2000  }
0x48: {  	[sflag:s21] =	ssyncset.done $0x0  }
0x49: {  	s29 =	sadd.s32 $0x2800, s28;
	[sflag:s21] =	ssyncadd.s32 $0xFFFFE000  }
0x4a: {  	[spmem:s3] =	stream.indirect.scatter.add.f32 [tilespmem:s19], [sflag:$0x3], $0x40, s29, s18, $0xb8;
	[tilespmem:$0x15000] =	vst v63  }
0x4b: {  	_ =	swait.ge [sflag:s15], $0x2000  }
0x4c: {  	[sflag:s15] =	ssyncset.done $0x0  }
0x4d: {  	s29 =	sadd.s32 $0x100, s28;
	[sflag:s15] =	ssyncadd.s32 $0xFFFFE000  }
0x4e: {  	[tilespmem:s19], [sflag:$0x1] =	stream.indirect.gather [hbm4b:s2+s18], $0x40, s29, s18, $0xb8;
	[tilespmem:$0x15000] =	vst v63  }
0x4f: {  	_ =	swait.ge [sflag:s22], $0x2000  }
.Ltmp0:
0x50: {  	[sflag:s22] =	ssyncset.done $0x0;
	(pc) =	sbr.rel @p0 .LBB2_2-.Ltmp0, $4  }
0x51: {  	s28 =	sadd.s32 $0x2880, s28;
	[sflag:s22] =	ssyncadd.s32 $0xFFFFE000  }
0x52: {  	[spmem:s3] =	stream.indirect.scatter.add.f32 [tilespmem:s20], [sflag:$0x3], $0x40, s28, s18, $0xb8;
	[tilespmem:$0x15000] =	vst v63  }
0x53: {  	_ =	swait.ge [sflag:s15], $0x2000  }
0x54: {  	s29 =	smov.u32 s1;
	s28 =	sshra.s32 s31, $0x2;
	[sflag:s15] =	ssyncset.done $0x0  }
0x55: {  	s1 =	sadd.s32 $0x80, s28;
	[sflag:s15] =	ssyncadd.s32 $0xFFFFE000  }
0x56: {  	[tilespmem:s20], [sflag:$0x2] =	stream.indirect.gather [hbm4b:s2+s18], $0x40, s1, s18, $0xb8;
	[tilespmem:$0x15000] =	vst v63  }
0x57: {  	_ =	swait.ge [sflag:s21], $0x2000  }
0x58: {  	[sflag:s21] =	ssyncset.done $0x0  }
0x59: {  	s30 =	sadd.s32 $0x2800, s28;
	[sflag:s21] =	ssyncadd.s32 $0xFFFFE000  }
0x5a: {  	[spmem:s3] =	stream.indirect.scatter.add.f32 [tilespmem:s19], [sflag:$0x3], $0x40, s30, s18, $0xb8;
	[tilespmem:$0x15000] =	vst v63  }
0x5b: {  	_ =	swait.ge [sflag:s15], $0x2000  }
0x5c: {  	[sflag:s15] =	ssyncset.done $0x0  }
0x5d: {  	s31 =	sadd.s32 $0x100, s28;
	[sflag:s15] =	ssyncadd.s32 $0xFFFFE000  }
0x5e: {  	[tilespmem:s19], [sflag:$0x1] =	stream.indirect.gather [hbm4b:s2+s18], $0x40, s31, s18, $0xb8;
	[tilespmem:$0x15000] =	vst v63  }
0x5f: {  	_ =	swait.ge [sflag:s22], $0x2000  }
0x60: {  	[sflag:s22] =	ssyncset.done $0x0  }
0x61: {  	s29 =	sadd.s32 $0x2880, s28;
	[sflag:s22] =	ssyncadd.s32 $0xFFFFE000  }
0x62: {  	[spmem:s3] =	stream.indirect.scatter.add.f32 [tilespmem:s20], [sflag:$0x3], $0x40, s29, s18, $0xb8;
	[tilespmem:$0x15000] =	vst v63  }
0x63: {  	_ =	swait.ge [sflag:s15], $0x2000  }
0x64: {  	[sflag:s15] =	ssyncset.done $0x0  }
0x65: {  	[sflag:s15] =	ssyncadd.s32 $0xFFFFE000  }
0x66: {  	[tilespmem:s20], [sflag:$0x2] =	stream.indirect.gather [hbm4b:s2+s18], $0x40, s23, s18, $0xb8;
	[tilespmem:$0x15000] =	vst v63  }
0x67: {  	_ =	swait.ge [sflag:s21], $0x2000  }
0x68: {  	[sflag:s21] =	ssyncset.done $0x0  }
0x69: {  	[sflag:s21] =	ssyncadd.s32 $0xFFFFE000  }
0x6a: {  	[spmem:s3] =	stream.indirect.scatter.add.f32 [tilespmem:s19], [sflag:$0x3], $0x40, s24, s18, $0xb8;
	[tilespmem:$0x15000] =	vst v63  }
0x6b: {  	_ =	swait.ge [sflag:s15], $0x2000  }
0x6c: {  	[sflag:s15] =	ssyncset.done $0x0  }
0x6d: {  	[sflag:s15] =	ssyncadd.s32 $0xFFFFE000  }
0x6e: {  	_ =	swait.ge [sflag:s22], $0x2000  }
0x6f: {  	[sflag:s22] =	ssyncset.done $0x0  }
0x70: {  	[sflag:s22] =	ssyncadd.s32 $0xFFFFE000  }
0x71: {  	[spmem:s3] =	stream.indirect.scatter.add.f32 [tilespmem:s20], [sflag:$0x3], $0x40, s25, s18, $0xb8;
	[tilespmem:$0x15000] =	vst v63  }
0x72: {  	_ =	swait.ge [sflag:s15], $0x2000  }
0x73: {  	s26 =	sadd.s32 $0x1, s26;
	s30 =	sshll.u32 s0, $0x6;
	[sflag:s15] =	ssyncset.done $0x0  }
0x74: {  	p0 =	sne.s32 s26, s14;
	s1 =	sor.u32 $0x1C03, s30;
	[sflag:s15] =	ssyncadd.s32 $0xFFFFE000  }
.Ltmp1:
0x75: {  	s31 =	sshrl.u32 s8, $0x3;
	[bflag:$0x0] =	sbarrier.arrive $0xFFFF;
	(pc) =	sbr.rel @p0 .LBB2_1-.Ltmp1, $4  }
0x76: {  	[hbm:s13], [sflag:s1] =	dma.local [spmem:s31], $0x1400  }
0x77: {  	_ =	swait.ge [sflag:s15], $0x1400  }
0x78: {  	[sflag:s15] =	ssyncset.done $0x0  }
0x79: {  	[sflag:s15] =	ssyncadd.s32 $0xFFFFEC00  }
0x7a: {  	_ =	sfence.sel $0x180000  }
0x7b: {  	[bflag:$0x0] =	sbarrier.arrive $0xFFFF  }
0x7c: {  	_ =	strace $0x9000005C  }
0x7d: {  	[bflag:$0x2] =	sbarrier.arrive $0xFFFF  }
0x7e: {  	p0 =	sne.s32 s0, $0x0;
	s0 =	rddreg [dreg:$0x3]  }
0x7f: {  	s0 =	sadd.s32 @!p0 $0x100000, s0  }
0x80: {  	[sflag:s0] =	ssyncadd.tile.s32 @!p0 $0x1;
	_ =	shalt  }
.Lfunc_end2:
_tile_overlayer_lowered:
.L_overlay_start_2:
0x81: {  	(tag) =	ssettag $0x2  }
0x82: {  	s0 =	rddreg [dreg:$0x0];
	s2 =	stileid.u32  }
0x83: {  	s1 =	rddreg [dreg:$0x1];
	p0 =	sne.s32 s2, $0x0  }
0x84: {  	s3 =	rddreg [dreg:$0x2];
	[bflag:$0x3] =	sbarrier.arrive $0xFFFF;
	s2 =	simm.s32 @!p0 $0x1C03  }
0x85: {  	[timem:s3], [sflag:s2] =	dma.local @!p0 [hbm:s0], s1  }
0x86: {  	s0 =	simm.s32 @!p0 $0x3  }
0x87: {  	_ =	swait.ge @!p0 [sflag:s0], s1  }
0x88: {  	s1 =	ssub.s32 @!p0 $0x0, s1;
	[sflag:s0] =	ssyncset.done @!p0 $0x0  }
0x89: {  	[sflag:s0] =	ssyncadd.s32 @!p0 s1  }
0x8a: {  	[bflag:$0x3] =	sbarrier.arrive $0xFFFF  }
0x8b: {  	_ =	shalt  }

// kernel: kernel.38.cloned.1.call-start
scs
__scs_entry_jumppad:
0x0: {  	(pc) =	sbr.rel $0x88, $3  }
0x1: {  	(tag) =	ssettag $0x0;
	lr =	simm.s32 $0x1  }
0x2: {  	[smem:$0x3F93] =	sst lr;
	_ =	strace $0xD0000000  }
0x3: {  	_ = 	snop  }
0x4: {  	_ = 	snop  }
0x5: {  	_ = 	snop  }
0x6: {  	_ = 	snop  }
0x7: {  	_ = 	snop  }
__scs_overlays_trampoline_lowered:
0x8: {  	[smem:$0x3FA2] =	sst s0  }
0x9: {  	[smem:$0x3FA3] =	sst s1  }
0xa: {  	[smem:$0x3FA4] =	sst s2  }
0xb: {  	[smem:$0x3FA5] =	sst s3  }
0xc: {  	[smem:$0x3FA6] =	sst s4  }
0xd: {  	[smem:$0x3FA7] =	sst s5  }
0xe: {  	[smem:$0x3FA8] =	sst s6  }
0xf: {  	[smem:$0x3FA9] =	sst s7  }
0x10: {  	[smem:$0x3FAA] =	sst s8  }
0x11: {  	[smem:$0x3FAB] =	sst s9;
	s0 =	simm.s32 @!p0 $0x0  }
0x12: {  	s1 =	sld [smem:$0x3F91];
	s0 =	simm.s32 @p0 $0x1  }
0x13: {  	[smem:$0x3FAC] =	sst s0;
	s0 =	simm.s32 @!p1 $0x0  }
0x14: {  	s2 =	sld [smem:$0x3F90];
	s0 =	simm.s32 @p1 $0x1  }
0x15: {  	[smem:$0x3FAD] =	sst s0;
	s0 =	simm.s32 @!p2 $0x0  }
0x16: {  	s3 =	sld [smem:$0x3FDB];
	s0 =	simm.s32 @p2 $0x1  }
0x17: {  	s4 =	simm.s32 $0x1BF5;
	[smem:$0x3FAF] =	sst s0  }
0x18: {  	s0 =	sld [smem:$0x3F92];
	_ =	swait.ge [sflag:s4], $0x0  }
0x19: {  	s7 =	sld [smem:$0x3F93]  }
0x1a: {  	s8 =	sadd.s32 $0xFFFFE003, lr  }
0x1b: {  	s9 =	sadd.s32 $0xFFFFFEF7, lr;
	s5 =	simm.s32 $0xFFFFFFFF;
	p2 =	slt.u32 s8, $0xFFFFF086  }
0x1c: {  	p1 =	slt.u32 s9, $0xF7A;
	s5 =	simm.s32 @!p2 $0x0  }
0x1d: {  	s5 =	simm.s32 @p1 $0x1;
	p0 =	seq.s32 s7, s2  }
0x1e: {  	s7 =	smul.u32 @!p0 $0xF7A, s2;
	p2 =	seq.s32 @!p0 s5, $0x0  }
0x1f: {  	s9 =	smul.u32 $0xF7A, s1;
	s8 =	simm.s32 @!p0 $0x1BF5;
	p2 =	por !p2, p0  }
0x20: {  	[sflag:s8] =	ssyncset.s32 @!p0 $0xFFFFF086;
	s6 =	sadd.s32 @!p0 s3, s7;
	s7 =	simm.s32 @!p0 $0x108  }
0x21: {  	s3 =	sadd.s32 s3, s9;
	s6 =	sadd.s32 @!p0 $0x88, s6;
	s7 =	simm.s32 @p2 $0x1082  }
0x22: {  	[simem:s7], [sflag:s8] =	dma.local @!p0 [hbm:s6], $0xF7A  }
0x23: {  	s9 =	sor.u32 $0xD0000000, s2;
	s6 =	simm.s32 $0x108;
	_ =	swait.ge @!p0 [sflag:s8], $0x0  }
0x24: {  	s3 =	sadd.s32 $0x88, s3;
	s6 =	simm.s32 @!p1 $0x1082;
	[sflag:s4] =	ssyncset.s32 $0xFFFFF086  }
0x25: {  	[simem:s6], [sflag:s4] =	dma.local [hbm:s3], $0xF7A  }
0x26: {  	[smem:$0x3F93] =	sst s1;
	(tag) =	ssettag s2;
	_ =	strace s9  }
0x27: {  	s1 =	sld [smem:$0x3FA3]  }
0x28: {  	s2 =	sld [smem:$0x3FA4]  }
0x29: {  	s4 =	sld [smem:$0x3FA6]  }
0x2a: {  	p0 =	seq.s32 s5, $0x0;
	s5 =	sld [smem:$0x3FA7]  }
0x2b: {  	s6 =	sld [smem:$0x3FA8]  }
0x2c: {  	s7 =	sld [smem:$0x3FA9]  }
0x2d: {  	s3 =	simm.s32 $0x108;
	s8 =	sld [smem:$0x3FAA]  }
0x2e: {  	s3 =	simm.s32 @!p0 $0x1082;
	s9 =	sld [smem:$0x3FAB]  }
0x2f: {  	lr =	sadd.s32 s0, s3;
	s0 =	sld [smem:$0x3FA2]  }
0x30: {  	s3 =	sld [smem:$0x3FA5]  }
0x31: {  	[smem:$0x3FAE] =	sst s10  }
0x32: {  	s10 =	sld [smem:$0x3FAC];
	_ =	sdelay $0x3  }
0x33: {  	p0 =	seq.s32 s10, $0x1;
	s10 =	sld [smem:$0x3FAE];
	_ =	sdelay $0x3  }
0x34: {  	[smem:$0x3FAE] =	sst s10  }
0x35: {  	s10 =	sld [smem:$0x3FAD];
	_ =	sdelay $0x3  }
0x36: {  	p1 =	seq.s32 s10, $0x1;
	s10 =	sld [smem:$0x3FAE];
	_ =	sdelay $0x3  }
0x37: {  	[smem:$0x3FAE] =	sst s10  }
0x38: {  	s10 =	sld [smem:$0x3FAF]  }
0x39: {  	_ = 	snop;
	(pc) =	sbr.ind lr, $3  }
0x3a: {  	_ = 	snop  }
0x3b: {  	_ = 	snop  }
0x3c: {  	p2 =	seq.s32 s10, $0x1;
	s10 =	sld [smem:$0x3FAE]  }
0x3d: {  	_ =	shalt  }
0x3e: {  	_ =	shalt  }
0x3f: {  	_ =	shalt  }
0x40: {  	_ =	shalt  }
0x41: {  	_ =	shalt  }
0x42: {  	_ =	shalt  }
0x43: {  	_ =	shalt  }
0x44: {  	_ =	shalt  }
0x45: {  	_ =	shalt  }
0x46: {  	_ =	shalt  }
0x47: {  	_ =	shalt  }
0x48: {  	_ =	shalt  }
0x49: {  	_ =	shalt  }
0x4a: {  	_ =	shalt  }
0x4b: {  	_ =	shalt  }
0x4c: {  	_ =	shalt  }
0x4d: {  	_ =	shalt  }
0x4e: {  	_ =	shalt  }
0x4f: {  	_ =	shalt  }
0x50: {  	_ =	shalt  }
0x51: {  	_ =	shalt  }
0x52: {  	_ =	shalt  }
0x53: {  	_ =	shalt  }
0x54: {  	_ =	shalt  }
0x55: {  	_ =	shalt  }
0x56: {  	_ =	shalt  }
0x57: {  	_ =	shalt  }
0x58: {  	_ =	shalt  }
0x59: {  	_ =	shalt  }
0x5a: {  	_ =	shalt  }
0x5b: {  	_ =	shalt  }
0x5c: {  	_ =	shalt  }
0x5d: {  	_ =	shalt  }
0x5e: {  	_ =	shalt  }
0x5f: {  	_ =	shalt  }
0x60: {  	_ =	shalt  }
0x61: {  	_ =	shalt  }
0x62: {  	_ =	shalt  }
0x63: {  	_ =	shalt  }
0x64: {  	_ =	shalt  }
0x65: {  	_ =	shalt  }
0x66: {  	_ =	shalt  }
0x67: {  	_ =	shalt  }
0x68: {  	_ =	shalt  }
0x69: {  	_ =	shalt  }
0x6a: {  	_ =	shalt  }
0x6b: {  	_ =	shalt  }
0x6c: {  	_ =	shalt  }
0x6d: {  	_ =	shalt  }
0x6e: {  	_ =	shalt  }
0x6f: {  	_ =	shalt  }
0x70: {  	_ =	shalt  }
0x71: {  	_ =	shalt  }
0x72: {  	_ =	shalt  }
0x73: {  	_ =	shalt  }
0x74: {  	_ =	shalt  }
0x75: {  	_ =	shalt  }
0x76: {  	_ =	shalt  }
0x77: {  	_ =	shalt  }
0x78: {  	_ =	shalt  }
0x79: {  	_ =	shalt  }
0x7a: {  	_ =	shalt  }
0x7b: {  	_ =	shalt  }
0x7c: {  	_ =	shalt  }
0x7d: {  	_ =	shalt  }
0x7e: {  	_ =	shalt  }
0x7f: {  	_ =	shalt  }
0x80: {  	_ =	shalt  }
0x81: {  	_ =	shalt  }
0x82: {  	_ =	shalt  }
0x83: {  	_ =	shalt  }
0x84: {  	_ =	shalt  }
0x85: {  	_ =	shalt  }
0x86: {  	_ =	shalt  }
0x87: {  	_ =	shalt  }
.Lfunc_end0:
.L_simem_size_0:
called_computation.7_lowered:
.L_overlay_start_0:
0x88: {  	s2 =	sld [smem:$0x3FD9]  }
0x89: {  	s3 =	sld [smem:$0x3FFE];
	_ =	sdelay $0x1  }
0x8a: {  	s1 =	srdreg.scid  }
0x8b: {  	s0 =	sand.u32 $0x1, s1  }
0x8c: {  	s16 =	sshll.u32 s0, $0xA;
	s2 =	sadd.s32 s3, s2  }
0x8d: {  	s2 =	sadd.s32 s2, s16  }
0x8e: {  	[smem:$0x3FBA] =	sst s2  }
0x8f: {  	_ = 	snop  }
0x90: {  	(tm) =	ssettm $0x1  }
0x91: {  	s17 =	sld [smem:$0x3FFB];
	_ =	sdelay $0x3  }
0x92: {  	_ =	strace s17  }
0x93: {  	s2 =	sld [smem:$0x3FFC];
	_ =	sdelay $0x3  }
0x94: {  	_ =	strace s2  }
0x95: {  	s2 =	sld [smem:$0x3FFD];
	_ =	sdelay $0x3  }
0x96: {  	_ =	strace s2  }
0x97: {  	_ =	strace $0x8FFFFFFF  }
0x98: {  	s18 =	sld [smem:$0x3FDB];
	_ =	sdelay $0x1  }
0x99: {  	s19 =	simm.s32 $_scs_section_size  }
0x9a: {  	s4 =	simm.s32 $_size__tile_overlayer_lowered;
	s5 =	simm.s32 $_tile_overlayer_lowered  }
0x9b: {  	s22 =	simm.s32 $0x1BFF;
	s21 =	sshll.u32 s5, $0x1;
	s2 =	sadd.s32 s19, s18  }
0x9c: {  	s6 =	simm.s32 $0x0;
	s20 =	sshll.u32 s4, $0x1;
	s4 =	sadd.s32 s21, s2  }
0x9d: {  	[timem:s6], [sflag:s22] =	dma.local [hbm:s4], s20  }
0x9e: {  	_ =	swait.ge [sflag:s22], s20  }
0x9f: {  	s3 =	ssub.s32 $0x0, s20;
	[sflag:s22] =	ssyncset.done $0x0  }
0xa0: {  	[sflag:s22] =	ssyncadd.s32 s3;
	_ =	sdelay $0x1  }
0xa1: {  	s23 =	simm.s32 $0x1B8B  }
0xa2: {  	_ =	swait.ge [sflag:s23], $0x1  }
0xa3: {  	[sflag:s23] =	ssyncset.done $0x0  }
0xa4: {  	s25 =	simm.s32 $0x1B8E;
	s24 =	sld [smem:$0x3FFE];
	[sflag:s23] =	ssyncadd.s32 $0xFFFFFFFF  }
0xa5: {  	s26 =	simm.s32 $execute0_lowered;
	[smem:$0x3FD2] =	sst s25  }
0xa6: {  	s4 =	sshll.u32 s26, $0x1;
	_ =	strace $0x80000058;
	[dreg:$0x1] =	wrdreg $0xFFFFFFFF  }
0xa7: {  	s28 =	simm.s32 $_size_execute0_lowered;
	s2 =	sadd.s32 s2, s4;
	[dreg:$0x0] =	wrdreg $0x0  }
0xa8: {  	s4 =	sshll.u32 s28, $0x1;
	[dreg:$0x2] =	wrdreg s2  }
0xa9: {  	[dreg:$0x3] =	wrdreg s4  }
0xaa: {  	[dreg:$0x4] =	wrdreg $0xC0  }
0xab: {  	_ =	task [dreg:s6], $0x5FFFF  }
0xac: {  	[dreg:$0x1] =	wrdreg $0xFFFFFFFF  }
0xad: {  	[dreg:$0x0] =	wrdreg $0x60  }
0xae: {  	[dreg:$0x2] =	wrdreg s24  }
0xaf: {  	[dreg:$0x3] =	wrdreg $0xB0000  }
0xb0: {  	[dreg:$0x4] =	wrdreg $0xA  }
0xb1: {  	_ =	task.clear_ibuf [dreg:s6], $0x5FFFF;
	_ =	strace $0x90000058  }
0xb2: {  	s29 =	simm.s32 $0xA;
	_ =	strace $0x8000005A  }
0xb3: {  	_ =	swait.ge [sflag:s29], $0x1  }
0xb4: {  	[sflag:s29] =	ssyncadd.s32 $0xFFFFFFFF  }
0xb5: {  	_ =	strace $0x9000005A  }
0xb6: {  	_ =	sfence  }
0xb7: {  	s30 =	sld [smem:$0x0];
	_ =	sdelay $0x2  }
0xb8: {  	s31 =	sshll.u32 s1, $0xD;
	s1 =	sshrl.u32 s1, $0x2  }
0xb9: {  	s3 =	sand.u32 $0x4000, s31;
	s1 =	sadd.s32 s1, s30  }
0xba: {  	s0 =	sor.u32 s3, s0;
	s1 =	sshll.u32 s1, $0x11  }
0xbb: {  	s0 =	sor.u32 s1, s0  }
0xbc: {  	s0 =	sadd.s32 $0x8F2B, s0  }
0xbd: {  	[sflag:s0] =	ssyncadd.remote.s32 $0x1  }
0xbe: {  	_ =	sfence.sel $0xFFFF  }
0xbf: {  	[dreg:$0x0] =	wrdreg $0xFFFFFFFF;
	(pc) =	sbr.abs _section_cstart, $3  }
0xc0: {  	[dreg:$0x1] =	wrdreg $0xFFFFFFFF  }
0xc1: {  	_ =	task.clear_ibuf [dreg:s6], $0x2FFFF;
	_ =	strace $0x9FFFFFFF  }
0xc2: {  	(tm) =	ssettm $0x7FFFFFFF  }
0xc3: {  	_ =	shalt  }
tec
execute0_lowered:
.L_overlay_start_1:
0x0: {  	(tag) =	ssettag $0x1  }
0x1: {  	s6 =	rddreg [dreg:$0x0]  }
0x2: {  	s0 =	srdreg.scid;
	s2 =	rddreg [dreg:$0x1];
	s3 =	simm.s32 $0x0  }
0x3: {  	s15 =	simm.s32 $0x3;
	s16 =	simm.s32 $0x2800;
	s17 =	simm.s32 $0x9000  }
0x4: {  	s18 =	simm.s32 $0x80;
	s19 =	simm.s32 $0x5000;
	s20 =	simm.s32 $0x7000  }
0x5: {  	s21 =	simm.s32 $0x1;
	s22 =	simm.s32 $0x2;
	s23 =	simm.s32 $0x2780  }
0x6: {  	s24 =	simm.s32 $0x4F00;
	s25 =	simm.s32 $0x4F80;
	s26 =	simm.s32 $0x0  }
0x7: {  	s5 =	sand.u32 $0x1, s0;
	s0 =	stileid.u32;
	[smem:$0x7FF] =	sst s3  }
0x8: {  	s4 =	sadd.s32 $0x6A200, s6;
	s1 =	sshll.u32 s5, $0x4;
	s8 =	smul.u32 $0xA000, s0  }
0x9: {  	s9 =	smul.u32 $0xA0000, s5;
	_ =	strace $0x80000059;
	s10 =	ssub.s32 $0x2, s5  }
0xa: {  	s11 =	smul.u32 $0x28000, s0;
	s5 =	sadd.s32 $0x69E00, s6;
	s1 =	sor.u32 s0, s1  }
0xb: {  	s30 =	sshrl.u32 s10, $0x1;
	s7 =	smul.u32 $0x500, s1;
	s9 =	sadd.s32 s8, s9  }
0xc: {  	s14 =	ssub.s32 s10, s30;
	s31 =	sshrl.u32 s11, $0x2;
	s8 =	sadd.s32 s8, s2  }
0xd: {  	s9 =	sshrl.u32 s9, $0x3;
	s12 =	sadd.s32 s31, s2;
	s14 =	smax.u32 s14, $0x1  }
0xe: {  	s7 =	sadd.s32 s7, s6;
	s13 =	sadd.s32 s9, s6;
	s9 =	sadd.s32 $0x2000, s12  }
0xf: {  	s10 =	sadd.s32 $0x4000, s12;
	s11 =	sadd.s32 $0x6000, s12;
	s12 =	sadd.s32 $0x8000, s12  }
0x10: {  	s6 =	sadd.s32 $0xFE00, s7;
	s7 =	sadd.s32 $0x5E00, s7;
	s13 =	sadd.s32 $0x7E200, s13  }
.LBB2_1:
0x11: {  	[tilespmem:s3], [sflag:$0x3] =	stream.linear.gather [hbm4b:s6+s3], $0x2800, $0x38;
	[tilespmem:$0x15000] =	vst v63  }
0x12: {  	_ =	swait.ge [sflag:s15], $0x2800  }
0x13: {  	[sflag:s15] =	ssyncset.done $0x0  }
0x14: {  	[sflag:s15] =	ssyncadd.s32 $0xFFFFD800  }
0x15: {  	[tilespmem:s16], [sflag:$0x3] =	stream.linear.gather [hbm4b:s7+s3], $0x2800, $0x38;
	[tilespmem:$0x15000] =	vst v63  }
0x16: {  	_ =	swait.ge [sflag:s15], $0x2800  }
0x17: {  	[sflag:s15] =	ssyncset.done $0x0  }
0x18: {  	[sflag:s15] =	ssyncadd.s32 $0xFFFFD800  }
0x19: {  	[tilespmem:s17], [sflag:$0x3] =	stream.linear.gather [hbm4b:s5+s3], $0x2000, $0x38;
	[tilespmem:$0x15000] =	vst v63  }
0x1a: {  	_ =	swait.ge [sflag:s15], $0x2000  }
0x1b: {  	[sflag:s15] =	ssyncset.done $0x0  }
0x1c: {  	[sflag:s15] =	ssyncadd.s32 $0xFFFFE000  }
0x1d: {  	[spmem:s8] =	stream.linear.scatter [tilespmem:s17], [sflag:$0x3], $0x2000, $0x38;
	[tilespmem:$0x15000] =	vst v63  }
0x1e: {  	_ =	swait.ge [sflag:s15], $0x2000  }
0x1f: {  	[sflag:s15] =	ssyncset.done $0x0  }
0x20: {  	[sflag:s15] =	ssyncadd.s32 $0xFFFFE000  }
0x21: {  	[spmem:s9] =	stream.linear.scatter [tilespmem:s17], [sflag:$0x3], $0x2000, $0x38;
	[tilespmem:$0x15000] =	vst v63  }
0x22: {  	_ =	swait.ge [sflag:s15], $0x2000  }
0x23: {  	[sflag:s15] =	ssyncset.done $0x0  }
0x24: {  	[sflag:s15] =	ssyncadd.s32 $0xFFFFE000  }
0x25: {  	[spmem:s10] =	stream.linear.scatter [tilespmem:s17], [sflag:$0x3], $0x2000, $0x38;
	[tilespmem:$0x15000] =	vst v63  }
0x26: {  	_ =	swait.ge [sflag:s15], $0x2000  }
0x27: {  	[sflag:s15] =	ssyncset.done $0x0  }
0x28: {  	[sflag:s15] =	ssyncadd.s32 $0xFFFFE000  }
0x29: {  	[spmem:s11] =	stream.linear.scatter [tilespmem:s17], [sflag:$0x3], $0x2000, $0x38;
	[tilespmem:$0x15000] =	vst v63  }
0x2a: {  	_ =	swait.ge [sflag:s15], $0x2000  }
0x2b: {  	[sflag:s15] =	ssyncset.done $0x0  }
0x2c: {  	[sflag:s15] =	ssyncadd.s32 $0xFFFFE000  }
0x2d: {  	[spmem:s12] =	stream.linear.scatter [tilespmem:s17], [sflag:$0x3], $0x2000, $0x38;
	[tilespmem:$0x15000] =	vst v63  }
0x2e: {  	_ =	swait.ge [sflag:s15], $0x2000  }
0x2f: {  	[sflag:s15] =	ssyncset.done $0x0  }
0x30: {  	[sflag:s15] =	ssyncadd.s32 $0xFFFFE000  }
0x31: {  	[bflag:$0x0] =	sbarrier.arrive $0xFFFF  }
0x32: {  	[tilespmem:s19], [sflag:$0x1] =	stream.indirect.gather [hbm4b:s4+s18], $0x40, s3, s18, $0xb8;
	[tilespmem:$0x15000] =	vst v63  }
0x33: {  	s28 =	simm.s32 $0x80  }
0x34: {  	[tilespmem:s20], [sflag:$0x2] =	stream.indirect.gather [hbm4b:s4+s18], $0x40, s28, s18, $0xb8;
	[tilespmem:$0x15000] =	vst v63  }
0x35: {  	_ =	swait.ge [sflag:s21], $0x2000  }
0x36: {  	[sflag:s21] =	ssyncset.done $0x0  }
0x37: {  	s28 =	simm.s32 $0x2800;
	[sflag:s21] =	ssyncadd.s32 $0xFFFFE000  }
0x38: {  	[spmem:s2] =	stream.indirect.scatter.add.f32 [tilespmem:s19], [sflag:$0x3], $0x40, s28, s18, $0xb8;
	[tilespmem:$0x15000] =	vst v63  }
0x39: {  	_ =	swait.ge [sflag:s15], $0x2000  }
0x3a: {  	[sflag:s15] =	ssyncset.done $0x0  }
0x3b: {  	s28 =	simm.s32 $0x100;
	[sflag:s15] =	ssyncadd.s32 $0xFFFFE000  }
0x3c: {  	[tilespmem:s19], [sflag:$0x1] =	stream.indirect.gather [hbm4b:s4+s18], $0x40, s28, s18, $0xb8;
	[tilespmem:$0x15000] =	vst v63  }
0x3d: {  	_ =	swait.ge [sflag:s22], $0x2000  }
0x3e: {  	[sflag:s22] =	ssyncset.done $0x0  }
0x3f: {  	s28 =	simm.s32 $0x2880;
	[sflag:s22] =	ssyncadd.s32 $0xFFFFE000  }
0x40: {  	[spmem:s2] =	stream.indirect.scatter.add.f32 [tilespmem:s20], [sflag:$0x3], $0x40, s28, s18, $0xb8;
	[tilespmem:$0x15000] =	vst v63  }
0x41: {  	_ =	swait.ge [sflag:s15], $0x2000  }
0x42: {  	s29 =	simm.s32 $0x800;
	s28 =	simm.s32 $0x100;
	[sflag:s15] =	ssyncset.done $0x0  }
.LBB2_2:
0x43: {  	s30 =	sadd.s32 $0x80, s28  }
0x44: {  	[sflag:s15] =	ssyncadd.s32 $0xFFFFE000;
	s31 =	smov.u32 s29;
	s1 =	sadd.s32 $0x400, s29  }
0x45: {  	[tilespmem:s20], [sflag:$0x2] =	stream.indirect.gather [hbm4b:s4+s18], $0x40, s30, s18, $0xb8;
	[tilespmem:$0x15000] =	vst v63  }
0x46: {  	p0 =	sne.s32 s29, $0x9800;
	_ =	swait.ge [sflag:s21], $0x2000  }
0x47: {  	[sflag:s21] =	ssyncset.done $0x0  }
0x48: {  	s29 =	sadd.s32 $0x2800, s28;
	[sflag:s21] =	ssyncadd.s32 $0xFFFFE000  }
0x49: {  	[spmem:s2] =	stream.indirect.scatter.add.f32 [tilespmem:s19], [sflag:$0x3], $0x40, s29, s18, $0xb8;
	[tilespmem:$0x15000] =	vst v63  }
0x4a: {  	_ =	swait.ge [sflag:s15], $0x2000  }
0x4b: {  	[sflag:s15] =	ssyncset.done $0x0  }
0x4c: {  	s29 =	sadd.s32 $0x100, s28;
	[sflag:s15] =	ssyncadd.s32 $0xFFFFE000  }
0x4d: {  	[tilespmem:s19], [sflag:$0x1] =	stream.indirect.gather [hbm4b:s4+s18], $0x40, s29, s18, $0xb8;
	[tilespmem:$0x15000] =	vst v63  }
0x4e: {  	_ =	swait.ge [sflag:s22], $0x2000  }
.Ltmp0:
0x4f: {  	[sflag:s22] =	ssyncset.done $0x0;
	(pc) =	sbr.rel @p0 .LBB2_2-.Ltmp0, $4  }
0x50: {  	s28 =	sadd.s32 $0x2880, s28;
	[sflag:s22] =	ssyncadd.s32 $0xFFFFE000  }
0x51: {  	[spmem:s2] =	stream.indirect.scatter.add.f32 [tilespmem:s20], [sflag:$0x3], $0x40, s28, s18, $0xb8;
	[tilespmem:$0x15000] =	vst v63  }
0x52: {  	_ =	swait.ge [sflag:s15], $0x2000  }
0x53: {  	s29 =	smov.u32 s1;
	s28 =	sshra.s32 s31, $0x2;
	[sflag:s15] =	ssyncset.done $0x0  }
0x54: {  	s1 =	sadd.s32 $0x80, s28;
	[sflag:s15] =	ssyncadd.s32 $0xFFFFE000  }
0x55: {  	[tilespmem:s20], [sflag:$0x2] =	stream.indirect.gather [hbm4b:s4+s18], $0x40, s1, s18, $0xb8;
	[tilespmem:$0x15000] =	vst v63  }
0x56: {  	_ =	swait.ge [sflag:s21], $0x2000  }
0x57: {  	[sflag:s21] =	ssyncset.done $0x0  }
0x58: {  	s30 =	sadd.s32 $0x2800, s28;
	[sflag:s21] =	ssyncadd.s32 $0xFFFFE000  }
0x59: {  	[spmem:s2] =	stream.indirect.scatter.add.f32 [tilespmem:s19], [sflag:$0x3], $0x40, s30, s18, $0xb8;
	[tilespmem:$0x15000] =	vst v63  }
0x5a: {  	_ =	swait.ge [sflag:s15], $0x2000  }
0x5b: {  	[sflag:s15] =	ssyncset.done $0x0  }
0x5c: {  	s31 =	sadd.s32 $0x100, s28;
	[sflag:s15] =	ssyncadd.s32 $0xFFFFE000  }
0x5d: {  	[tilespmem:s19], [sflag:$0x1] =	stream.indirect.gather [hbm4b:s4+s18], $0x40, s31, s18, $0xb8;
	[tilespmem:$0x15000] =	vst v63  }
0x5e: {  	_ =	swait.ge [sflag:s22], $0x2000  }
0x5f: {  	[sflag:s22] =	ssyncset.done $0x0  }
0x60: {  	s29 =	sadd.s32 $0x2880, s28;
	[sflag:s22] =	ssyncadd.s32 $0xFFFFE000  }
0x61: {  	[spmem:s2] =	stream.indirect.scatter.add.f32 [tilespmem:s20], [sflag:$0x3], $0x40, s29, s18, $0xb8;
	[tilespmem:$0x15000] =	vst v63  }
0x62: {  	_ =	swait.ge [sflag:s15], $0x2000  }
0x63: {  	[sflag:s15] =	ssyncset.done $0x0  }
0x64: {  	[sflag:s15] =	ssyncadd.s32 $0xFFFFE000  }
0x65: {  	[tilespmem:s20], [sflag:$0x2] =	stream.indirect.gather [hbm4b:s4+s18], $0x40, s23, s18, $0xb8;
	[tilespmem:$0x15000] =	vst v63  }
0x66: {  	_ =	swait.ge [sflag:s21], $0x2000  }
0x67: {  	[sflag:s21] =	ssyncset.done $0x0  }
0x68: {  	[sflag:s21] =	ssyncadd.s32 $0xFFFFE000  }
0x69: {  	[spmem:s2] =	stream.indirect.scatter.add.f32 [tilespmem:s19], [sflag:$0x3], $0x40, s24, s18, $0xb8;
	[tilespmem:$0x15000] =	vst v63  }
0x6a: {  	_ =	swait.ge [sflag:s15], $0x2000  }
0x6b: {  	[sflag:s15] =	ssyncset.done $0x0  }
0x6c: {  	[sflag:s15] =	ssyncadd.s32 $0xFFFFE000  }
0x6d: {  	_ =	swait.ge [sflag:s22], $0x2000  }
0x6e: {  	[sflag:s22] =	ssyncset.done $0x0  }
0x6f: {  	[sflag:s22] =	ssyncadd.s32 $0xFFFFE000  }
0x70: {  	[spmem:s2] =	stream.indirect.scatter.add.f32 [tilespmem:s20], [sflag:$0x3], $0x40, s25, s18, $0xb8;
	[tilespmem:$0x15000] =	vst v63  }
0x71: {  	_ =	swait.ge [sflag:s15], $0x2000  }
0x72: {  	s26 =	sadd.s32 $0x1, s26;
	s30 =	sshll.u32 s0, $0x6;
	[sflag:s15] =	ssyncset.done $0x0  }
0x73: {  	p0 =	sne.s32 s26, s14;
	s1 =	sor.u32 $0x1C03, s30;
	[sflag:s15] =	ssyncadd.s32 $0xFFFFE000  }
.Ltmp1:
0x74: {  	s31 =	sshrl.u32 s8, $0x3;
	[bflag:$0x0] =	sbarrier.arrive $0xFFFF;
	(pc) =	sbr.rel @p0 .LBB2_1-.Ltmp1, $4  }
0x75: {  	[hbm:s13], [sflag:s1] =	dma.local [spmem:s31], $0x1400  }
0x76: {  	_ =	swait.ge [sflag:s15], $0x1400  }
0x77: {  	[sflag:s15] =	ssyncset.done $0x0  }
0x78: {  	[sflag:s15] =	ssyncadd.s32 $0xFFFFEC00  }
0x79: {  	_ =	sfence.sel $0x180000  }
0x7a: {  	[bflag:$0x0] =	sbarrier.arrive $0xFFFF  }
0x7b: {  	_ =	strace $0x90000059  }
0x7c: {  	[bflag:$0x2] =	sbarrier.arrive $0xFFFF  }
0x7d: {  	p0 =	sne.s32 s0, $0x0;
	s0 =	rddreg [dreg:$0x2]  }
0x7e: {  	s0 =	sadd.s32 @!p0 $0x100000, s0  }
0x7f: {  	[sflag:s0] =	ssyncadd.tile.s32 @!p0 $0x1;
	_ =	shalt  }
.Lfunc_end2:
_tile_overlayer_lowered:
.L_overlay_start_2:
0x80: {  	(tag) =	ssettag $0x2  }
0x81: {  	s0 =	rddreg [dreg:$0x0];
	s2 =	stileid.u32  }
0x82: {  	s1 =	rddreg [dreg:$0x1];
	p0 =	sne.s32 s2, $0x0  }
0x83: {  	s3 =	rddreg [dreg:$0x2];
	[bflag:$0x3] =	sbarrier.arrive $0xFFFF;
	s2 =	simm.s32 @!p0 $0x1C03  }
0x84: {  	[timem:s3], [sflag:s2] =	dma.local @!p0 [hbm:s0], s1  }
0x85: {  	s0 =	simm.s32 @!p0 $0x3  }
0x86: {  	_ =	swait.ge @!p0 [sflag:s0], s1  }
0x87: {  	s1 =	ssub.s32 @!p0 $0x0, s1;
	[sflag:s0] =	ssyncset.done @!p0 $0x0  }
0x88: {  	[sflag:s0] =	ssyncadd.s32 @!p0 s1  }
0x89: {  	[bflag:$0x3] =	sbarrier.arrive $0xFFFF  }
0x8a: {  	_ =	shalt  }

</sc_bundles>
